<compile_context>
chip_gen: v7x
topology: tpu7x:2x2x1
jax: 0.10.2.dev20260603
libtpu: 0.0.44.dev20260713+nightly
codegen_flags: <defaults>
</compile_context>

<pallas_src>
import functools

import jax
import jax.numpy as jnp
from jax import lax
from jax.experimental import pallas as pl
from jax.experimental.pallas import tpu as pltpu
from jax.experimental.pallas import tpu_sc as plsc

N_NODES = 10000
N_EDGES = 160000
D_FEAT = 128
D_EDGE = 16
F_OUT = 32

NC = 2
NS = 16
NW = NC * NS
CHUNK = 128
E_PAD = 163840
N_CHUNKS = E_PAD // (NW * CHUNK)
N_PAD = 10240
TRASH = N_NODES
ROWS_PER_TILE = N_PAD // NS

EB = 8192
NB4 = 512
NBUF = 4



CB_FAST = 60
CB_SLOW = 20


def _make_sc_gather(fin):
  mesh = plsc.VectorSubcoreMesh(core_axis_name="c", subcore_axis_name="s")

  @functools.partial(
      pl.kernel, mesh=mesh,
      out_type=jax.ShapeDtypeStruct((E_PAD, fin), jnp.float32),
      compiler_params=pltpu.CompilerParams(use_tc_tiling_on_sc=False),
      scratch_types=[
          pltpu.VMEM((CB_FAST, CHUNK), jnp.int32),
      ] + [pltpu.VMEM((CHUNK, fin), jnp.float32) for _ in range(NBUF)]
        + [pltpu.SemaphoreType.DMA for _ in range(NBUF)],
  )
  def gather_k(table_hbm, idx_hbm, out_hbm, idx_v, *rest):
    bufs, sems = rest[:NBUF], rest[NBUF:]
    cid = lax.axis_index("c")
    sid = lax.axis_index("s")

    def run(base, count):
      pltpu.sync_copy(idx_hbm.at[pl.ds(base, count)],
                      idx_v.at[pl.ds(0, count)])
      for b in range(NBUF):
        pltpu.async_copy(table_hbm.at[idx_v.at[b]], bufs[b], sems[b])

      def body(g, carry):
        for b in range(NBUF):
          j = g * NBUF + b
          pltpu.make_async_copy(table_hbm.at[idx_v.at[j]], bufs[b],
                                sems[b]).wait()
          pltpu.sync_copy(bufs[b],
                          out_hbm.at[pl.ds((base + j) * CHUNK, CHUNK)])

          @pl.when(j + NBUF < count)
          def _():
            pltpu.async_copy(table_hbm.at[idx_v.at[j + NBUF]], bufs[b],
                             sems[b])

        return carry

      lax.fori_loop(0, count // NBUF, body, 0)

    @pl.when(cid == 1)
    def _():
      run(sid * CB_FAST, CB_FAST)

    @pl.when(cid == 0)
    def _():
      run(NS * CB_FAST + sid * CB_SLOW, CB_SLOW)

  return gather_k


def _make_sc_scatter():
  mesh = plsc.VectorSubcoreMesh(core_axis_name="c", subcore_axis_name="s")

  @functools.partial(
      pl.kernel, mesh=mesh,
      out_type=jax.ShapeDtypeStruct((NC, N_PAD, F_OUT), jnp.float32),
      compiler_params=pltpu.CompilerParams(use_tc_tiling_on_sc=False),
      scratch_types=[
          pltpu.VMEM((N_CHUNKS, CHUNK), jnp.int32),
          pltpu.VMEM_SHARED((N_PAD, F_OUT), jnp.float32),
      ] + [pltpu.VMEM((CHUNK, F_OUT), jnp.float32) for _ in range(NBUF)]
        + [pltpu.SemaphoreType.DMA for _ in range(NBUF)],
  )
  def scatter_k(msg_hbm, dst_hbm, zeros_hbm, out_hbm, idx_v, acc_sh, *rest):
    bufs, sems = rest[:NBUF], rest[NBUF:]
    cid = lax.axis_index("c")
    sid = lax.axis_index("s")
    wid = sid * NC + cid
    r0 = sid * ROWS_PER_TILE
    base = wid * N_CHUNKS

    pltpu.sync_copy(zeros_hbm.at[pl.ds(r0, ROWS_PER_TILE)],
                    acc_sh.at[pl.ds(r0, ROWS_PER_TILE)])
    pltpu.sync_copy(dst_hbm.at[wid], idx_v)
    for b in range(NBUF):
      pltpu.async_copy(msg_hbm.at[pl.ds((base + b) * CHUNK, CHUNK)],
                       bufs[b], sems[b])
    plsc.subcore_barrier()

    def body(g, carry):
      for b in range(NBUF):
        j = g * NBUF + b
        pltpu.make_async_copy(
            msg_hbm.at[pl.ds((base + j) * CHUNK, CHUNK)], bufs[b],
            sems[b]).wait()
        pltpu.sync_copy(bufs[b], acc_sh.at[idx_v.at[j]], add=True)

        @pl.when(j + NBUF < N_CHUNKS)
        def _():
          pltpu.async_copy(
              msg_hbm.at[pl.ds((base + j + NBUF) * CHUNK, CHUNK)],
              bufs[b], sems[b])

      return carry

    lax.fori_loop(0, N_CHUNKS // NBUF, body, 0)

    plsc.subcore_barrier()
    pltpu.sync_copy(acc_sh.at[pl.ds(r0, ROWS_PER_TILE)],
                    out_hbm.at[cid, pl.ds(r0, ROWS_PER_TILE)])

  return scatter_k



EAB = 8192


def _ea_pack_body(ea_ref, out_ref):
  e3 = ea_ref[...].reshape(EAB // 4, 4, D_EDGE)
  out_ref[...] = jnp.concatenate([e3[:, j, :] for j in range(4)], axis=1)


def _tc_ea_pack(ea):
  grid = (N_EDGES + EAB - 1) // EAB
  return pl.pallas_call(
      _ea_pack_body,
      grid=(grid,),
      in_specs=[pl.BlockSpec((EAB, D_EDGE), lambda i: (i, 0))],
      out_specs=pl.BlockSpec((EAB // 4, 4 * D_EDGE), lambda i: (i, 0)),
      out_shape=jax.ShapeDtypeStruct((E_PAD // 4, 4 * D_EDGE), jnp.float32),
  )(ea)


def _msg_body(fin, xs_ref, ea_ref, u_ref, bk_ref, r_ref, s_ref, out_ref):
  xs4 = xs_ref[...]
  if fin == 128:
    xs4 = xs4.reshape(EB // 4, 4 * fin)
  eab = ea_ref[...]
  acc = jnp.dot(xs4, bk_ref[...], preferred_element_type=jnp.float32)
  for g in range(4):
    y = jnp.dot(xs4[:, g * fin:(g + 1) * fin], u_ref[...],
                preferred_element_type=jnp.float32)
    a = jnp.dot(eab, r_ref[:, g * 512:(g + 1) * 512],
                preferred_element_type=jnp.float32)
    acc = acc + jnp.dot(a * y, s_ref[pl.ds(g * 512, 512), :],
                        preferred_element_type=jnp.float32)
  out_ref[...] = acc


def _tc_messages(xs, ea4, u, bk4, r4, s4):
  fin = u.shape[0]
  xs_block = (EB, 128) if fin == 128 else (EB // 4, 128)
  cn = lambda i: (0, 0)
  return pl.pallas_call(
      functools.partial(_msg_body, fin),
      grid=(E_PAD // EB,),
      in_specs=[
          pl.BlockSpec(xs_block, lambda i: (i, 0)),
          pl.BlockSpec((EB // 4, 64), lambda i: (i, 0)),
          pl.BlockSpec(u.shape, cn),
          pl.BlockSpec(bk4.shape, cn),
          pl.BlockSpec(r4.shape, cn),
          pl.BlockSpec(s4.shape, cn),
      ],
      out_specs=pl.BlockSpec((EB // 4, 128), lambda i: (i, 0)),
      out_shape=jax.ShapeDtypeStruct((E_PAD // 4, 128), jnp.float32),
      compiler_params=pltpu.CompilerParams(vmem_limit_bytes=100 * 1024 * 1024),
  )(xs, ea4, u, bk4, r4, s4)


def _root_body(p_ref, x_ref, w_ref, b_ref, out_ref):
  agg = p_ref[0] + p_ref[1]
  z = agg + jnp.dot(x_ref[...], w_ref[...],
                    preferred_element_type=jnp.float32) + b_ref[...]
  out_ref[...] = jnp.maximum(z, 0.0)


def _tc_root(parts4, x4, w4root, b4):
  fin4 = x4.shape[1]
  return pl.pallas_call(
      _root_body,
      grid=(N_PAD // (4 * NB4),),
      in_specs=[
          pl.BlockSpec((NC, NB4, 128), lambda i: (0, i, 0)),
          pl.BlockSpec((NB4, fin4), lambda i: (i, 0)),
          pl.BlockSpec(w4root.shape, lambda i: (0, 0)),
          pl.BlockSpec((1, 128), lambda i: (0, 0)),
      ],
      out_specs=pl.BlockSpec((NB4, 128), lambda i: (i, 0)),
      out_shape=jax.ShapeDtypeStruct((N_PAD // 4, 128), jnp.float32),
  )(parts4, x4, w4root, b4)


def _final_body(p_ref, x_ref, w_ref, b_ref, w1_ref, c1_ref, w2_ref, c2_ref,
                w3_ref, c3_ref, w4_ref, c4_ref, out_ref, acc_ref):
  i = pl.program_id(0)
  agg = p_ref[0] + p_ref[1]
  h = jnp.maximum(
      agg + jnp.dot(x_ref[...], w_ref[...],
                    preferred_element_type=jnp.float32) + b_ref[...], 0.0)
  row = i * NB4 + lax.broadcasted_iota(jnp.int32, (NB4, 1), 0)
  h = jnp.where(row < N_NODES // 4, h, 0.0)
  psum = jnp.sum(h, axis=0, keepdims=True)

  @pl.when(i == 0)
  def _():
    acc_ref[...] = jnp.zeros_like(acc_ref)

  acc_ref[...] += psum

  @pl.when(i == pl.num_programs(0) - 1)
  def _():
    a = acc_ref[...]
    pooled = (a[:, 0:32] + a[:, 32:64] + a[:, 64:96] + a[:, 96:128])
    z = jnp.maximum(jnp.dot(pooled, w1_ref[...],
                            preferred_element_type=jnp.float32) + c1_ref[...], 0.0)
    z = jnp.maximum(jnp.dot(z, w2_ref[...],
                            preferred_element_type=jnp.float32) + c2_ref[...], 0.0)
    z = jnp.maximum(jnp.dot(z, w3_ref[...],
                            preferred_element_type=jnp.float32) + c3_ref[...], 0.0)
    out_ref[...] = jnp.sum(z * w4_ref[...]).reshape(1, 1) + c4_ref[...]


def _tc_final(parts4, x4, w4root, b4, w1, c1, w2, c2, w3, c3, w4r, c4):
  fin4 = x4.shape[1]
  cn = lambda i: (0, 0)
  return pl.pallas_call(
      _final_body,
      grid=(N_PAD // (4 * NB4),),
      in_specs=[
          pl.BlockSpec((NC, NB4, 128), lambda i: (0, i, 0)),
          pl.BlockSpec((NB4, fin4), lambda i: (i, 0)),
          pl.BlockSpec(w4root.shape, cn),
          pl.BlockSpec((1, 128), cn),
          pl.BlockSpec(w1.shape, cn),
          pl.BlockSpec(c1.shape, cn),
          pl.BlockSpec(w2.shape, cn),
          pl.BlockSpec(c2.shape, cn),
          pl.BlockSpec(w3.shape, cn),
          pl.BlockSpec(c3.shape, cn),
          pl.BlockSpec(w4r.shape, cn),
          pl.BlockSpec(c4.shape, cn),
      ],
      out_specs=pl.BlockSpec((1, 1), cn),
      out_shape=jax.ShapeDtypeStruct((1, 1), jnp.float32),
      scratch_shapes=[pltpu.VMEM((1, 128), jnp.float32)],
  )(parts4, x4, w4root, b4, w1, c1, w2, c2, w3, c3, w4r, c4)



def _prep_u(wk):
  fin = wk.shape[1] // F_OUT
  wk3 = wk.reshape(D_EDGE, fin, F_OUT)
  return jnp.transpose(wk3, (1, 0, 2)).reshape(fin, D_EDGE * F_OUT)


def kernel(x, edge_index, edge_attr, Wk1, bk1, root1, b1, Wk2, bk2, root2, b2,
           Wk3, bk3, root3, b3, W1, bd1, W2, bd2, W3, bd3, W4, bd4):
  src = edge_index[0].astype(jnp.int32)
  dst = edge_index[1].astype(jnp.int32)
  pad = E_PAD - N_EDGES
  src_p = jnp.concatenate([src, jnp.zeros((pad,), jnp.int32)])
  dst_p = jnp.concatenate([dst, jnp.full((pad,), TRASH, jnp.int32)])
  ea4 = _tc_ea_pack(edge_attr)

  src2 = src_p.reshape(E_PAD // CHUNK, CHUNK)
  dst3 = dst_p.reshape(NW, N_CHUNKS, CHUNK)
  zeros_n = jnp.zeros((N_PAD, F_OUT), jnp.float32)

  eye4 = jnp.eye(4, dtype=jnp.float32)
  r_mat = jnp.kron(jnp.eye(D_EDGE, dtype=jnp.float32),
                   jnp.ones((1, F_OUT), jnp.float32))
  s_mat = jnp.kron(jnp.ones((D_EDGE, 1), jnp.float32),
                   jnp.eye(F_OUT, dtype=jnp.float32))
  r4 = jnp.kron(eye4, r_mat)
  s4 = jnp.kron(eye4, s_mat)

  u41, u42, u43 = _prep_u(Wk1), _prep_u(Wk2), _prep_u(Wk3)
  bk41 = jnp.kron(eye4, bk1.reshape(D_FEAT, F_OUT))
  bk42 = jnp.kron(eye4, bk2.reshape(F_OUT, F_OUT))
  bk43 = jnp.kron(eye4, bk3.reshape(F_OUT, F_OUT))
  root41 = jnp.kron(eye4, root1)
  root42 = jnp.kron(eye4, root2)
  root43 = jnp.kron(eye4, root3)
  b41 = jnp.tile(b1.reshape(1, F_OUT), (1, 4))
  b42 = jnp.tile(b2.reshape(1, F_OUT), (1, 4))
  b43 = jnp.tile(b3.reshape(1, F_OUT), (1, 4))

  gather128 = _make_sc_gather(D_FEAT)
  gather32 = _make_sc_gather(F_OUT)
  scatter = _make_sc_scatter()

  def layer(h_table, xs_pack, u4, bk4):
    xs = gather128(h_table, src2) if xs_pack is None else (
        gather32(h_table, src2).reshape(E_PAD // 4, 128))
    msg4 = _tc_messages(xs, ea4, u4, bk4, r4, s4)
    msg = msg4.reshape(E_PAD, F_OUT)
    parts = scatter(msg, dst3, zeros_n)
    return parts.reshape(NC, N_PAD // 4, 128)

  x4 = jnp.concatenate([
      x.reshape(N_NODES // 4, 4 * D_FEAT),
      jnp.zeros((N_PAD // 4 - N_NODES // 4, 4 * D_FEAT), jnp.float32)])

  parts1 = layer(x, None, u41, bk41)
  h1_4 = _tc_root(parts1, x4, root41, b41)
  h1 = h1_4.reshape(N_PAD, F_OUT)
  parts2 = layer(h1, True, u42, bk42)
  h2_4 = _tc_root(parts2, h1_4, root42, b42)
  h2 = h2_4.reshape(N_PAD, F_OUT)
  parts3 = layer(h2, True, u43, bk43)

  out = _tc_final(parts3, h2_4, root43, b43,
                  W1, bd1.reshape(1, -1), W2, bd2.reshape(1, -1),
                  W3, bd3.reshape(1, -1), W4.reshape(1, -1),
                  bd4.reshape(1, 1))
  return out

# --- scband reference (transcript-rebuilt; emitter-appended) ---
"""Pipeline reference for scband-ecc-model-1743756722427 (READ-ONLY COPY).

The authoritative reference and input builder live on the scoring server;
editing this copy changes nothing except your own understanding.
"""

import jax, jax.numpy as jnp
import numpy as np

N_NODES = 10000
N_EDGES = 160000
D_FEAT = 128
D_EDGE = 16
ECC1 = 32
ECC2 = 32
ECC3 = 32
DS1, DS2, DS3 = 64, 256, 512


def _glorot(key, shape):
    fan_in, fan_out = shape[0], shape[-1]
    lim = np.sqrt(6.0 / (fan_in + fan_out))
    return jax.random.uniform(key, shape, jnp.float32, -lim, lim)


def setup_inputs(seed: int = 0):
    key = jax.random.key(seed)
    ks = jax.random.split(key, 24)
    inp = {}
    inp['x'] = jax.random.normal(ks[0], (N_NODES, D_FEAT), jnp.float32)
    inp['edge_index'] = jax.random.randint(ks[1], (2, N_EDGES), 0, N_NODES)
    inp['edge_attr'] = jax.random.normal(ks[2], (N_EDGES, D_EDGE), jnp.float32)
    # ECCConv 1: kernel network (single linear Dense: d_edge -> F_in*F_out), root kernel, bias
    inp['Wk1'] = _glorot(ks[3], (D_EDGE, D_FEAT * ECC1))
    inp['bk1'] = jnp.zeros((D_FEAT * ECC1,), jnp.float32)
    inp['root1'] = _glorot(ks[4], (D_FEAT, ECC1))
    inp['b1'] = jnp.zeros((ECC1,), jnp.float32)
    # ECCConv 2
    inp['Wk2'] = _glorot(ks[5], (D_EDGE, ECC1 * ECC2))
    inp['bk2'] = jnp.zeros((ECC1 * ECC2,), jnp.float32)
    inp['root2'] = _glorot(ks[6], (ECC1, ECC2))
    inp['b2'] = jnp.zeros((ECC2,), jnp.float32)
    # ECCConv 3
    inp['Wk3'] = _glorot(ks[7], (D_EDGE, ECC2 * ECC3))
    inp['bk3'] = jnp.zeros((ECC2 * ECC3,), jnp.float32)
    inp['root3'] = _glorot(ks[8], (ECC2, ECC3))
    inp['b3'] = jnp.zeros((ECC3,), jnp.float32)
    # MLP head
    inp['W1'] = _glorot(ks[9], (ECC3, DS1))
    inp['bd1'] = jnp.zeros((DS1,), jnp.float32)
    inp['W2'] = _glorot(ks[10], (DS1, DS2))
    inp['bd2'] = jnp.zeros((DS2,), jnp.float32)
    inp['W3'] = _glorot(ks[11], (DS2, DS3))
    inp['bd3'] = jnp.zeros((DS3,), jnp.float32)
    inp['W4'] = _glorot(ks[12], (DS3, 1))
    inp['bd4'] = jnp.zeros((1,), jnp.float32)
    return inp


def ecc_layer(x, e, src, dst, Wk, bk, Wroot, bias, n_nodes):
    # Spektral ECCConv (single mode, sum aggregation, root=True, relu):
    #   kernel[e] = reshape(e_attr @ Wk + bk, [F_in, F_out])  (linear kernel network)
    #   msg[e]    = x[src[e]] @ kernel[e]
    #   out       = scatter_sum(msg, dst) + x @ Wroot + bias; relu
    # Factorized (mathematically identical) to avoid materializing [E, F_in, F_out]:
    F_in = x.shape[1]
    F_out = Wroot.shape[1]
    d_edge = e.shape[1]
    Wk3 = Wk.reshape(d_edge, F_in, F_out)
    bk2 = bk.reshape(F_in, F_out)
    x_src = jnp.take(x, src, axis=0)
    tmp = jnp.einsum('ef,dfo->edo', x_src, Wk3)
    messages = jnp.einsum('ed,edo->eo', e, tmp) + x_src @ bk2
    agg = jnp.zeros((n_nodes, F_out), x.dtype).at[dst].add(messages)
    out = agg + x @ Wroot + bias
    return jax.nn.relu(out)


def reference(x, edge_index, edge_attr, Wk1, bk1, root1, b1, Wk2, bk2, root2, b2,
              Wk3, bk3, root3, b3, W1, bd1, W2, bd2, W3, bd3, W4, bd4):
    src = edge_index[0]
    dst = edge_index[1]
    h = ecc_layer(x, edge_attr, src, dst, Wk1, bk1, root1, b1, N_NODES)
    h = ecc_layer(h, edge_attr, src, dst, Wk2, bk2, root2, b2, N_NODES)
    h = ecc_layer(h, edge_attr, src, dst, Wk3, bk3, root3, b3, N_NODES)
    pooled = jnp.sum(h, axis=0, keepdims=True)  # GlobalSumPool, single mode
    z = jax.nn.relu(pooled @ W1 + bd1)  # dropout = identity at inference
    z = jax.nn.relu(z @ W2 + bd2)
    z = jax.nn.relu(z @ W3 + bd3)
    out = z @ W4 + bd4
    return out


if False:  # reference __main__ guard neutralized (emitter)
    out = reference(**setup_inputs())
    print(out.shape)

if __name__ == "__main__":
    import jax
    _d = setup_inputs()
    print(jax.jit(kernel)(*tuple(_d.values())))

</pallas_src>

<mosaic_0001>
#map = affine_map<(d0, d1) -> (0, 0)>
#map1 = affine_map<(d0, d1) -> (0, 0, 0)>
module attributes {stable_mosaic.version = 14 : i64} {
  func.func @scatter_k(%arg0: i32, %arg1: i32, %arg2: memref<163840x32xf32, #tpu.memory_space<hbm>>, %arg3: memref<32x40x128xi32, #tpu.memory_space<hbm>>, %arg4: memref<10240x32xf32, #tpu.memory_space<hbm>>, %arg5: memref<2x10240x32xf32, #tpu.memory_space<hbm>>, %arg6: memref<40x128xi32, #tpu.memory_space<vmem>>, %arg7: memref<10240x32xf32, #tpu.memory_space<vmem_shared>>, %arg8: memref<128x32xf32, #tpu.memory_space<vmem>>, %arg9: memref<128x32xf32, #tpu.memory_space<vmem>>, %arg10: memref<128x32xf32, #tpu.memory_space<vmem>>, %arg11: memref<128x32xf32, #tpu.memory_space<vmem>>, %arg12: memref<!tpu.dma_semaphore, #tpu.memory_space<semaphore_mem>>, %arg13: memref<!tpu.dma_semaphore, #tpu.memory_space<semaphore_mem>>, %arg14: memref<!tpu.dma_semaphore, #tpu.memory_space<semaphore_mem>>, %arg15: memref<!tpu.dma_semaphore, #tpu.memory_space<semaphore_mem>>) attributes {dimension_semantics = [#tpu.dimension_semantics<core_parallel>, #tpu.dimension_semantics<subcore_parallel>], iteration_bounds = array<i64: 2, 16>, scalar_prefetch = 0 : i64, scratch_operands = 10 : i64, tpu.core_type = #tpu.core_type<sc_vector_subcore>, window_params = [{transform_indices = #map}, {transform_indices = #map1}, {transform_indices = #map}, {transform_indices = #map1}]} {
    %mul3A = arith.constant 2 : i32
    %mul3A_0 = arith.muli %arg1, %mul3A : i32
    %add3A = arith.addi %mul3A_0, %arg0 : i32
    %mul3A_1 = arith.constant 640 : i32
    %mul3A_2 = arith.muli %arg1, %mul3A_1 : i32
    %mul3A_3 = arith.constant 40 : i32
    %mul3A_4 = arith.muli %add3A, %mul3A_3 : i32
    "tpu.region"() ({
      %run_scoped3A = tpu.sem_alloc : memref<!tpu.dma_semaphore, #tpu.memory_space<semaphore_mem>>
      %dma_start3A_42 = arith.constant 0 : i32
      %dma_start3A_43 = tpu.memref_slice %arg7[%mul3A_2, %dma_start3A_42] : memref<10240x32xf32, #tpu.memory_space<vmem_shared>> -> memref<640x32xf32, #tpu.memory_space<vmem_shared>>
      %dma_start3A_44 = arith.constant 0 : i32
      %dma_start3A_45 = tpu.memref_slice %arg4[%mul3A_2, %dma_start3A_44] : memref<10240x32xf32, #tpu.memory_space<hbm>> -> memref<640x32xf32, #tpu.memory_space<hbm>>
      tpu.enqueue_dma source(%dma_start3A_45 : memref<640x32xf32, #tpu.memory_space<hbm>>) target(%dma_start3A_43 : memref<640x32xf32, #tpu.memory_space<vmem_shared>>) target_semaphore(%run_scoped3A : memref<!tpu.dma_semaphore, #tpu.memory_space<semaphore_mem>>)
      %dma_wait3A = arith.constant 0 : i32
      %dma_wait3A_46 = tpu.memref_slice %arg7[%mul3A_2, %dma_wait3A] : memref<10240x32xf32, #tpu.memory_space<vmem_shared>> -> memref<640x32xf32, #tpu.memory_space<vmem_shared>>
      %dma_wait3A_47 = arith.constant 0 : i32
      %dma_wait3A_48 = tpu.memref_slice %arg4[%mul3A_2, %dma_wait3A_47] : memref<10240x32xf32, #tpu.memory_space<hbm>> -> memref<640x32xf32, #tpu.memory_space<hbm>>
      tpu.wait_dma2 semaphore(%run_scoped3A : memref<!tpu.dma_semaphore, #tpu.memory_space<semaphore_mem>>) src(%dma_wait3A_48 : memref<640x32xf32, #tpu.memory_space<hbm>>) dst(%dma_wait3A_46 : memref<640x32xf32, #tpu.memory_space<vmem_shared>>)
      tpu.yield
    }) : () -> ()
    "tpu.region"() ({
      %run_scoped3A = tpu.sem_alloc : memref<!tpu.dma_semaphore, #tpu.memory_space<semaphore_mem>>
      %dma_start3A_42 = arith.constant 0 : i32
      %dma_start3A_43 = arith.constant 0 : i32
      %dma_start3A_44 = tpu.memref_slice %arg3[%add3A, %dma_start3A_42, %dma_start3A_43] : memref<32x40x128xi32, #tpu.memory_space<hbm>> -> memref<1x40x128xi32, #tpu.memory_space<hbm>>
      %dma_start3A_45 = tpu.memref_squeeze %dma_start3A_44 : memref<1x40x128xi32, #tpu.memory_space<hbm>> -> memref<40x128xi32, #tpu.memory_space<hbm>>
      %dma_start3A_46 = arith.constant 0 : i32
      %dma_start3A_47 = arith.constant 0 : i32
      %dma_start3A_48 = tpu.memref_slice %arg3[%add3A, %dma_start3A_46, %dma_start3A_47] : memref<32x40x128xi32, #tpu.memory_space<hbm>> -> memref<1x40x128xi32, #tpu.memory_space<hbm>>
      %dma_start3A_49 = tpu.memref_squeeze %dma_start3A_48 : memref<1x40x128xi32, #tpu.memory_space<hbm>> -> memref<40x128xi32, #tpu.memory_space<hbm>>
      tpu.enqueue_dma source(%dma_start3A_49 : memref<40x128xi32, #tpu.memory_space<hbm>>) target(%arg6 : memref<40x128xi32, #tpu.memory_space<vmem>>) target_semaphore(%run_scoped3A : memref<!tpu.dma_semaphore, #tpu.memory_space<semaphore_mem>>)
      %dma_wait3A = arith.constant 0 : i32
      %dma_wait3A_50 = arith.constant 0 : i32
      %dma_wait3A_51 = tpu.memref_slice %arg3[%add3A, %dma_wait3A, %dma_wait3A_50] : memref<32x40x128xi32, #tpu.memory_space<hbm>> -> memref<1x40x128xi32, #tpu.memory_space<hbm>>
      %dma_wait3A_52 = tpu.memref_squeeze %dma_wait3A_51 : memref<1x40x128xi32, #tpu.memory_space<hbm>> -> memref<40x128xi32, #tpu.memory_space<hbm>>
      %dma_wait3A_53 = arith.constant 0 : i32
      %dma_wait3A_54 = arith.constant 0 : i32
      %dma_wait3A_55 = tpu.memref_slice %arg3[%add3A, %dma_wait3A_53, %dma_wait3A_54] : memref<32x40x128xi32, #tpu.memory_space<hbm>> -> memref<1x40x128xi32, #tpu.memory_space<hbm>>
      %dma_wait3A_56 = tpu.memref_squeeze %dma_wait3A_55 : memref<1x40x128xi32, #tpu.memory_space<hbm>> -> memref<40x128xi32, #tpu.memory_space<hbm>>
      tpu.wait_dma2 semaphore(%run_scoped3A : memref<!tpu.dma_semaphore, #tpu.memory_space<semaphore_mem>>) src(%dma_wait3A_56 : memref<40x128xi32, #tpu.memory_space<hbm>>) dst(%arg6 : memref<40x128xi32, #tpu.memory_space<vmem>>)
      tpu.yield
    }) : () -> ()
    %add3A_5 = arith.constant 0 : i32
    %add3A_6 = arith.addi %mul3A_4, %add3A_5 : i32
    %mul3A_7 = arith.constant 128 : i32
    %mul3A_8 = arith.muli %add3A_6, %mul3A_7 : i32
    %dma_start3A = arith.constant 0 : i32
    %dma_start3A_9 = tpu.memref_slice %arg2[%mul3A_8, %dma_start3A] : memref<163840x32xf32, #tpu.memory_space<hbm>> -> memref<128x32xf32, #tpu.memory_space<hbm>>
    %dma_start3A_10 = arith.constant 0 : i32
    %dma_start3A_11 = tpu.memref_slice %arg2[%mul3A_8, %dma_start3A_10] : memref<163840x32xf32, #tpu.memory_space<hbm>> -> memref<128x32xf32, #tpu.memory_space<hbm>>
    tpu.enqueue_dma source(%dma_start3A_11 : memref<128x32xf32, #tpu.memory_space<hbm>>) target(%arg8 : memref<128x32xf32, #tpu.memory_space<vmem>>) target_semaphore(%arg12 : memref<!tpu.dma_semaphore, #tpu.memory_space<semaphore_mem>>)
    %add3A_12 = arith.constant 1 : i32
    %add3A_13 = arith.addi %mul3A_4, %add3A_12 : i32
    %mul3A_14 = arith.constant 128 : i32
    %mul3A_15 = arith.muli %add3A_13, %mul3A_14 : i32
    %dma_start3A_16 = arith.constant 0 : i32
    %dma_start3A_17 = tpu.memref_slice %arg2[%mul3A_15, %dma_start3A_16] : memref<163840x32xf32, #tpu.memory_space<hbm>> -> memref<128x32xf32, #tpu.memory_space<hbm>>
    %dma_start3A_18 = arith.constant 0 : i32
    %dma_start3A_19 = tpu.memref_slice %arg2[%mul3A_15, %dma_start3A_18] : memref<163840x32xf32, #tpu.memory_space<hbm>> -> memref<128x32xf32, #tpu.memory_space<hbm>>
    tpu.enqueue_dma source(%dma_start3A_19 : memref<128x32xf32, #tpu.memory_space<hbm>>) target(%arg9 : memref<128x32xf32, #tpu.memory_space<vmem>>) target_semaphore(%arg13 : memref<!tpu.dma_semaphore, #tpu.memory_space<semaphore_mem>>)
    %add3A_20 = arith.constant 2 : i32
    %add3A_21 = arith.addi %mul3A_4, %add3A_20 : i32
    %mul3A_22 = arith.constant 128 : i32
    %mul3A_23 = arith.muli %add3A_21, %mul3A_22 : i32
    %dma_start3A_24 = arith.constant 0 : i32
    %dma_start3A_25 = tpu.memref_slice %arg2[%mul3A_23, %dma_start3A_24] : memref<163840x32xf32, #tpu.memory_space<hbm>> -> memref<128x32xf32, #tpu.memory_space<hbm>>
    %dma_start3A_26 = arith.constant 0 : i32
    %dma_start3A_27 = tpu.memref_slice %arg2[%mul3A_23, %dma_start3A_26] : memref<163840x32xf32, #tpu.memory_space<hbm>> -> memref<128x32xf32, #tpu.memory_space<hbm>>
    tpu.enqueue_dma source(%dma_start3A_27 : memref<128x32xf32, #tpu.memory_space<hbm>>) target(%arg10 : memref<128x32xf32, #tpu.memory_space<vmem>>) target_semaphore(%arg14 : memref<!tpu.dma_semaphore, #tpu.memory_space<semaphore_mem>>)
    %add3A_28 = arith.constant 3 : i32
    %add3A_29 = arith.addi %mul3A_4, %add3A_28 : i32
    %mul3A_30 = arith.constant 128 : i32
    %mul3A_31 = arith.muli %add3A_29, %mul3A_30 : i32
    %dma_start3A_32 = arith.constant 0 : i32
    %dma_start3A_33 = tpu.memref_slice %arg2[%mul3A_31, %dma_start3A_32] : memref<163840x32xf32, #tpu.memory_space<hbm>> -> memref<128x32xf32, #tpu.memory_space<hbm>>
    %dma_start3A_34 = arith.constant 0 : i32
    %dma_start3A_35 = tpu.memref_slice %arg2[%mul3A_31, %dma_start3A_34] : memref<163840x32xf32, #tpu.memory_space<hbm>> -> memref<128x32xf32, #tpu.memory_space<hbm>>
    tpu.enqueue_dma source(%dma_start3A_35 : memref<128x32xf32, #tpu.memory_space<hbm>>) target(%arg11 : memref<128x32xf32, #tpu.memory_space<vmem>>) target_semaphore(%arg15 : memref<!tpu.dma_semaphore, #tpu.memory_space<semaphore_mem>>)
    %barrier3A = arith.constant 0 : index
    tpu.barrier barrier_id(%barrier3A)
    %scan3A = arith.constant 0 : i32
    %scan3A_36 = arith.constant 0 : i32
    %scan3A_37 = arith.constant 10 : i32
    %scan3A_38 = arith.addi %scan3A_36, %scan3A_37 : i32
    %scan3A_39 = arith.constant 1 : i32
    scf.for %scan3A_42 = %scan3A_36 to %scan3A_38 step %scan3A_39  : i32 {
      %mul3A_43 = arith.constant 4 : i32
      %mul3A_44 = arith.muli %scan3A_42, %mul3A_43 : i32
      %add3A_45 = arith.constant 0 : i32
      %add3A_46 = arith.addi %mul3A_44, %add3A_45 : i32
      %add3A_47 = arith.addi %mul3A_4, %add3A_46 : i32
      %mul3A_48 = arith.constant 128 : i32
      %mul3A_49 = arith.muli %add3A_47, %mul3A_48 : i32
      %dma_wait3A = arith.constant 0 : i32
      %dma_wait3A_50 = tpu.memref_slice %arg2[%mul3A_49, %dma_wait3A] : memref<163840x32xf32, #tpu.memory_space<hbm>> -> memref<128x32xf32, #tpu.memory_space<hbm>>
      %dma_wait3A_51 = arith.constant 0 : i32
      %dma_wait3A_52 = tpu.memref_slice %arg2[%mul3A_49, %dma_wait3A_51] : memref<163840x32xf32, #tpu.memory_space<hbm>> -> memref<128x32xf32, #tpu.memory_space<hbm>>
      tpu.wait_dma2 semaphore(%arg12 : memref<!tpu.dma_semaphore, #tpu.memory_space<semaphore_mem>>) src(%dma_wait3A_52 : memref<128x32xf32, #tpu.memory_space<hbm>>) dst(%arg8 : memref<128x32xf32, #tpu.memory_space<vmem>>)
      "tpu.region"() ({
        %run_scoped3A = tpu.sem_alloc : memref<!tpu.dma_semaphore, #tpu.memory_space<semaphore_mem>>
        %dma_start3A_111 = arith.constant 0 : i32
        %dma_start3A_112 = tpu.memref_slice %arg6[%add3A_46, %dma_start3A_111] : memref<40x128xi32, #tpu.memory_space<vmem>> -> memref<1x128xi32, #tpu.memory_space<vmem>>
        %dma_start3A_113 = tpu.memref_squeeze %dma_start3A_112 : memref<1x128xi32, #tpu.memory_space<vmem>> -> memref<128xi32, #tpu.memory_space<vmem>>
        %dma_start3A_114 = arith.constant 0 : i32
        %dma_start3A_115 = arith.constant 0 : i32
        %dma_start3A_116 = tpu.memref_slice %arg7[%dma_start3A_114, %dma_start3A_115] : memref<10240x32xf32, #tpu.memory_space<vmem_shared>> -> memref<10240x32xf32, #tpu.memory_space<vmem_shared>>
        tpu.enqueue_indirect_dma source(%arg8 : memref<128x32xf32, #tpu.memory_space<vmem>>) target(%dma_start3A_116 : memref<10240x32xf32, #tpu.memory_space<vmem_shared>>) offsets(%dma_start3A_113 : memref<128xi32, #tpu.memory_space<vmem>>) semaphore(%run_scoped3A : memref<!tpu.dma_semaphore, #tpu.memory_space<semaphore_mem>>) {add = true}
        %dma_wait3A_117 = arith.constant 0 : i32
        %dma_wait3A_118 = tpu.memref_slice %arg6[%add3A_46, %dma_wait3A_117] : memref<40x128xi32, #tpu.memory_space<vmem>> -> memref<1x128xi32, #tpu.memory_space<vmem>>
        %dma_wait3A_119 = tpu.memref_squeeze %dma_wait3A_118 : memref<1x128xi32, #tpu.memory_space<vmem>> -> memref<128xi32, #tpu.memory_space<vmem>>
        %dma_wait3A_120 = arith.constant 0 : i32
        %dma_wait3A_121 = arith.constant 0 : i32
        %dma_wait3A_122 = tpu.memref_slice %arg7[%dma_wait3A_120, %dma_wait3A_121] : memref<10240x32xf32, #tpu.memory_space<vmem_shared>> -> memref<10240x32xf32, #tpu.memory_space<vmem_shared>>
        tpu.wait_indirect_dma semaphore(%run_scoped3A : memref<!tpu.dma_semaphore, #tpu.memory_space<semaphore_mem>>) src(%arg8 : memref<128x32xf32, #tpu.memory_space<vmem>>) dst(%dma_wait3A_122 : memref<10240x32xf32, #tpu.memory_space<vmem_shared>>)
        tpu.yield
      }) : () -> ()
      %add3A_53 = arith.constant 4 : i32
      %add3A_54 = arith.addi %add3A_46, %add3A_53 : i32
      %lt3A = arith.constant 40 : i32
      %lt3A_55 = arith.cmpi slt, %add3A_54, %lt3A : i32
      %convert_element_type3A = arith.extui %lt3A_55 : i1 to i32
      %cond3A = arith.constant 0 : i32
      %cond3A_56 = arith.cmpi ne, %convert_element_type3A, %cond3A : i32
      scf.if %cond3A_56 {
        %add3A_111 = arith.addi %mul3A_4, %add3A_46 : i32
        %add3A_112 = arith.constant 4 : i32
        %add3A_113 = arith.addi %add3A_111, %add3A_112 : i32
        %mul3A_114 = arith.constant 128 : i32
        %mul3A_115 = arith.muli %add3A_113, %mul3A_114 : i32
        %dma_start3A_116 = arith.constant 0 : i32
        %dma_start3A_117 = tpu.memref_slice %arg2[%mul3A_115, %dma_start3A_116] : memref<163840x32xf32, #tpu.memory_space<hbm>> -> memref<128x32xf32, #tpu.memory_space<hbm>>
        %dma_start3A_118 = arith.constant 0 : i32
        %dma_start3A_119 = tpu.memref_slice %arg2[%mul3A_115, %dma_start3A_118] : memref<163840x32xf32, #tpu.memory_space<hbm>> -> memref<128x32xf32, #tpu.memory_space<hbm>>
        tpu.enqueue_dma source(%dma_start3A_119 : memref<128x32xf32, #tpu.memory_space<hbm>>) target(%arg8 : memref<128x32xf32, #tpu.memory_space<vmem>>) target_semaphore(%arg12 : memref<!tpu.dma_semaphore, #tpu.memory_space<semaphore_mem>>)
      } else {
      }
      %mul3A_57 = arith.constant 4 : i32
      %mul3A_58 = arith.muli %scan3A_42, %mul3A_57 : i32
      %add3A_59 = arith.constant 1 : i32
      %add3A_60 = arith.addi %mul3A_58, %add3A_59 : i32
      %add3A_61 = arith.addi %mul3A_4, %add3A_60 : i32
      %mul3A_62 = arith.constant 128 : i32
      %mul3A_63 = arith.muli %add3A_61, %mul3A_62 : i32
      %dma_wait3A_64 = arith.constant 0 : i32
      %dma_wait3A_65 = tpu.memref_slice %arg2[%mul3A_63, %dma_wait3A_64] : memref<163840x32xf32, #tpu.memory_space<hbm>> -> memref<128x32xf32, #tpu.memory_space<hbm>>
      %dma_wait3A_66 = arith.constant 0 : i32
      %dma_wait3A_67 = tpu.memref_slice %arg2[%mul3A_63, %dma_wait3A_66] : memref<163840x32xf32, #tpu.memory_space<hbm>> -> memref<128x32xf32, #tpu.memory_space<hbm>>
      tpu.wait_dma2 semaphore(%arg13 : memref<!tpu.dma_semaphore, #tpu.memory_space<semaphore_mem>>) src(%dma_wait3A_67 : memref<128x32xf32, #tpu.memory_space<hbm>>) dst(%arg9 : memref<128x32xf32, #tpu.memory_space<vmem>>)
      "tpu.region"() ({
        %run_scoped3A = tpu.sem_alloc : memref<!tpu.dma_semaphore, #tpu.memory_space<semaphore_mem>>
        %dma_start3A_111 = arith.constant 0 : i32
        %dma_start3A_112 = tpu.memref_slice %arg6[%add3A_60, %dma_start3A_111] : memref<40x128xi32, #tpu.memory_space<vmem>> -> memref<1x128xi32, #tpu.memory_space<vmem>>
        %dma_start3A_113 = tpu.memref_squeeze %dma_start3A_112 : memref<1x128xi32, #tpu.memory_space<vmem>> -> memref<128xi32, #tpu.memory_space<vmem>>
        %dma_start3A_114 = arith.constant 0 : i32
        %dma_start3A_115 = arith.constant 0 : i32
        %dma_start3A_116 = tpu.memref_slice %arg7[%dma_start3A_114, %dma_start3A_115] : memref<10240x32xf32, #tpu.memory_space<vmem_shared>> -> memref<10240x32xf32, #tpu.memory_space<vmem_shared>>
        tpu.enqueue_indirect_dma source(%arg9 : memref<128x32xf32, #tpu.memory_space<vmem>>) target(%dma_start3A_116 : memref<10240x32xf32, #tpu.memory_space<vmem_shared>>) offsets(%dma_start3A_113 : memref<128xi32, #tpu.memory_space<vmem>>) semaphore(%run_scoped3A : memref<!tpu.dma_semaphore, #tpu.memory_space<semaphore_mem>>) {add = true}
        %dma_wait3A_117 = arith.constant 0 : i32
        %dma_wait3A_118 = tpu.memref_slice %arg6[%add3A_60, %dma_wait3A_117] : memref<40x128xi32, #tpu.memory_space<vmem>> -> memref<1x128xi32, #tpu.memory_space<vmem>>
        %dma_wait3A_119 = tpu.memref_squeeze %dma_wait3A_118 : memref<1x128xi32, #tpu.memory_space<vmem>> -> memref<128xi32, #tpu.memory_space<vmem>>
        %dma_wait3A_120 = arith.constant 0 : i32
        %dma_wait3A_121 = arith.constant 0 : i32
        %dma_wait3A_122 = tpu.memref_slice %arg7[%dma_wait3A_120, %dma_wait3A_121] : memref<10240x32xf32, #tpu.memory_space<vmem_shared>> -> memref<10240x32xf32, #tpu.memory_space<vmem_shared>>
        tpu.wait_indirect_dma semaphore(%run_scoped3A : memref<!tpu.dma_semaphore, #tpu.memory_space<semaphore_mem>>) src(%arg9 : memref<128x32xf32, #tpu.memory_space<vmem>>) dst(%dma_wait3A_122 : memref<10240x32xf32, #tpu.memory_space<vmem_shared>>)
        tpu.yield
      }) : () -> ()
      %add3A_68 = arith.constant 4 : i32
      %add3A_69 = arith.addi %add3A_60, %add3A_68 : i32
      %lt3A_70 = arith.constant 40 : i32
      %lt3A_71 = arith.cmpi slt, %add3A_69, %lt3A_70 : i32
      %convert_element_type3A_72 = arith.extui %lt3A_71 : i1 to i32
      %cond3A_73 = arith.constant 0 : i32
      %cond3A_74 = arith.cmpi ne, %convert_element_type3A_72, %cond3A_73 : i32
      scf.if %cond3A_74 {
        %add3A_111 = arith.addi %mul3A_4, %add3A_60 : i32
        %add3A_112 = arith.constant 4 : i32
        %add3A_113 = arith.addi %add3A_111, %add3A_112 : i32
        %mul3A_114 = arith.constant 128 : i32
        %mul3A_115 = arith.muli %add3A_113, %mul3A_114 : i32
        %dma_start3A_116 = arith.constant 0 : i32
        %dma_start3A_117 = tpu.memref_slice %arg2[%mul3A_115, %dma_start3A_116] : memref<163840x32xf32, #tpu.memory_space<hbm>> -> memref<128x32xf32, #tpu.memory_space<hbm>>
        %dma_start3A_118 = arith.constant 0 : i32
        %dma_start3A_119 = tpu.memref_slice %arg2[%mul3A_115, %dma_start3A_118] : memref<163840x32xf32, #tpu.memory_space<hbm>> -> memref<128x32xf32, #tpu.memory_space<hbm>>
        tpu.enqueue_dma source(%dma_start3A_119 : memref<128x32xf32, #tpu.memory_space<hbm>>) target(%arg9 : memref<128x32xf32, #tpu.memory_space<vmem>>) target_semaphore(%arg13 : memref<!tpu.dma_semaphore, #tpu.memory_space<semaphore_mem>>)
      } else {
      }
      %mul3A_75 = arith.constant 4 : i32
      %mul3A_76 = arith.muli %scan3A_42, %mul3A_75 : i32
      %add3A_77 = arith.constant 2 : i32
      %add3A_78 = arith.addi %mul3A_76, %add3A_77 : i32
      %add3A_79 = arith.addi %mul3A_4, %add3A_78 : i32
      %mul3A_80 = arith.constant 128 : i32
      %mul3A_81 = arith.muli %add3A_79, %mul3A_80 : i32
      %dma_wait3A_82 = arith.constant 0 : i32
      %dma_wait3A_83 = tpu.memref_slice %arg2[%mul3A_81, %dma_wait3A_82] : memref<163840x32xf32, #tpu.memory_space<hbm>> -> memref<128x32xf32, #tpu.memory_space<hbm>>
      %dma_wait3A_84 = arith.constant 0 : i32
      %dma_wait3A_85 = tpu.memref_slice %arg2[%mul3A_81, %dma_wait3A_84] : memref<163840x32xf32, #tpu.memory_space<hbm>> -> memref<128x32xf32, #tpu.memory_space<hbm>>
      tpu.wait_dma2 semaphore(%arg14 : memref<!tpu.dma_semaphore, #tpu.memory_space<semaphore_mem>>) src(%dma_wait3A_85 : memref<128x32xf32, #tpu.memory_space<hbm>>) dst(%arg10 : memref<128x32xf32, #tpu.memory_space<vmem>>)
      "tpu.region"() ({
        %run_scoped3A = tpu.sem_alloc : memref<!tpu.dma_semaphore, #tpu.memory_space<semaphore_mem>>
        %dma_start3A_111 = arith.constant 0 : i32
        %dma_start3A_112 = tpu.memref_slice %arg6[%add3A_78, %dma_start3A_111] : memref<40x128xi32, #tpu.memory_space<vmem>> -> memref<1x128xi32, #tpu.memory_space<vmem>>
        %dma_start3A_113 = tpu.memref_squeeze %dma_start3A_112 : memref<1x128xi32, #tpu.memory_space<vmem>> -> memref<128xi32, #tpu.memory_space<vmem>>
        %dma_start3A_114 = arith.constant 0 : i32
        %dma_start3A_115 = arith.constant 0 : i32
        %dma_start3A_116 = tpu.memref_slice %arg7[%dma_start3A_114, %dma_start3A_115] : memref<10240x32xf32, #tpu.memory_space<vmem_shared>> -> memref<10240x32xf32, #tpu.memory_space<vmem_shared>>
        tpu.enqueue_indirect_dma source(%arg10 : memref<128x32xf32, #tpu.memory_space<vmem>>) target(%dma_start3A_116 : memref<10240x32xf32, #tpu.memory_space<vmem_shared>>) offsets(%dma_start3A_113 : memref<128xi32, #tpu.memory_space<vmem>>) semaphore(%run_scoped3A : memref<!tpu.dma_semaphore, #tpu.memory_space<semaphore_mem>>) {add = true}
        %dma_wait3A_117 = arith.constant 0 : i32
        %dma_wait3A_118 = tpu.memref_slice %arg6[%add3A_78, %dma_wait3A_117] : memref<40x128xi32, #tpu.memory_space<vmem>> -> memref<1x128xi32, #tpu.memory_space<vmem>>
        %dma_wait3A_119 = tpu.memref_squeeze %dma_wait3A_118 : memref<1x128xi32, #tpu.memory_space<vmem>> -> memref<128xi32, #tpu.memory_space<vmem>>
        %dma_wait3A_120 = arith.constant 0 : i32
        %dma_wait3A_121 = arith.constant 0 : i32
        %dma_wait3A_122 = tpu.memref_slice %arg7[%dma_wait3A_120, %dma_wait3A_121] : memref<10240x32xf32, #tpu.memory_space<vmem_shared>> -> memref<10240x32xf32, #tpu.memory_space<vmem_shared>>
        tpu.wait_indirect_dma semaphore(%run_scoped3A : memref<!tpu.dma_semaphore, #tpu.memory_space<semaphore_mem>>) src(%arg10 : memref<128x32xf32, #tpu.memory_space<vmem>>) dst(%dma_wait3A_122 : memref<10240x32xf32, #tpu.memory_space<vmem_shared>>)
        tpu.yield
      }) : () -> ()
      %add3A_86 = arith.constant 4 : i32
      %add3A_87 = arith.addi %add3A_78, %add3A_86 : i32
      %lt3A_88 = arith.constant 40 : i32
      %lt3A_89 = arith.cmpi slt, %add3A_87, %lt3A_88 : i32
      %convert_element_type3A_90 = arith.extui %lt3A_89 : i1 to i32
      %cond3A_91 = arith.constant 0 : i32
      %cond3A_92 = arith.cmpi ne, %convert_element_type3A_90, %cond3A_91 : i32
      scf.if %cond3A_92 {
        %add3A_111 = arith.addi %mul3A_4, %add3A_78 : i32
        %add3A_112 = arith.constant 4 : i32
        %add3A_113 = arith.addi %add3A_111, %add3A_112 : i32
        %mul3A_114 = arith.constant 128 : i32
        %mul3A_115 = arith.muli %add3A_113, %mul3A_114 : i32
        %dma_start3A_116 = arith.constant 0 : i32
        %dma_start3A_117 = tpu.memref_slice %arg2[%mul3A_115, %dma_start3A_116] : memref<163840x32xf32, #tpu.memory_space<hbm>> -> memref<128x32xf32, #tpu.memory_space<hbm>>
        %dma_start3A_118 = arith.constant 0 : i32
        %dma_start3A_119 = tpu.memref_slice %arg2[%mul3A_115, %dma_start3A_118] : memref<163840x32xf32, #tpu.memory_space<hbm>> -> memref<128x32xf32, #tpu.memory_space<hbm>>
        tpu.enqueue_dma source(%dma_start3A_119 : memref<128x32xf32, #tpu.memory_space<hbm>>) target(%arg10 : memref<128x32xf32, #tpu.memory_space<vmem>>) target_semaphore(%arg14 : memref<!tpu.dma_semaphore, #tpu.memory_space<semaphore_mem>>)
      } else {
      }
      %mul3A_93 = arith.constant 4 : i32
      %mul3A_94 = arith.muli %scan3A_42, %mul3A_93 : i32
      %add3A_95 = arith.constant 3 : i32
      %add3A_96 = arith.addi %mul3A_94, %add3A_95 : i32
      %add3A_97 = arith.addi %mul3A_4, %add3A_96 : i32
      %mul3A_98 = arith.constant 128 : i32
      %mul3A_99 = arith.muli %add3A_97, %mul3A_98 : i32
      %dma_wait3A_100 = arith.constant 0 : i32
      %dma_wait3A_101 = tpu.memref_slice %arg2[%mul3A_99, %dma_wait3A_100] : memref<163840x32xf32, #tpu.memory_space<hbm>> -> memref<128x32xf32, #tpu.memory_space<hbm>>
      %dma_wait3A_102 = arith.constant 0 : i32
      %dma_wait3A_103 = tpu.memref_slice %arg2[%mul3A_99, %dma_wait3A_102] : memref<163840x32xf32, #tpu.memory_space<hbm>> -> memref<128x32xf32, #tpu.memory_space<hbm>>
      tpu.wait_dma2 semaphore(%arg15 : memref<!tpu.dma_semaphore, #tpu.memory_space<semaphore_mem>>) src(%dma_wait3A_103 : memref<128x32xf32, #tpu.memory_space<hbm>>) dst(%arg11 : memref<128x32xf32, #tpu.memory_space<vmem>>)
      "tpu.region"() ({
        %run_scoped3A = tpu.sem_alloc : memref<!tpu.dma_semaphore, #tpu.memory_space<semaphore_mem>>
        %dma_start3A_111 = arith.constant 0 : i32
        %dma_start3A_112 = tpu.memref_slice %arg6[%add3A_96, %dma_start3A_111] : memref<40x128xi32, #tpu.memory_space<vmem>> -> memref<1x128xi32, #tpu.memory_space<vmem>>
        %dma_start3A_113 = tpu.memref_squeeze %dma_start3A_112 : memref<1x128xi32, #tpu.memory_space<vmem>> -> memref<128xi32, #tpu.memory_space<vmem>>
        %dma_start3A_114 = arith.constant 0 : i32
        %dma_start3A_115 = arith.constant 0 : i32
        %dma_start3A_116 = tpu.memref_slice %arg7[%dma_start3A_114, %dma_start3A_115] : memref<10240x32xf32, #tpu.memory_space<vmem_shared>> -> memref<10240x32xf32, #tpu.memory_space<vmem_shared>>
        tpu.enqueue_indirect_dma source(%arg11 : memref<128x32xf32, #tpu.memory_space<vmem>>) target(%dma_start3A_116 : memref<10240x32xf32, #tpu.memory_space<vmem_shared>>) offsets(%dma_start3A_113 : memref<128xi32, #tpu.memory_space<vmem>>) semaphore(%run_scoped3A : memref<!tpu.dma_semaphore, #tpu.memory_space<semaphore_mem>>) {add = true}
        %dma_wait3A_117 = arith.constant 0 : i32
        %dma_wait3A_118 = tpu.memref_slice %arg6[%add3A_96, %dma_wait3A_117] : memref<40x128xi32, #tpu.memory_space<vmem>> -> memref<1x128xi32, #tpu.memory_space<vmem>>
        %dma_wait3A_119 = tpu.memref_squeeze %dma_wait3A_118 : memref<1x128xi32, #tpu.memory_space<vmem>> -> memref<128xi32, #tpu.memory_space<vmem>>
        %dma_wait3A_120 = arith.constant 0 : i32
        %dma_wait3A_121 = arith.constant 0 : i32
        %dma_wait3A_122 = tpu.memref_slice %arg7[%dma_wait3A_120, %dma_wait3A_121] : memref<10240x32xf32, #tpu.memory_space<vmem_shared>> -> memref<10240x32xf32, #tpu.memory_space<vmem_shared>>
        tpu.wait_indirect_dma semaphore(%run_scoped3A : memref<!tpu.dma_semaphore, #tpu.memory_space<semaphore_mem>>) src(%arg11 : memref<128x32xf32, #tpu.memory_space<vmem>>) dst(%dma_wait3A_122 : memref<10240x32xf32, #tpu.memory_space<vmem_shared>>)
        tpu.yield
      }) : () -> ()
      %add3A_104 = arith.constant 4 : i32
      %add3A_105 = arith.addi %add3A_96, %add3A_104 : i32
      %lt3A_106 = arith.constant 40 : i32
      %lt3A_107 = arith.cmpi slt, %add3A_105, %lt3A_106 : i32
      %convert_element_type3A_108 = arith.extui %lt3A_107 : i1 to i32
      %cond3A_109 = arith.constant 0 : i32
      %cond3A_110 = arith.cmpi ne, %convert_element_type3A_108, %cond3A_109 : i32
      scf.if %cond3A_110 {
        %add3A_111 = arith.addi %mul3A_4, %add3A_96 : i32
        %add3A_112 = arith.constant 4 : i32
        %add3A_113 = arith.addi %add3A_111, %add3A_112 : i32
        %mul3A_114 = arith.constant 128 : i32
        %mul3A_115 = arith.muli %add3A_113, %mul3A_114 : i32
        %dma_start3A_116 = arith.constant 0 : i32
        %dma_start3A_117 = tpu.memref_slice %arg2[%mul3A_115, %dma_start3A_116] : memref<163840x32xf32, #tpu.memory_space<hbm>> -> memref<128x32xf32, #tpu.memory_space<hbm>>
        %dma_start3A_118 = arith.constant 0 : i32
        %dma_start3A_119 = tpu.memref_slice %arg2[%mul3A_115, %dma_start3A_118] : memref<163840x32xf32, #tpu.memory_space<hbm>> -> memref<128x32xf32, #tpu.memory_space<hbm>>
        tpu.enqueue_dma source(%dma_start3A_119 : memref<128x32xf32, #tpu.memory_space<hbm>>) target(%arg11 : memref<128x32xf32, #tpu.memory_space<vmem>>) target_semaphore(%arg15 : memref<!tpu.dma_semaphore, #tpu.memory_space<semaphore_mem>>)
      } else {
      }
    }
    %scan3A_40 = arith.constant 10 : i32
    %barrier3A_41 = arith.constant 0 : index
    tpu.barrier barrier_id(%barrier3A_41)
    "tpu.region"() ({
      %run_scoped3A = tpu.sem_alloc : memref<!tpu.dma_semaphore, #tpu.memory_space<semaphore_mem>>
      %dma_start3A_42 = arith.constant 0 : i32
      %dma_start3A_43 = tpu.memref_slice %arg5[%arg0, %mul3A_2, %dma_start3A_42] : memref<2x10240x32xf32, #tpu.memory_space<hbm>> -> memref<1x640x32xf32, #tpu.memory_space<hbm>>
      %dma_start3A_44 = tpu.memref_squeeze %dma_start3A_43 : memref<1x640x32xf32, #tpu.memory_space<hbm>> -> memref<640x32xf32, #tpu.memory_space<hbm>>
      %dma_start3A_45 = arith.constant 0 : i32
      %dma_start3A_46 = tpu.memref_slice %arg7[%mul3A_2, %dma_start3A_45] : memref<10240x32xf32, #tpu.memory_space<vmem_shared>> -> memref<640x32xf32, #tpu.memory_space<vmem_shared>>
      tpu.enqueue_dma source(%dma_start3A_46 : memref<640x32xf32, #tpu.memory_space<vmem_shared>>) target(%dma_start3A_44 : memref<640x32xf32, #tpu.memory_space<hbm>>) target_semaphore(%run_scoped3A : memref<!tpu.dma_semaphore, #tpu.memory_space<semaphore_mem>>)
      %dma_wait3A = arith.constant 0 : i32
      %dma_wait3A_47 = tpu.memref_slice %arg5[%arg0, %mul3A_2, %dma_wait3A] : memref<2x10240x32xf32, #tpu.memory_space<hbm>> -> memref<1x640x32xf32, #tpu.memory_space<hbm>>
      %dma_wait3A_48 = tpu.memref_squeeze %dma_wait3A_47 : memref<1x640x32xf32, #tpu.memory_space<hbm>> -> memref<640x32xf32, #tpu.memory_space<hbm>>
      %dma_wait3A_49 = arith.constant 0 : i32
      %dma_wait3A_50 = tpu.memref_slice %arg7[%mul3A_2, %dma_wait3A_49] : memref<10240x32xf32, #tpu.memory_space<vmem_shared>> -> memref<640x32xf32, #tpu.memory_space<vmem_shared>>
      tpu.wait_dma2 semaphore(%run_scoped3A : memref<!tpu.dma_semaphore, #tpu.memory_space<semaphore_mem>>) src(%dma_wait3A_50 : memref<640x32xf32, #tpu.memory_space<vmem_shared>>) dst(%dma_wait3A_48 : memref<640x32xf32, #tpu.memory_space<hbm>>)
      tpu.yield
    }) : () -> ()
    return
  }
}

#map = affine_map<(d0, d1) -> (0, 0)>
module attributes {stable_mosaic.version = 14 : i64} {
  func.func @gather_k(%arg0: i32, %arg1: i32, %arg2: memref<10000x128xf32, #tpu.memory_space<hbm>>, %arg3: memref<1280x128xi32, #tpu.memory_space<hbm>>, %arg4: memref<163840x128xf32, #tpu.memory_space<hbm>>, %arg5: memref<60x128xi32, #tpu.memory_space<vmem>>, %arg6: memref<128x128xf32, #tpu.memory_space<vmem>>, %arg7: memref<128x128xf32, #tpu.memory_space<vmem>>, %arg8: memref<128x128xf32, #tpu.memory_space<vmem>>, %arg9: memref<128x128xf32, #tpu.memory_space<vmem>>, %arg10: memref<!tpu.dma_semaphore, #tpu.memory_space<semaphore_mem>>, %arg11: memref<!tpu.dma_semaphore, #tpu.memory_space<semaphore_mem>>, %arg12: memref<!tpu.dma_semaphore, #tpu.memory_space<semaphore_mem>>, %arg13: memref<!tpu.dma_semaphore, #tpu.memory_space<semaphore_mem>>) attributes {dimension_semantics = [#tpu.dimension_semantics<core_parallel>, #tpu.dimension_semantics<subcore_parallel>], iteration_bounds = array<i64: 2, 16>, scalar_prefetch = 0 : i64, scratch_operands = 9 : i64, tpu.core_type = #tpu.core_type<sc_vector_subcore>, window_params = [{transform_indices = #map}, {transform_indices = #map}, {transform_indices = #map}]} {
    %eq3A = arith.constant 1 : i32
    %eq3A_0 = arith.cmpi eq, %arg0, %eq3A : i32
    %convert_element_type3A = arith.extui %eq3A_0 : i1 to i32
    %cond3A = arith.constant 0 : i32
    %cond3A_1 = arith.cmpi ne, %convert_element_type3A, %cond3A : i32
    scf.if %cond3A_1 {
      %mul3A = arith.constant 60 : i32
      %mul3A_7 = arith.muli %arg1, %mul3A : i32
      "tpu.region"() ({
        %run_scoped3A = tpu.sem_alloc : memref<!tpu.dma_semaphore, #tpu.memory_space<semaphore_mem>>
        %dma_start3A_40 = arith.constant 0 : i32
        %dma_start3A_41 = arith.constant 0 : i32
        %dma_start3A_42 = tpu.memref_slice %arg5[%dma_start3A_40, %dma_start3A_41] : memref<60x128xi32, #tpu.memory_space<vmem>> -> memref<60x128xi32, #tpu.memory_space<vmem>>
        %dma_start3A_43 = arith.constant 0 : i32
        %dma_start3A_44 = tpu.memref_slice %arg3[%mul3A_7, %dma_start3A_43] : memref<1280x128xi32, #tpu.memory_space<hbm>> -> memref<60x128xi32, #tpu.memory_space<hbm>>
        %dma_start3A_45 = arith.constant 0 : i32
        %dma_start3A_46 = arith.constant 0 : i32
        %dma_start3A_47 = tpu.memref_slice %arg5[%dma_start3A_45, %dma_start3A_46] : memref<60x128xi32, #tpu.memory_space<vmem>> -> memref<60x128xi32, #tpu.memory_space<vmem>>
        %dma_start3A_48 = arith.constant 0 : i32
        %dma_start3A_49 = tpu.memref_slice %arg3[%mul3A_7, %dma_start3A_48] : memref<1280x128xi32, #tpu.memory_space<hbm>> -> memref<60x128xi32, #tpu.memory_space<hbm>>
        tpu.enqueue_dma source(%dma_start3A_49 : memref<60x128xi32, #tpu.memory_space<hbm>>) target(%dma_start3A_47 : memref<60x128xi32, #tpu.memory_space<vmem>>) target_semaphore(%run_scoped3A : memref<!tpu.dma_semaphore, #tpu.memory_space<semaphore_mem>>)
        %dma_wait3A = arith.constant 0 : i32
        %dma_wait3A_50 = arith.constant 0 : i32
        %dma_wait3A_51 = tpu.memref_slice %arg5[%dma_wait3A, %dma_wait3A_50] : memref<60x128xi32, #tpu.memory_space<vmem>> -> memref<60x128xi32, #tpu.memory_space<vmem>>
        %dma_wait3A_52 = arith.constant 0 : i32
        %dma_wait3A_53 = tpu.memref_slice %arg3[%mul3A_7, %dma_wait3A_52] : memref<1280x128xi32, #tpu.memory_space<hbm>> -> memref<60x128xi32, #tpu.memory_space<hbm>>
        %dma_wait3A_54 = arith.constant 0 : i32
        %dma_wait3A_55 = arith.constant 0 : i32
        %dma_wait3A_56 = tpu.memref_slice %arg5[%dma_wait3A_54, %dma_wait3A_55] : memref<60x128xi32, #tpu.memory_space<vmem>> -> memref<60x128xi32, #tpu.memory_space<vmem>>
        %dma_wait3A_57 = arith.constant 0 : i32
        %dma_wait3A_58 = tpu.memref_slice %arg3[%mul3A_7, %dma_wait3A_57] : memref<1280x128xi32, #tpu.memory_space<hbm>> -> memref<60x128xi32, #tpu.memory_space<hbm>>
        tpu.wait_dma2 semaphore(%run_scoped3A : memref<!tpu.dma_semaphore, #tpu.memory_space<semaphore_mem>>) src(%dma_wait3A_58 : memref<60x128xi32, #tpu.memory_space<hbm>>) dst(%dma_wait3A_56 : memref<60x128xi32, #tpu.memory_space<vmem>>)
        tpu.yield
      }) : () -> ()
      %dma_start3A = arith.constant 0 : i32
      %dma_start3A_8 = arith.constant 0 : i32
      %dma_start3A_9 = tpu.memref_slice %arg5[%dma_start3A, %dma_start3A_8] : memref<60x128xi32, #tpu.memory_space<vmem>> -> memref<1x128xi32, #tpu.memory_space<vmem>>
      %dma_start3A_10 = tpu.memref_squeeze %dma_start3A_9 : memref<1x128xi32, #tpu.memory_space<vmem>> -> memref<128xi32, #tpu.memory_space<vmem>>
      %dma_start3A_11 = arith.constant 0 : i32
      %dma_start3A_12 = arith.constant 0 : i32
      %dma_start3A_13 = tpu.memref_slice %arg2[%dma_start3A_11, %dma_start3A_12] : memref<10000x128xf32, #tpu.memory_space<hbm>> -> memref<10000x128xf32, #tpu.memory_space<hbm>>
      tpu.enqueue_indirect_dma source(%dma_start3A_13 : memref<10000x128xf32, #tpu.memory_space<hbm>>) target(%arg6 : memref<128x128xf32, #tpu.memory_space<vmem>>) offsets(%dma_start3A_10 : memref<128xi32, #tpu.memory_space<vmem>>) semaphore(%arg10 : memref<!tpu.dma_semaphore, #tpu.memory_space<semaphore_mem>>)
      %dma_start3A_14 = arith.constant 1 : i32
      %dma_start3A_15 = arith.constant 0 : i32
      %dma_start3A_16 = tpu.memref_slice %arg5[%dma_start3A_14, %dma_start3A_15] : memref<60x128xi32, #tpu.memory_space<vmem>> -> memref<1x128xi32, #tpu.memory_space<vmem>>
      %dma_start3A_17 = tpu.memref_squeeze %dma_start3A_16 : memref<1x128xi32, #tpu.memory_space<vmem>> -> memref<128xi32, #tpu.memory_space<vmem>>
      %dma_start3A_18 = arith.constant 0 : i32
      %dma_start3A_19 = arith.constant 0 : i32
      %dma_start3A_20 = tpu.memref_slice %arg2[%dma_start3A_18, %dma_start3A_19] : memref<10000x128xf32, #tpu.memory_space<hbm>> -> memref<10000x128xf32, #tpu.memory_space<hbm>>
      tpu.enqueue_indirect_dma source(%dma_start3A_20 : memref<10000x128xf32, #tpu.memory_space<hbm>>) target(%arg7 : memref<128x128xf32, #tpu.memory_space<vmem>>) offsets(%dma_start3A_17 : memref<128xi32, #tpu.memory_space<vmem>>) semaphore(%arg11 : memref<!tpu.dma_semaphore, #tpu.memory_space<semaphore_mem>>)
      %dma_start3A_21 = arith.constant 2 : i32
      %dma_start3A_22 = arith.constant 0 : i32
      %dma_start3A_23 = tpu.memref_slice %arg5[%dma_start3A_21, %dma_start3A_22] : memref<60x128xi32, #tpu.memory_space<vmem>> -> memref<1x128xi32, #tpu.memory_space<vmem>>
      %dma_start3A_24 = tpu.memref_squeeze %dma_start3A_23 : memref<1x128xi32, #tpu.memory_space<vmem>> -> memref<128xi32, #tpu.memory_space<vmem>>
      %dma_start3A_25 = arith.constant 0 : i32
      %dma_start3A_26 = arith.constant 0 : i32
      %dma_start3A_27 = tpu.memref_slice %arg2[%dma_start3A_25, %dma_start3A_26] : memref<10000x128xf32, #tpu.memory_space<hbm>> -> memref<10000x128xf32, #tpu.memory_space<hbm>>
      tpu.enqueue_indirect_dma source(%dma_start3A_27 : memref<10000x128xf32, #tpu.memory_space<hbm>>) target(%arg8 : memref<128x128xf32, #tpu.memory_space<vmem>>) offsets(%dma_start3A_24 : memref<128xi32, #tpu.memory_space<vmem>>) semaphore(%arg12 : memref<!tpu.dma_semaphore, #tpu.memory_space<semaphore_mem>>)
      %dma_start3A_28 = arith.constant 3 : i32
      %dma_start3A_29 = arith.constant 0 : i32
      %dma_start3A_30 = tpu.memref_slice %arg5[%dma_start3A_28, %dma_start3A_29] : memref<60x128xi32, #tpu.memory_space<vmem>> -> memref<1x128xi32, #tpu.memory_space<vmem>>
      %dma_start3A_31 = tpu.memref_squeeze %dma_start3A_30 : memref<1x128xi32, #tpu.memory_space<vmem>> -> memref<128xi32, #tpu.memory_space<vmem>>
      %dma_start3A_32 = arith.constant 0 : i32
      %dma_start3A_33 = arith.constant 0 : i32
      %dma_start3A_34 = tpu.memref_slice %arg2[%dma_start3A_32, %dma_start3A_33] : memref<10000x128xf32, #tpu.memory_space<hbm>> -> memref<10000x128xf32, #tpu.memory_space<hbm>>
      tpu.enqueue_indirect_dma source(%dma_start3A_34 : memref<10000x128xf32, #tpu.memory_space<hbm>>) target(%arg9 : memref<128x128xf32, #tpu.memory_space<vmem>>) offsets(%dma_start3A_31 : memref<128xi32, #tpu.memory_space<vmem>>) semaphore(%arg13 : memref<!tpu.dma_semaphore, #tpu.memory_space<semaphore_mem>>)
      %scan3A = arith.constant 0 : i32
      %scan3A_35 = arith.constant 0 : i32
      %scan3A_36 = arith.constant 15 : i32
      %scan3A_37 = arith.addi %scan3A_35, %scan3A_36 : i32
      %scan3A_38 = arith.constant 1 : i32
      scf.for %scan3A_40 = %scan3A_35 to %scan3A_37 step %scan3A_38  : i32 {
        %mul3A_41 = arith.constant 4 : i32
        %mul3A_42 = arith.muli %scan3A_40, %mul3A_41 : i32
        %add3A = arith.constant 0 : i32
        %add3A_43 = arith.addi %mul3A_42, %add3A : i32
        %dma_wait3A = arith.constant 0 : i32
        %dma_wait3A_44 = tpu.memref_slice %arg5[%add3A_43, %dma_wait3A] : memref<60x128xi32, #tpu.memory_space<vmem>> -> memref<1x128xi32, #tpu.memory_space<vmem>>
        %dma_wait3A_45 = tpu.memref_squeeze %dma_wait3A_44 : memref<1x128xi32, #tpu.memory_space<vmem>> -> memref<128xi32, #tpu.memory_space<vmem>>
        %dma_wait3A_46 = arith.constant 0 : i32
        %dma_wait3A_47 = arith.constant 0 : i32
        %dma_wait3A_48 = tpu.memref_slice %arg2[%dma_wait3A_46, %dma_wait3A_47] : memref<10000x128xf32, #tpu.memory_space<hbm>> -> memref<10000x128xf32, #tpu.memory_space<hbm>>
        tpu.wait_indirect_dma semaphore(%arg10 : memref<!tpu.dma_semaphore, #tpu.memory_space<semaphore_mem>>) src(%dma_wait3A_48 : memref<10000x128xf32, #tpu.memory_space<hbm>>) dst(%arg6 : memref<128x128xf32, #tpu.memory_space<vmem>>)
        %add3A_49 = arith.addi %mul3A_7, %add3A_43 : i32
        %mul3A_50 = arith.constant 128 : i32
        %mul3A_51 = arith.muli %add3A_49, %mul3A_50 : i32
        "tpu.region"() ({
          %run_scoped3A = tpu.sem_alloc : memref<!tpu.dma_semaphore, #tpu.memory_space<semaphore_mem>>
          %dma_start3A_118 = arith.constant 0 : i32
          %dma_start3A_119 = tpu.memref_slice %arg4[%mul3A_51, %dma_start3A_118] : memref<163840x128xf32, #tpu.memory_space<hbm>> -> memref<128x128xf32, #tpu.memory_space<hbm>>
          %dma_start3A_120 = arith.constant 0 : i32
          %dma_start3A_121 = tpu.memref_slice %arg4[%mul3A_51, %dma_start3A_120] : memref<163840x128xf32, #tpu.memory_space<hbm>> -> memref<128x128xf32, #tpu.memory_space<hbm>>
          tpu.enqueue_dma source(%arg6 : memref<128x128xf32, #tpu.memory_space<vmem>>) target(%dma_start3A_121 : memref<128x128xf32, #tpu.memory_space<hbm>>) target_semaphore(%run_scoped3A : memref<!tpu.dma_semaphore, #tpu.memory_space<semaphore_mem>>)
          %dma_wait3A_122 = arith.constant 0 : i32
          %dma_wait3A_123 = tpu.memref_slice %arg4[%mul3A_51, %dma_wait3A_122] : memref<163840x128xf32, #tpu.memory_space<hbm>> -> memref<128x128xf32, #tpu.memory_space<hbm>>
          %dma_wait3A_124 = arith.constant 0 : i32
          %dma_wait3A_125 = tpu.memref_slice %arg4[%mul3A_51, %dma_wait3A_124] : memref<163840x128xf32, #tpu.memory_space<hbm>> -> memref<128x128xf32, #tpu.memory_space<hbm>>
          tpu.wait_dma2 semaphore(%run_scoped3A : memref<!tpu.dma_semaphore, #tpu.memory_space<semaphore_mem>>) src(%arg6 : memref<128x128xf32, #tpu.memory_space<vmem>>) dst(%dma_wait3A_125 : memref<128x128xf32, #tpu.memory_space<hbm>>)
          tpu.yield
        }) : () -> ()
        %add3A_52 = arith.constant 4 : i32
        %add3A_53 = arith.addi %add3A_43, %add3A_52 : i32
        %lt3A = arith.constant 60 : i32
        %lt3A_54 = arith.cmpi slt, %add3A_53, %lt3A : i32
        %convert_element_type3A_55 = arith.extui %lt3A_54 : i1 to i32
        %cond3A_56 = arith.constant 0 : i32
        %cond3A_57 = arith.cmpi ne, %convert_element_type3A_55, %cond3A_56 : i32
        scf.if %cond3A_57 {
          %add3A_118 = arith.constant 4 : i32
          %add3A_119 = arith.addi %add3A_43, %add3A_118 : i32
          %dma_start3A_120 = arith.constant 0 : i32
          %dma_start3A_121 = tpu.memref_slice %arg5[%add3A_119, %dma_start3A_120] : memref<60x128xi32, #tpu.memory_space<vmem>> -> memref<1x128xi32, #tpu.memory_space<vmem>>
          %dma_start3A_122 = tpu.memref_squeeze %dma_start3A_121 : memref<1x128xi32, #tpu.memory_space<vmem>> -> memref<128xi32, #tpu.memory_space<vmem>>
          %dma_start3A_123 = arith.constant 0 : i32
          %dma_start3A_124 = arith.constant 0 : i32
          %dma_start3A_125 = tpu.memref_slice %arg2[%dma_start3A_123, %dma_start3A_124] : memref<10000x128xf32, #tpu.memory_space<hbm>> -> memref<10000x128xf32, #tpu.memory_space<hbm>>
          tpu.enqueue_indirect_dma source(%dma_start3A_125 : memref<10000x128xf32, #tpu.memory_space<hbm>>) target(%arg6 : memref<128x128xf32, #tpu.memory_space<vmem>>) offsets(%dma_start3A_122 : memref<128xi32, #tpu.memory_space<vmem>>) semaphore(%arg10 : memref<!tpu.dma_semaphore, #tpu.memory_space<semaphore_mem>>)
        } else {
        }
        %mul3A_58 = arith.constant 4 : i32
        %mul3A_59 = arith.muli %scan3A_40, %mul3A_58 : i32
        %add3A_60 = arith.constant 1 : i32
        %add3A_61 = arith.addi %mul3A_59, %add3A_60 : i32
        %dma_wait3A_62 = arith.constant 0 : i32
        %dma_wait3A_63 = tpu.memref_slice %arg5[%add3A_61, %dma_wait3A_62] : memref<60x128xi32, #tpu.memory_space<vmem>> -> memref<1x128xi32, #tpu.memory_space<vmem>>
        %dma_wait3A_64 = tpu.memref_squeeze %dma_wait3A_63 : memref<1x128xi32, #tpu.memory_space<vmem>> -> memref<128xi32, #tpu.memory_space<vmem>>
        %dma_wait3A_65 = arith.constant 0 : i32
        %dma_wait3A_66 = arith.constant 0 : i32
        %dma_wait3A_67 = tpu.memref_slice %arg2[%dma_wait3A_65, %dma_wait3A_66] : memref<10000x128xf32, #tpu.memory_space<hbm>> -> memref<10000x128xf32, #tpu.memory_space<hbm>>
        tpu.wait_indirect_dma semaphore(%arg11 : memref<!tpu.dma_semaphore, #tpu.memory_space<semaphore_mem>>) src(%dma_wait3A_67 : memref<10000x128xf32, #tpu.memory_space<hbm>>) dst(%arg7 : memref<128x128xf32, #tpu.memory_space<vmem>>)
        %add3A_68 = arith.addi %mul3A_7, %add3A_61 : i32
        %mul3A_69 = arith.constant 128 : i32
        %mul3A_70 = arith.muli %add3A_68, %mul3A_69 : i32
        "tpu.region"() ({
          %run_scoped3A = tpu.sem_alloc : memref<!tpu.dma_semaphore, #tpu.memory_space<semaphore_mem>>
          %dma_start3A_118 = arith.constant 0 : i32
          %dma_start3A_119 = tpu.memref_slice %arg4[%mul3A_70, %dma_start3A_118] : memref<163840x128xf32, #tpu.memory_space<hbm>> -> memref<128x128xf32, #tpu.memory_space<hbm>>
          %dma_start3A_120 = arith.constant 0 : i32
          %dma_start3A_121 = tpu.memref_slice %arg4[%mul3A_70, %dma_start3A_120] : memref<163840x128xf32, #tpu.memory_space<hbm>> -> memref<128x128xf32, #tpu.memory_space<hbm>>
          tpu.enqueue_dma source(%arg7 : memref<128x128xf32, #tpu.memory_space<vmem>>) target(%dma_start3A_121 : memref<128x128xf32, #tpu.memory_space<hbm>>) target_semaphore(%run_scoped3A : memref<!tpu.dma_semaphore, #tpu.memory_space<semaphore_mem>>)
          %dma_wait3A_122 = arith.constant 0 : i32
          %dma_wait3A_123 = tpu.memref_slice %arg4[%mul3A_70, %dma_wait3A_122] : memref<163840x128xf32, #tpu.memory_space<hbm>> -> memref<128x128xf32, #tpu.memory_space<hbm>>
          %dma_wait3A_124 = arith.constant 0 : i32
          %dma_wait3A_125 = tpu.memref_slice %arg4[%mul3A_70, %dma_wait3A_124] : memref<163840x128xf32, #tpu.memory_space<hbm>> -> memref<128x128xf32, #tpu.memory_space<hbm>>
          tpu.wait_dma2 semaphore(%run_scoped3A : memref<!tpu.dma_semaphore, #tpu.memory_space<semaphore_mem>>) src(%arg7 : memref<128x128xf32, #tpu.memory_space<vmem>>) dst(%dma_wait3A_125 : memref<128x128xf32, #tpu.memory_space<hbm>>)
          tpu.yield
        }) : () -> ()
        %add3A_71 = arith.constant 4 : i32
        %add3A_72 = arith.addi %add3A_61, %add3A_71 : i32
        %lt3A_73 = arith.constant 60 : i32
        %lt3A_74 = arith.cmpi slt, %add3A_72, %lt3A_73 : i32
        %convert_element_type3A_75 = arith.extui %lt3A_74 : i1 to i32
        %cond3A_76 = arith.constant 0 : i32
        %cond3A_77 = arith.cmpi ne, %convert_element_type3A_75, %cond3A_76 : i32
        scf.if %cond3A_77 {
          %add3A_118 = arith.constant 4 : i32
          %add3A_119 = arith.addi %add3A_61, %add3A_118 : i32
          %dma_start3A_120 = arith.constant 0 : i32
          %dma_start3A_121 = tpu.memref_slice %arg5[%add3A_119, %dma_start3A_120] : memref<60x128xi32, #tpu.memory_space<vmem>> -> memref<1x128xi32, #tpu.memory_space<vmem>>
          %dma_start3A_122 = tpu.memref_squeeze %dma_start3A_121 : memref<1x128xi32, #tpu.memory_space<vmem>> -> memref<128xi32, #tpu.memory_space<vmem>>
          %dma_start3A_123 = arith.constant 0 : i32
          %dma_start3A_124 = arith.constant 0 : i32
          %dma_start3A_125 = tpu.memref_slice %arg2[%dma_start3A_123, %dma_start3A_124] : memref<10000x128xf32, #tpu.memory_space<hbm>> -> memref<10000x128xf32, #tpu.memory_space<hbm>>
          tpu.enqueue_indirect_dma source(%dma_start3A_125 : memref<10000x128xf32, #tpu.memory_space<hbm>>) target(%arg7 : memref<128x128xf32, #tpu.memory_space<vmem>>) offsets(%dma_start3A_122 : memref<128xi32, #tpu.memory_space<vmem>>) semaphore(%arg11 : memref<!tpu.dma_semaphore, #tpu.memory_space<semaphore_mem>>)
        } else {
        }
        %mul3A_78 = arith.constant 4 : i32
        %mul3A_79 = arith.muli %scan3A_40, %mul3A_78 : i32
        %add3A_80 = arith.constant 2 : i32
        %add3A_81 = arith.addi %mul3A_79, %add3A_80 : i32
        %dma_wait3A_82 = arith.constant 0 : i32
        %dma_wait3A_83 = tpu.memref_slice %arg5[%add3A_81, %dma_wait3A_82] : memref<60x128xi32, #tpu.memory_space<vmem>> -> memref<1x128xi32, #tpu.memory_space<vmem>>
        %dma_wait3A_84 = tpu.memref_squeeze %dma_wait3A_83 : memref<1x128xi32, #tpu.memory_space<vmem>> -> memref<128xi32, #tpu.memory_space<vmem>>
        %dma_wait3A_85 = arith.constant 0 : i32
        %dma_wait3A_86 = arith.constant 0 : i32
        %dma_wait3A_87 = tpu.memref_slice %arg2[%dma_wait3A_85, %dma_wait3A_86] : memref<10000x128xf32, #tpu.memory_space<hbm>> -> memref<10000x128xf32, #tpu.memory_space<hbm>>
        tpu.wait_indirect_dma semaphore(%arg12 : memref<!tpu.dma_semaphore, #tpu.memory_space<semaphore_mem>>) src(%dma_wait3A_87 : memref<10000x128xf32, #tpu.memory_space<hbm>>) dst(%arg8 : memref<128x128xf32, #tpu.memory_space<vmem>>)
        %add3A_88 = arith.addi %mul3A_7, %add3A_81 : i32
        %mul3A_89 = arith.constant 128 : i32
        %mul3A_90 = arith.muli %add3A_88, %mul3A_89 : i32
        "tpu.region"() ({
          %run_scoped3A = tpu.sem_alloc : memref<!tpu.dma_semaphore, #tpu.memory_space<semaphore_mem>>
          %dma_start3A_118 = arith.constant 0 : i32
          %dma_start3A_119 = tpu.memref_slice %arg4[%mul3A_90, %dma_start3A_118] : memref<163840x128xf32, #tpu.memory_space<hbm>> -> memref<128x128xf32, #tpu.memory_space<hbm>>
          %dma_start3A_120 = arith.constant 0 : i32
          %dma_start3A_121 = tpu.memref_slice %arg4[%mul3A_90, %dma_start3A_120] : memref<163840x128xf32, #tpu.memory_space<hbm>> -> memref<128x128xf32, #tpu.memory_space<hbm>>
          tpu.enqueue_dma source(%arg8 : memref<128x128xf32, #tpu.memory_space<vmem>>) target(%dma_start3A_121 : memref<128x128xf32, #tpu.memory_space<hbm>>) target_semaphore(%run_scoped3A : memref<!tpu.dma_semaphore, #tpu.memory_space<semaphore_mem>>)
          %dma_wait3A_122 = arith.constant 0 : i32
          %dma_wait3A_123 = tpu.memref_slice %arg4[%mul3A_90, %dma_wait3A_122] : memref<163840x128xf32, #tpu.memory_space<hbm>> -> memref<128x128xf32, #tpu.memory_space<hbm>>
          %dma_wait3A_124 = arith.constant 0 : i32
          %dma_wait3A_125 = tpu.memref_slice %arg4[%mul3A_90, %dma_wait3A_124] : memref<163840x128xf32, #tpu.memory_space<hbm>> -> memref<128x128xf32, #tpu.memory_space<hbm>>
          tpu.wait_dma2 semaphore(%run_scoped3A : memref<!tpu.dma_semaphore, #tpu.memory_space<semaphore_mem>>) src(%arg8 : memref<128x128xf32, #tpu.memory_space<vmem>>) dst(%dma_wait3A_125 : memref<128x128xf32, #tpu.memory_space<hbm>>)
          tpu.yield
        }) : () -> ()
        %add3A_91 = arith.constant 4 : i32
        %add3A_92 = arith.addi %add3A_81, %add3A_91 : i32
        %lt3A_93 = arith.constant 60 : i32
        %lt3A_94 = arith.cmpi slt, %add3A_92, %lt3A_93 : i32
        %convert_element_type3A_95 = arith.extui %lt3A_94 : i1 to i32
        %cond3A_96 = arith.constant 0 : i32
        %cond3A_97 = arith.cmpi ne, %convert_element_type3A_95, %cond3A_96 : i32
        scf.if %cond3A_97 {
          %add3A_118 = arith.constant 4 : i32
          %add3A_119 = arith.addi %add3A_81, %add3A_118 : i32
          %dma_start3A_120 = arith.constant 0 : i32
          %dma_start3A_121 = tpu.memref_slice %arg5[%add3A_119, %dma_start3A_120] : memref<60x128xi32, #tpu.memory_space<vmem>> -> memref<1x128xi32, #tpu.memory_space<vmem>>
          %dma_start3A_122 = tpu.memref_squeeze %dma_start3A_121 : memref<1x128xi32, #tpu.memory_space<vmem>> -> memref<128xi32, #tpu.memory_space<vmem>>
          %dma_start3A_123 = arith.constant 0 : i32
          %dma_start3A_124 = arith.constant 0 : i32
          %dma_start3A_125 = tpu.memref_slice %arg2[%dma_start3A_123, %dma_start3A_124] : memref<10000x128xf32, #tpu.memory_space<hbm>> -> memref<10000x128xf32, #tpu.memory_space<hbm>>
          tpu.enqueue_indirect_dma source(%dma_start3A_125 : memref<10000x128xf32, #tpu.memory_space<hbm>>) target(%arg8 : memref<128x128xf32, #tpu.memory_space<vmem>>) offsets(%dma_start3A_122 : memref<128xi32, #tpu.memory_space<vmem>>) semaphore(%arg12 : memref<!tpu.dma_semaphore, #tpu.memory_space<semaphore_mem>>)
        } else {
        }
        %mul3A_98 = arith.constant 4 : i32
        %mul3A_99 = arith.muli %scan3A_40, %mul3A_98 : i32
        %add3A_100 = arith.constant 3 : i32
        %add3A_101 = arith.addi %mul3A_99, %add3A_100 : i32
        %dma_wait3A_102 = arith.constant 0 : i32
        %dma_wait3A_103 = tpu.memref_slice %arg5[%add3A_101, %dma_wait3A_102] : memref<60x128xi32, #tpu.memory_space<vmem>> -> memref<1x128xi32, #tpu.memory_space<vmem>>
        %dma_wait3A_104 = tpu.memref_squeeze %dma_wait3A_103 : memref<1x128xi32, #tpu.memory_space<vmem>> -> memref<128xi32, #tpu.memory_space<vmem>>
        %dma_wait3A_105 = arith.constant 0 : i32
        %dma_wait3A_106 = arith.constant 0 : i32
        %dma_wait3A_107 = tpu.memref_slice %arg2[%dma_wait3A_105, %dma_wait3A_106] : memref<10000x128xf32, #tpu.memory_space<hbm>> -> memref<10000x128xf32, #tpu.memory_space<hbm>>
        tpu.wait_indirect_dma semaphore(%arg13 : memref<!tpu.dma_semaphore, #tpu.memory_space<semaphore_mem>>) src(%dma_wait3A_107 : memref<10000x128xf32, #tpu.memory_space<hbm>>) dst(%arg9 : memref<128x128xf32, #tpu.memory_space<vmem>>)
        %add3A_108 = arith.addi %mul3A_7, %add3A_101 : i32
        %mul3A_109 = arith.constant 128 : i32
        %mul3A_110 = arith.muli %add3A_108, %mul3A_109 : i32
        "tpu.region"() ({
          %run_scoped3A = tpu.sem_alloc : memref<!tpu.dma_semaphore, #tpu.memory_space<semaphore_mem>>
          %dma_start3A_118 = arith.constant 0 : i32
          %dma_start3A_119 = tpu.memref_slice %arg4[%mul3A_110, %dma_start3A_118] : memref<163840x128xf32, #tpu.memory_space<hbm>> -> memref<128x128xf32, #tpu.memory_space<hbm>>
          %dma_start3A_120 = arith.constant 0 : i32
          %dma_start3A_121 = tpu.memref_slice %arg4[%mul3A_110, %dma_start3A_120] : memref<163840x128xf32, #tpu.memory_space<hbm>> -> memref<128x128xf32, #tpu.memory_space<hbm>>
          tpu.enqueue_dma source(%arg9 : memref<128x128xf32, #tpu.memory_space<vmem>>) target(%dma_start3A_121 : memref<128x128xf32, #tpu.memory_space<hbm>>) target_semaphore(%run_scoped3A : memref<!tpu.dma_semaphore, #tpu.memory_space<semaphore_mem>>)
          %dma_wait3A_122 = arith.constant 0 : i32
          %dma_wait3A_123 = tpu.memref_slice %arg4[%mul3A_110, %dma_wait3A_122] : memref<163840x128xf32, #tpu.memory_space<hbm>> -> memref<128x128xf32, #tpu.memory_space<hbm>>
          %dma_wait3A_124 = arith.constant 0 : i32
          %dma_wait3A_125 = tpu.memref_slice %arg4[%mul3A_110, %dma_wait3A_124] : memref<163840x128xf32, #tpu.memory_space<hbm>> -> memref<128x128xf32, #tpu.memory_space<hbm>>
          tpu.wait_dma2 semaphore(%run_scoped3A : memref<!tpu.dma_semaphore, #tpu.memory_space<semaphore_mem>>) src(%arg9 : memref<128x128xf32, #tpu.memory_space<vmem>>) dst(%dma_wait3A_125 : memref<128x128xf32, #tpu.memory_space<hbm>>)
          tpu.yield
        }) : () -> ()
        %add3A_111 = arith.constant 4 : i32
        %add3A_112 = arith.addi %add3A_101, %add3A_111 : i32
        %lt3A_113 = arith.constant 60 : i32
        %lt3A_114 = arith.cmpi slt, %add3A_112, %lt3A_113 : i32
        %convert_element_type3A_115 = arith.extui %lt3A_114 : i1 to i32
        %cond3A_116 = arith.constant 0 : i32
        %cond3A_117 = arith.cmpi ne, %convert_element_type3A_115, %cond3A_116 : i32
        scf.if %cond3A_117 {
          %add3A_118 = arith.constant 4 : i32
          %add3A_119 = arith.addi %add3A_101, %add3A_118 : i32
          %dma_start3A_120 = arith.constant 0 : i32
          %dma_start3A_121 = tpu.memref_slice %arg5[%add3A_119, %dma_start3A_120] : memref<60x128xi32, #tpu.memory_space<vmem>> -> memref<1x128xi32, #tpu.memory_space<vmem>>
          %dma_start3A_122 = tpu.memref_squeeze %dma_start3A_121 : memref<1x128xi32, #tpu.memory_space<vmem>> -> memref<128xi32, #tpu.memory_space<vmem>>
          %dma_start3A_123 = arith.constant 0 : i32
          %dma_start3A_124 = arith.constant 0 : i32
          %dma_start3A_125 = tpu.memref_slice %arg2[%dma_start3A_123, %dma_start3A_124] : memref<10000x128xf32, #tpu.memory_space<hbm>> -> memref<10000x128xf32, #tpu.memory_space<hbm>>
          tpu.enqueue_indirect_dma source(%dma_start3A_125 : memref<10000x128xf32, #tpu.memory_space<hbm>>) target(%arg9 : memref<128x128xf32, #tpu.memory_space<vmem>>) offsets(%dma_start3A_122 : memref<128xi32, #tpu.memory_space<vmem>>) semaphore(%arg13 : memref<!tpu.dma_semaphore, #tpu.memory_space<semaphore_mem>>)
        } else {
        }
      }
      %scan3A_39 = arith.constant 15 : i32
    } else {
    }
    %eq3A_2 = arith.constant 0 : i32
    %eq3A_3 = arith.cmpi eq, %arg0, %eq3A_2 : i32
    %convert_element_type3A_4 = arith.extui %eq3A_3 : i1 to i32
    %cond3A_5 = arith.constant 0 : i32
    %cond3A_6 = arith.cmpi ne, %convert_element_type3A_4, %cond3A_5 : i32
    scf.if %cond3A_6 {
      %mul3A = arith.constant 20 : i32
      %mul3A_7 = arith.muli %arg1, %mul3A : i32
      %add3A = arith.constant 960 : i32
      %add3A_8 = arith.addi %add3A, %mul3A_7 : i32
      "tpu.region"() ({
        %run_scoped3A = tpu.sem_alloc : memref<!tpu.dma_semaphore, #tpu.memory_space<semaphore_mem>>
        %dma_start3A_41 = arith.constant 0 : i32
        %dma_start3A_42 = arith.constant 0 : i32
        %dma_start3A_43 = tpu.memref_slice %arg5[%dma_start3A_41, %dma_start3A_42] : memref<60x128xi32, #tpu.memory_space<vmem>> -> memref<20x128xi32, #tpu.memory_space<vmem>>
        %dma_start3A_44 = arith.constant 0 : i32
        %dma_start3A_45 = tpu.memref_slice %arg3[%add3A_8, %dma_start3A_44] : memref<1280x128xi32, #tpu.memory_space<hbm>> -> memref<20x128xi32, #tpu.memory_space<hbm>>
        %dma_start3A_46 = arith.constant 0 : i32
        %dma_start3A_47 = arith.constant 0 : i32
        %dma_start3A_48 = tpu.memref_slice %arg5[%dma_start3A_46, %dma_start3A_47] : memref<60x128xi32, #tpu.memory_space<vmem>> -> memref<20x128xi32, #tpu.memory_space<vmem>>
        %dma_start3A_49 = arith.constant 0 : i32
        %dma_start3A_50 = tpu.memref_slice %arg3[%add3A_8, %dma_start3A_49] : memref<1280x128xi32, #tpu.memory_space<hbm>> -> memref<20x128xi32, #tpu.memory_space<hbm>>
        tpu.enqueue_dma source(%dma_start3A_50 : memref<20x128xi32, #tpu.memory_space<hbm>>) target(%dma_start3A_48 : memref<20x128xi32, #tpu.memory_space<vmem>>) target_semaphore(%run_scoped3A : memref<!tpu.dma_semaphore, #tpu.memory_space<semaphore_mem>>)
        %dma_wait3A = arith.constant 0 : i32
        %dma_wait3A_51 = arith.constant 0 : i32
        %dma_wait3A_52 = tpu.memref_slice %arg5[%dma_wait3A, %dma_wait3A_51] : memref<60x128xi32, #tpu.memory_space<vmem>> -> memref<20x128xi32, #tpu.memory_space<vmem>>
        %dma_wait3A_53 = arith.constant 0 : i32
        %dma_wait3A_54 = tpu.memref_slice %arg3[%add3A_8, %dma_wait3A_53] : memref<1280x128xi32, #tpu.memory_space<hbm>> -> memref<20x128xi32, #tpu.memory_space<hbm>>
        %dma_wait3A_55 = arith.constant 0 : i32
        %dma_wait3A_56 = arith.constant 0 : i32
        %dma_wait3A_57 = tpu.memref_slice %arg5[%dma_wait3A_55, %dma_wait3A_56] : memref<60x128xi32, #tpu.memory_space<vmem>> -> memref<20x128xi32, #tpu.memory_space<vmem>>
        %dma_wait3A_58 = arith.constant 0 : i32
        %dma_wait3A_59 = tpu.memref_slice %arg3[%add3A_8, %dma_wait3A_58] : memref<1280x128xi32, #tpu.memory_space<hbm>> -> memref<20x128xi32, #tpu.memory_space<hbm>>
        tpu.wait_dma2 semaphore(%run_scoped3A : memref<!tpu.dma_semaphore, #tpu.memory_space<semaphore_mem>>) src(%dma_wait3A_59 : memref<20x128xi32, #tpu.memory_space<hbm>>) dst(%dma_wait3A_57 : memref<20x128xi32, #tpu.memory_space<vmem>>)
        tpu.yield
      }) : () -> ()
      %dma_start3A = arith.constant 0 : i32
      %dma_start3A_9 = arith.constant 0 : i32
      %dma_start3A_10 = tpu.memref_slice %arg5[%dma_start3A, %dma_start3A_9] : memref<60x128xi32, #tpu.memory_space<vmem>> -> memref<1x128xi32, #tpu.memory_space<vmem>>
      %dma_start3A_11 = tpu.memref_squeeze %dma_start3A_10 : memref<1x128xi32, #tpu.memory_space<vmem>> -> memref<128xi32, #tpu.memory_space<vmem>>
      %dma_start3A_12 = arith.constant 0 : i32
      %dma_start3A_13 = arith.constant 0 : i32
      %dma_start3A_14 = tpu.memref_slice %arg2[%dma_start3A_12, %dma_start3A_13] : memref<10000x128xf32, #tpu.memory_space<hbm>> -> memref<10000x128xf32, #tpu.memory_space<hbm>>
      tpu.enqueue_indirect_dma source(%dma_start3A_14 : memref<10000x128xf32, #tpu.memory_space<hbm>>) target(%arg6 : memref<128x128xf32, #tpu.memory_space<vmem>>) offsets(%dma_start3A_11 : memref<128xi32, #tpu.memory_space<vmem>>) semaphore(%arg10 : memref<!tpu.dma_semaphore, #tpu.memory_space<semaphore_mem>>)
      %dma_start3A_15 = arith.constant 1 : i32
      %dma_start3A_16 = arith.constant 0 : i32
      %dma_start3A_17 = tpu.memref_slice %arg5[%dma_start3A_15, %dma_start3A_16] : memref<60x128xi32, #tpu.memory_space<vmem>> -> memref<1x128xi32, #tpu.memory_space<vmem>>
      %dma_start3A_18 = tpu.memref_squeeze %dma_start3A_17 : memref<1x128xi32, #tpu.memory_space<vmem>> -> memref<128xi32, #tpu.memory_space<vmem>>
      %dma_start3A_19 = arith.constant 0 : i32
      %dma_start3A_20 = arith.constant 0 : i32
      %dma_start3A_21 = tpu.memref_slice %arg2[%dma_start3A_19, %dma_start3A_20] : memref<10000x128xf32, #tpu.memory_space<hbm>> -> memref<10000x128xf32, #tpu.memory_space<hbm>>
      tpu.enqueue_indirect_dma source(%dma_start3A_21 : memref<10000x128xf32, #tpu.memory_space<hbm>>) target(%arg7 : memref<128x128xf32, #tpu.memory_space<vmem>>) offsets(%dma_start3A_18 : memref<128xi32, #tpu.memory_space<vmem>>) semaphore(%arg11 : memref<!tpu.dma_semaphore, #tpu.memory_space<semaphore_mem>>)
      %dma_start3A_22 = arith.constant 2 : i32
      %dma_start3A_23 = arith.constant 0 : i32
      %dma_start3A_24 = tpu.memref_slice %arg5[%dma_start3A_22, %dma_start3A_23] : memref<60x128xi32, #tpu.memory_space<vmem>> -> memref<1x128xi32, #tpu.memory_space<vmem>>
      %dma_start3A_25 = tpu.memref_squeeze %dma_start3A_24 : memref<1x128xi32, #tpu.memory_space<vmem>> -> memref<128xi32, #tpu.memory_space<vmem>>
      %dma_start3A_26 = arith.constant 0 : i32
      %dma_start3A_27 = arith.constant 0 : i32
      %dma_start3A_28 = tpu.memref_slice %arg2[%dma_start3A_26, %dma_start3A_27] : memref<10000x128xf32, #tpu.memory_space<hbm>> -> memref<10000x128xf32, #tpu.memory_space<hbm>>
      tpu.enqueue_indirect_dma source(%dma_start3A_28 : memref<10000x128xf32, #tpu.memory_space<hbm>>) target(%arg8 : memref<128x128xf32, #tpu.memory_space<vmem>>) offsets(%dma_start3A_25 : memref<128xi32, #tpu.memory_space<vmem>>) semaphore(%arg12 : memref<!tpu.dma_semaphore, #tpu.memory_space<semaphore_mem>>)
      %dma_start3A_29 = arith.constant 3 : i32
      %dma_start3A_30 = arith.constant 0 : i32
      %dma_start3A_31 = tpu.memref_slice %arg5[%dma_start3A_29, %dma_start3A_30] : memref<60x128xi32, #tpu.memory_space<vmem>> -> memref<1x128xi32, #tpu.memory_space<vmem>>
      %dma_start3A_32 = tpu.memref_squeeze %dma_start3A_31 : memref<1x128xi32, #tpu.memory_space<vmem>> -> memref<128xi32, #tpu.memory_space<vmem>>
      %dma_start3A_33 = arith.constant 0 : i32
      %dma_start3A_34 = arith.constant 0 : i32
      %dma_start3A_35 = tpu.memref_slice %arg2[%dma_start3A_33, %dma_start3A_34] : memref<10000x128xf32, #tpu.memory_space<hbm>> -> memref<10000x128xf32, #tpu.memory_space<hbm>>
      tpu.enqueue_indirect_dma source(%dma_start3A_35 : memref<10000x128xf32, #tpu.memory_space<hbm>>) target(%arg9 : memref<128x128xf32, #tpu.memory_space<vmem>>) offsets(%dma_start3A_32 : memref<128xi32, #tpu.memory_space<vmem>>) semaphore(%arg13 : memref<!tpu.dma_semaphore, #tpu.memory_space<semaphore_mem>>)
      %scan3A = arith.constant 0 : i32
      %scan3A_36 = arith.constant 0 : i32
      %scan3A_37 = arith.constant 5 : i32
      %scan3A_38 = arith.addi %scan3A_36, %scan3A_37 : i32
      %scan3A_39 = arith.constant 1 : i32
      scf.for %scan3A_41 = %scan3A_36 to %scan3A_38 step %scan3A_39  : i32 {
        %mul3A_42 = arith.constant 4 : i32
        %mul3A_43 = arith.muli %scan3A_41, %mul3A_42 : i32
        %add3A_44 = arith.constant 0 : i32
        %add3A_45 = arith.addi %mul3A_43, %add3A_44 : i32
        %dma_wait3A = arith.constant 0 : i32
        %dma_wait3A_46 = tpu.memref_slice %arg5[%add3A_45, %dma_wait3A] : memref<60x128xi32, #tpu.memory_space<vmem>> -> memref<1x128xi32, #tpu.memory_space<vmem>>
        %dma_wait3A_47 = tpu.memref_squeeze %dma_wait3A_46 : memref<1x128xi32, #tpu.memory_space<vmem>> -> memref<128xi32, #tpu.memory_space<vmem>>
        %dma_wait3A_48 = arith.constant 0 : i32
        %dma_wait3A_49 = arith.constant 0 : i32
        %dma_wait3A_50 = tpu.memref_slice %arg2[%dma_wait3A_48, %dma_wait3A_49] : memref<10000x128xf32, #tpu.memory_space<hbm>> -> memref<10000x128xf32, #tpu.memory_space<hbm>>
        tpu.wait_indirect_dma semaphore(%arg10 : memref<!tpu.dma_semaphore, #tpu.memory_space<semaphore_mem>>) src(%dma_wait3A_50 : memref<10000x128xf32, #tpu.memory_space<hbm>>) dst(%arg6 : memref<128x128xf32, #tpu.memory_space<vmem>>)
        %add3A_51 = arith.addi %add3A_8, %add3A_45 : i32
        %mul3A_52 = arith.constant 128 : i32
        %mul3A_53 = arith.muli %add3A_51, %mul3A_52 : i32
        "tpu.region"() ({
          %run_scoped3A = tpu.sem_alloc : memref<!tpu.dma_semaphore, #tpu.memory_space<semaphore_mem>>
          %dma_start3A_120 = arith.constant 0 : i32
          %dma_start3A_121 = tpu.memref_slice %arg4[%mul3A_53, %dma_start3A_120] : memref<163840x128xf32, #tpu.memory_space<hbm>> -> memref<128x128xf32, #tpu.memory_space<hbm>>
          %dma_start3A_122 = arith.constant 0 : i32
          %dma_start3A_123 = tpu.memref_slice %arg4[%mul3A_53, %dma_start3A_122] : memref<163840x128xf32, #tpu.memory_space<hbm>> -> memref<128x128xf32, #tpu.memory_space<hbm>>
          tpu.enqueue_dma source(%arg6 : memref<128x128xf32, #tpu.memory_space<vmem>>) target(%dma_start3A_123 : memref<128x128xf32, #tpu.memory_space<hbm>>) target_semaphore(%run_scoped3A : memref<!tpu.dma_semaphore, #tpu.memory_space<semaphore_mem>>)
          %dma_wait3A_124 = arith.constant 0 : i32
          %dma_wait3A_125 = tpu.memref_slice %arg4[%mul3A_53, %dma_wait3A_124] : memref<163840x128xf32, #tpu.memory_space<hbm>> -> memref<128x128xf32, #tpu.memory_space<hbm>>
          %dma_wait3A_126 = arith.constant 0 : i32
          %dma_wait3A_127 = tpu.memref_slice %arg4[%mul3A_53, %dma_wait3A_126] : memref<163840x128xf32, #tpu.memory_space<hbm>> -> memref<128x128xf32, #tpu.memory_space<hbm>>
          tpu.wait_dma2 semaphore(%run_scoped3A : memref<!tpu.dma_semaphore, #tpu.memory_space<semaphore_mem>>) src(%arg6 : memref<128x128xf32, #tpu.memory_space<vmem>>) dst(%dma_wait3A_127 : memref<128x128xf32, #tpu.memory_space<hbm>>)
          tpu.yield
        }) : () -> ()
        %add3A_54 = arith.constant 4 : i32
        %add3A_55 = arith.addi %add3A_45, %add3A_54 : i32
        %lt3A = arith.constant 20 : i32
        %lt3A_56 = arith.cmpi slt, %add3A_55, %lt3A : i32
        %convert_element_type3A_57 = arith.extui %lt3A_56 : i1 to i32
        %cond3A_58 = arith.constant 0 : i32
        %cond3A_59 = arith.cmpi ne, %convert_element_type3A_57, %cond3A_58 : i32
        scf.if %cond3A_59 {
          %add3A_120 = arith.constant 4 : i32
          %add3A_121 = arith.addi %add3A_45, %add3A_120 : i32
          %dma_start3A_122 = arith.constant 0 : i32
          %dma_start3A_123 = tpu.memref_slice %arg5[%add3A_121, %dma_start3A_122] : memref<60x128xi32, #tpu.memory_space<vmem>> -> memref<1x128xi32, #tpu.memory_space<vmem>>
          %dma_start3A_124 = tpu.memref_squeeze %dma_start3A_123 : memref<1x128xi32, #tpu.memory_space<vmem>> -> memref<128xi32, #tpu.memory_space<vmem>>
          %dma_start3A_125 = arith.constant 0 : i32
          %dma_start3A_126 = arith.constant 0 : i32
          %dma_start3A_127 = tpu.memref_slice %arg2[%dma_start3A_125, %dma_start3A_126] : memref<10000x128xf32, #tpu.memory_space<hbm>> -> memref<10000x128xf32, #tpu.memory_space<hbm>>
          tpu.enqueue_indirect_dma source(%dma_start3A_127 : memref<10000x128xf32, #tpu.memory_space<hbm>>) target(%arg6 : memref<128x128xf32, #tpu.memory_space<vmem>>) offsets(%dma_start3A_124 : memref<128xi32, #tpu.memory_space<vmem>>) semaphore(%arg10 : memref<!tpu.dma_semaphore, #tpu.memory_space<semaphore_mem>>)
        } else {
        }
        %mul3A_60 = arith.constant 4 : i32
        %mul3A_61 = arith.muli %scan3A_41, %mul3A_60 : i32
        %add3A_62 = arith.constant 1 : i32
        %add3A_63 = arith.addi %mul3A_61, %add3A_62 : i32
        %dma_wait3A_64 = arith.constant 0 : i32
        %dma_wait3A_65 = tpu.memref_slice %arg5[%add3A_63, %dma_wait3A_64] : memref<60x128xi32, #tpu.memory_space<vmem>> -> memref<1x128xi32, #tpu.memory_space<vmem>>
        %dma_wait3A_66 = tpu.memref_squeeze %dma_wait3A_65 : memref<1x128xi32, #tpu.memory_space<vmem>> -> memref<128xi32, #tpu.memory_space<vmem>>
        %dma_wait3A_67 = arith.constant 0 : i32
        %dma_wait3A_68 = arith.constant 0 : i32
        %dma_wait3A_69 = tpu.memref_slice %arg2[%dma_wait3A_67, %dma_wait3A_68] : memref<10000x128xf32, #tpu.memory_space<hbm>> -> memref<10000x128xf32, #tpu.memory_space<hbm>>
        tpu.wait_indirect_dma semaphore(%arg11 : memref<!tpu.dma_semaphore, #tpu.memory_space<semaphore_mem>>) src(%dma_wait3A_69 : memref<10000x128xf32, #tpu.memory_space<hbm>>) dst(%arg7 : memref<128x128xf32, #tpu.memory_space<vmem>>)
        %add3A_70 = arith.addi %add3A_8, %add3A_63 : i32
        %mul3A_71 = arith.constant 128 : i32
        %mul3A_72 = arith.muli %add3A_70, %mul3A_71 : i32
        "tpu.region"() ({
          %run_scoped3A = tpu.sem_alloc : memref<!tpu.dma_semaphore, #tpu.memory_space<semaphore_mem>>
          %dma_start3A_120 = arith.constant 0 : i32
          %dma_start3A_121 = tpu.memref_slice %arg4[%mul3A_72, %dma_start3A_120] : memref<163840x128xf32, #tpu.memory_space<hbm>> -> memref<128x128xf32, #tpu.memory_space<hbm>>
          %dma_start3A_122 = arith.constant 0 : i32
          %dma_start3A_123 = tpu.memref_slice %arg4[%mul3A_72, %dma_start3A_122] : memref<163840x128xf32, #tpu.memory_space<hbm>> -> memref<128x128xf32, #tpu.memory_space<hbm>>
          tpu.enqueue_dma source(%arg7 : memref<128x128xf32, #tpu.memory_space<vmem>>) target(%dma_start3A_123 : memref<128x128xf32, #tpu.memory_space<hbm>>) target_semaphore(%run_scoped3A : memref<!tpu.dma_semaphore, #tpu.memory_space<semaphore_mem>>)
          %dma_wait3A_124 = arith.constant 0 : i32
          %dma_wait3A_125 = tpu.memref_slice %arg4[%mul3A_72, %dma_wait3A_124] : memref<163840x128xf32, #tpu.memory_space<hbm>> -> memref<128x128xf32, #tpu.memory_space<hbm>>
          %dma_wait3A_126 = arith.constant 0 : i32
          %dma_wait3A_127 = tpu.memref_slice %arg4[%mul3A_72, %dma_wait3A_126] : memref<163840x128xf32, #tpu.memory_space<hbm>> -> memref<128x128xf32, #tpu.memory_space<hbm>>
          tpu.wait_dma2 semaphore(%run_scoped3A : memref<!tpu.dma_semaphore, #tpu.memory_space<semaphore_mem>>) src(%arg7 : memref<128x128xf32, #tpu.memory_space<vmem>>) dst(%dma_wait3A_127 : memref<128x128xf32, #tpu.memory_space<hbm>>)
          tpu.yield
        }) : () -> ()
        %add3A_73 = arith.constant 4 : i32
        %add3A_74 = arith.addi %add3A_63, %add3A_73 : i32
        %lt3A_75 = arith.constant 20 : i32
        %lt3A_76 = arith.cmpi slt, %add3A_74, %lt3A_75 : i32
        %convert_element_type3A_77 = arith.extui %lt3A_76 : i1 to i32
        %cond3A_78 = arith.constant 0 : i32
        %cond3A_79 = arith.cmpi ne, %convert_element_type3A_77, %cond3A_78 : i32
        scf.if %cond3A_79 {
          %add3A_120 = arith.constant 4 : i32
          %add3A_121 = arith.addi %add3A_63, %add3A_120 : i32
          %dma_start3A_122 = arith.constant 0 : i32
          %dma_start3A_123 = tpu.memref_slice %arg5[%add3A_121, %dma_start3A_122] : memref<60x128xi32, #tpu.memory_space<vmem>> -> memref<1x128xi32, #tpu.memory_space<vmem>>
          %dma_start3A_124 = tpu.memref_squeeze %dma_start3A_123 : memref<1x128xi32, #tpu.memory_space<vmem>> -> memref<128xi32, #tpu.memory_space<vmem>>
          %dma_start3A_125 = arith.constant 0 : i32
          %dma_start3A_126 = arith.constant 0 : i32
          %dma_start3A_127 = tpu.memref_slice %arg2[%dma_start3A_125, %dma_start3A_126] : memref<10000x128xf32, #tpu.memory_space<hbm>> -> memref<10000x128xf32, #tpu.memory_space<hbm>>
          tpu.enqueue_indirect_dma source(%dma_start3A_127 : memref<10000x128xf32, #tpu.memory_space<hbm>>) target(%arg7 : memref<128x128xf32, #tpu.memory_space<vmem>>) offsets(%dma_start3A_124 : memref<128xi32, #tpu.memory_space<vmem>>) semaphore(%arg11 : memref<!tpu.dma_semaphore, #tpu.memory_space<semaphore_mem>>)
        } else {
        }
        %mul3A_80 = arith.constant 4 : i32
        %mul3A_81 = arith.muli %scan3A_41, %mul3A_80 : i32
        %add3A_82 = arith.constant 2 : i32
        %add3A_83 = arith.addi %mul3A_81, %add3A_82 : i32
        %dma_wait3A_84 = arith.constant 0 : i32
        %dma_wait3A_85 = tpu.memref_slice %arg5[%add3A_83, %dma_wait3A_84] : memref<60x128xi32, #tpu.memory_space<vmem>> -> memref<1x128xi32, #tpu.memory_space<vmem>>
        %dma_wait3A_86 = tpu.memref_squeeze %dma_wait3A_85 : memref<1x128xi32, #tpu.memory_space<vmem>> -> memref<128xi32, #tpu.memory_space<vmem>>
        %dma_wait3A_87 = arith.constant 0 : i32
        %dma_wait3A_88 = arith.constant 0 : i32
        %dma_wait3A_89 = tpu.memref_slice %arg2[%dma_wait3A_87, %dma_wait3A_88] : memref<10000x128xf32, #tpu.memory_space<hbm>> -> memref<10000x128xf32, #tpu.memory_space<hbm>>
        tpu.wait_indirect_dma semaphore(%arg12 : memref<!tpu.dma_semaphore, #tpu.memory_space<semaphore_mem>>) src(%dma_wait3A_89 : memref<10000x128xf32, #tpu.memory_space<hbm>>) dst(%arg8 : memref<128x128xf32, #tpu.memory_space<vmem>>)
        %add3A_90 = arith.addi %add3A_8, %add3A_83 : i32
        %mul3A_91 = arith.constant 128 : i32
        %mul3A_92 = arith.muli %add3A_90, %mul3A_91 : i32
        "tpu.region"() ({
          %run_scoped3A = tpu.sem_alloc : memref<!tpu.dma_semaphore, #tpu.memory_space<semaphore_mem>>
          %dma_start3A_120 = arith.constant 0 : i32
          %dma_start3A_121 = tpu.memref_slice %arg4[%mul3A_92, %dma_start3A_120] : memref<163840x128xf32, #tpu.memory_space<hbm>> -> memref<128x128xf32, #tpu.memory_space<hbm>>
          %dma_start3A_122 = arith.constant 0 : i32
          %dma_start3A_123 = tpu.memref_slice %arg4[%mul3A_92, %dma_start3A_122] : memref<163840x128xf32, #tpu.memory_space<hbm>> -> memref<128x128xf32, #tpu.memory_space<hbm>>
          tpu.enqueue_dma source(%arg8 : memref<128x128xf32, #tpu.memory_space<vmem>>) target(%dma_start3A_123 : memref<128x128xf32, #tpu.memory_space<hbm>>) target_semaphore(%run_scoped3A : memref<!tpu.dma_semaphore, #tpu.memory_space<semaphore_mem>>)
          %dma_wait3A_124 = arith.constant 0 : i32
          %dma_wait3A_125 = tpu.memref_slice %arg4[%mul3A_92, %dma_wait3A_124] : memref<163840x128xf32, #tpu.memory_space<hbm>> -> memref<128x128xf32, #tpu.memory_space<hbm>>
          %dma_wait3A_126 = arith.constant 0 : i32
          %dma_wait3A_127 = tpu.memref_slice %arg4[%mul3A_92, %dma_wait3A_126] : memref<163840x128xf32, #tpu.memory_space<hbm>> -> memref<128x128xf32, #tpu.memory_space<hbm>>
          tpu.wait_dma2 semaphore(%run_scoped3A : memref<!tpu.dma_semaphore, #tpu.memory_space<semaphore_mem>>) src(%arg8 : memref<128x128xf32, #tpu.memory_space<vmem>>) dst(%dma_wait3A_127 : memref<128x128xf32, #tpu.memory_space<hbm>>)
          tpu.yield
        }) : () -> ()
        %add3A_93 = arith.constant 4 : i32
        %add3A_94 = arith.addi %add3A_83, %add3A_93 : i32
        %lt3A_95 = arith.constant 20 : i32
        %lt3A_96 = arith.cmpi slt, %add3A_94, %lt3A_95 : i32
        %convert_element_type3A_97 = arith.extui %lt3A_96 : i1 to i32
        %cond3A_98 = arith.constant 0 : i32
        %cond3A_99 = arith.cmpi ne, %convert_element_type3A_97, %cond3A_98 : i32
        scf.if %cond3A_99 {
          %add3A_120 = arith.constant 4 : i32
          %add3A_121 = arith.addi %add3A_83, %add3A_120 : i32
          %dma_start3A_122 = arith.constant 0 : i32
          %dma_start3A_123 = tpu.memref_slice %arg5[%add3A_121, %dma_start3A_122] : memref<60x128xi32, #tpu.memory_space<vmem>> -> memref<1x128xi32, #tpu.memory_space<vmem>>
          %dma_start3A_124 = tpu.memref_squeeze %dma_start3A_123 : memref<1x128xi32, #tpu.memory_space<vmem>> -> memref<128xi32, #tpu.memory_space<vmem>>
          %dma_start3A_125 = arith.constant 0 : i32
          %dma_start3A_126 = arith.constant 0 : i32
          %dma_start3A_127 = tpu.memref_slice %arg2[%dma_start3A_125, %dma_start3A_126] : memref<10000x128xf32, #tpu.memory_space<hbm>> -> memref<10000x128xf32, #tpu.memory_space<hbm>>
          tpu.enqueue_indirect_dma source(%dma_start3A_127 : memref<10000x128xf32, #tpu.memory_space<hbm>>) target(%arg8 : memref<128x128xf32, #tpu.memory_space<vmem>>) offsets(%dma_start3A_124 : memref<128xi32, #tpu.memory_space<vmem>>) semaphore(%arg12 : memref<!tpu.dma_semaphore, #tpu.memory_space<semaphore_mem>>)
        } else {
        }
        %mul3A_100 = arith.constant 4 : i32
        %mul3A_101 = arith.muli %scan3A_41, %mul3A_100 : i32
        %add3A_102 = arith.constant 3 : i32
        %add3A_103 = arith.addi %mul3A_101, %add3A_102 : i32
        %dma_wait3A_104 = arith.constant 0 : i32
        %dma_wait3A_105 = tpu.memref_slice %arg5[%add3A_103, %dma_wait3A_104] : memref<60x128xi32, #tpu.memory_space<vmem>> -> memref<1x128xi32, #tpu.memory_space<vmem>>
        %dma_wait3A_106 = tpu.memref_squeeze %dma_wait3A_105 : memref<1x128xi32, #tpu.memory_space<vmem>> -> memref<128xi32, #tpu.memory_space<vmem>>
        %dma_wait3A_107 = arith.constant 0 : i32
        %dma_wait3A_108 = arith.constant 0 : i32
        %dma_wait3A_109 = tpu.memref_slice %arg2[%dma_wait3A_107, %dma_wait3A_108] : memref<10000x128xf32, #tpu.memory_space<hbm>> -> memref<10000x128xf32, #tpu.memory_space<hbm>>
        tpu.wait_indirect_dma semaphore(%arg13 : memref<!tpu.dma_semaphore, #tpu.memory_space<semaphore_mem>>) src(%dma_wait3A_109 : memref<10000x128xf32, #tpu.memory_space<hbm>>) dst(%arg9 : memref<128x128xf32, #tpu.memory_space<vmem>>)
        %add3A_110 = arith.addi %add3A_8, %add3A_103 : i32
        %mul3A_111 = arith.constant 128 : i32
        %mul3A_112 = arith.muli %add3A_110, %mul3A_111 : i32
        "tpu.region"() ({
          %run_scoped3A = tpu.sem_alloc : memref<!tpu.dma_semaphore, #tpu.memory_space<semaphore_mem>>
          %dma_start3A_120 = arith.constant 0 : i32
          %dma_start3A_121 = tpu.memref_slice %arg4[%mul3A_112, %dma_start3A_120] : memref<163840x128xf32, #tpu.memory_space<hbm>> -> memref<128x128xf32, #tpu.memory_space<hbm>>
          %dma_start3A_122 = arith.constant 0 : i32
          %dma_start3A_123 = tpu.memref_slice %arg4[%mul3A_112, %dma_start3A_122] : memref<163840x128xf32, #tpu.memory_space<hbm>> -> memref<128x128xf32, #tpu.memory_space<hbm>>
          tpu.enqueue_dma source(%arg9 : memref<128x128xf32, #tpu.memory_space<vmem>>) target(%dma_start3A_123 : memref<128x128xf32, #tpu.memory_space<hbm>>) target_semaphore(%run_scoped3A : memref<!tpu.dma_semaphore, #tpu.memory_space<semaphore_mem>>)
          %dma_wait3A_124 = arith.constant 0 : i32
          %dma_wait3A_125 = tpu.memref_slice %arg4[%mul3A_112, %dma_wait3A_124] : memref<163840x128xf32, #tpu.memory_space<hbm>> -> memref<128x128xf32, #tpu.memory_space<hbm>>
          %dma_wait3A_126 = arith.constant 0 : i32
          %dma_wait3A_127 = tpu.memref_slice %arg4[%mul3A_112, %dma_wait3A_126] : memref<163840x128xf32, #tpu.memory_space<hbm>> -> memref<128x128xf32, #tpu.memory_space<hbm>>
          tpu.wait_dma2 semaphore(%run_scoped3A : memref<!tpu.dma_semaphore, #tpu.memory_space<semaphore_mem>>) src(%arg9 : memref<128x128xf32, #tpu.memory_space<vmem>>) dst(%dma_wait3A_127 : memref<128x128xf32, #tpu.memory_space<hbm>>)
          tpu.yield
        }) : () -> ()
        %add3A_113 = arith.constant 4 : i32
        %add3A_114 = arith.addi %add3A_103, %add3A_113 : i32
        %lt3A_115 = arith.constant 20 : i32
        %lt3A_116 = arith.cmpi slt, %add3A_114, %lt3A_115 : i32
        %convert_element_type3A_117 = arith.extui %lt3A_116 : i1 to i32
        %cond3A_118 = arith.constant 0 : i32
        %cond3A_119 = arith.cmpi ne, %convert_element_type3A_117, %cond3A_118 : i32
        scf.if %cond3A_119 {
          %add3A_120 = arith.constant 4 : i32
          %add3A_121 = arith.addi %add3A_103, %add3A_120 : i32
          %dma_start3A_122 = arith.constant 0 : i32
          %dma_start3A_123 = tpu.memref_slice %arg5[%add3A_121, %dma_start3A_122] : memref<60x128xi32, #tpu.memory_space<vmem>> -> memref<1x128xi32, #tpu.memory_space<vmem>>
          %dma_start3A_124 = tpu.memref_squeeze %dma_start3A_123 : memref<1x128xi32, #tpu.memory_space<vmem>> -> memref<128xi32, #tpu.memory_space<vmem>>
          %dma_start3A_125 = arith.constant 0 : i32
          %dma_start3A_126 = arith.constant 0 : i32
          %dma_start3A_127 = tpu.memref_slice %arg2[%dma_start3A_125, %dma_start3A_126] : memref<10000x128xf32, #tpu.memory_space<hbm>> -> memref<10000x128xf32, #tpu.memory_space<hbm>>
          tpu.enqueue_indirect_dma source(%dma_start3A_127 : memref<10000x128xf32, #tpu.memory_space<hbm>>) target(%arg9 : memref<128x128xf32, #tpu.memory_space<vmem>>) offsets(%dma_start3A_124 : memref<128xi32, #tpu.memory_space<vmem>>) semaphore(%arg13 : memref<!tpu.dma_semaphore, #tpu.memory_space<semaphore_mem>>)
        } else {
        }
      }
      %scan3A_40 = arith.constant 5 : i32
    } else {
    }
    return
  }
}

#map = affine_map<(d0, d1) -> (0, 0)>
module attributes {stable_mosaic.version = 14 : i64} {
  func.func @gather_k(%arg0: i32, %arg1: i32, %arg2: memref<10240x32xf32, #tpu.memory_space<hbm>>, %arg3: memref<1280x128xi32, #tpu.memory_space<hbm>>, %arg4: memref<163840x32xf32, #tpu.memory_space<hbm>>, %arg5: memref<60x128xi32, #tpu.memory_space<vmem>>, %arg6: memref<128x32xf32, #tpu.memory_space<vmem>>, %arg7: memref<128x32xf32, #tpu.memory_space<vmem>>, %arg8: memref<128x32xf32, #tpu.memory_space<vmem>>, %arg9: memref<128x32xf32, #tpu.memory_space<vmem>>, %arg10: memref<!tpu.dma_semaphore, #tpu.memory_space<semaphore_mem>>, %arg11: memref<!tpu.dma_semaphore, #tpu.memory_space<semaphore_mem>>, %arg12: memref<!tpu.dma_semaphore, #tpu.memory_space<semaphore_mem>>, %arg13: memref<!tpu.dma_semaphore, #tpu.memory_space<semaphore_mem>>) attributes {dimension_semantics = [#tpu.dimension_semantics<core_parallel>, #tpu.dimension_semantics<subcore_parallel>], iteration_bounds = array<i64: 2, 16>, scalar_prefetch = 0 : i64, scratch_operands = 9 : i64, tpu.core_type = #tpu.core_type<sc_vector_subcore>, window_params = [{transform_indices = #map}, {transform_indices = #map}, {transform_indices = #map}]} {
    %eq3A = arith.constant 1 : i32
    %eq3A_0 = arith.cmpi eq, %arg0, %eq3A : i32
    %convert_element_type3A = arith.extui %eq3A_0 : i1 to i32
    %cond3A = arith.constant 0 : i32
    %cond3A_1 = arith.cmpi ne, %convert_element_type3A, %cond3A : i32
    scf.if %cond3A_1 {
      %mul3A = arith.constant 60 : i32
      %mul3A_7 = arith.muli %arg1, %mul3A : i32
      "tpu.region"() ({
        %run_scoped3A = tpu.sem_alloc : memref<!tpu.dma_semaphore, #tpu.memory_space<semaphore_mem>>
        %dma_start3A_40 = arith.constant 0 : i32
        %dma_start3A_41 = arith.constant 0 : i32
        %dma_start3A_42 = tpu.memref_slice %arg5[%dma_start3A_40, %dma_start3A_41] : memref<60x128xi32, #tpu.memory_space<vmem>> -> memref<60x128xi32, #tpu.memory_space<vmem>>
        %dma_start3A_43 = arith.constant 0 : i32
        %dma_start3A_44 = tpu.memref_slice %arg3[%mul3A_7, %dma_start3A_43] : memref<1280x128xi32, #tpu.memory_space<hbm>> -> memref<60x128xi32, #tpu.memory_space<hbm>>
        %dma_start3A_45 = arith.constant 0 : i32
        %dma_start3A_46 = arith.constant 0 : i32
        %dma_start3A_47 = tpu.memref_slice %arg5[%dma_start3A_45, %dma_start3A_46] : memref<60x128xi32, #tpu.memory_space<vmem>> -> memref<60x128xi32, #tpu.memory_space<vmem>>
        %dma_start3A_48 = arith.constant 0 : i32
        %dma_start3A_49 = tpu.memref_slice %arg3[%mul3A_7, %dma_start3A_48] : memref<1280x128xi32, #tpu.memory_space<hbm>> -> memref<60x128xi32, #tpu.memory_space<hbm>>
        tpu.enqueue_dma source(%dma_start3A_49 : memref<60x128xi32, #tpu.memory_space<hbm>>) target(%dma_start3A_47 : memref<60x128xi32, #tpu.memory_space<vmem>>) target_semaphore(%run_scoped3A : memref<!tpu.dma_semaphore, #tpu.memory_space<semaphore_mem>>)
        %dma_wait3A = arith.constant 0 : i32
        %dma_wait3A_50 = arith.constant 0 : i32
        %dma_wait3A_51 = tpu.memref_slice %arg5[%dma_wait3A, %dma_wait3A_50] : memref<60x128xi32, #tpu.memory_space<vmem>> -> memref<60x128xi32, #tpu.memory_space<vmem>>
        %dma_wait3A_52 = arith.constant 0 : i32
        %dma_wait3A_53 = tpu.memref_slice %arg3[%mul3A_7, %dma_wait3A_52] : memref<1280x128xi32, #tpu.memory_space<hbm>> -> memref<60x128xi32, #tpu.memory_space<hbm>>
        %dma_wait3A_54 = arith.constant 0 : i32
        %dma_wait3A_55 = arith.constant 0 : i32
        %dma_wait3A_56 = tpu.memref_slice %arg5[%dma_wait3A_54, %dma_wait3A_55] : memref<60x128xi32, #tpu.memory_space<vmem>> -> memref<60x128xi32, #tpu.memory_space<vmem>>
        %dma_wait3A_57 = arith.constant 0 : i32
        %dma_wait3A_58 = tpu.memref_slice %arg3[%mul3A_7, %dma_wait3A_57] : memref<1280x128xi32, #tpu.memory_space<hbm>> -> memref<60x128xi32, #tpu.memory_space<hbm>>
        tpu.wait_dma2 semaphore(%run_scoped3A : memref<!tpu.dma_semaphore, #tpu.memory_space<semaphore_mem>>) src(%dma_wait3A_58 : memref<60x128xi32, #tpu.memory_space<hbm>>) dst(%dma_wait3A_56 : memref<60x128xi32, #tpu.memory_space<vmem>>)
        tpu.yield
      }) : () -> ()
      %dma_start3A = arith.constant 0 : i32
      %dma_start3A_8 = arith.constant 0 : i32
      %dma_start3A_9 = tpu.memref_slice %arg5[%dma_start3A, %dma_start3A_8] : memref<60x128xi32, #tpu.memory_space<vmem>> -> memref<1x128xi32, #tpu.memory_space<vmem>>
      %dma_start3A_10 = tpu.memref_squeeze %dma_start3A_9 : memref<1x128xi32, #tpu.memory_space<vmem>> -> memref<128xi32, #tpu.memory_space<vmem>>
      %dma_start3A_11 = arith.constant 0 : i32
      %dma_start3A_12 = arith.constant 0 : i32
      %dma_start3A_13 = tpu.memref_slice %arg2[%dma_start3A_11, %dma_start3A_12] : memref<10240x32xf32, #tpu.memory_space<hbm>> -> memref<10240x32xf32, #tpu.memory_space<hbm>>
      tpu.enqueue_indirect_dma source(%dma_start3A_13 : memref<10240x32xf32, #tpu.memory_space<hbm>>) target(%arg6 : memref<128x32xf32, #tpu.memory_space<vmem>>) offsets(%dma_start3A_10 : memref<128xi32, #tpu.memory_space<vmem>>) semaphore(%arg10 : memref<!tpu.dma_semaphore, #tpu.memory_space<semaphore_mem>>)
      %dma_start3A_14 = arith.constant 1 : i32
      %dma_start3A_15 = arith.constant 0 : i32
      %dma_start3A_16 = tpu.memref_slice %arg5[%dma_start3A_14, %dma_start3A_15] : memref<60x128xi32, #tpu.memory_space<vmem>> -> memref<1x128xi32, #tpu.memory_space<vmem>>
      %dma_start3A_17 = tpu.memref_squeeze %dma_start3A_16 : memref<1x128xi32, #tpu.memory_space<vmem>> -> memref<128xi32, #tpu.memory_space<vmem>>
      %dma_start3A_18 = arith.constant 0 : i32
      %dma_start3A_19 = arith.constant 0 : i32
      %dma_start3A_20 = tpu.memref_slice %arg2[%dma_start3A_18, %dma_start3A_19] : memref<10240x32xf32, #tpu.memory_space<hbm>> -> memref<10240x32xf32, #tpu.memory_space<hbm>>
      tpu.enqueue_indirect_dma source(%dma_start3A_20 : memref<10240x32xf32, #tpu.memory_space<hbm>>) target(%arg7 : memref<128x32xf32, #tpu.memory_space<vmem>>) offsets(%dma_start3A_17 : memref<128xi32, #tpu.memory_space<vmem>>) semaphore(%arg11 : memref<!tpu.dma_semaphore, #tpu.memory_space<semaphore_mem>>)
      %dma_start3A_21 = arith.constant 2 : i32
      %dma_start3A_22 = arith.constant 0 : i32
      %dma_start3A_23 = tpu.memref_slice %arg5[%dma_start3A_21, %dma_start3A_22] : memref<60x128xi32, #tpu.memory_space<vmem>> -> memref<1x128xi32, #tpu.memory_space<vmem>>
      %dma_start3A_24 = tpu.memref_squeeze %dma_start3A_23 : memref<1x128xi32, #tpu.memory_space<vmem>> -> memref<128xi32, #tpu.memory_space<vmem>>
      %dma_start3A_25 = arith.constant 0 : i32
      %dma_start3A_26 = arith.constant 0 : i32
      %dma_start3A_27 = tpu.memref_slice %arg2[%dma_start3A_25, %dma_start3A_26] : memref<10240x32xf32, #tpu.memory_space<hbm>> -> memref<10240x32xf32, #tpu.memory_space<hbm>>
      tpu.enqueue_indirect_dma source(%dma_start3A_27 : memref<10240x32xf32, #tpu.memory_space<hbm>>) target(%arg8 : memref<128x32xf32, #tpu.memory_space<vmem>>) offsets(%dma_start3A_24 : memref<128xi32, #tpu.memory_space<vmem>>) semaphore(%arg12 : memref<!tpu.dma_semaphore, #tpu.memory_space<semaphore_mem>>)
      %dma_start3A_28 = arith.constant 3 : i32
      %dma_start3A_29 = arith.constant 0 : i32
      %dma_start3A_30 = tpu.memref_slice %arg5[%dma_start3A_28, %dma_start3A_29] : memref<60x128xi32, #tpu.memory_space<vmem>> -> memref<1x128xi32, #tpu.memory_space<vmem>>
      %dma_start3A_31 = tpu.memref_squeeze %dma_start3A_30 : memref<1x128xi32, #tpu.memory_space<vmem>> -> memref<128xi32, #tpu.memory_space<vmem>>
      %dma_start3A_32 = arith.constant 0 : i32
      %dma_start3A_33 = arith.constant 0 : i32
      %dma_start3A_34 = tpu.memref_slice %arg2[%dma_start3A_32, %dma_start3A_33] : memref<10240x32xf32, #tpu.memory_space<hbm>> -> memref<10240x32xf32, #tpu.memory_space<hbm>>
      tpu.enqueue_indirect_dma source(%dma_start3A_34 : memref<10240x32xf32, #tpu.memory_space<hbm>>) target(%arg9 : memref<128x32xf32, #tpu.memory_space<vmem>>) offsets(%dma_start3A_31 : memref<128xi32, #tpu.memory_space<vmem>>) semaphore(%arg13 : memref<!tpu.dma_semaphore, #tpu.memory_space<semaphore_mem>>)
      %scan3A = arith.constant 0 : i32
      %scan3A_35 = arith.constant 0 : i32
      %scan3A_36 = arith.constant 15 : i32
      %scan3A_37 = arith.addi %scan3A_35, %scan3A_36 : i32
      %scan3A_38 = arith.constant 1 : i32
      scf.for %scan3A_40 = %scan3A_35 to %scan3A_37 step %scan3A_38  : i32 {
        %mul3A_41 = arith.constant 4 : i32
        %mul3A_42 = arith.muli %scan3A_40, %mul3A_41 : i32
        %add3A = arith.constant 0 : i32
        %add3A_43 = arith.addi %mul3A_42, %add3A : i32
        %dma_wait3A = arith.constant 0 : i32
        %dma_wait3A_44 = tpu.memref_slice %arg5[%add3A_43, %dma_wait3A] : memref<60x128xi32, #tpu.memory_space<vmem>> -> memref<1x128xi32, #tpu.memory_space<vmem>>
        %dma_wait3A_45 = tpu.memref_squeeze %dma_wait3A_44 : memref<1x128xi32, #tpu.memory_space<vmem>> -> memref<128xi32, #tpu.memory_space<vmem>>
        %dma_wait3A_46 = arith.constant 0 : i32
        %dma_wait3A_47 = arith.constant 0 : i32
        %dma_wait3A_48 = tpu.memref_slice %arg2[%dma_wait3A_46, %dma_wait3A_47] : memref<10240x32xf32, #tpu.memory_space<hbm>> -> memref<10240x32xf32, #tpu.memory_space<hbm>>
        tpu.wait_indirect_dma semaphore(%arg10 : memref<!tpu.dma_semaphore, #tpu.memory_space<semaphore_mem>>) src(%dma_wait3A_48 : memref<10240x32xf32, #tpu.memory_space<hbm>>) dst(%arg6 : memref<128x32xf32, #tpu.memory_space<vmem>>)
        %add3A_49 = arith.addi %mul3A_7, %add3A_43 : i32
        %mul3A_50 = arith.constant 128 : i32
        %mul3A_51 = arith.muli %add3A_49, %mul3A_50 : i32
        "tpu.region"() ({
          %run_scoped3A = tpu.sem_alloc : memref<!tpu.dma_semaphore, #tpu.memory_space<semaphore_mem>>
          %dma_start3A_118 = arith.constant 0 : i32
          %dma_start3A_119 = tpu.memref_slice %arg4[%mul3A_51, %dma_start3A_118] : memref<163840x32xf32, #tpu.memory_space<hbm>> -> memref<128x32xf32, #tpu.memory_space<hbm>>
          %dma_start3A_120 = arith.constant 0 : i32
          %dma_start3A_121 = tpu.memref_slice %arg4[%mul3A_51, %dma_start3A_120] : memref<163840x32xf32, #tpu.memory_space<hbm>> -> memref<128x32xf32, #tpu.memory_space<hbm>>
          tpu.enqueue_dma source(%arg6 : memref<128x32xf32, #tpu.memory_space<vmem>>) target(%dma_start3A_121 : memref<128x32xf32, #tpu.memory_space<hbm>>) target_semaphore(%run_scoped3A : memref<!tpu.dma_semaphore, #tpu.memory_space<semaphore_mem>>)
          %dma_wait3A_122 = arith.constant 0 : i32
          %dma_wait3A_123 = tpu.memref_slice %arg4[%mul3A_51, %dma_wait3A_122] : memref<163840x32xf32, #tpu.memory_space<hbm>> -> memref<128x32xf32, #tpu.memory_space<hbm>>
          %dma_wait3A_124 = arith.constant 0 : i32
          %dma_wait3A_125 = tpu.memref_slice %arg4[%mul3A_51, %dma_wait3A_124] : memref<163840x32xf32, #tpu.memory_space<hbm>> -> memref<128x32xf32, #tpu.memory_space<hbm>>
          tpu.wait_dma2 semaphore(%run_scoped3A : memref<!tpu.dma_semaphore, #tpu.memory_space<semaphore_mem>>) src(%arg6 : memref<128x32xf32, #tpu.memory_space<vmem>>) dst(%dma_wait3A_125 : memref<128x32xf32, #tpu.memory_space<hbm>>)
          tpu.yield
        }) : () -> ()
        %add3A_52 = arith.constant 4 : i32
        %add3A_53 = arith.addi %add3A_43, %add3A_52 : i32
        %lt3A = arith.constant 60 : i32
        %lt3A_54 = arith.cmpi slt, %add3A_53, %lt3A : i32
        %convert_element_type3A_55 = arith.extui %lt3A_54 : i1 to i32
        %cond3A_56 = arith.constant 0 : i32
        %cond3A_57 = arith.cmpi ne, %convert_element_type3A_55, %cond3A_56 : i32
        scf.if %cond3A_57 {
          %add3A_118 = arith.constant 4 : i32
          %add3A_119 = arith.addi %add3A_43, %add3A_118 : i32
          %dma_start3A_120 = arith.constant 0 : i32
          %dma_start3A_121 = tpu.memref_slice %arg5[%add3A_119, %dma_start3A_120] : memref<60x128xi32, #tpu.memory_space<vmem>> -> memref<1x128xi32, #tpu.memory_space<vmem>>
          %dma_start3A_122 = tpu.memref_squeeze %dma_start3A_121 : memref<1x128xi32, #tpu.memory_space<vmem>> -> memref<128xi32, #tpu.memory_space<vmem>>
          %dma_start3A_123 = arith.constant 0 : i32
          %dma_start3A_124 = arith.constant 0 : i32
          %dma_start3A_125 = tpu.memref_slice %arg2[%dma_start3A_123, %dma_start3A_124] : memref<10240x32xf32, #tpu.memory_space<hbm>> -> memref<10240x32xf32, #tpu.memory_space<hbm>>
          tpu.enqueue_indirect_dma source(%dma_start3A_125 : memref<10240x32xf32, #tpu.memory_space<hbm>>) target(%arg6 : memref<128x32xf32, #tpu.memory_space<vmem>>) offsets(%dma_start3A_122 : memref<128xi32, #tpu.memory_space<vmem>>) semaphore(%arg10 : memref<!tpu.dma_semaphore, #tpu.memory_space<semaphore_mem>>)
        } else {
        }
        %mul3A_58 = arith.constant 4 : i32
        %mul3A_59 = arith.muli %scan3A_40, %mul3A_58 : i32
        %add3A_60 = arith.constant 1 : i32
        %add3A_61 = arith.addi %mul3A_59, %add3A_60 : i32
        %dma_wait3A_62 = arith.constant 0 : i32
        %dma_wait3A_63 = tpu.memref_slice %arg5[%add3A_61, %dma_wait3A_62] : memref<60x128xi32, #tpu.memory_space<vmem>> -> memref<1x128xi32, #tpu.memory_space<vmem>>
        %dma_wait3A_64 = tpu.memref_squeeze %dma_wait3A_63 : memref<1x128xi32, #tpu.memory_space<vmem>> -> memref<128xi32, #tpu.memory_space<vmem>>
        %dma_wait3A_65 = arith.constant 0 : i32
        %dma_wait3A_66 = arith.constant 0 : i32
        %dma_wait3A_67 = tpu.memref_slice %arg2[%dma_wait3A_65, %dma_wait3A_66] : memref<10240x32xf32, #tpu.memory_space<hbm>> -> memref<10240x32xf32, #tpu.memory_space<hbm>>
        tpu.wait_indirect_dma semaphore(%arg11 : memref<!tpu.dma_semaphore, #tpu.memory_space<semaphore_mem>>) src(%dma_wait3A_67 : memref<10240x32xf32, #tpu.memory_space<hbm>>) dst(%arg7 : memref<128x32xf32, #tpu.memory_space<vmem>>)
        %add3A_68 = arith.addi %mul3A_7, %add3A_61 : i32
        %mul3A_69 = arith.constant 128 : i32
        %mul3A_70 = arith.muli %add3A_68, %mul3A_69 : i32
        "tpu.region"() ({
          %run_scoped3A = tpu.sem_alloc : memref<!tpu.dma_semaphore, #tpu.memory_space<semaphore_mem>>
          %dma_start3A_118 = arith.constant 0 : i32
          %dma_start3A_119 = tpu.memref_slice %arg4[%mul3A_70, %dma_start3A_118] : memref<163840x32xf32, #tpu.memory_space<hbm>> -> memref<128x32xf32, #tpu.memory_space<hbm>>
          %dma_start3A_120 = arith.constant 0 : i32
          %dma_start3A_121 = tpu.memref_slice %arg4[%mul3A_70, %dma_start3A_120] : memref<163840x32xf32, #tpu.memory_space<hbm>> -> memref<128x32xf32, #tpu.memory_space<hbm>>
          tpu.enqueue_dma source(%arg7 : memref<128x32xf32, #tpu.memory_space<vmem>>) target(%dma_start3A_121 : memref<128x32xf32, #tpu.memory_space<hbm>>) target_semaphore(%run_scoped3A : memref<!tpu.dma_semaphore, #tpu.memory_space<semaphore_mem>>)
          %dma_wait3A_122 = arith.constant 0 : i32
          %dma_wait3A_123 = tpu.memref_slice %arg4[%mul3A_70, %dma_wait3A_122] : memref<163840x32xf32, #tpu.memory_space<hbm>> -> memref<128x32xf32, #tpu.memory_space<hbm>>
          %dma_wait3A_124 = arith.constant 0 : i32
          %dma_wait3A_125 = tpu.memref_slice %arg4[%mul3A_70, %dma_wait3A_124] : memref<163840x32xf32, #tpu.memory_space<hbm>> -> memref<128x32xf32, #tpu.memory_space<hbm>>
          tpu.wait_dma2 semaphore(%run_scoped3A : memref<!tpu.dma_semaphore, #tpu.memory_space<semaphore_mem>>) src(%arg7 : memref<128x32xf32, #tpu.memory_space<vmem>>) dst(%dma_wait3A_125 : memref<128x32xf32, #tpu.memory_space<hbm>>)
          tpu.yield
        }) : () -> ()
        %add3A_71 = arith.constant 4 : i32
        %add3A_72 = arith.addi %add3A_61, %add3A_71 : i32
        %lt3A_73 = arith.constant 60 : i32
        %lt3A_74 = arith.cmpi slt, %add3A_72, %lt3A_73 : i32
        %convert_element_type3A_75 = arith.extui %lt3A_74 : i1 to i32
        %cond3A_76 = arith.constant 0 : i32
        %cond3A_77 = arith.cmpi ne, %convert_element_type3A_75, %cond3A_76 : i32
        scf.if %cond3A_77 {
          %add3A_118 = arith.constant 4 : i32
          %add3A_119 = arith.addi %add3A_61, %add3A_118 : i32
          %dma_start3A_120 = arith.constant 0 : i32
          %dma_start3A_121 = tpu.memref_slice %arg5[%add3A_119, %dma_start3A_120] : memref<60x128xi32, #tpu.memory_space<vmem>> -> memref<1x128xi32, #tpu.memory_space<vmem>>
          %dma_start3A_122 = tpu.memref_squeeze %dma_start3A_121 : memref<1x128xi32, #tpu.memory_space<vmem>> -> memref<128xi32, #tpu.memory_space<vmem>>
          %dma_start3A_123 = arith.constant 0 : i32
          %dma_start3A_124 = arith.constant 0 : i32
          %dma_start3A_125 = tpu.memref_slice %arg2[%dma_start3A_123, %dma_start3A_124] : memref<10240x32xf32, #tpu.memory_space<hbm>> -> memref<10240x32xf32, #tpu.memory_space<hbm>>
          tpu.enqueue_indirect_dma source(%dma_start3A_125 : memref<10240x32xf32, #tpu.memory_space<hbm>>) target(%arg7 : memref<128x32xf32, #tpu.memory_space<vmem>>) offsets(%dma_start3A_122 : memref<128xi32, #tpu.memory_space<vmem>>) semaphore(%arg11 : memref<!tpu.dma_semaphore, #tpu.memory_space<semaphore_mem>>)
        } else {
        }
        %mul3A_78 = arith.constant 4 : i32
        %mul3A_79 = arith.muli %scan3A_40, %mul3A_78 : i32
        %add3A_80 = arith.constant 2 : i32
        %add3A_81 = arith.addi %mul3A_79, %add3A_80 : i32
        %dma_wait3A_82 = arith.constant 0 : i32
        %dma_wait3A_83 = tpu.memref_slice %arg5[%add3A_81, %dma_wait3A_82] : memref<60x128xi32, #tpu.memory_space<vmem>> -> memref<1x128xi32, #tpu.memory_space<vmem>>
        %dma_wait3A_84 = tpu.memref_squeeze %dma_wait3A_83 : memref<1x128xi32, #tpu.memory_space<vmem>> -> memref<128xi32, #tpu.memory_space<vmem>>
        %dma_wait3A_85 = arith.constant 0 : i32
        %dma_wait3A_86 = arith.constant 0 : i32
        %dma_wait3A_87 = tpu.memref_slice %arg2[%dma_wait3A_85, %dma_wait3A_86] : memref<10240x32xf32, #tpu.memory_space<hbm>> -> memref<10240x32xf32, #tpu.memory_space<hbm>>
        tpu.wait_indirect_dma semaphore(%arg12 : memref<!tpu.dma_semaphore, #tpu.memory_space<semaphore_mem>>) src(%dma_wait3A_87 : memref<10240x32xf32, #tpu.memory_space<hbm>>) dst(%arg8 : memref<128x32xf32, #tpu.memory_space<vmem>>)
        %add3A_88 = arith.addi %mul3A_7, %add3A_81 : i32
        %mul3A_89 = arith.constant 128 : i32
        %mul3A_90 = arith.muli %add3A_88, %mul3A_89 : i32
        "tpu.region"() ({
          %run_scoped3A = tpu.sem_alloc : memref<!tpu.dma_semaphore, #tpu.memory_space<semaphore_mem>>
          %dma_start3A_118 = arith.constant 0 : i32
          %dma_start3A_119 = tpu.memref_slice %arg4[%mul3A_90, %dma_start3A_118] : memref<163840x32xf32, #tpu.memory_space<hbm>> -> memref<128x32xf32, #tpu.memory_space<hbm>>
          %dma_start3A_120 = arith.constant 0 : i32
          %dma_start3A_121 = tpu.memref_slice %arg4[%mul3A_90, %dma_start3A_120] : memref<163840x32xf32, #tpu.memory_space<hbm>> -> memref<128x32xf32, #tpu.memory_space<hbm>>
          tpu.enqueue_dma source(%arg8 : memref<128x32xf32, #tpu.memory_space<vmem>>) target(%dma_start3A_121 : memref<128x32xf32, #tpu.memory_space<hbm>>) target_semaphore(%run_scoped3A : memref<!tpu.dma_semaphore, #tpu.memory_space<semaphore_mem>>)
          %dma_wait3A_122 = arith.constant 0 : i32
          %dma_wait3A_123 = tpu.memref_slice %arg4[%mul3A_90, %dma_wait3A_122] : memref<163840x32xf32, #tpu.memory_space<hbm>> -> memref<128x32xf32, #tpu.memory_space<hbm>>
          %dma_wait3A_124 = arith.constant 0 : i32
          %dma_wait3A_125 = tpu.memref_slice %arg4[%mul3A_90, %dma_wait3A_124] : memref<163840x32xf32, #tpu.memory_space<hbm>> -> memref<128x32xf32, #tpu.memory_space<hbm>>
          tpu.wait_dma2 semaphore(%run_scoped3A : memref<!tpu.dma_semaphore, #tpu.memory_space<semaphore_mem>>) src(%arg8 : memref<128x32xf32, #tpu.memory_space<vmem>>) dst(%dma_wait3A_125 : memref<128x32xf32, #tpu.memory_space<hbm>>)
          tpu.yield
        }) : () -> ()
        %add3A_91 = arith.constant 4 : i32
        %add3A_92 = arith.addi %add3A_81, %add3A_91 : i32
        %lt3A_93 = arith.constant 60 : i32
        %lt3A_94 = arith.cmpi slt, %add3A_92, %lt3A_93 : i32
        %convert_element_type3A_95 = arith.extui %lt3A_94 : i1 to i32
        %cond3A_96 = arith.constant 0 : i32
        %cond3A_97 = arith.cmpi ne, %convert_element_type3A_95, %cond3A_96 : i32
        scf.if %cond3A_97 {
          %add3A_118 = arith.constant 4 : i32
          %add3A_119 = arith.addi %add3A_81, %add3A_118 : i32
          %dma_start3A_120 = arith.constant 0 : i32
          %dma_start3A_121 = tpu.memref_slice %arg5[%add3A_119, %dma_start3A_120] : memref<60x128xi32, #tpu.memory_space<vmem>> -> memref<1x128xi32, #tpu.memory_space<vmem>>
          %dma_start3A_122 = tpu.memref_squeeze %dma_start3A_121 : memref<1x128xi32, #tpu.memory_space<vmem>> -> memref<128xi32, #tpu.memory_space<vmem>>
          %dma_start3A_123 = arith.constant 0 : i32
          %dma_start3A_124 = arith.constant 0 : i32
          %dma_start3A_125 = tpu.memref_slice %arg2[%dma_start3A_123, %dma_start3A_124] : memref<10240x32xf32, #tpu.memory_space<hbm>> -> memref<10240x32xf32, #tpu.memory_space<hbm>>
          tpu.enqueue_indirect_dma source(%dma_start3A_125 : memref<10240x32xf32, #tpu.memory_space<hbm>>) target(%arg8 : memref<128x32xf32, #tpu.memory_space<vmem>>) offsets(%dma_start3A_122 : memref<128xi32, #tpu.memory_space<vmem>>) semaphore(%arg12 : memref<!tpu.dma_semaphore, #tpu.memory_space<semaphore_mem>>)
        } else {
        }
        %mul3A_98 = arith.constant 4 : i32
        %mul3A_99 = arith.muli %scan3A_40, %mul3A_98 : i32
        %add3A_100 = arith.constant 3 : i32
        %add3A_101 = arith.addi %mul3A_99, %add3A_100 : i32
        %dma_wait3A_102 = arith.constant 0 : i32
        %dma_wait3A_103 = tpu.memref_slice %arg5[%add3A_101, %dma_wait3A_102] : memref<60x128xi32, #tpu.memory_space<vmem>> -> memref<1x128xi32, #tpu.memory_space<vmem>>
        %dma_wait3A_104 = tpu.memref_squeeze %dma_wait3A_103 : memref<1x128xi32, #tpu.memory_space<vmem>> -> memref<128xi32, #tpu.memory_space<vmem>>
        %dma_wait3A_105 = arith.constant 0 : i32
        %dma_wait3A_106 = arith.constant 0 : i32
        %dma_wait3A_107 = tpu.memref_slice %arg2[%dma_wait3A_105, %dma_wait3A_106] : memref<10240x32xf32, #tpu.memory_space<hbm>> -> memref<10240x32xf32, #tpu.memory_space<hbm>>
        tpu.wait_indirect_dma semaphore(%arg13 : memref<!tpu.dma_semaphore, #tpu.memory_space<semaphore_mem>>) src(%dma_wait3A_107 : memref<10240x32xf32, #tpu.memory_space<hbm>>) dst(%arg9 : memref<128x32xf32, #tpu.memory_space<vmem>>)
        %add3A_108 = arith.addi %mul3A_7, %add3A_101 : i32
        %mul3A_109 = arith.constant 128 : i32
        %mul3A_110 = arith.muli %add3A_108, %mul3A_109 : i32
        "tpu.region"() ({
          %run_scoped3A = tpu.sem_alloc : memref<!tpu.dma_semaphore, #tpu.memory_space<semaphore_mem>>
          %dma_start3A_118 = arith.constant 0 : i32
          %dma_start3A_119 = tpu.memref_slice %arg4[%mul3A_110, %dma_start3A_118] : memref<163840x32xf32, #tpu.memory_space<hbm>> -> memref<128x32xf32, #tpu.memory_space<hbm>>
          %dma_start3A_120 = arith.constant 0 : i32
          %dma_start3A_121 = tpu.memref_slice %arg4[%mul3A_110, %dma_start3A_120] : memref<163840x32xf32, #tpu.memory_space<hbm>> -> memref<128x32xf32, #tpu.memory_space<hbm>>
          tpu.enqueue_dma source(%arg9 : memref<128x32xf32, #tpu.memory_space<vmem>>) target(%dma_start3A_121 : memref<128x32xf32, #tpu.memory_space<hbm>>) target_semaphore(%run_scoped3A : memref<!tpu.dma_semaphore, #tpu.memory_space<semaphore_mem>>)
          %dma_wait3A_122 = arith.constant 0 : i32
          %dma_wait3A_123 = tpu.memref_slice %arg4[%mul3A_110, %dma_wait3A_122] : memref<163840x32xf32, #tpu.memory_space<hbm>> -> memref<128x32xf32, #tpu.memory_space<hbm>>
          %dma_wait3A_124 = arith.constant 0 : i32
          %dma_wait3A_125 = tpu.memref_slice %arg4[%mul3A_110, %dma_wait3A_124] : memref<163840x32xf32, #tpu.memory_space<hbm>> -> memref<128x32xf32, #tpu.memory_space<hbm>>
          tpu.wait_dma2 semaphore(%run_scoped3A : memref<!tpu.dma_semaphore, #tpu.memory_space<semaphore_mem>>) src(%arg9 : memref<128x32xf32, #tpu.memory_space<vmem>>) dst(%dma_wait3A_125 : memref<128x32xf32, #tpu.memory_space<hbm>>)
          tpu.yield
        }) : () -> ()
        %add3A_111 = arith.constant 4 : i32
        %add3A_112 = arith.addi %add3A_101, %add3A_111 : i32
        %lt3A_113 = arith.constant 60 : i32
        %lt3A_114 = arith.cmpi slt, %add3A_112, %lt3A_113 : i32
        %convert_element_type3A_115 = arith.extui %lt3A_114 : i1 to i32
        %cond3A_116 = arith.constant 0 : i32
        %cond3A_117 = arith.cmpi ne, %convert_element_type3A_115, %cond3A_116 : i32
        scf.if %cond3A_117 {
          %add3A_118 = arith.constant 4 : i32
          %add3A_119 = arith.addi %add3A_101, %add3A_118 : i32
          %dma_start3A_120 = arith.constant 0 : i32
          %dma_start3A_121 = tpu.memref_slice %arg5[%add3A_119, %dma_start3A_120] : memref<60x128xi32, #tpu.memory_space<vmem>> -> memref<1x128xi32, #tpu.memory_space<vmem>>
          %dma_start3A_122 = tpu.memref_squeeze %dma_start3A_121 : memref<1x128xi32, #tpu.memory_space<vmem>> -> memref<128xi32, #tpu.memory_space<vmem>>
          %dma_start3A_123 = arith.constant 0 : i32
          %dma_start3A_124 = arith.constant 0 : i32
          %dma_start3A_125 = tpu.memref_slice %arg2[%dma_start3A_123, %dma_start3A_124] : memref<10240x32xf32, #tpu.memory_space<hbm>> -> memref<10240x32xf32, #tpu.memory_space<hbm>>
          tpu.enqueue_indirect_dma source(%dma_start3A_125 : memref<10240x32xf32, #tpu.memory_space<hbm>>) target(%arg9 : memref<128x32xf32, #tpu.memory_space<vmem>>) offsets(%dma_start3A_122 : memref<128xi32, #tpu.memory_space<vmem>>) semaphore(%arg13 : memref<!tpu.dma_semaphore, #tpu.memory_space<semaphore_mem>>)
        } else {
        }
      }
      %scan3A_39 = arith.constant 15 : i32
    } else {
    }
    %eq3A_2 = arith.constant 0 : i32
    %eq3A_3 = arith.cmpi eq, %arg0, %eq3A_2 : i32
    %convert_element_type3A_4 = arith.extui %eq3A_3 : i1 to i32
    %cond3A_5 = arith.constant 0 : i32
    %cond3A_6 = arith.cmpi ne, %convert_element_type3A_4, %cond3A_5 : i32
    scf.if %cond3A_6 {
      %mul3A = arith.constant 20 : i32
      %mul3A_7 = arith.muli %arg1, %mul3A : i32
      %add3A = arith.constant 960 : i32
      %add3A_8 = arith.addi %add3A, %mul3A_7 : i32
      "tpu.region"() ({
        %run_scoped3A = tpu.sem_alloc : memref<!tpu.dma_semaphore, #tpu.memory_space<semaphore_mem>>
        %dma_start3A_41 = arith.constant 0 : i32
        %dma_start3A_42 = arith.constant 0 : i32
        %dma_start3A_43 = tpu.memref_slice %arg5[%dma_start3A_41, %dma_start3A_42] : memref<60x128xi32, #tpu.memory_space<vmem>> -> memref<20x128xi32, #tpu.memory_space<vmem>>
        %dma_start3A_44 = arith.constant 0 : i32
        %dma_start3A_45 = tpu.memref_slice %arg3[%add3A_8, %dma_start3A_44] : memref<1280x128xi32, #tpu.memory_space<hbm>> -> memref<20x128xi32, #tpu.memory_space<hbm>>
        %dma_start3A_46 = arith.constant 0 : i32
        %dma_start3A_47 = arith.constant 0 : i32
        %dma_start3A_48 = tpu.memref_slice %arg5[%dma_start3A_46, %dma_start3A_47] : memref<60x128xi32, #tpu.memory_space<vmem>> -> memref<20x128xi32, #tpu.memory_space<vmem>>
        %dma_start3A_49 = arith.constant 0 : i32
        %dma_start3A_50 = tpu.memref_slice %arg3[%add3A_8, %dma_start3A_49] : memref<1280x128xi32, #tpu.memory_space<hbm>> -> memref<20x128xi32, #tpu.memory_space<hbm>>
        tpu.enqueue_dma source(%dma_start3A_50 : memref<20x128xi32, #tpu.memory_space<hbm>>) target(%dma_start3A_48 : memref<20x128xi32, #tpu.memory_space<vmem>>) target_semaphore(%run_scoped3A : memref<!tpu.dma_semaphore, #tpu.memory_space<semaphore_mem>>)
        %dma_wait3A = arith.constant 0 : i32
        %dma_wait3A_51 = arith.constant 0 : i32
        %dma_wait3A_52 = tpu.memref_slice %arg5[%dma_wait3A, %dma_wait3A_51] : memref<60x128xi32, #tpu.memory_space<vmem>> -> memref<20x128xi32, #tpu.memory_space<vmem>>
        %dma_wait3A_53 = arith.constant 0 : i32
        %dma_wait3A_54 = tpu.memref_slice %arg3[%add3A_8, %dma_wait3A_53] : memref<1280x128xi32, #tpu.memory_space<hbm>> -> memref<20x128xi32, #tpu.memory_space<hbm>>
        %dma_wait3A_55 = arith.constant 0 : i32
        %dma_wait3A_56 = arith.constant 0 : i32
        %dma_wait3A_57 = tpu.memref_slice %arg5[%dma_wait3A_55, %dma_wait3A_56] : memref<60x128xi32, #tpu.memory_space<vmem>> -> memref<20x128xi32, #tpu.memory_space<vmem>>
        %dma_wait3A_58 = arith.constant 0 : i32
        %dma_wait3A_59 = tpu.memref_slice %arg3[%add3A_8, %dma_wait3A_58] : memref<1280x128xi32, #tpu.memory_space<hbm>> -> memref<20x128xi32, #tpu.memory_space<hbm>>
        tpu.wait_dma2 semaphore(%run_scoped3A : memref<!tpu.dma_semaphore, #tpu.memory_space<semaphore_mem>>) src(%dma_wait3A_59 : memref<20x128xi32, #tpu.memory_space<hbm>>) dst(%dma_wait3A_57 : memref<20x128xi32, #tpu.memory_space<vmem>>)
        tpu.yield
      }) : () -> ()
      %dma_start3A = arith.constant 0 : i32
      %dma_start3A_9 = arith.constant 0 : i32
      %dma_start3A_10 = tpu.memref_slice %arg5[%dma_start3A, %dma_start3A_9] : memref<60x128xi32, #tpu.memory_space<vmem>> -> memref<1x128xi32, #tpu.memory_space<vmem>>
      %dma_start3A_11 = tpu.memref_squeeze %dma_start3A_10 : memref<1x128xi32, #tpu.memory_space<vmem>> -> memref<128xi32, #tpu.memory_space<vmem>>
      %dma_start3A_12 = arith.constant 0 : i32
      %dma_start3A_13 = arith.constant 0 : i32
      %dma_start3A_14 = tpu.memref_slice %arg2[%dma_start3A_12, %dma_start3A_13] : memref<10240x32xf32, #tpu.memory_space<hbm>> -> memref<10240x32xf32, #tpu.memory_space<hbm>>
      tpu.enqueue_indirect_dma source(%dma_start3A_14 : memref<10240x32xf32, #tpu.memory_space<hbm>>) target(%arg6 : memref<128x32xf32, #tpu.memory_space<vmem>>) offsets(%dma_start3A_11 : memref<128xi32, #tpu.memory_space<vmem>>) semaphore(%arg10 : memref<!tpu.dma_semaphore, #tpu.memory_space<semaphore_mem>>)
      %dma_start3A_15 = arith.constant 1 : i32
      %dma_start3A_16 = arith.constant 0 : i32
      %dma_start3A_17 = tpu.memref_slice %arg5[%dma_start3A_15, %dma_start3A_16] : memref<60x128xi32, #tpu.memory_space<vmem>> -> memref<1x128xi32, #tpu.memory_space<vmem>>
      %dma_start3A_18 = tpu.memref_squeeze %dma_start3A_17 : memref<1x128xi32, #tpu.memory_space<vmem>> -> memref<128xi32, #tpu.memory_space<vmem>>
      %dma_start3A_19 = arith.constant 0 : i32
      %dma_start3A_20 = arith.constant 0 : i32
      %dma_start3A_21 = tpu.memref_slice %arg2[%dma_start3A_19, %dma_start3A_20] : memref<10240x32xf32, #tpu.memory_space<hbm>> -> memref<10240x32xf32, #tpu.memory_space<hbm>>
      tpu.enqueue_indirect_dma source(%dma_start3A_21 : memref<10240x32xf32, #tpu.memory_space<hbm>>) target(%arg7 : memref<128x32xf32, #tpu.memory_space<vmem>>) offsets(%dma_start3A_18 : memref<128xi32, #tpu.memory_space<vmem>>) semaphore(%arg11 : memref<!tpu.dma_semaphore, #tpu.memory_space<semaphore_mem>>)
      %dma_start3A_22 = arith.constant 2 : i32
      %dma_start3A_23 = arith.constant 0 : i32
      %dma_start3A_24 = tpu.memref_slice %arg5[%dma_start3A_22, %dma_start3A_23] : memref<60x128xi32, #tpu.memory_space<vmem>> -> memref<1x128xi32, #tpu.memory_space<vmem>>
      %dma_start3A_25 = tpu.memref_squeeze %dma_start3A_24 : memref<1x128xi32, #tpu.memory_space<vmem>> -> memref<128xi32, #tpu.memory_space<vmem>>
      %dma_start3A_26 = arith.constant 0 : i32
      %dma_start3A_27 = arith.constant 0 : i32
      %dma_start3A_28 = tpu.memref_slice %arg2[%dma_start3A_26, %dma_start3A_27] : memref<10240x32xf32, #tpu.memory_space<hbm>> -> memref<10240x32xf32, #tpu.memory_space<hbm>>
      tpu.enqueue_indirect_dma source(%dma_start3A_28 : memref<10240x32xf32, #tpu.memory_space<hbm>>) target(%arg8 : memref<128x32xf32, #tpu.memory_space<vmem>>) offsets(%dma_start3A_25 : memref<128xi32, #tpu.memory_space<vmem>>) semaphore(%arg12 : memref<!tpu.dma_semaphore, #tpu.memory_space<semaphore_mem>>)
      %dma_start3A_29 = arith.constant 3 : i32
      %dma_start3A_30 = arith.constant 0 : i32
      %dma_start3A_31 = tpu.memref_slice %arg5[%dma_start3A_29, %dma_start3A_30] : memref<60x128xi32, #tpu.memory_space<vmem>> -> memref<1x128xi32, #tpu.memory_space<vmem>>
      %dma_start3A_32 = tpu.memref_squeeze %dma_start3A_31 : memref<1x128xi32, #tpu.memory_space<vmem>> -> memref<128xi32, #tpu.memory_space<vmem>>
      %dma_start3A_33 = arith.constant 0 : i32
      %dma_start3A_34 = arith.constant 0 : i32
      %dma_start3A_35 = tpu.memref_slice %arg2[%dma_start3A_33, %dma_start3A_34] : memref<10240x32xf32, #tpu.memory_space<hbm>> -> memref<10240x32xf32, #tpu.memory_space<hbm>>
      tpu.enqueue_indirect_dma source(%dma_start3A_35 : memref<10240x32xf32, #tpu.memory_space<hbm>>) target(%arg9 : memref<128x32xf32, #tpu.memory_space<vmem>>) offsets(%dma_start3A_32 : memref<128xi32, #tpu.memory_space<vmem>>) semaphore(%arg13 : memref<!tpu.dma_semaphore, #tpu.memory_space<semaphore_mem>>)
      %scan3A = arith.constant 0 : i32
      %scan3A_36 = arith.constant 0 : i32
      %scan3A_37 = arith.constant 5 : i32
      %scan3A_38 = arith.addi %scan3A_36, %scan3A_37 : i32
      %scan3A_39 = arith.constant 1 : i32
      scf.for %scan3A_41 = %scan3A_36 to %scan3A_38 step %scan3A_39  : i32 {
        %mul3A_42 = arith.constant 4 : i32
        %mul3A_43 = arith.muli %scan3A_41, %mul3A_42 : i32
        %add3A_44 = arith.constant 0 : i32
        %add3A_45 = arith.addi %mul3A_43, %add3A_44 : i32
        %dma_wait3A = arith.constant 0 : i32
        %dma_wait3A_46 = tpu.memref_slice %arg5[%add3A_45, %dma_wait3A] : memref<60x128xi32, #tpu.memory_space<vmem>> -> memref<1x128xi32, #tpu.memory_space<vmem>>
        %dma_wait3A_47 = tpu.memref_squeeze %dma_wait3A_46 : memref<1x128xi32, #tpu.memory_space<vmem>> -> memref<128xi32, #tpu.memory_space<vmem>>
        %dma_wait3A_48 = arith.constant 0 : i32
        %dma_wait3A_49 = arith.constant 0 : i32
        %dma_wait3A_50 = tpu.memref_slice %arg2[%dma_wait3A_48, %dma_wait3A_49] : memref<10240x32xf32, #tpu.memory_space<hbm>> -> memref<10240x32xf32, #tpu.memory_space<hbm>>
        tpu.wait_indirect_dma semaphore(%arg10 : memref<!tpu.dma_semaphore, #tpu.memory_space<semaphore_mem>>) src(%dma_wait3A_50 : memref<10240x32xf32, #tpu.memory_space<hbm>>) dst(%arg6 : memref<128x32xf32, #tpu.memory_space<vmem>>)
        %add3A_51 = arith.addi %add3A_8, %add3A_45 : i32
        %mul3A_52 = arith.constant 128 : i32
        %mul3A_53 = arith.muli %add3A_51, %mul3A_52 : i32
        "tpu.region"() ({
          %run_scoped3A = tpu.sem_alloc : memref<!tpu.dma_semaphore, #tpu.memory_space<semaphore_mem>>
          %dma_start3A_120 = arith.constant 0 : i32
          %dma_start3A_121 = tpu.memref_slice %arg4[%mul3A_53, %dma_start3A_120] : memref<163840x32xf32, #tpu.memory_space<hbm>> -> memref<128x32xf32, #tpu.memory_space<hbm>>
          %dma_start3A_122 = arith.constant 0 : i32
          %dma_start3A_123 = tpu.memref_slice %arg4[%mul3A_53, %dma_start3A_122] : memref<163840x32xf32, #tpu.memory_space<hbm>> -> memref<128x32xf32, #tpu.memory_space<hbm>>
          tpu.enqueue_dma source(%arg6 : memref<128x32xf32, #tpu.memory_space<vmem>>) target(%dma_start3A_123 : memref<128x32xf32, #tpu.memory_space<hbm>>) target_semaphore(%run_scoped3A : memref<!tpu.dma_semaphore, #tpu.memory_space<semaphore_mem>>)
          %dma_wait3A_124 = arith.constant 0 : i32
          %dma_wait3A_125 = tpu.memref_slice %arg4[%mul3A_53, %dma_wait3A_124] : memref<163840x32xf32, #tpu.memory_space<hbm>> -> memref<128x32xf32, #tpu.memory_space<hbm>>
          %dma_wait3A_126 = arith.constant 0 : i32
          %dma_wait3A_127 = tpu.memref_slice %arg4[%mul3A_53, %dma_wait3A_126] : memref<163840x32xf32, #tpu.memory_space<hbm>> -> memref<128x32xf32, #tpu.memory_space<hbm>>
          tpu.wait_dma2 semaphore(%run_scoped3A : memref<!tpu.dma_semaphore, #tpu.memory_space<semaphore_mem>>) src(%arg6 : memref<128x32xf32, #tpu.memory_space<vmem>>) dst(%dma_wait3A_127 : memref<128x32xf32, #tpu.memory_space<hbm>>)
          tpu.yield
        }) : () -> ()
        %add3A_54 = arith.constant 4 : i32
        %add3A_55 = arith.addi %add3A_45, %add3A_54 : i32
        %lt3A = arith.constant 20 : i32
        %lt3A_56 = arith.cmpi slt, %add3A_55, %lt3A : i32
        %convert_element_type3A_57 = arith.extui %lt3A_56 : i1 to i32
        %cond3A_58 = arith.constant 0 : i32
        %cond3A_59 = arith.cmpi ne, %convert_element_type3A_57, %cond3A_58 : i32
        scf.if %cond3A_59 {
          %add3A_120 = arith.constant 4 : i32
          %add3A_121 = arith.addi %add3A_45, %add3A_120 : i32
          %dma_start3A_122 = arith.constant 0 : i32
          %dma_start3A_123 = tpu.memref_slice %arg5[%add3A_121, %dma_start3A_122] : memref<60x128xi32, #tpu.memory_space<vmem>> -> memref<1x128xi32, #tpu.memory_space<vmem>>
          %dma_start3A_124 = tpu.memref_squeeze %dma_start3A_123 : memref<1x128xi32, #tpu.memory_space<vmem>> -> memref<128xi32, #tpu.memory_space<vmem>>
          %dma_start3A_125 = arith.constant 0 : i32
          %dma_start3A_126 = arith.constant 0 : i32
          %dma_start3A_127 = tpu.memref_slice %arg2[%dma_start3A_125, %dma_start3A_126] : memref<10240x32xf32, #tpu.memory_space<hbm>> -> memref<10240x32xf32, #tpu.memory_space<hbm>>
          tpu.enqueue_indirect_dma source(%dma_start3A_127 : memref<10240x32xf32, #tpu.memory_space<hbm>>) target(%arg6 : memref<128x32xf32, #tpu.memory_space<vmem>>) offsets(%dma_start3A_124 : memref<128xi32, #tpu.memory_space<vmem>>) semaphore(%arg10 : memref<!tpu.dma_semaphore, #tpu.memory_space<semaphore_mem>>)
        } else {
        }
        %mul3A_60 = arith.constant 4 : i32
        %mul3A_61 = arith.muli %scan3A_41, %mul3A_60 : i32
        %add3A_62 = arith.constant 1 : i32
        %add3A_63 = arith.addi %mul3A_61, %add3A_62 : i32
        %dma_wait3A_64 = arith.constant 0 : i32
        %dma_wait3A_65 = tpu.memref_slice %arg5[%add3A_63, %dma_wait3A_64] : memref<60x128xi32, #tpu.memory_space<vmem>> -> memref<1x128xi32, #tpu.memory_space<vmem>>
        %dma_wait3A_66 = tpu.memref_squeeze %dma_wait3A_65 : memref<1x128xi32, #tpu.memory_space<vmem>> -> memref<128xi32, #tpu.memory_space<vmem>>
        %dma_wait3A_67 = arith.constant 0 : i32
        %dma_wait3A_68 = arith.constant 0 : i32
        %dma_wait3A_69 = tpu.memref_slice %arg2[%dma_wait3A_67, %dma_wait3A_68] : memref<10240x32xf32, #tpu.memory_space<hbm>> -> memref<10240x32xf32, #tpu.memory_space<hbm>>
        tpu.wait_indirect_dma semaphore(%arg11 : memref<!tpu.dma_semaphore, #tpu.memory_space<semaphore_mem>>) src(%dma_wait3A_69 : memref<10240x32xf32, #tpu.memory_space<hbm>>) dst(%arg7 : memref<128x32xf32, #tpu.memory_space<vmem>>)
        %add3A_70 = arith.addi %add3A_8, %add3A_63 : i32
        %mul3A_71 = arith.constant 128 : i32
        %mul3A_72 = arith.muli %add3A_70, %mul3A_71 : i32
        "tpu.region"() ({
          %run_scoped3A = tpu.sem_alloc : memref<!tpu.dma_semaphore, #tpu.memory_space<semaphore_mem>>
          %dma_start3A_120 = arith.constant 0 : i32
          %dma_start3A_121 = tpu.memref_slice %arg4[%mul3A_72, %dma_start3A_120] : memref<163840x32xf32, #tpu.memory_space<hbm>> -> memref<128x32xf32, #tpu.memory_space<hbm>>
          %dma_start3A_122 = arith.constant 0 : i32
          %dma_start3A_123 = tpu.memref_slice %arg4[%mul3A_72, %dma_start3A_122] : memref<163840x32xf32, #tpu.memory_space<hbm>> -> memref<128x32xf32, #tpu.memory_space<hbm>>
          tpu.enqueue_dma source(%arg7 : memref<128x32xf32, #tpu.memory_space<vmem>>) target(%dma_start3A_123 : memref<128x32xf32, #tpu.memory_space<hbm>>) target_semaphore(%run_scoped3A : memref<!tpu.dma_semaphore, #tpu.memory_space<semaphore_mem>>)
          %dma_wait3A_124 = arith.constant 0 : i32
          %dma_wait3A_125 = tpu.memref_slice %arg4[%mul3A_72, %dma_wait3A_124] : memref<163840x32xf32, #tpu.memory_space<hbm>> -> memref<128x32xf32, #tpu.memory_space<hbm>>
          %dma_wait3A_126 = arith.constant 0 : i32
          %dma_wait3A_127 = tpu.memref_slice %arg4[%mul3A_72, %dma_wait3A_126] : memref<163840x32xf32, #tpu.memory_space<hbm>> -> memref<128x32xf32, #tpu.memory_space<hbm>>
          tpu.wait_dma2 semaphore(%run_scoped3A : memref<!tpu.dma_semaphore, #tpu.memory_space<semaphore_mem>>) src(%arg7 : memref<128x32xf32, #tpu.memory_space<vmem>>) dst(%dma_wait3A_127 : memref<128x32xf32, #tpu.memory_space<hbm>>)
          tpu.yield
        }) : () -> ()
        %add3A_73 = arith.constant 4 : i32
        %add3A_74 = arith.addi %add3A_63, %add3A_73 : i32
        %lt3A_75 = arith.constant 20 : i32
        %lt3A_76 = arith.cmpi slt, %add3A_74, %lt3A_75 : i32
        %convert_element_type3A_77 = arith.extui %lt3A_76 : i1 to i32
        %cond3A_78 = arith.constant 0 : i32
        %cond3A_79 = arith.cmpi ne, %convert_element_type3A_77, %cond3A_78 : i32
        scf.if %cond3A_79 {
          %add3A_120 = arith.constant 4 : i32
          %add3A_121 = arith.addi %add3A_63, %add3A_120 : i32
          %dma_start3A_122 = arith.constant 0 : i32
          %dma_start3A_123 = tpu.memref_slice %arg5[%add3A_121, %dma_start3A_122] : memref<60x128xi32, #tpu.memory_space<vmem>> -> memref<1x128xi32, #tpu.memory_space<vmem>>
          %dma_start3A_124 = tpu.memref_squeeze %dma_start3A_123 : memref<1x128xi32, #tpu.memory_space<vmem>> -> memref<128xi32, #tpu.memory_space<vmem>>
          %dma_start3A_125 = arith.constant 0 : i32
          %dma_start3A_126 = arith.constant 0 : i32
          %dma_start3A_127 = tpu.memref_slice %arg2[%dma_start3A_125, %dma_start3A_126] : memref<10240x32xf32, #tpu.memory_space<hbm>> -> memref<10240x32xf32, #tpu.memory_space<hbm>>
          tpu.enqueue_indirect_dma source(%dma_start3A_127 : memref<10240x32xf32, #tpu.memory_space<hbm>>) target(%arg7 : memref<128x32xf32, #tpu.memory_space<vmem>>) offsets(%dma_start3A_124 : memref<128xi32, #tpu.memory_space<vmem>>) semaphore(%arg11 : memref<!tpu.dma_semaphore, #tpu.memory_space<semaphore_mem>>)
        } else {
        }
        %mul3A_80 = arith.constant 4 : i32
        %mul3A_81 = arith.muli %scan3A_41, %mul3A_80 : i32
        %add3A_82 = arith.constant 2 : i32
        %add3A_83 = arith.addi %mul3A_81, %add3A_82 : i32
        %dma_wait3A_84 = arith.constant 0 : i32
        %dma_wait3A_85 = tpu.memref_slice %arg5[%add3A_83, %dma_wait3A_84] : memref<60x128xi32, #tpu.memory_space<vmem>> -> memref<1x128xi32, #tpu.memory_space<vmem>>
        %dma_wait3A_86 = tpu.memref_squeeze %dma_wait3A_85 : memref<1x128xi32, #tpu.memory_space<vmem>> -> memref<128xi32, #tpu.memory_space<vmem>>
        %dma_wait3A_87 = arith.constant 0 : i32
        %dma_wait3A_88 = arith.constant 0 : i32
        %dma_wait3A_89 = tpu.memref_slice %arg2[%dma_wait3A_87, %dma_wait3A_88] : memref<10240x32xf32, #tpu.memory_space<hbm>> -> memref<10240x32xf32, #tpu.memory_space<hbm>>
        tpu.wait_indirect_dma semaphore(%arg12 : memref<!tpu.dma_semaphore, #tpu.memory_space<semaphore_mem>>) src(%dma_wait3A_89 : memref<10240x32xf32, #tpu.memory_space<hbm>>) dst(%arg8 : memref<128x32xf32, #tpu.memory_space<vmem>>)
        %add3A_90 = arith.addi %add3A_8, %add3A_83 : i32
        %mul3A_91 = arith.constant 128 : i32
        %mul3A_92 = arith.muli %add3A_90, %mul3A_91 : i32
        "tpu.region"() ({
          %run_scoped3A = tpu.sem_alloc : memref<!tpu.dma_semaphore, #tpu.memory_space<semaphore_mem>>
          %dma_start3A_120 = arith.constant 0 : i32
          %dma_start3A_121 = tpu.memref_slice %arg4[%mul3A_92, %dma_start3A_120] : memref<163840x32xf32, #tpu.memory_space<hbm>> -> memref<128x32xf32, #tpu.memory_space<hbm>>
          %dma_start3A_122 = arith.constant 0 : i32
          %dma_start3A_123 = tpu.memref_slice %arg4[%mul3A_92, %dma_start3A_122] : memref<163840x32xf32, #tpu.memory_space<hbm>> -> memref<128x32xf32, #tpu.memory_space<hbm>>
          tpu.enqueue_dma source(%arg8 : memref<128x32xf32, #tpu.memory_space<vmem>>) target(%dma_start3A_123 : memref<128x32xf32, #tpu.memory_space<hbm>>) target_semaphore(%run_scoped3A : memref<!tpu.dma_semaphore, #tpu.memory_space<semaphore_mem>>)
          %dma_wait3A_124 = arith.constant 0 : i32
          %dma_wait3A_125 = tpu.memref_slice %arg4[%mul3A_92, %dma_wait3A_124] : memref<163840x32xf32, #tpu.memory_space<hbm>> -> memref<128x32xf32, #tpu.memory_space<hbm>>
          %dma_wait3A_126 = arith.constant 0 : i32
          %dma_wait3A_127 = tpu.memref_slice %arg4[%mul3A_92, %dma_wait3A_126] : memref<163840x32xf32, #tpu.memory_space<hbm>> -> memref<128x32xf32, #tpu.memory_space<hbm>>
          tpu.wait_dma2 semaphore(%run_scoped3A : memref<!tpu.dma_semaphore, #tpu.memory_space<semaphore_mem>>) src(%arg8 : memref<128x32xf32, #tpu.memory_space<vmem>>) dst(%dma_wait3A_127 : memref<128x32xf32, #tpu.memory_space<hbm>>)
          tpu.yield
        }) : () -> ()
        %add3A_93 = arith.constant 4 : i32
        %add3A_94 = arith.addi %add3A_83, %add3A_93 : i32
        %lt3A_95 = arith.constant 20 : i32
        %lt3A_96 = arith.cmpi slt, %add3A_94, %lt3A_95 : i32
        %convert_element_type3A_97 = arith.extui %lt3A_96 : i1 to i32
        %cond3A_98 = arith.constant 0 : i32
        %cond3A_99 = arith.cmpi ne, %convert_element_type3A_97, %cond3A_98 : i32
        scf.if %cond3A_99 {
          %add3A_120 = arith.constant 4 : i32
          %add3A_121 = arith.addi %add3A_83, %add3A_120 : i32
          %dma_start3A_122 = arith.constant 0 : i32
          %dma_start3A_123 = tpu.memref_slice %arg5[%add3A_121, %dma_start3A_122] : memref<60x128xi32, #tpu.memory_space<vmem>> -> memref<1x128xi32, #tpu.memory_space<vmem>>
          %dma_start3A_124 = tpu.memref_squeeze %dma_start3A_123 : memref<1x128xi32, #tpu.memory_space<vmem>> -> memref<128xi32, #tpu.memory_space<vmem>>
          %dma_start3A_125 = arith.constant 0 : i32
          %dma_start3A_126 = arith.constant 0 : i32
          %dma_start3A_127 = tpu.memref_slice %arg2[%dma_start3A_125, %dma_start3A_126] : memref<10240x32xf32, #tpu.memory_space<hbm>> -> memref<10240x32xf32, #tpu.memory_space<hbm>>
          tpu.enqueue_indirect_dma source(%dma_start3A_127 : memref<10240x32xf32, #tpu.memory_space<hbm>>) target(%arg8 : memref<128x32xf32, #tpu.memory_space<vmem>>) offsets(%dma_start3A_124 : memref<128xi32, #tpu.memory_space<vmem>>) semaphore(%arg12 : memref<!tpu.dma_semaphore, #tpu.memory_space<semaphore_mem>>)
        } else {
        }
        %mul3A_100 = arith.constant 4 : i32
        %mul3A_101 = arith.muli %scan3A_41, %mul3A_100 : i32
        %add3A_102 = arith.constant 3 : i32
        %add3A_103 = arith.addi %mul3A_101, %add3A_102 : i32
        %dma_wait3A_104 = arith.constant 0 : i32
        %dma_wait3A_105 = tpu.memref_slice %arg5[%add3A_103, %dma_wait3A_104] : memref<60x128xi32, #tpu.memory_space<vmem>> -> memref<1x128xi32, #tpu.memory_space<vmem>>
        %dma_wait3A_106 = tpu.memref_squeeze %dma_wait3A_105 : memref<1x128xi32, #tpu.memory_space<vmem>> -> memref<128xi32, #tpu.memory_space<vmem>>
        %dma_wait3A_107 = arith.constant 0 : i32
        %dma_wait3A_108 = arith.constant 0 : i32
        %dma_wait3A_109 = tpu.memref_slice %arg2[%dma_wait3A_107, %dma_wait3A_108] : memref<10240x32xf32, #tpu.memory_space<hbm>> -> memref<10240x32xf32, #tpu.memory_space<hbm>>
        tpu.wait_indirect_dma semaphore(%arg13 : memref<!tpu.dma_semaphore, #tpu.memory_space<semaphore_mem>>) src(%dma_wait3A_109 : memref<10240x32xf32, #tpu.memory_space<hbm>>) dst(%arg9 : memref<128x32xf32, #tpu.memory_space<vmem>>)
        %add3A_110 = arith.addi %add3A_8, %add3A_103 : i32
        %mul3A_111 = arith.constant 128 : i32
        %mul3A_112 = arith.muli %add3A_110, %mul3A_111 : i32
        "tpu.region"() ({
          %run_scoped3A = tpu.sem_alloc : memref<!tpu.dma_semaphore, #tpu.memory_space<semaphore_mem>>
          %dma_start3A_120 = arith.constant 0 : i32
          %dma_start3A_121 = tpu.memref_slice %arg4[%mul3A_112, %dma_start3A_120] : memref<163840x32xf32, #tpu.memory_space<hbm>> -> memref<128x32xf32, #tpu.memory_space<hbm>>
          %dma_start3A_122 = arith.constant 0 : i32
          %dma_start3A_123 = tpu.memref_slice %arg4[%mul3A_112, %dma_start3A_122] : memref<163840x32xf32, #tpu.memory_space<hbm>> -> memref<128x32xf32, #tpu.memory_space<hbm>>
          tpu.enqueue_dma source(%arg9 : memref<128x32xf32, #tpu.memory_space<vmem>>) target(%dma_start3A_123 : memref<128x32xf32, #tpu.memory_space<hbm>>) target_semaphore(%run_scoped3A : memref<!tpu.dma_semaphore, #tpu.memory_space<semaphore_mem>>)
          %dma_wait3A_124 = arith.constant 0 : i32
          %dma_wait3A_125 = tpu.memref_slice %arg4[%mul3A_112, %dma_wait3A_124] : memref<163840x32xf32, #tpu.memory_space<hbm>> -> memref<128x32xf32, #tpu.memory_space<hbm>>
          %dma_wait3A_126 = arith.constant 0 : i32
          %dma_wait3A_127 = tpu.memref_slice %arg4[%mul3A_112, %dma_wait3A_126] : memref<163840x32xf32, #tpu.memory_space<hbm>> -> memref<128x32xf32, #tpu.memory_space<hbm>>
          tpu.wait_dma2 semaphore(%run_scoped3A : memref<!tpu.dma_semaphore, #tpu.memory_space<semaphore_mem>>) src(%arg9 : memref<128x32xf32, #tpu.memory_space<vmem>>) dst(%dma_wait3A_127 : memref<128x32xf32, #tpu.memory_space<hbm>>)
          tpu.yield
        }) : () -> ()
        %add3A_113 = arith.constant 4 : i32
        %add3A_114 = arith.addi %add3A_103, %add3A_113 : i32
        %lt3A_115 = arith.constant 20 : i32
        %lt3A_116 = arith.cmpi slt, %add3A_114, %lt3A_115 : i32
        %convert_element_type3A_117 = arith.extui %lt3A_116 : i1 to i32
        %cond3A_118 = arith.constant 0 : i32
        %cond3A_119 = arith.cmpi ne, %convert_element_type3A_117, %cond3A_118 : i32
        scf.if %cond3A_119 {
          %add3A_120 = arith.constant 4 : i32
          %add3A_121 = arith.addi %add3A_103, %add3A_120 : i32
          %dma_start3A_122 = arith.constant 0 : i32
          %dma_start3A_123 = tpu.memref_slice %arg5[%add3A_121, %dma_start3A_122] : memref<60x128xi32, #tpu.memory_space<vmem>> -> memref<1x128xi32, #tpu.memory_space<vmem>>
          %dma_start3A_124 = tpu.memref_squeeze %dma_start3A_123 : memref<1x128xi32, #tpu.memory_space<vmem>> -> memref<128xi32, #tpu.memory_space<vmem>>
          %dma_start3A_125 = arith.constant 0 : i32
          %dma_start3A_126 = arith.constant 0 : i32
          %dma_start3A_127 = tpu.memref_slice %arg2[%dma_start3A_125, %dma_start3A_126] : memref<10240x32xf32, #tpu.memory_space<hbm>> -> memref<10240x32xf32, #tpu.memory_space<hbm>>
          tpu.enqueue_indirect_dma source(%dma_start3A_127 : memref<10240x32xf32, #tpu.memory_space<hbm>>) target(%arg9 : memref<128x32xf32, #tpu.memory_space<vmem>>) offsets(%dma_start3A_124 : memref<128xi32, #tpu.memory_space<vmem>>) semaphore(%arg13 : memref<!tpu.dma_semaphore, #tpu.memory_space<semaphore_mem>>)
        } else {
        }
      }
      %scan3A_40 = arith.constant 5 : i32
    } else {
    }
    return
  }
}

#map = affine_map<(d0, d1) -> (0, 0)>
#map1 = affine_map<(d0, d1) -> (0, 0, 0)>
module attributes {stable_mosaic.version = 14 : i64} {
  func.func @scatter_k(%arg0: i32, %arg1: i32, %arg2: memref<163840x32xf32, #tpu.memory_space<hbm>>, %arg3: memref<32x40x128xi32, #tpu.memory_space<hbm>>, %arg4: memref<10240x32xf32, #tpu.memory_space<hbm>>, %arg5: memref<2x10240x32xf32, #tpu.memory_space<hbm>>, %arg6: memref<40x128xi32, #tpu.memory_space<vmem>>, %arg7: memref<10240x32xf32, #tpu.memory_space<vmem_shared>>, %arg8: memref<128x32xf32, #tpu.memory_space<vmem>>, %arg9: memref<128x32xf32, #tpu.memory_space<vmem>>, %arg10: memref<128x32xf32, #tpu.memory_space<vmem>>, %arg11: memref<128x32xf32, #tpu.memory_space<vmem>>, %arg12: memref<!tpu.dma_semaphore, #tpu.memory_space<semaphore_mem>>, %arg13: memref<!tpu.dma_semaphore, #tpu.memory_space<semaphore_mem>>, %arg14: memref<!tpu.dma_semaphore, #tpu.memory_space<semaphore_mem>>, %arg15: memref<!tpu.dma_semaphore, #tpu.memory_space<semaphore_mem>>) attributes {dimension_semantics = [#tpu.dimension_semantics<core_parallel>, #tpu.dimension_semantics<subcore_parallel>], iteration_bounds = array<i64: 2, 16>, scalar_prefetch = 0 : i64, scratch_operands = 10 : i64, tpu.core_type = #tpu.core_type<sc_vector_subcore>, window_params = [{transform_indices = #map}, {transform_indices = #map1}, {transform_indices = #map}, {transform_indices = #map1}]} {
    %mul3A = arith.constant 2 : i32
    %mul3A_0 = arith.muli %arg1, %mul3A : i32
    %add3A = arith.addi %mul3A_0, %arg0 : i32
    %mul3A_1 = arith.constant 640 : i32
    %mul3A_2 = arith.muli %arg1, %mul3A_1 : i32
    %mul3A_3 = arith.constant 40 : i32
    %mul3A_4 = arith.muli %add3A, %mul3A_3 : i32
    "tpu.region"() ({
      %run_scoped3A = tpu.sem_alloc : memref<!tpu.dma_semaphore, #tpu.memory_space<semaphore_mem>>
      %dma_start3A_42 = arith.constant 0 : i32
      %dma_start3A_43 = tpu.memref_slice %arg7[%mul3A_2, %dma_start3A_42] : memref<10240x32xf32, #tpu.memory_space<vmem_shared>> -> memref<640x32xf32, #tpu.memory_space<vmem_shared>>
      %dma_start3A_44 = arith.constant 0 : i32
      %dma_start3A_45 = tpu.memref_slice %arg4[%mul3A_2, %dma_start3A_44] : memref<10240x32xf32, #tpu.memory_space<hbm>> -> memref<640x32xf32, #tpu.memory_space<hbm>>
      tpu.enqueue_dma source(%dma_start3A_45 : memref<640x32xf32, #tpu.memory_space<hbm>>) target(%dma_start3A_43 : memref<640x32xf32, #tpu.memory_space<vmem_shared>>) target_semaphore(%run_scoped3A : memref<!tpu.dma_semaphore, #tpu.memory_space<semaphore_mem>>)
      %dma_wait3A = arith.constant 0 : i32
      %dma_wait3A_46 = tpu.memref_slice %arg7[%mul3A_2, %dma_wait3A] : memref<10240x32xf32, #tpu.memory_space<vmem_shared>> -> memref<640x32xf32, #tpu.memory_space<vmem_shared>>
      %dma_wait3A_47 = arith.constant 0 : i32
      %dma_wait3A_48 = tpu.memref_slice %arg4[%mul3A_2, %dma_wait3A_47] : memref<10240x32xf32, #tpu.memory_space<hbm>> -> memref<640x32xf32, #tpu.memory_space<hbm>>
      tpu.wait_dma2 semaphore(%run_scoped3A : memref<!tpu.dma_semaphore, #tpu.memory_space<semaphore_mem>>) src(%dma_wait3A_48 : memref<640x32xf32, #tpu.memory_space<hbm>>) dst(%dma_wait3A_46 : memref<640x32xf32, #tpu.memory_space<vmem_shared>>)
      tpu.yield
    }) : () -> ()
    "tpu.region"() ({
      %run_scoped3A = tpu.sem_alloc : memref<!tpu.dma_semaphore, #tpu.memory_space<semaphore_mem>>
      %dma_start3A_42 = arith.constant 0 : i32
      %dma_start3A_43 = arith.constant 0 : i32
      %dma_start3A_44 = tpu.memref_slice %arg3[%add3A, %dma_start3A_42, %dma_start3A_43] : memref<32x40x128xi32, #tpu.memory_space<hbm>> -> memref<1x40x128xi32, #tpu.memory_space<hbm>>
      %dma_start3A_45 = tpu.memref_squeeze %dma_start3A_44 : memref<1x40x128xi32, #tpu.memory_space<hbm>> -> memref<40x128xi32, #tpu.memory_space<hbm>>
      %dma_start3A_46 = arith.constant 0 : i32
      %dma_start3A_47 = arith.constant 0 : i32
      %dma_start3A_48 = tpu.memref_slice %arg3[%add3A, %dma_start3A_46, %dma_start3A_47] : memref<32x40x128xi32, #tpu.memory_space<hbm>> -> memref<1x40x128xi32, #tpu.memory_space<hbm>>
      %dma_start3A_49 = tpu.memref_squeeze %dma_start3A_48 : memref<1x40x128xi32, #tpu.memory_space<hbm>> -> memref<40x128xi32, #tpu.memory_space<hbm>>
      tpu.enqueue_dma source(%dma_start3A_49 : memref<40x128xi32, #tpu.memory_space<hbm>>) target(%arg6 : memref<40x128xi32, #tpu.memory_space<vmem>>) target_semaphore(%run_scoped3A : memref<!tpu.dma_semaphore, #tpu.memory_space<semaphore_mem>>)
      %dma_wait3A = arith.constant 0 : i32
      %dma_wait3A_50 = arith.constant 0 : i32
      %dma_wait3A_51 = tpu.memref_slice %arg3[%add3A, %dma_wait3A, %dma_wait3A_50] : memref<32x40x128xi32, #tpu.memory_space<hbm>> -> memref<1x40x128xi32, #tpu.memory_space<hbm>>
      %dma_wait3A_52 = tpu.memref_squeeze %dma_wait3A_51 : memref<1x40x128xi32, #tpu.memory_space<hbm>> -> memref<40x128xi32, #tpu.memory_space<hbm>>
      %dma_wait3A_53 = arith.constant 0 : i32
      %dma_wait3A_54 = arith.constant 0 : i32
      %dma_wait3A_55 = tpu.memref_slice %arg3[%add3A, %dma_wait3A_53, %dma_wait3A_54] : memref<32x40x128xi32, #tpu.memory_space<hbm>> -> memref<1x40x128xi32, #tpu.memory_space<hbm>>
      %dma_wait3A_56 = tpu.memref_squeeze %dma_wait3A_55 : memref<1x40x128xi32, #tpu.memory_space<hbm>> -> memref<40x128xi32, #tpu.memory_space<hbm>>
      tpu.wait_dma2 semaphore(%run_scoped3A : memref<!tpu.dma_semaphore, #tpu.memory_space<semaphore_mem>>) src(%dma_wait3A_56 : memref<40x128xi32, #tpu.memory_space<hbm>>) dst(%arg6 : memref<40x128xi32, #tpu.memory_space<vmem>>)
      tpu.yield
    }) : () -> ()
    %add3A_5 = arith.constant 0 : i32
    %add3A_6 = arith.addi %mul3A_4, %add3A_5 : i32
    %mul3A_7 = arith.constant 128 : i32
    %mul3A_8 = arith.muli %add3A_6, %mul3A_7 : i32
    %dma_start3A = arith.constant 0 : i32
    %dma_start3A_9 = tpu.memref_slice %arg2[%mul3A_8, %dma_start3A] : memref<163840x32xf32, #tpu.memory_space<hbm>> -> memref<128x32xf32, #tpu.memory_space<hbm>>
    %dma_start3A_10 = arith.constant 0 : i32
    %dma_start3A_11 = tpu.memref_slice %arg2[%mul3A_8, %dma_start3A_10] : memref<163840x32xf32, #tpu.memory_space<hbm>> -> memref<128x32xf32, #tpu.memory_space<hbm>>
    tpu.enqueue_dma source(%dma_start3A_11 : memref<128x32xf32, #tpu.memory_space<hbm>>) target(%arg8 : memref<128x32xf32, #tpu.memory_space<vmem>>) target_semaphore(%arg12 : memref<!tpu.dma_semaphore, #tpu.memory_space<semaphore_mem>>)
    %add3A_12 = arith.constant 1 : i32
    %add3A_13 = arith.addi %mul3A_4, %add3A_12 : i32
    %mul3A_14 = arith.constant 128 : i32
    %mul3A_15 = arith.muli %add3A_13, %mul3A_14 : i32
    %dma_start3A_16 = arith.constant 0 : i32
    %dma_start3A_17 = tpu.memref_slice %arg2[%mul3A_15, %dma_start3A_16] : memref<163840x32xf32, #tpu.memory_space<hbm>> -> memref<128x32xf32, #tpu.memory_space<hbm>>
    %dma_start3A_18 = arith.constant 0 : i32
    %dma_start3A_19 = tpu.memref_slice %arg2[%mul3A_15, %dma_start3A_18] : memref<163840x32xf32, #tpu.memory_space<hbm>> -> memref<128x32xf32, #tpu.memory_space<hbm>>
    tpu.enqueue_dma source(%dma_start3A_19 : memref<128x32xf32, #tpu.memory_space<hbm>>) target(%arg9 : memref<128x32xf32, #tpu.memory_space<vmem>>) target_semaphore(%arg13 : memref<!tpu.dma_semaphore, #tpu.memory_space<semaphore_mem>>)
    %add3A_20 = arith.constant 2 : i32
    %add3A_21 = arith.addi %mul3A_4, %add3A_20 : i32
    %mul3A_22 = arith.constant 128 : i32
    %mul3A_23 = arith.muli %add3A_21, %mul3A_22 : i32
    %dma_start3A_24 = arith.constant 0 : i32
    %dma_start3A_25 = tpu.memref_slice %arg2[%mul3A_23, %dma_start3A_24] : memref<163840x32xf32, #tpu.memory_space<hbm>> -> memref<128x32xf32, #tpu.memory_space<hbm>>
    %dma_start3A_26 = arith.constant 0 : i32
    %dma_start3A_27 = tpu.memref_slice %arg2[%mul3A_23, %dma_start3A_26] : memref<163840x32xf32, #tpu.memory_space<hbm>> -> memref<128x32xf32, #tpu.memory_space<hbm>>
    tpu.enqueue_dma source(%dma_start3A_27 : memref<128x32xf32, #tpu.memory_space<hbm>>) target(%arg10 : memref<128x32xf32, #tpu.memory_space<vmem>>) target_semaphore(%arg14 : memref<!tpu.dma_semaphore, #tpu.memory_space<semaphore_mem>>)
    %add3A_28 = arith.constant 3 : i32
    %add3A_29 = arith.addi %mul3A_4, %add3A_28 : i32
    %mul3A_30 = arith.constant 128 : i32
    %mul3A_31 = arith.muli %add3A_29, %mul3A_30 : i32
    %dma_start3A_32 = arith.constant 0 : i32
    %dma_start3A_33 = tpu.memref_slice %arg2[%mul3A_31, %dma_start3A_32] : memref<163840x32xf32, #tpu.memory_space<hbm>> -> memref<128x32xf32, #tpu.memory_space<hbm>>
    %dma_start3A_34 = arith.constant 0 : i32
    %dma_start3A_35 = tpu.memref_slice %arg2[%mul3A_31, %dma_start3A_34] : memref<163840x32xf32, #tpu.memory_space<hbm>> -> memref<128x32xf32, #tpu.memory_space<hbm>>
    tpu.enqueue_dma source(%dma_start3A_35 : memref<128x32xf32, #tpu.memory_space<hbm>>) target(%arg11 : memref<128x32xf32, #tpu.memory_space<vmem>>) target_semaphore(%arg15 : memref<!tpu.dma_semaphore, #tpu.memory_space<semaphore_mem>>)
    %barrier3A = arith.constant 0 : index
    tpu.barrier barrier_id(%barrier3A)
    %scan3A = arith.constant 0 : i32
    %scan3A_36 = arith.constant 0 : i32
    %scan3A_37 = arith.constant 10 : i32
    %scan3A_38 = arith.addi %scan3A_36, %scan3A_37 : i32
    %scan3A_39 = arith.constant 1 : i32
    scf.for %scan3A_42 = %scan3A_36 to %scan3A_38 step %scan3A_39  : i32 {
      %mul3A_43 = arith.constant 4 : i32
      %mul3A_44 = arith.muli %scan3A_42, %mul3A_43 : i32
      %add3A_45 = arith.constant 0 : i32
      %add3A_46 = arith.addi %mul3A_44, %add3A_45 : i32
      %add3A_47 = arith.addi %mul3A_4, %add3A_46 : i32
      %mul3A_48 = arith.constant 128 : i32
      %mul3A_49 = arith.muli %add3A_47, %mul3A_48 : i32
      %dma_wait3A = arith.constant 0 : i32
      %dma_wait3A_50 = tpu.memref_slice %arg2[%mul3A_49, %dma_wait3A] : memref<163840x32xf32, #tpu.memory_space<hbm>> -> memref<128x32xf32, #tpu.memory_space<hbm>>
      %dma_wait3A_51 = arith.constant 0 : i32
      %dma_wait3A_52 = tpu.memref_slice %arg2[%mul3A_49, %dma_wait3A_51] : memref<163840x32xf32, #tpu.memory_space<hbm>> -> memref<128x32xf32, #tpu.memory_space<hbm>>
      tpu.wait_dma2 semaphore(%arg12 : memref<!tpu.dma_semaphore, #tpu.memory_space<semaphore_mem>>) src(%dma_wait3A_52 : memref<128x32xf32, #tpu.memory_space<hbm>>) dst(%arg8 : memref<128x32xf32, #tpu.memory_space<vmem>>)
      "tpu.region"() ({
        %run_scoped3A = tpu.sem_alloc : memref<!tpu.dma_semaphore, #tpu.memory_space<semaphore_mem>>
        %dma_start3A_111 = arith.constant 0 : i32
        %dma_start3A_112 = tpu.memref_slice %arg6[%add3A_46, %dma_start3A_111] : memref<40x128xi32, #tpu.memory_space<vmem>> -> memref<1x128xi32, #tpu.memory_space<vmem>>
        %dma_start3A_113 = tpu.memref_squeeze %dma_start3A_112 : memref<1x128xi32, #tpu.memory_space<vmem>> -> memref<128xi32, #tpu.memory_space<vmem>>
        %dma_start3A_114 = arith.constant 0 : i32
        %dma_start3A_115 = arith.constant 0 : i32
        %dma_start3A_116 = tpu.memref_slice %arg7[%dma_start3A_114, %dma_start3A_115] : memref<10240x32xf32, #tpu.memory_space<vmem_shared>> -> memref<10240x32xf32, #tpu.memory_space<vmem_shared>>
        tpu.enqueue_indirect_dma source(%arg8 : memref<128x32xf32, #tpu.memory_space<vmem>>) target(%dma_start3A_116 : memref<10240x32xf32, #tpu.memory_space<vmem_shared>>) offsets(%dma_start3A_113 : memref<128xi32, #tpu.memory_space<vmem>>) semaphore(%run_scoped3A : memref<!tpu.dma_semaphore, #tpu.memory_space<semaphore_mem>>) {add = true}
        %dma_wait3A_117 = arith.constant 0 : i32
        %dma_wait3A_118 = tpu.memref_slice %arg6[%add3A_46, %dma_wait3A_117] : memref<40x128xi32, #tpu.memory_space<vmem>> -> memref<1x128xi32, #tpu.memory_space<vmem>>
        %dma_wait3A_119 = tpu.memref_squeeze %dma_wait3A_118 : memref<1x128xi32, #tpu.memory_space<vmem>> -> memref<128xi32, #tpu.memory_space<vmem>>
        %dma_wait3A_120 = arith.constant 0 : i32
        %dma_wait3A_121 = arith.constant 0 : i32
        %dma_wait3A_122 = tpu.memref_slice %arg7[%dma_wait3A_120, %dma_wait3A_121] : memref<10240x32xf32, #tpu.memory_space<vmem_shared>> -> memref<10240x32xf32, #tpu.memory_space<vmem_shared>>
        tpu.wait_indirect_dma semaphore(%run_scoped3A : memref<!tpu.dma_semaphore, #tpu.memory_space<semaphore_mem>>) src(%arg8 : memref<128x32xf32, #tpu.memory_space<vmem>>) dst(%dma_wait3A_122 : memref<10240x32xf32, #tpu.memory_space<vmem_shared>>)
        tpu.yield
      }) : () -> ()
      %add3A_53 = arith.constant 4 : i32
      %add3A_54 = arith.addi %add3A_46, %add3A_53 : i32
      %lt3A = arith.constant 40 : i32
      %lt3A_55 = arith.cmpi slt, %add3A_54, %lt3A : i32
      %convert_element_type3A = arith.extui %lt3A_55 : i1 to i32
      %cond3A = arith.constant 0 : i32
      %cond3A_56 = arith.cmpi ne, %convert_element_type3A, %cond3A : i32
      scf.if %cond3A_56 {
        %add3A_111 = arith.addi %mul3A_4, %add3A_46 : i32
        %add3A_112 = arith.constant 4 : i32
        %add3A_113 = arith.addi %add3A_111, %add3A_112 : i32
        %mul3A_114 = arith.constant 128 : i32
        %mul3A_115 = arith.muli %add3A_113, %mul3A_114 : i32
        %dma_start3A_116 = arith.constant 0 : i32
        %dma_start3A_117 = tpu.memref_slice %arg2[%mul3A_115, %dma_start3A_116] : memref<163840x32xf32, #tpu.memory_space<hbm>> -> memref<128x32xf32, #tpu.memory_space<hbm>>
        %dma_start3A_118 = arith.constant 0 : i32
        %dma_start3A_119 = tpu.memref_slice %arg2[%mul3A_115, %dma_start3A_118] : memref<163840x32xf32, #tpu.memory_space<hbm>> -> memref<128x32xf32, #tpu.memory_space<hbm>>
        tpu.enqueue_dma source(%dma_start3A_119 : memref<128x32xf32, #tpu.memory_space<hbm>>) target(%arg8 : memref<128x32xf32, #tpu.memory_space<vmem>>) target_semaphore(%arg12 : memref<!tpu.dma_semaphore, #tpu.memory_space<semaphore_mem>>)
      } else {
      }
      %mul3A_57 = arith.constant 4 : i32
      %mul3A_58 = arith.muli %scan3A_42, %mul3A_57 : i32
      %add3A_59 = arith.constant 1 : i32
      %add3A_60 = arith.addi %mul3A_58, %add3A_59 : i32
      %add3A_61 = arith.addi %mul3A_4, %add3A_60 : i32
      %mul3A_62 = arith.constant 128 : i32
      %mul3A_63 = arith.muli %add3A_61, %mul3A_62 : i32
      %dma_wait3A_64 = arith.constant 0 : i32
      %dma_wait3A_65 = tpu.memref_slice %arg2[%mul3A_63, %dma_wait3A_64] : memref<163840x32xf32, #tpu.memory_space<hbm>> -> memref<128x32xf32, #tpu.memory_space<hbm>>
      %dma_wait3A_66 = arith.constant 0 : i32
      %dma_wait3A_67 = tpu.memref_slice %arg2[%mul3A_63, %dma_wait3A_66] : memref<163840x32xf32, #tpu.memory_space<hbm>> -> memref<128x32xf32, #tpu.memory_space<hbm>>
      tpu.wait_dma2 semaphore(%arg13 : memref<!tpu.dma_semaphore, #tpu.memory_space<semaphore_mem>>) src(%dma_wait3A_67 : memref<128x32xf32, #tpu.memory_space<hbm>>) dst(%arg9 : memref<128x32xf32, #tpu.memory_space<vmem>>)
      "tpu.region"() ({
        %run_scoped3A = tpu.sem_alloc : memref<!tpu.dma_semaphore, #tpu.memory_space<semaphore_mem>>
        %dma_start3A_111 = arith.constant 0 : i32
        %dma_start3A_112 = tpu.memref_slice %arg6[%add3A_60, %dma_start3A_111] : memref<40x128xi32, #tpu.memory_space<vmem>> -> memref<1x128xi32, #tpu.memory_space<vmem>>
        %dma_start3A_113 = tpu.memref_squeeze %dma_start3A_112 : memref<1x128xi32, #tpu.memory_space<vmem>> -> memref<128xi32, #tpu.memory_space<vmem>>
        %dma_start3A_114 = arith.constant 0 : i32
        %dma_start3A_115 = arith.constant 0 : i32
        %dma_start3A_116 = tpu.memref_slice %arg7[%dma_start3A_114, %dma_start3A_115] : memref<10240x32xf32, #tpu.memory_space<vmem_shared>> -> memref<10240x32xf32, #tpu.memory_space<vmem_shared>>
        tpu.enqueue_indirect_dma source(%arg9 : memref<128x32xf32, #tpu.memory_space<vmem>>) target(%dma_start3A_116 : memref<10240x32xf32, #tpu.memory_space<vmem_shared>>) offsets(%dma_start3A_113 : memref<128xi32, #tpu.memory_space<vmem>>) semaphore(%run_scoped3A : memref<!tpu.dma_semaphore, #tpu.memory_space<semaphore_mem>>) {add = true}
        %dma_wait3A_117 = arith.constant 0 : i32
        %dma_wait3A_118 = tpu.memref_slice %arg6[%add3A_60, %dma_wait3A_117] : memref<40x128xi32, #tpu.memory_space<vmem>> -> memref<1x128xi32, #tpu.memory_space<vmem>>
        %dma_wait3A_119 = tpu.memref_squeeze %dma_wait3A_118 : memref<1x128xi32, #tpu.memory_space<vmem>> -> memref<128xi32, #tpu.memory_space<vmem>>
        %dma_wait3A_120 = arith.constant 0 : i32
        %dma_wait3A_121 = arith.constant 0 : i32
        %dma_wait3A_122 = tpu.memref_slice %arg7[%dma_wait3A_120, %dma_wait3A_121] : memref<10240x32xf32, #tpu.memory_space<vmem_shared>> -> memref<10240x32xf32, #tpu.memory_space<vmem_shared>>
        tpu.wait_indirect_dma semaphore(%run_scoped3A : memref<!tpu.dma_semaphore, #tpu.memory_space<semaphore_mem>>) src(%arg9 : memref<128x32xf32, #tpu.memory_space<vmem>>) dst(%dma_wait3A_122 : memref<10240x32xf32, #tpu.memory_space<vmem_shared>>)
        tpu.yield
      }) : () -> ()
      %add3A_68 = arith.constant 4 : i32
      %add3A_69 = arith.addi %add3A_60, %add3A_68 : i32
      %lt3A_70 = arith.constant 40 : i32
      %lt3A_71 = arith.cmpi slt, %add3A_69, %lt3A_70 : i32
      %convert_element_type3A_72 = arith.extui %lt3A_71 : i1 to i32
      %cond3A_73 = arith.constant 0 : i32
      %cond3A_74 = arith.cmpi ne, %convert_element_type3A_72, %cond3A_73 : i32
      scf.if %cond3A_74 {
        %add3A_111 = arith.addi %mul3A_4, %add3A_60 : i32
        %add3A_112 = arith.constant 4 : i32
        %add3A_113 = arith.addi %add3A_111, %add3A_112 : i32
        %mul3A_114 = arith.constant 128 : i32
        %mul3A_115 = arith.muli %add3A_113, %mul3A_114 : i32
        %dma_start3A_116 = arith.constant 0 : i32
        %dma_start3A_117 = tpu.memref_slice %arg2[%mul3A_115, %dma_start3A_116] : memref<163840x32xf32, #tpu.memory_space<hbm>> -> memref<128x32xf32, #tpu.memory_space<hbm>>
        %dma_start3A_118 = arith.constant 0 : i32
        %dma_start3A_119 = tpu.memref_slice %arg2[%mul3A_115, %dma_start3A_118] : memref<163840x32xf32, #tpu.memory_space<hbm>> -> memref<128x32xf32, #tpu.memory_space<hbm>>
        tpu.enqueue_dma source(%dma_start3A_119 : memref<128x32xf32, #tpu.memory_space<hbm>>) target(%arg9 : memref<128x32xf32, #tpu.memory_space<vmem>>) target_semaphore(%arg13 : memref<!tpu.dma_semaphore, #tpu.memory_space<semaphore_mem>>)
      } else {
      }
      %mul3A_75 = arith.constant 4 : i32
      %mul3A_76 = arith.muli %scan3A_42, %mul3A_75 : i32
      %add3A_77 = arith.constant 2 : i32
      %add3A_78 = arith.addi %mul3A_76, %add3A_77 : i32
      %add3A_79 = arith.addi %mul3A_4, %add3A_78 : i32
      %mul3A_80 = arith.constant 128 : i32
      %mul3A_81 = arith.muli %add3A_79, %mul3A_80 : i32
      %dma_wait3A_82 = arith.constant 0 : i32
      %dma_wait3A_83 = tpu.memref_slice %arg2[%mul3A_81, %dma_wait3A_82] : memref<163840x32xf32, #tpu.memory_space<hbm>> -> memref<128x32xf32, #tpu.memory_space<hbm>>
      %dma_wait3A_84 = arith.constant 0 : i32
      %dma_wait3A_85 = tpu.memref_slice %arg2[%mul3A_81, %dma_wait3A_84] : memref<163840x32xf32, #tpu.memory_space<hbm>> -> memref<128x32xf32, #tpu.memory_space<hbm>>
      tpu.wait_dma2 semaphore(%arg14 : memref<!tpu.dma_semaphore, #tpu.memory_space<semaphore_mem>>) src(%dma_wait3A_85 : memref<128x32xf32, #tpu.memory_space<hbm>>) dst(%arg10 : memref<128x32xf32, #tpu.memory_space<vmem>>)
      "tpu.region"() ({
        %run_scoped3A = tpu.sem_alloc : memref<!tpu.dma_semaphore, #tpu.memory_space<semaphore_mem>>
        %dma_start3A_111 = arith.constant 0 : i32
        %dma_start3A_112 = tpu.memref_slice %arg6[%add3A_78, %dma_start3A_111] : memref<40x128xi32, #tpu.memory_space<vmem>> -> memref<1x128xi32, #tpu.memory_space<vmem>>
        %dma_start3A_113 = tpu.memref_squeeze %dma_start3A_112 : memref<1x128xi32, #tpu.memory_space<vmem>> -> memref<128xi32, #tpu.memory_space<vmem>>
        %dma_start3A_114 = arith.constant 0 : i32
        %dma_start3A_115 = arith.constant 0 : i32
        %dma_start3A_116 = tpu.memref_slice %arg7[%dma_start3A_114, %dma_start3A_115] : memref<10240x32xf32, #tpu.memory_space<vmem_shared>> -> memref<10240x32xf32, #tpu.memory_space<vmem_shared>>
        tpu.enqueue_indirect_dma source(%arg10 : memref<128x32xf32, #tpu.memory_space<vmem>>) target(%dma_start3A_116 : memref<10240x32xf32, #tpu.memory_space<vmem_shared>>) offsets(%dma_start3A_113 : memref<128xi32, #tpu.memory_space<vmem>>) semaphore(%run_scoped3A : memref<!tpu.dma_semaphore, #tpu.memory_space<semaphore_mem>>) {add = true}
        %dma_wait3A_117 = arith.constant 0 : i32
        %dma_wait3A_118 = tpu.memref_slice %arg6[%add3A_78, %dma_wait3A_117] : memref<40x128xi32, #tpu.memory_space<vmem>> -> memref<1x128xi32, #tpu.memory_space<vmem>>
        %dma_wait3A_119 = tpu.memref_squeeze %dma_wait3A_118 : memref<1x128xi32, #tpu.memory_space<vmem>> -> memref<128xi32, #tpu.memory_space<vmem>>
        %dma_wait3A_120 = arith.constant 0 : i32
        %dma_wait3A_121 = arith.constant 0 : i32
        %dma_wait3A_122 = tpu.memref_slice %arg7[%dma_wait3A_120, %dma_wait3A_121] : memref<10240x32xf32, #tpu.memory_space<vmem_shared>> -> memref<10240x32xf32, #tpu.memory_space<vmem_shared>>
        tpu.wait_indirect_dma semaphore(%run_scoped3A : memref<!tpu.dma_semaphore, #tpu.memory_space<semaphore_mem>>) src(%arg10 : memref<128x32xf32, #tpu.memory_space<vmem>>) dst(%dma_wait3A_122 : memref<10240x32xf32, #tpu.memory_space<vmem_shared>>)
        tpu.yield
      }) : () -> ()
      %add3A_86 = arith.constant 4 : i32
      %add3A_87 = arith.addi %add3A_78, %add3A_86 : i32
      %lt3A_88 = arith.constant 40 : i32
      %lt3A_89 = arith.cmpi slt, %add3A_87, %lt3A_88 : i32
      %convert_element_type3A_90 = arith.extui %lt3A_89 : i1 to i32
      %cond3A_91 = arith.constant 0 : i32
      %cond3A_92 = arith.cmpi ne, %convert_element_type3A_90, %cond3A_91 : i32
      scf.if %cond3A_92 {
        %add3A_111 = arith.addi %mul3A_4, %add3A_78 : i32
        %add3A_112 = arith.constant 4 : i32
        %add3A_113 = arith.addi %add3A_111, %add3A_112 : i32
        %mul3A_114 = arith.constant 128 : i32
        %mul3A_115 = arith.muli %add3A_113, %mul3A_114 : i32
        %dma_start3A_116 = arith.constant 0 : i32
        %dma_start3A_117 = tpu.memref_slice %arg2[%mul3A_115, %dma_start3A_116] : memref<163840x32xf32, #tpu.memory_space<hbm>> -> memref<128x32xf32, #tpu.memory_space<hbm>>
        %dma_start3A_118 = arith.constant 0 : i32
        %dma_start3A_119 = tpu.memref_slice %arg2[%mul3A_115, %dma_start3A_118] : memref<163840x32xf32, #tpu.memory_space<hbm>> -> memref<128x32xf32, #tpu.memory_space<hbm>>
        tpu.enqueue_dma source(%dma_start3A_119 : memref<128x32xf32, #tpu.memory_space<hbm>>) target(%arg10 : memref<128x32xf32, #tpu.memory_space<vmem>>) target_semaphore(%arg14 : memref<!tpu.dma_semaphore, #tpu.memory_space<semaphore_mem>>)
      } else {
      }
      %mul3A_93 = arith.constant 4 : i32
      %mul3A_94 = arith.muli %scan3A_42, %mul3A_93 : i32
      %add3A_95 = arith.constant 3 : i32
      %add3A_96 = arith.addi %mul3A_94, %add3A_95 : i32
      %add3A_97 = arith.addi %mul3A_4, %add3A_96 : i32
      %mul3A_98 = arith.constant 128 : i32
      %mul3A_99 = arith.muli %add3A_97, %mul3A_98 : i32
      %dma_wait3A_100 = arith.constant 0 : i32
      %dma_wait3A_101 = tpu.memref_slice %arg2[%mul3A_99, %dma_wait3A_100] : memref<163840x32xf32, #tpu.memory_space<hbm>> -> memref<128x32xf32, #tpu.memory_space<hbm>>
      %dma_wait3A_102 = arith.constant 0 : i32
      %dma_wait3A_103 = tpu.memref_slice %arg2[%mul3A_99, %dma_wait3A_102] : memref<163840x32xf32, #tpu.memory_space<hbm>> -> memref<128x32xf32, #tpu.memory_space<hbm>>
      tpu.wait_dma2 semaphore(%arg15 : memref<!tpu.dma_semaphore, #tpu.memory_space<semaphore_mem>>) src(%dma_wait3A_103 : memref<128x32xf32, #tpu.memory_space<hbm>>) dst(%arg11 : memref<128x32xf32, #tpu.memory_space<vmem>>)
      "tpu.region"() ({
        %run_scoped3A = tpu.sem_alloc : memref<!tpu.dma_semaphore, #tpu.memory_space<semaphore_mem>>
        %dma_start3A_111 = arith.constant 0 : i32
        %dma_start3A_112 = tpu.memref_slice %arg6[%add3A_96, %dma_start3A_111] : memref<40x128xi32, #tpu.memory_space<vmem>> -> memref<1x128xi32, #tpu.memory_space<vmem>>
        %dma_start3A_113 = tpu.memref_squeeze %dma_start3A_112 : memref<1x128xi32, #tpu.memory_space<vmem>> -> memref<128xi32, #tpu.memory_space<vmem>>
        %dma_start3A_114 = arith.constant 0 : i32
        %dma_start3A_115 = arith.constant 0 : i32
        %dma_start3A_116 = tpu.memref_slice %arg7[%dma_start3A_114, %dma_start3A_115] : memref<10240x32xf32, #tpu.memory_space<vmem_shared>> -> memref<10240x32xf32, #tpu.memory_space<vmem_shared>>
        tpu.enqueue_indirect_dma source(%arg11 : memref<128x32xf32, #tpu.memory_space<vmem>>) target(%dma_start3A_116 : memref<10240x32xf32, #tpu.memory_space<vmem_shared>>) offsets(%dma_start3A_113 : memref<128xi32, #tpu.memory_space<vmem>>) semaphore(%run_scoped3A : memref<!tpu.dma_semaphore, #tpu.memory_space<semaphore_mem>>) {add = true}
        %dma_wait3A_117 = arith.constant 0 : i32
        %dma_wait3A_118 = tpu.memref_slice %arg6[%add3A_96, %dma_wait3A_117] : memref<40x128xi32, #tpu.memory_space<vmem>> -> memref<1x128xi32, #tpu.memory_space<vmem>>
        %dma_wait3A_119 = tpu.memref_squeeze %dma_wait3A_118 : memref<1x128xi32, #tpu.memory_space<vmem>> -> memref<128xi32, #tpu.memory_space<vmem>>
        %dma_wait3A_120 = arith.constant 0 : i32
        %dma_wait3A_121 = arith.constant 0 : i32
        %dma_wait3A_122 = tpu.memref_slice %arg7[%dma_wait3A_120, %dma_wait3A_121] : memref<10240x32xf32, #tpu.memory_space<vmem_shared>> -> memref<10240x32xf32, #tpu.memory_space<vmem_shared>>
        tpu.wait_indirect_dma semaphore(%run_scoped3A : memref<!tpu.dma_semaphore, #tpu.memory_space<semaphore_mem>>) src(%arg11 : memref<128x32xf32, #tpu.memory_space<vmem>>) dst(%dma_wait3A_122 : memref<10240x32xf32, #tpu.memory_space<vmem_shared>>)
        tpu.yield
      }) : () -> ()
      %add3A_104 = arith.constant 4 : i32
      %add3A_105 = arith.addi %add3A_96, %add3A_104 : i32
      %lt3A_106 = arith.constant 40 : i32
      %lt3A_107 = arith.cmpi slt, %add3A_105, %lt3A_106 : i32
      %convert_element_type3A_108 = arith.extui %lt3A_107 : i1 to i32
      %cond3A_109 = arith.constant 0 : i32
      %cond3A_110 = arith.cmpi ne, %convert_element_type3A_108, %cond3A_109 : i32
      scf.if %cond3A_110 {
        %add3A_111 = arith.addi %mul3A_4, %add3A_96 : i32
        %add3A_112 = arith.constant 4 : i32
        %add3A_113 = arith.addi %add3A_111, %add3A_112 : i32
        %mul3A_114 = arith.constant 128 : i32
        %mul3A_115 = arith.muli %add3A_113, %mul3A_114 : i32
        %dma_start3A_116 = arith.constant 0 : i32
        %dma_start3A_117 = tpu.memref_slice %arg2[%mul3A_115, %dma_start3A_116] : memref<163840x32xf32, #tpu.memory_space<hbm>> -> memref<128x32xf32, #tpu.memory_space<hbm>>
        %dma_start3A_118 = arith.constant 0 : i32
        %dma_start3A_119 = tpu.memref_slice %arg2[%mul3A_115, %dma_start3A_118] : memref<163840x32xf32, #tpu.memory_space<hbm>> -> memref<128x32xf32, #tpu.memory_space<hbm>>
        tpu.enqueue_dma source(%dma_start3A_119 : memref<128x32xf32, #tpu.memory_space<hbm>>) target(%arg11 : memref<128x32xf32, #tpu.memory_space<vmem>>) target_semaphore(%arg15 : memref<!tpu.dma_semaphore, #tpu.memory_space<semaphore_mem>>)
      } else {
      }
    }
    %scan3A_40 = arith.constant 10 : i32
    %barrier3A_41 = arith.constant 0 : index
    tpu.barrier barrier_id(%barrier3A_41)
    "tpu.region"() ({
      %run_scoped3A = tpu.sem_alloc : memref<!tpu.dma_semaphore, #tpu.memory_space<semaphore_mem>>
      %dma_start3A_42 = arith.constant 0 : i32
      %dma_start3A_43 = tpu.memref_slice %arg5[%arg0, %mul3A_2, %dma_start3A_42] : memref<2x10240x32xf32, #tpu.memory_space<hbm>> -> memref<1x640x32xf32, #tpu.memory_space<hbm>>
      %dma_start3A_44 = tpu.memref_squeeze %dma_start3A_43 : memref<1x640x32xf32, #tpu.memory_space<hbm>> -> memref<640x32xf32, #tpu.memory_space<hbm>>
      %dma_start3A_45 = arith.constant 0 : i32
      %dma_start3A_46 = tpu.memref_slice %arg7[%mul3A_2, %dma_start3A_45] : memref<10240x32xf32, #tpu.memory_space<vmem_shared>> -> memref<640x32xf32, #tpu.memory_space<vmem_shared>>
      tpu.enqueue_dma source(%dma_start3A_46 : memref<640x32xf32, #tpu.memory_space<vmem_shared>>) target(%dma_start3A_44 : memref<640x32xf32, #tpu.memory_space<hbm>>) target_semaphore(%run_scoped3A : memref<!tpu.dma_semaphore, #tpu.memory_space<semaphore_mem>>)
      %dma_wait3A = arith.constant 0 : i32
      %dma_wait3A_47 = tpu.memref_slice %arg5[%arg0, %mul3A_2, %dma_wait3A] : memref<2x10240x32xf32, #tpu.memory_space<hbm>> -> memref<1x640x32xf32, #tpu.memory_space<hbm>>
      %dma_wait3A_48 = tpu.memref_squeeze %dma_wait3A_47 : memref<1x640x32xf32, #tpu.memory_space<hbm>> -> memref<640x32xf32, #tpu.memory_space<hbm>>
      %dma_wait3A_49 = arith.constant 0 : i32
      %dma_wait3A_50 = tpu.memref_slice %arg7[%mul3A_2, %dma_wait3A_49] : memref<10240x32xf32, #tpu.memory_space<vmem_shared>> -> memref<640x32xf32, #tpu.memory_space<vmem_shared>>
      tpu.wait_dma2 semaphore(%run_scoped3A : memref<!tpu.dma_semaphore, #tpu.memory_space<semaphore_mem>>) src(%dma_wait3A_50 : memref<640x32xf32, #tpu.memory_space<vmem_shared>>) dst(%dma_wait3A_48 : memref<640x32xf32, #tpu.memory_space<hbm>>)
      tpu.yield
    }) : () -> ()
    return
  }
}

#map = affine_map<(d0, d1) -> (0, 0)>
module attributes {stable_mosaic.version = 14 : i64} {
  func.func @gather_k(%arg0: i32, %arg1: i32, %arg2: memref<10240x32xf32, #tpu.memory_space<hbm>>, %arg3: memref<1280x128xi32, #tpu.memory_space<hbm>>, %arg4: memref<163840x32xf32, #tpu.memory_space<hbm>>, %arg5: memref<60x128xi32, #tpu.memory_space<vmem>>, %arg6: memref<128x32xf32, #tpu.memory_space<vmem>>, %arg7: memref<128x32xf32, #tpu.memory_space<vmem>>, %arg8: memref<128x32xf32, #tpu.memory_space<vmem>>, %arg9: memref<128x32xf32, #tpu.memory_space<vmem>>, %arg10: memref<!tpu.dma_semaphore, #tpu.memory_space<semaphore_mem>>, %arg11: memref<!tpu.dma_semaphore, #tpu.memory_space<semaphore_mem>>, %arg12: memref<!tpu.dma_semaphore, #tpu.memory_space<semaphore_mem>>, %arg13: memref<!tpu.dma_semaphore, #tpu.memory_space<semaphore_mem>>) attributes {dimension_semantics = [#tpu.dimension_semantics<core_parallel>, #tpu.dimension_semantics<subcore_parallel>], iteration_bounds = array<i64: 2, 16>, scalar_prefetch = 0 : i64, scratch_operands = 9 : i64, tpu.core_type = #tpu.core_type<sc_vector_subcore>, window_params = [{transform_indices = #map}, {transform_indices = #map}, {transform_indices = #map}]} {
    %eq3A = arith.constant 1 : i32
    %eq3A_0 = arith.cmpi eq, %arg0, %eq3A : i32
    %convert_element_type3A = arith.extui %eq3A_0 : i1 to i32
    %cond3A = arith.constant 0 : i32
    %cond3A_1 = arith.cmpi ne, %convert_element_type3A, %cond3A : i32
    scf.if %cond3A_1 {
      %mul3A = arith.constant 60 : i32
      %mul3A_7 = arith.muli %arg1, %mul3A : i32
      "tpu.region"() ({
        %run_scoped3A = tpu.sem_alloc : memref<!tpu.dma_semaphore, #tpu.memory_space<semaphore_mem>>
        %dma_start3A_40 = arith.constant 0 : i32
        %dma_start3A_41 = arith.constant 0 : i32
        %dma_start3A_42 = tpu.memref_slice %arg5[%dma_start3A_40, %dma_start3A_41] : memref<60x128xi32, #tpu.memory_space<vmem>> -> memref<60x128xi32, #tpu.memory_space<vmem>>
        %dma_start3A_43 = arith.constant 0 : i32
        %dma_start3A_44 = tpu.memref_slice %arg3[%mul3A_7, %dma_start3A_43] : memref<1280x128xi32, #tpu.memory_space<hbm>> -> memref<60x128xi32, #tpu.memory_space<hbm>>
        %dma_start3A_45 = arith.constant 0 : i32
        %dma_start3A_46 = arith.constant 0 : i32
        %dma_start3A_47 = tpu.memref_slice %arg5[%dma_start3A_45, %dma_start3A_46] : memref<60x128xi32, #tpu.memory_space<vmem>> -> memref<60x128xi32, #tpu.memory_space<vmem>>
        %dma_start3A_48 = arith.constant 0 : i32
        %dma_start3A_49 = tpu.memref_slice %arg3[%mul3A_7, %dma_start3A_48] : memref<1280x128xi32, #tpu.memory_space<hbm>> -> memref<60x128xi32, #tpu.memory_space<hbm>>
        tpu.enqueue_dma source(%dma_start3A_49 : memref<60x128xi32, #tpu.memory_space<hbm>>) target(%dma_start3A_47 : memref<60x128xi32, #tpu.memory_space<vmem>>) target_semaphore(%run_scoped3A : memref<!tpu.dma_semaphore, #tpu.memory_space<semaphore_mem>>)
        %dma_wait3A = arith.constant 0 : i32
        %dma_wait3A_50 = arith.constant 0 : i32
        %dma_wait3A_51 = tpu.memref_slice %arg5[%dma_wait3A, %dma_wait3A_50] : memref<60x128xi32, #tpu.memory_space<vmem>> -> memref<60x128xi32, #tpu.memory_space<vmem>>
        %dma_wait3A_52 = arith.constant 0 : i32
        %dma_wait3A_53 = tpu.memref_slice %arg3[%mul3A_7, %dma_wait3A_52] : memref<1280x128xi32, #tpu.memory_space<hbm>> -> memref<60x128xi32, #tpu.memory_space<hbm>>
        %dma_wait3A_54 = arith.constant 0 : i32
        %dma_wait3A_55 = arith.constant 0 : i32
        %dma_wait3A_56 = tpu.memref_slice %arg5[%dma_wait3A_54, %dma_wait3A_55] : memref<60x128xi32, #tpu.memory_space<vmem>> -> memref<60x128xi32, #tpu.memory_space<vmem>>
        %dma_wait3A_57 = arith.constant 0 : i32
        %dma_wait3A_58 = tpu.memref_slice %arg3[%mul3A_7, %dma_wait3A_57] : memref<1280x128xi32, #tpu.memory_space<hbm>> -> memref<60x128xi32, #tpu.memory_space<hbm>>
        tpu.wait_dma2 semaphore(%run_scoped3A : memref<!tpu.dma_semaphore, #tpu.memory_space<semaphore_mem>>) src(%dma_wait3A_58 : memref<60x128xi32, #tpu.memory_space<hbm>>) dst(%dma_wait3A_56 : memref<60x128xi32, #tpu.memory_space<vmem>>)
        tpu.yield
      }) : () -> ()
      %dma_start3A = arith.constant 0 : i32
      %dma_start3A_8 = arith.constant 0 : i32
      %dma_start3A_9 = tpu.memref_slice %arg5[%dma_start3A, %dma_start3A_8] : memref<60x128xi32, #tpu.memory_space<vmem>> -> memref<1x128xi32, #tpu.memory_space<vmem>>
      %dma_start3A_10 = tpu.memref_squeeze %dma_start3A_9 : memref<1x128xi32, #tpu.memory_space<vmem>> -> memref<128xi32, #tpu.memory_space<vmem>>
      %dma_start3A_11 = arith.constant 0 : i32
      %dma_start3A_12 = arith.constant 0 : i32
      %dma_start3A_13 = tpu.memref_slice %arg2[%dma_start3A_11, %dma_start3A_12] : memref<10240x32xf32, #tpu.memory_space<hbm>> -> memref<10240x32xf32, #tpu.memory_space<hbm>>
      tpu.enqueue_indirect_dma source(%dma_start3A_13 : memref<10240x32xf32, #tpu.memory_space<hbm>>) target(%arg6 : memref<128x32xf32, #tpu.memory_space<vmem>>) offsets(%dma_start3A_10 : memref<128xi32, #tpu.memory_space<vmem>>) semaphore(%arg10 : memref<!tpu.dma_semaphore, #tpu.memory_space<semaphore_mem>>)
      %dma_start3A_14 = arith.constant 1 : i32
      %dma_start3A_15 = arith.constant 0 : i32
      %dma_start3A_16 = tpu.memref_slice %arg5[%dma_start3A_14, %dma_start3A_15] : memref<60x128xi32, #tpu.memory_space<vmem>> -> memref<1x128xi32, #tpu.memory_space<vmem>>
      %dma_start3A_17 = tpu.memref_squeeze %dma_start3A_16 : memref<1x128xi32, #tpu.memory_space<vmem>> -> memref<128xi32, #tpu.memory_space<vmem>>
      %dma_start3A_18 = arith.constant 0 : i32
      %dma_start3A_19 = arith.constant 0 : i32
      %dma_start3A_20 = tpu.memref_slice %arg2[%dma_start3A_18, %dma_start3A_19] : memref<10240x32xf32, #tpu.memory_space<hbm>> -> memref<10240x32xf32, #tpu.memory_space<hbm>>
      tpu.enqueue_indirect_dma source(%dma_start3A_20 : memref<10240x32xf32, #tpu.memory_space<hbm>>) target(%arg7 : memref<128x32xf32, #tpu.memory_space<vmem>>) offsets(%dma_start3A_17 : memref<128xi32, #tpu.memory_space<vmem>>) semaphore(%arg11 : memref<!tpu.dma_semaphore, #tpu.memory_space<semaphore_mem>>)
      %dma_start3A_21 = arith.constant 2 : i32
      %dma_start3A_22 = arith.constant 0 : i32
      %dma_start3A_23 = tpu.memref_slice %arg5[%dma_start3A_21, %dma_start3A_22] : memref<60x128xi32, #tpu.memory_space<vmem>> -> memref<1x128xi32, #tpu.memory_space<vmem>>
      %dma_start3A_24 = tpu.memref_squeeze %dma_start3A_23 : memref<1x128xi32, #tpu.memory_space<vmem>> -> memref<128xi32, #tpu.memory_space<vmem>>
      %dma_start3A_25 = arith.constant 0 : i32
      %dma_start3A_26 = arith.constant 0 : i32
      %dma_start3A_27 = tpu.memref_slice %arg2[%dma_start3A_25, %dma_start3A_26] : memref<10240x32xf32, #tpu.memory_space<hbm>> -> memref<10240x32xf32, #tpu.memory_space<hbm>>
      tpu.enqueue_indirect_dma source(%dma_start3A_27 : memref<10240x32xf32, #tpu.memory_space<hbm>>) target(%arg8 : memref<128x32xf32, #tpu.memory_space<vmem>>) offsets(%dma_start3A_24 : memref<128xi32, #tpu.memory_space<vmem>>) semaphore(%arg12 : memref<!tpu.dma_semaphore, #tpu.memory_space<semaphore_mem>>)
      %dma_start3A_28 = arith.constant 3 : i32
      %dma_start3A_29 = arith.constant 0 : i32
      %dma_start3A_30 = tpu.memref_slice %arg5[%dma_start3A_28, %dma_start3A_29] : memref<60x128xi32, #tpu.memory_space<vmem>> -> memref<1x128xi32, #tpu.memory_space<vmem>>
      %dma_start3A_31 = tpu.memref_squeeze %dma_start3A_30 : memref<1x128xi32, #tpu.memory_space<vmem>> -> memref<128xi32, #tpu.memory_space<vmem>>
      %dma_start3A_32 = arith.constant 0 : i32
      %dma_start3A_33 = arith.constant 0 : i32
      %dma_start3A_34 = tpu.memref_slice %arg2[%dma_start3A_32, %dma_start3A_33] : memref<10240x32xf32, #tpu.memory_space<hbm>> -> memref<10240x32xf32, #tpu.memory_space<hbm>>
      tpu.enqueue_indirect_dma source(%dma_start3A_34 : memref<10240x32xf32, #tpu.memory_space<hbm>>) target(%arg9 : memref<128x32xf32, #tpu.memory_space<vmem>>) offsets(%dma_start3A_31 : memref<128xi32, #tpu.memory_space<vmem>>) semaphore(%arg13 : memref<!tpu.dma_semaphore, #tpu.memory_space<semaphore_mem>>)
      %scan3A = arith.constant 0 : i32
      %scan3A_35 = arith.constant 0 : i32
      %scan3A_36 = arith.constant 15 : i32
      %scan3A_37 = arith.addi %scan3A_35, %scan3A_36 : i32
      %scan3A_38 = arith.constant 1 : i32
      scf.for %scan3A_40 = %scan3A_35 to %scan3A_37 step %scan3A_38  : i32 {
        %mul3A_41 = arith.constant 4 : i32
        %mul3A_42 = arith.muli %scan3A_40, %mul3A_41 : i32
        %add3A = arith.constant 0 : i32
        %add3A_43 = arith.addi %mul3A_42, %add3A : i32
        %dma_wait3A = arith.constant 0 : i32
        %dma_wait3A_44 = tpu.memref_slice %arg5[%add3A_43, %dma_wait3A] : memref<60x128xi32, #tpu.memory_space<vmem>> -> memref<1x128xi32, #tpu.memory_space<vmem>>
        %dma_wait3A_45 = tpu.memref_squeeze %dma_wait3A_44 : memref<1x128xi32, #tpu.memory_space<vmem>> -> memref<128xi32, #tpu.memory_space<vmem>>
        %dma_wait3A_46 = arith.constant 0 : i32
        %dma_wait3A_47 = arith.constant 0 : i32
        %dma_wait3A_48 = tpu.memref_slice %arg2[%dma_wait3A_46, %dma_wait3A_47] : memref<10240x32xf32, #tpu.memory_space<hbm>> -> memref<10240x32xf32, #tpu.memory_space<hbm>>
        tpu.wait_indirect_dma semaphore(%arg10 : memref<!tpu.dma_semaphore, #tpu.memory_space<semaphore_mem>>) src(%dma_wait3A_48 : memref<10240x32xf32, #tpu.memory_space<hbm>>) dst(%arg6 : memref<128x32xf32, #tpu.memory_space<vmem>>)
        %add3A_49 = arith.addi %mul3A_7, %add3A_43 : i32
        %mul3A_50 = arith.constant 128 : i32
        %mul3A_51 = arith.muli %add3A_49, %mul3A_50 : i32
        "tpu.region"() ({
          %run_scoped3A = tpu.sem_alloc : memref<!tpu.dma_semaphore, #tpu.memory_space<semaphore_mem>>
          %dma_start3A_118 = arith.constant 0 : i32
          %dma_start3A_119 = tpu.memref_slice %arg4[%mul3A_51, %dma_start3A_118] : memref<163840x32xf32, #tpu.memory_space<hbm>> -> memref<128x32xf32, #tpu.memory_space<hbm>>
          %dma_start3A_120 = arith.constant 0 : i32
          %dma_start3A_121 = tpu.memref_slice %arg4[%mul3A_51, %dma_start3A_120] : memref<163840x32xf32, #tpu.memory_space<hbm>> -> memref<128x32xf32, #tpu.memory_space<hbm>>
          tpu.enqueue_dma source(%arg6 : memref<128x32xf32, #tpu.memory_space<vmem>>) target(%dma_start3A_121 : memref<128x32xf32, #tpu.memory_space<hbm>>) target_semaphore(%run_scoped3A : memref<!tpu.dma_semaphore, #tpu.memory_space<semaphore_mem>>)
          %dma_wait3A_122 = arith.constant 0 : i32
          %dma_wait3A_123 = tpu.memref_slice %arg4[%mul3A_51, %dma_wait3A_122] : memref<163840x32xf32, #tpu.memory_space<hbm>> -> memref<128x32xf32, #tpu.memory_space<hbm>>
          %dma_wait3A_124 = arith.constant 0 : i32
          %dma_wait3A_125 = tpu.memref_slice %arg4[%mul3A_51, %dma_wait3A_124] : memref<163840x32xf32, #tpu.memory_space<hbm>> -> memref<128x32xf32, #tpu.memory_space<hbm>>
          tpu.wait_dma2 semaphore(%run_scoped3A : memref<!tpu.dma_semaphore, #tpu.memory_space<semaphore_mem>>) src(%arg6 : memref<128x32xf32, #tpu.memory_space<vmem>>) dst(%dma_wait3A_125 : memref<128x32xf32, #tpu.memory_space<hbm>>)
          tpu.yield
        }) : () -> ()
        %add3A_52 = arith.constant 4 : i32
        %add3A_53 = arith.addi %add3A_43, %add3A_52 : i32
        %lt3A = arith.constant 60 : i32
        %lt3A_54 = arith.cmpi slt, %add3A_53, %lt3A : i32
        %convert_element_type3A_55 = arith.extui %lt3A_54 : i1 to i32
        %cond3A_56 = arith.constant 0 : i32
        %cond3A_57 = arith.cmpi ne, %convert_element_type3A_55, %cond3A_56 : i32
        scf.if %cond3A_57 {
          %add3A_118 = arith.constant 4 : i32
          %add3A_119 = arith.addi %add3A_43, %add3A_118 : i32
          %dma_start3A_120 = arith.constant 0 : i32
          %dma_start3A_121 = tpu.memref_slice %arg5[%add3A_119, %dma_start3A_120] : memref<60x128xi32, #tpu.memory_space<vmem>> -> memref<1x128xi32, #tpu.memory_space<vmem>>
          %dma_start3A_122 = tpu.memref_squeeze %dma_start3A_121 : memref<1x128xi32, #tpu.memory_space<vmem>> -> memref<128xi32, #tpu.memory_space<vmem>>
          %dma_start3A_123 = arith.constant 0 : i32
          %dma_start3A_124 = arith.constant 0 : i32
          %dma_start3A_125 = tpu.memref_slice %arg2[%dma_start3A_123, %dma_start3A_124] : memref<10240x32xf32, #tpu.memory_space<hbm>> -> memref<10240x32xf32, #tpu.memory_space<hbm>>
          tpu.enqueue_indirect_dma source(%dma_start3A_125 : memref<10240x32xf32, #tpu.memory_space<hbm>>) target(%arg6 : memref<128x32xf32, #tpu.memory_space<vmem>>) offsets(%dma_start3A_122 : memref<128xi32, #tpu.memory_space<vmem>>) semaphore(%arg10 : memref<!tpu.dma_semaphore, #tpu.memory_space<semaphore_mem>>)
        } else {
        }
        %mul3A_58 = arith.constant 4 : i32
        %mul3A_59 = arith.muli %scan3A_40, %mul3A_58 : i32
        %add3A_60 = arith.constant 1 : i32
        %add3A_61 = arith.addi %mul3A_59, %add3A_60 : i32
        %dma_wait3A_62 = arith.constant 0 : i32
        %dma_wait3A_63 = tpu.memref_slice %arg5[%add3A_61, %dma_wait3A_62] : memref<60x128xi32, #tpu.memory_space<vmem>> -> memref<1x128xi32, #tpu.memory_space<vmem>>
        %dma_wait3A_64 = tpu.memref_squeeze %dma_wait3A_63 : memref<1x128xi32, #tpu.memory_space<vmem>> -> memref<128xi32, #tpu.memory_space<vmem>>
        %dma_wait3A_65 = arith.constant 0 : i32
        %dma_wait3A_66 = arith.constant 0 : i32
        %dma_wait3A_67 = tpu.memref_slice %arg2[%dma_wait3A_65, %dma_wait3A_66] : memref<10240x32xf32, #tpu.memory_space<hbm>> -> memref<10240x32xf32, #tpu.memory_space<hbm>>
        tpu.wait_indirect_dma semaphore(%arg11 : memref<!tpu.dma_semaphore, #tpu.memory_space<semaphore_mem>>) src(%dma_wait3A_67 : memref<10240x32xf32, #tpu.memory_space<hbm>>) dst(%arg7 : memref<128x32xf32, #tpu.memory_space<vmem>>)
        %add3A_68 = arith.addi %mul3A_7, %add3A_61 : i32
        %mul3A_69 = arith.constant 128 : i32
        %mul3A_70 = arith.muli %add3A_68, %mul3A_69 : i32
        "tpu.region"() ({
          %run_scoped3A = tpu.sem_alloc : memref<!tpu.dma_semaphore, #tpu.memory_space<semaphore_mem>>
          %dma_start3A_118 = arith.constant 0 : i32
          %dma_start3A_119 = tpu.memref_slice %arg4[%mul3A_70, %dma_start3A_118] : memref<163840x32xf32, #tpu.memory_space<hbm>> -> memref<128x32xf32, #tpu.memory_space<hbm>>
          %dma_start3A_120 = arith.constant 0 : i32
          %dma_start3A_121 = tpu.memref_slice %arg4[%mul3A_70, %dma_start3A_120] : memref<163840x32xf32, #tpu.memory_space<hbm>> -> memref<128x32xf32, #tpu.memory_space<hbm>>
          tpu.enqueue_dma source(%arg7 : memref<128x32xf32, #tpu.memory_space<vmem>>) target(%dma_start3A_121 : memref<128x32xf32, #tpu.memory_space<hbm>>) target_semaphore(%run_scoped3A : memref<!tpu.dma_semaphore, #tpu.memory_space<semaphore_mem>>)
          %dma_wait3A_122 = arith.constant 0 : i32
          %dma_wait3A_123 = tpu.memref_slice %arg4[%mul3A_70, %dma_wait3A_122] : memref<163840x32xf32, #tpu.memory_space<hbm>> -> memref<128x32xf32, #tpu.memory_space<hbm>>
          %dma_wait3A_124 = arith.constant 0 : i32
          %dma_wait3A_125 = tpu.memref_slice %arg4[%mul3A_70, %dma_wait3A_124] : memref<163840x32xf32, #tpu.memory_space<hbm>> -> memref<128x32xf32, #tpu.memory_space<hbm>>
          tpu.wait_dma2 semaphore(%run_scoped3A : memref<!tpu.dma_semaphore, #tpu.memory_space<semaphore_mem>>) src(%arg7 : memref<128x32xf32, #tpu.memory_space<vmem>>) dst(%dma_wait3A_125 : memref<128x32xf32, #tpu.memory_space<hbm>>)
          tpu.yield
        }) : () -> ()
        %add3A_71 = arith.constant 4 : i32
        %add3A_72 = arith.addi %add3A_61, %add3A_71 : i32
        %lt3A_73 = arith.constant 60 : i32
        %lt3A_74 = arith.cmpi slt, %add3A_72, %lt3A_73 : i32
        %convert_element_type3A_75 = arith.extui %lt3A_74 : i1 to i32
        %cond3A_76 = arith.constant 0 : i32
        %cond3A_77 = arith.cmpi ne, %convert_element_type3A_75, %cond3A_76 : i32
        scf.if %cond3A_77 {
          %add3A_118 = arith.constant 4 : i32
          %add3A_119 = arith.addi %add3A_61, %add3A_118 : i32
          %dma_start3A_120 = arith.constant 0 : i32
          %dma_start3A_121 = tpu.memref_slice %arg5[%add3A_119, %dma_start3A_120] : memref<60x128xi32, #tpu.memory_space<vmem>> -> memref<1x128xi32, #tpu.memory_space<vmem>>
          %dma_start3A_122 = tpu.memref_squeeze %dma_start3A_121 : memref<1x128xi32, #tpu.memory_space<vmem>> -> memref<128xi32, #tpu.memory_space<vmem>>
          %dma_start3A_123 = arith.constant 0 : i32
          %dma_start3A_124 = arith.constant 0 : i32
          %dma_start3A_125 = tpu.memref_slice %arg2[%dma_start3A_123, %dma_start3A_124] : memref<10240x32xf32, #tpu.memory_space<hbm>> -> memref<10240x32xf32, #tpu.memory_space<hbm>>
          tpu.enqueue_indirect_dma source(%dma_start3A_125 : memref<10240x32xf32, #tpu.memory_space<hbm>>) target(%arg7 : memref<128x32xf32, #tpu.memory_space<vmem>>) offsets(%dma_start3A_122 : memref<128xi32, #tpu.memory_space<vmem>>) semaphore(%arg11 : memref<!tpu.dma_semaphore, #tpu.memory_space<semaphore_mem>>)
        } else {
        }
        %mul3A_78 = arith.constant 4 : i32
        %mul3A_79 = arith.muli %scan3A_40, %mul3A_78 : i32
        %add3A_80 = arith.constant 2 : i32
        %add3A_81 = arith.addi %mul3A_79, %add3A_80 : i32
        %dma_wait3A_82 = arith.constant 0 : i32
        %dma_wait3A_83 = tpu.memref_slice %arg5[%add3A_81, %dma_wait3A_82] : memref<60x128xi32, #tpu.memory_space<vmem>> -> memref<1x128xi32, #tpu.memory_space<vmem>>
        %dma_wait3A_84 = tpu.memref_squeeze %dma_wait3A_83 : memref<1x128xi32, #tpu.memory_space<vmem>> -> memref<128xi32, #tpu.memory_space<vmem>>
        %dma_wait3A_85 = arith.constant 0 : i32
        %dma_wait3A_86 = arith.constant 0 : i32
        %dma_wait3A_87 = tpu.memref_slice %arg2[%dma_wait3A_85, %dma_wait3A_86] : memref<10240x32xf32, #tpu.memory_space<hbm>> -> memref<10240x32xf32, #tpu.memory_space<hbm>>
        tpu.wait_indirect_dma semaphore(%arg12 : memref<!tpu.dma_semaphore, #tpu.memory_space<semaphore_mem>>) src(%dma_wait3A_87 : memref<10240x32xf32, #tpu.memory_space<hbm>>) dst(%arg8 : memref<128x32xf32, #tpu.memory_space<vmem>>)
        %add3A_88 = arith.addi %mul3A_7, %add3A_81 : i32
        %mul3A_89 = arith.constant 128 : i32
        %mul3A_90 = arith.muli %add3A_88, %mul3A_89 : i32
        "tpu.region"() ({
          %run_scoped3A = tpu.sem_alloc : memref<!tpu.dma_semaphore, #tpu.memory_space<semaphore_mem>>
          %dma_start3A_118 = arith.constant 0 : i32
          %dma_start3A_119 = tpu.memref_slice %arg4[%mul3A_90, %dma_start3A_118] : memref<163840x32xf32, #tpu.memory_space<hbm>> -> memref<128x32xf32, #tpu.memory_space<hbm>>
          %dma_start3A_120 = arith.constant 0 : i32
          %dma_start3A_121 = tpu.memref_slice %arg4[%mul3A_90, %dma_start3A_120] : memref<163840x32xf32, #tpu.memory_space<hbm>> -> memref<128x32xf32, #tpu.memory_space<hbm>>
          tpu.enqueue_dma source(%arg8 : memref<128x32xf32, #tpu.memory_space<vmem>>) target(%dma_start3A_121 : memref<128x32xf32, #tpu.memory_space<hbm>>) target_semaphore(%run_scoped3A : memref<!tpu.dma_semaphore, #tpu.memory_space<semaphore_mem>>)
          %dma_wait3A_122 = arith.constant 0 : i32
          %dma_wait3A_123 = tpu.memref_slice %arg4[%mul3A_90, %dma_wait3A_122] : memref<163840x32xf32, #tpu.memory_space<hbm>> -> memref<128x32xf32, #tpu.memory_space<hbm>>
          %dma_wait3A_124 = arith.constant 0 : i32
          %dma_wait3A_125 = tpu.memref_slice %arg4[%mul3A_90, %dma_wait3A_124] : memref<163840x32xf32, #tpu.memory_space<hbm>> -> memref<128x32xf32, #tpu.memory_space<hbm>>
          tpu.wait_dma2 semaphore(%run_scoped3A : memref<!tpu.dma_semaphore, #tpu.memory_space<semaphore_mem>>) src(%arg8 : memref<128x32xf32, #tpu.memory_space<vmem>>) dst(%dma_wait3A_125 : memref<128x32xf32, #tpu.memory_space<hbm>>)
          tpu.yield
        }) : () -> ()
        %add3A_91 = arith.constant 4 : i32
        %add3A_92 = arith.addi %add3A_81, %add3A_91 : i32
        %lt3A_93 = arith.constant 60 : i32
        %lt3A_94 = arith.cmpi slt, %add3A_92, %lt3A_93 : i32
        %convert_element_type3A_95 = arith.extui %lt3A_94 : i1 to i32
        %cond3A_96 = arith.constant 0 : i32
        %cond3A_97 = arith.cmpi ne, %convert_element_type3A_95, %cond3A_96 : i32
        scf.if %cond3A_97 {
          %add3A_118 = arith.constant 4 : i32
          %add3A_119 = arith.addi %add3A_81, %add3A_118 : i32
          %dma_start3A_120 = arith.constant 0 : i32
          %dma_start3A_121 = tpu.memref_slice %arg5[%add3A_119, %dma_start3A_120] : memref<60x128xi32, #tpu.memory_space<vmem>> -> memref<1x128xi32, #tpu.memory_space<vmem>>
          %dma_start3A_122 = tpu.memref_squeeze %dma_start3A_121 : memref<1x128xi32, #tpu.memory_space<vmem>> -> memref<128xi32, #tpu.memory_space<vmem>>
          %dma_start3A_123 = arith.constant 0 : i32
          %dma_start3A_124 = arith.constant 0 : i32
          %dma_start3A_125 = tpu.memref_slice %arg2[%dma_start3A_123, %dma_start3A_124] : memref<10240x32xf32, #tpu.memory_space<hbm>> -> memref<10240x32xf32, #tpu.memory_space<hbm>>
          tpu.enqueue_indirect_dma source(%dma_start3A_125 : memref<10240x32xf32, #tpu.memory_space<hbm>>) target(%arg8 : memref<128x32xf32, #tpu.memory_space<vmem>>) offsets(%dma_start3A_122 : memref<128xi32, #tpu.memory_space<vmem>>) semaphore(%arg12 : memref<!tpu.dma_semaphore, #tpu.memory_space<semaphore_mem>>)
        } else {
        }
        %mul3A_98 = arith.constant 4 : i32
        %mul3A_99 = arith.muli %scan3A_40, %mul3A_98 : i32
        %add3A_100 = arith.constant 3 : i32
        %add3A_101 = arith.addi %mul3A_99, %add3A_100 : i32
        %dma_wait3A_102 = arith.constant 0 : i32
        %dma_wait3A_103 = tpu.memref_slice %arg5[%add3A_101, %dma_wait3A_102] : memref<60x128xi32, #tpu.memory_space<vmem>> -> memref<1x128xi32, #tpu.memory_space<vmem>>
        %dma_wait3A_104 = tpu.memref_squeeze %dma_wait3A_103 : memref<1x128xi32, #tpu.memory_space<vmem>> -> memref<128xi32, #tpu.memory_space<vmem>>
        %dma_wait3A_105 = arith.constant 0 : i32
        %dma_wait3A_106 = arith.constant 0 : i32
        %dma_wait3A_107 = tpu.memref_slice %arg2[%dma_wait3A_105, %dma_wait3A_106] : memref<10240x32xf32, #tpu.memory_space<hbm>> -> memref<10240x32xf32, #tpu.memory_space<hbm>>
        tpu.wait_indirect_dma semaphore(%arg13 : memref<!tpu.dma_semaphore, #tpu.memory_space<semaphore_mem>>) src(%dma_wait3A_107 : memref<10240x32xf32, #tpu.memory_space<hbm>>) dst(%arg9 : memref<128x32xf32, #tpu.memory_space<vmem>>)
        %add3A_108 = arith.addi %mul3A_7, %add3A_101 : i32
        %mul3A_109 = arith.constant 128 : i32
        %mul3A_110 = arith.muli %add3A_108, %mul3A_109 : i32
        "tpu.region"() ({
          %run_scoped3A = tpu.sem_alloc : memref<!tpu.dma_semaphore, #tpu.memory_space<semaphore_mem>>
          %dma_start3A_118 = arith.constant 0 : i32
          %dma_start3A_119 = tpu.memref_slice %arg4[%mul3A_110, %dma_start3A_118] : memref<163840x32xf32, #tpu.memory_space<hbm>> -> memref<128x32xf32, #tpu.memory_space<hbm>>
          %dma_start3A_120 = arith.constant 0 : i32
          %dma_start3A_121 = tpu.memref_slice %arg4[%mul3A_110, %dma_start3A_120] : memref<163840x32xf32, #tpu.memory_space<hbm>> -> memref<128x32xf32, #tpu.memory_space<hbm>>
          tpu.enqueue_dma source(%arg9 : memref<128x32xf32, #tpu.memory_space<vmem>>) target(%dma_start3A_121 : memref<128x32xf32, #tpu.memory_space<hbm>>) target_semaphore(%run_scoped3A : memref<!tpu.dma_semaphore, #tpu.memory_space<semaphore_mem>>)
          %dma_wait3A_122 = arith.constant 0 : i32
          %dma_wait3A_123 = tpu.memref_slice %arg4[%mul3A_110, %dma_wait3A_122] : memref<163840x32xf32, #tpu.memory_space<hbm>> -> memref<128x32xf32, #tpu.memory_space<hbm>>
          %dma_wait3A_124 = arith.constant 0 : i32
          %dma_wait3A_125 = tpu.memref_slice %arg4[%mul3A_110, %dma_wait3A_124] : memref<163840x32xf32, #tpu.memory_space<hbm>> -> memref<128x32xf32, #tpu.memory_space<hbm>>
          tpu.wait_dma2 semaphore(%run_scoped3A : memref<!tpu.dma_semaphore, #tpu.memory_space<semaphore_mem>>) src(%arg9 : memref<128x32xf32, #tpu.memory_space<vmem>>) dst(%dma_wait3A_125 : memref<128x32xf32, #tpu.memory_space<hbm>>)
          tpu.yield
        }) : () -> ()
        %add3A_111 = arith.constant 4 : i32
        %add3A_112 = arith.addi %add3A_101, %add3A_111 : i32
        %lt3A_113 = arith.constant 60 : i32
        %lt3A_114 = arith.cmpi slt, %add3A_112, %lt3A_113 : i32
        %convert_element_type3A_115 = arith.extui %lt3A_114 : i1 to i32
        %cond3A_116 = arith.constant 0 : i32
        %cond3A_117 = arith.cmpi ne, %convert_element_type3A_115, %cond3A_116 : i32
        scf.if %cond3A_117 {
          %add3A_118 = arith.constant 4 : i32
          %add3A_119 = arith.addi %add3A_101, %add3A_118 : i32
          %dma_start3A_120 = arith.constant 0 : i32
          %dma_start3A_121 = tpu.memref_slice %arg5[%add3A_119, %dma_start3A_120] : memref<60x128xi32, #tpu.memory_space<vmem>> -> memref<1x128xi32, #tpu.memory_space<vmem>>
          %dma_start3A_122 = tpu.memref_squeeze %dma_start3A_121 : memref<1x128xi32, #tpu.memory_space<vmem>> -> memref<128xi32, #tpu.memory_space<vmem>>
          %dma_start3A_123 = arith.constant 0 : i32
          %dma_start3A_124 = arith.constant 0 : i32
          %dma_start3A_125 = tpu.memref_slice %arg2[%dma_start3A_123, %dma_start3A_124] : memref<10240x32xf32, #tpu.memory_space<hbm>> -> memref<10240x32xf32, #tpu.memory_space<hbm>>
          tpu.enqueue_indirect_dma source(%dma_start3A_125 : memref<10240x32xf32, #tpu.memory_space<hbm>>) target(%arg9 : memref<128x32xf32, #tpu.memory_space<vmem>>) offsets(%dma_start3A_122 : memref<128xi32, #tpu.memory_space<vmem>>) semaphore(%arg13 : memref<!tpu.dma_semaphore, #tpu.memory_space<semaphore_mem>>)
        } else {
        }
      }
      %scan3A_39 = arith.constant 15 : i32
    } else {
    }
    %eq3A_2 = arith.constant 0 : i32
    %eq3A_3 = arith.cmpi eq, %arg0, %eq3A_2 : i32
    %convert_element_type3A_4 = arith.extui %eq3A_3 : i1 to i32
    %cond3A_5 = arith.constant 0 : i32
    %cond3A_6 = arith.cmpi ne, %convert_element_type3A_4, %cond3A_5 : i32
    scf.if %cond3A_6 {
      %mul3A = arith.constant 20 : i32
      %mul3A_7 = arith.muli %arg1, %mul3A : i32
      %add3A = arith.constant 960 : i32
      %add3A_8 = arith.addi %add3A, %mul3A_7 : i32
      "tpu.region"() ({
        %run_scoped3A = tpu.sem_alloc : memref<!tpu.dma_semaphore, #tpu.memory_space<semaphore_mem>>
        %dma_start3A_41 = arith.constant 0 : i32
        %dma_start3A_42 = arith.constant 0 : i32
        %dma_start3A_43 = tpu.memref_slice %arg5[%dma_start3A_41, %dma_start3A_42] : memref<60x128xi32, #tpu.memory_space<vmem>> -> memref<20x128xi32, #tpu.memory_space<vmem>>
        %dma_start3A_44 = arith.constant 0 : i32
        %dma_start3A_45 = tpu.memref_slice %arg3[%add3A_8, %dma_start3A_44] : memref<1280x128xi32, #tpu.memory_space<hbm>> -> memref<20x128xi32, #tpu.memory_space<hbm>>
        %dma_start3A_46 = arith.constant 0 : i32
        %dma_start3A_47 = arith.constant 0 : i32
        %dma_start3A_48 = tpu.memref_slice %arg5[%dma_start3A_46, %dma_start3A_47] : memref<60x128xi32, #tpu.memory_space<vmem>> -> memref<20x128xi32, #tpu.memory_space<vmem>>
        %dma_start3A_49 = arith.constant 0 : i32
        %dma_start3A_50 = tpu.memref_slice %arg3[%add3A_8, %dma_start3A_49] : memref<1280x128xi32, #tpu.memory_space<hbm>> -> memref<20x128xi32, #tpu.memory_space<hbm>>
        tpu.enqueue_dma source(%dma_start3A_50 : memref<20x128xi32, #tpu.memory_space<hbm>>) target(%dma_start3A_48 : memref<20x128xi32, #tpu.memory_space<vmem>>) target_semaphore(%run_scoped3A : memref<!tpu.dma_semaphore, #tpu.memory_space<semaphore_mem>>)
        %dma_wait3A = arith.constant 0 : i32
        %dma_wait3A_51 = arith.constant 0 : i32
        %dma_wait3A_52 = tpu.memref_slice %arg5[%dma_wait3A, %dma_wait3A_51] : memref<60x128xi32, #tpu.memory_space<vmem>> -> memref<20x128xi32, #tpu.memory_space<vmem>>
        %dma_wait3A_53 = arith.constant 0 : i32
        %dma_wait3A_54 = tpu.memref_slice %arg3[%add3A_8, %dma_wait3A_53] : memref<1280x128xi32, #tpu.memory_space<hbm>> -> memref<20x128xi32, #tpu.memory_space<hbm>>
        %dma_wait3A_55 = arith.constant 0 : i32
        %dma_wait3A_56 = arith.constant 0 : i32
        %dma_wait3A_57 = tpu.memref_slice %arg5[%dma_wait3A_55, %dma_wait3A_56] : memref<60x128xi32, #tpu.memory_space<vmem>> -> memref<20x128xi32, #tpu.memory_space<vmem>>
        %dma_wait3A_58 = arith.constant 0 : i32
        %dma_wait3A_59 = tpu.memref_slice %arg3[%add3A_8, %dma_wait3A_58] : memref<1280x128xi32, #tpu.memory_space<hbm>> -> memref<20x128xi32, #tpu.memory_space<hbm>>
        tpu.wait_dma2 semaphore(%run_scoped3A : memref<!tpu.dma_semaphore, #tpu.memory_space<semaphore_mem>>) src(%dma_wait3A_59 : memref<20x128xi32, #tpu.memory_space<hbm>>) dst(%dma_wait3A_57 : memref<20x128xi32, #tpu.memory_space<vmem>>)
        tpu.yield
      }) : () -> ()
      %dma_start3A = arith.constant 0 : i32
      %dma_start3A_9 = arith.constant 0 : i32
      %dma_start3A_10 = tpu.memref_slice %arg5[%dma_start3A, %dma_start3A_9] : memref<60x128xi32, #tpu.memory_space<vmem>> -> memref<1x128xi32, #tpu.memory_space<vmem>>
      %dma_start3A_11 = tpu.memref_squeeze %dma_start3A_10 : memref<1x128xi32, #tpu.memory_space<vmem>> -> memref<128xi32, #tpu.memory_space<vmem>>
      %dma_start3A_12 = arith.constant 0 : i32
      %dma_start3A_13 = arith.constant 0 : i32
      %dma_start3A_14 = tpu.memref_slice %arg2[%dma_start3A_12, %dma_start3A_13] : memref<10240x32xf32, #tpu.memory_space<hbm>> -> memref<10240x32xf32, #tpu.memory_space<hbm>>
      tpu.enqueue_indirect_dma source(%dma_start3A_14 : memref<10240x32xf32, #tpu.memory_space<hbm>>) target(%arg6 : memref<128x32xf32, #tpu.memory_space<vmem>>) offsets(%dma_start3A_11 : memref<128xi32, #tpu.memory_space<vmem>>) semaphore(%arg10 : memref<!tpu.dma_semaphore, #tpu.memory_space<semaphore_mem>>)
      %dma_start3A_15 = arith.constant 1 : i32
      %dma_start3A_16 = arith.constant 0 : i32
      %dma_start3A_17 = tpu.memref_slice %arg5[%dma_start3A_15, %dma_start3A_16] : memref<60x128xi32, #tpu.memory_space<vmem>> -> memref<1x128xi32, #tpu.memory_space<vmem>>
      %dma_start3A_18 = tpu.memref_squeeze %dma_start3A_17 : memref<1x128xi32, #tpu.memory_space<vmem>> -> memref<128xi32, #tpu.memory_space<vmem>>
      %dma_start3A_19 = arith.constant 0 : i32
      %dma_start3A_20 = arith.constant 0 : i32
      %dma_start3A_21 = tpu.memref_slice %arg2[%dma_start3A_19, %dma_start3A_20] : memref<10240x32xf32, #tpu.memory_space<hbm>> -> memref<10240x32xf32, #tpu.memory_space<hbm>>
      tpu.enqueue_indirect_dma source(%dma_start3A_21 : memref<10240x32xf32, #tpu.memory_space<hbm>>) target(%arg7 : memref<128x32xf32, #tpu.memory_space<vmem>>) offsets(%dma_start3A_18 : memref<128xi32, #tpu.memory_space<vmem>>) semaphore(%arg11 : memref<!tpu.dma_semaphore, #tpu.memory_space<semaphore_mem>>)
      %dma_start3A_22 = arith.constant 2 : i32
      %dma_start3A_23 = arith.constant 0 : i32
      %dma_start3A_24 = tpu.memref_slice %arg5[%dma_start3A_22, %dma_start3A_23] : memref<60x128xi32, #tpu.memory_space<vmem>> -> memref<1x128xi32, #tpu.memory_space<vmem>>
      %dma_start3A_25 = tpu.memref_squeeze %dma_start3A_24 : memref<1x128xi32, #tpu.memory_space<vmem>> -> memref<128xi32, #tpu.memory_space<vmem>>
      %dma_start3A_26 = arith.constant 0 : i32
      %dma_start3A_27 = arith.constant 0 : i32
      %dma_start3A_28 = tpu.memref_slice %arg2[%dma_start3A_26, %dma_start3A_27] : memref<10240x32xf32, #tpu.memory_space<hbm>> -> memref<10240x32xf32, #tpu.memory_space<hbm>>
      tpu.enqueue_indirect_dma source(%dma_start3A_28 : memref<10240x32xf32, #tpu.memory_space<hbm>>) target(%arg8 : memref<128x32xf32, #tpu.memory_space<vmem>>) offsets(%dma_start3A_25 : memref<128xi32, #tpu.memory_space<vmem>>) semaphore(%arg12 : memref<!tpu.dma_semaphore, #tpu.memory_space<semaphore_mem>>)
      %dma_start3A_29 = arith.constant 3 : i32
      %dma_start3A_30 = arith.constant 0 : i32
      %dma_start3A_31 = tpu.memref_slice %arg5[%dma_start3A_29, %dma_start3A_30] : memref<60x128xi32, #tpu.memory_space<vmem>> -> memref<1x128xi32, #tpu.memory_space<vmem>>
      %dma_start3A_32 = tpu.memref_squeeze %dma_start3A_31 : memref<1x128xi32, #tpu.memory_space<vmem>> -> memref<128xi32, #tpu.memory_space<vmem>>
      %dma_start3A_33 = arith.constant 0 : i32
      %dma_start3A_34 = arith.constant 0 : i32
      %dma_start3A_35 = tpu.memref_slice %arg2[%dma_start3A_33, %dma_start3A_34] : memref<10240x32xf32, #tpu.memory_space<hbm>> -> memref<10240x32xf32, #tpu.memory_space<hbm>>
      tpu.enqueue_indirect_dma source(%dma_start3A_35 : memref<10240x32xf32, #tpu.memory_space<hbm>>) target(%arg9 : memref<128x32xf32, #tpu.memory_space<vmem>>) offsets(%dma_start3A_32 : memref<128xi32, #tpu.memory_space<vmem>>) semaphore(%arg13 : memref<!tpu.dma_semaphore, #tpu.memory_space<semaphore_mem>>)
      %scan3A = arith.constant 0 : i32
      %scan3A_36 = arith.constant 0 : i32
      %scan3A_37 = arith.constant 5 : i32
      %scan3A_38 = arith.addi %scan3A_36, %scan3A_37 : i32
      %scan3A_39 = arith.constant 1 : i32
      scf.for %scan3A_41 = %scan3A_36 to %scan3A_38 step %scan3A_39  : i32 {
        %mul3A_42 = arith.constant 4 : i32
        %mul3A_43 = arith.muli %scan3A_41, %mul3A_42 : i32
        %add3A_44 = arith.constant 0 : i32
        %add3A_45 = arith.addi %mul3A_43, %add3A_44 : i32
        %dma_wait3A = arith.constant 0 : i32
        %dma_wait3A_46 = tpu.memref_slice %arg5[%add3A_45, %dma_wait3A] : memref<60x128xi32, #tpu.memory_space<vmem>> -> memref<1x128xi32, #tpu.memory_space<vmem>>
        %dma_wait3A_47 = tpu.memref_squeeze %dma_wait3A_46 : memref<1x128xi32, #tpu.memory_space<vmem>> -> memref<128xi32, #tpu.memory_space<vmem>>
        %dma_wait3A_48 = arith.constant 0 : i32
        %dma_wait3A_49 = arith.constant 0 : i32
        %dma_wait3A_50 = tpu.memref_slice %arg2[%dma_wait3A_48, %dma_wait3A_49] : memref<10240x32xf32, #tpu.memory_space<hbm>> -> memref<10240x32xf32, #tpu.memory_space<hbm>>
        tpu.wait_indirect_dma semaphore(%arg10 : memref<!tpu.dma_semaphore, #tpu.memory_space<semaphore_mem>>) src(%dma_wait3A_50 : memref<10240x32xf32, #tpu.memory_space<hbm>>) dst(%arg6 : memref<128x32xf32, #tpu.memory_space<vmem>>)
        %add3A_51 = arith.addi %add3A_8, %add3A_45 : i32
        %mul3A_52 = arith.constant 128 : i32
        %mul3A_53 = arith.muli %add3A_51, %mul3A_52 : i32
        "tpu.region"() ({
          %run_scoped3A = tpu.sem_alloc : memref<!tpu.dma_semaphore, #tpu.memory_space<semaphore_mem>>
          %dma_start3A_120 = arith.constant 0 : i32
          %dma_start3A_121 = tpu.memref_slice %arg4[%mul3A_53, %dma_start3A_120] : memref<163840x32xf32, #tpu.memory_space<hbm>> -> memref<128x32xf32, #tpu.memory_space<hbm>>
          %dma_start3A_122 = arith.constant 0 : i32
          %dma_start3A_123 = tpu.memref_slice %arg4[%mul3A_53, %dma_start3A_122] : memref<163840x32xf32, #tpu.memory_space<hbm>> -> memref<128x32xf32, #tpu.memory_space<hbm>>
          tpu.enqueue_dma source(%arg6 : memref<128x32xf32, #tpu.memory_space<vmem>>) target(%dma_start3A_123 : memref<128x32xf32, #tpu.memory_space<hbm>>) target_semaphore(%run_scoped3A : memref<!tpu.dma_semaphore, #tpu.memory_space<semaphore_mem>>)
          %dma_wait3A_124 = arith.constant 0 : i32
          %dma_wait3A_125 = tpu.memref_slice %arg4[%mul3A_53, %dma_wait3A_124] : memref<163840x32xf32, #tpu.memory_space<hbm>> -> memref<128x32xf32, #tpu.memory_space<hbm>>
          %dma_wait3A_126 = arith.constant 0 : i32
          %dma_wait3A_127 = tpu.memref_slice %arg4[%mul3A_53, %dma_wait3A_126] : memref<163840x32xf32, #tpu.memory_space<hbm>> -> memref<128x32xf32, #tpu.memory_space<hbm>>
          tpu.wait_dma2 semaphore(%run_scoped3A : memref<!tpu.dma_semaphore, #tpu.memory_space<semaphore_mem>>) src(%arg6 : memref<128x32xf32, #tpu.memory_space<vmem>>) dst(%dma_wait3A_127 : memref<128x32xf32, #tpu.memory_space<hbm>>)
          tpu.yield
        }) : () -> ()
        %add3A_54 = arith.constant 4 : i32
        %add3A_55 = arith.addi %add3A_45, %add3A_54 : i32
        %lt3A = arith.constant 20 : i32
        %lt3A_56 = arith.cmpi slt, %add3A_55, %lt3A : i32
        %convert_element_type3A_57 = arith.extui %lt3A_56 : i1 to i32
        %cond3A_58 = arith.constant 0 : i32
        %cond3A_59 = arith.cmpi ne, %convert_element_type3A_57, %cond3A_58 : i32
        scf.if %cond3A_59 {
          %add3A_120 = arith.constant 4 : i32
          %add3A_121 = arith.addi %add3A_45, %add3A_120 : i32
          %dma_start3A_122 = arith.constant 0 : i32
          %dma_start3A_123 = tpu.memref_slice %arg5[%add3A_121, %dma_start3A_122] : memref<60x128xi32, #tpu.memory_space<vmem>> -> memref<1x128xi32, #tpu.memory_space<vmem>>
          %dma_start3A_124 = tpu.memref_squeeze %dma_start3A_123 : memref<1x128xi32, #tpu.memory_space<vmem>> -> memref<128xi32, #tpu.memory_space<vmem>>
          %dma_start3A_125 = arith.constant 0 : i32
          %dma_start3A_126 = arith.constant 0 : i32
          %dma_start3A_127 = tpu.memref_slice %arg2[%dma_start3A_125, %dma_start3A_126] : memref<10240x32xf32, #tpu.memory_space<hbm>> -> memref<10240x32xf32, #tpu.memory_space<hbm>>
          tpu.enqueue_indirect_dma source(%dma_start3A_127 : memref<10240x32xf32, #tpu.memory_space<hbm>>) target(%arg6 : memref<128x32xf32, #tpu.memory_space<vmem>>) offsets(%dma_start3A_124 : memref<128xi32, #tpu.memory_space<vmem>>) semaphore(%arg10 : memref<!tpu.dma_semaphore, #tpu.memory_space<semaphore_mem>>)
        } else {
        }
        %mul3A_60 = arith.constant 4 : i32
        %mul3A_61 = arith.muli %scan3A_41, %mul3A_60 : i32
        %add3A_62 = arith.constant 1 : i32
        %add3A_63 = arith.addi %mul3A_61, %add3A_62 : i32
        %dma_wait3A_64 = arith.constant 0 : i32
        %dma_wait3A_65 = tpu.memref_slice %arg5[%add3A_63, %dma_wait3A_64] : memref<60x128xi32, #tpu.memory_space<vmem>> -> memref<1x128xi32, #tpu.memory_space<vmem>>
        %dma_wait3A_66 = tpu.memref_squeeze %dma_wait3A_65 : memref<1x128xi32, #tpu.memory_space<vmem>> -> memref<128xi32, #tpu.memory_space<vmem>>
        %dma_wait3A_67 = arith.constant 0 : i32
        %dma_wait3A_68 = arith.constant 0 : i32
        %dma_wait3A_69 = tpu.memref_slice %arg2[%dma_wait3A_67, %dma_wait3A_68] : memref<10240x32xf32, #tpu.memory_space<hbm>> -> memref<10240x32xf32, #tpu.memory_space<hbm>>
        tpu.wait_indirect_dma semaphore(%arg11 : memref<!tpu.dma_semaphore, #tpu.memory_space<semaphore_mem>>) src(%dma_wait3A_69 : memref<10240x32xf32, #tpu.memory_space<hbm>>) dst(%arg7 : memref<128x32xf32, #tpu.memory_space<vmem>>)
        %add3A_70 = arith.addi %add3A_8, %add3A_63 : i32
        %mul3A_71 = arith.constant 128 : i32
        %mul3A_72 = arith.muli %add3A_70, %mul3A_71 : i32
        "tpu.region"() ({
          %run_scoped3A = tpu.sem_alloc : memref<!tpu.dma_semaphore, #tpu.memory_space<semaphore_mem>>
          %dma_start3A_120 = arith.constant 0 : i32
          %dma_start3A_121 = tpu.memref_slice %arg4[%mul3A_72, %dma_start3A_120] : memref<163840x32xf32, #tpu.memory_space<hbm>> -> memref<128x32xf32, #tpu.memory_space<hbm>>
          %dma_start3A_122 = arith.constant 0 : i32
          %dma_start3A_123 = tpu.memref_slice %arg4[%mul3A_72, %dma_start3A_122] : memref<163840x32xf32, #tpu.memory_space<hbm>> -> memref<128x32xf32, #tpu.memory_space<hbm>>
          tpu.enqueue_dma source(%arg7 : memref<128x32xf32, #tpu.memory_space<vmem>>) target(%dma_start3A_123 : memref<128x32xf32, #tpu.memory_space<hbm>>) target_semaphore(%run_scoped3A : memref<!tpu.dma_semaphore, #tpu.memory_space<semaphore_mem>>)
          %dma_wait3A_124 = arith.constant 0 : i32
          %dma_wait3A_125 = tpu.memref_slice %arg4[%mul3A_72, %dma_wait3A_124] : memref<163840x32xf32, #tpu.memory_space<hbm>> -> memref<128x32xf32, #tpu.memory_space<hbm>>
          %dma_wait3A_126 = arith.constant 0 : i32
          %dma_wait3A_127 = tpu.memref_slice %arg4[%mul3A_72, %dma_wait3A_126] : memref<163840x32xf32, #tpu.memory_space<hbm>> -> memref<128x32xf32, #tpu.memory_space<hbm>>
          tpu.wait_dma2 semaphore(%run_scoped3A : memref<!tpu.dma_semaphore, #tpu.memory_space<semaphore_mem>>) src(%arg7 : memref<128x32xf32, #tpu.memory_space<vmem>>) dst(%dma_wait3A_127 : memref<128x32xf32, #tpu.memory_space<hbm>>)
          tpu.yield
        }) : () -> ()
        %add3A_73 = arith.constant 4 : i32
        %add3A_74 = arith.addi %add3A_63, %add3A_73 : i32
        %lt3A_75 = arith.constant 20 : i32
        %lt3A_76 = arith.cmpi slt, %add3A_74, %lt3A_75 : i32
        %convert_element_type3A_77 = arith.extui %lt3A_76 : i1 to i32
        %cond3A_78 = arith.constant 0 : i32
        %cond3A_79 = arith.cmpi ne, %convert_element_type3A_77, %cond3A_78 : i32
        scf.if %cond3A_79 {
          %add3A_120 = arith.constant 4 : i32
          %add3A_121 = arith.addi %add3A_63, %add3A_120 : i32
          %dma_start3A_122 = arith.constant 0 : i32
          %dma_start3A_123 = tpu.memref_slice %arg5[%add3A_121, %dma_start3A_122] : memref<60x128xi32, #tpu.memory_space<vmem>> -> memref<1x128xi32, #tpu.memory_space<vmem>>
          %dma_start3A_124 = tpu.memref_squeeze %dma_start3A_123 : memref<1x128xi32, #tpu.memory_space<vmem>> -> memref<128xi32, #tpu.memory_space<vmem>>
          %dma_start3A_125 = arith.constant 0 : i32
          %dma_start3A_126 = arith.constant 0 : i32
          %dma_start3A_127 = tpu.memref_slice %arg2[%dma_start3A_125, %dma_start3A_126] : memref<10240x32xf32, #tpu.memory_space<hbm>> -> memref<10240x32xf32, #tpu.memory_space<hbm>>
          tpu.enqueue_indirect_dma source(%dma_start3A_127 : memref<10240x32xf32, #tpu.memory_space<hbm>>) target(%arg7 : memref<128x32xf32, #tpu.memory_space<vmem>>) offsets(%dma_start3A_124 : memref<128xi32, #tpu.memory_space<vmem>>) semaphore(%arg11 : memref<!tpu.dma_semaphore, #tpu.memory_space<semaphore_mem>>)
        } else {
        }
        %mul3A_80 = arith.constant 4 : i32
        %mul3A_81 = arith.muli %scan3A_41, %mul3A_80 : i32
        %add3A_82 = arith.constant 2 : i32
        %add3A_83 = arith.addi %mul3A_81, %add3A_82 : i32
        %dma_wait3A_84 = arith.constant 0 : i32
        %dma_wait3A_85 = tpu.memref_slice %arg5[%add3A_83, %dma_wait3A_84] : memref<60x128xi32, #tpu.memory_space<vmem>> -> memref<1x128xi32, #tpu.memory_space<vmem>>
        %dma_wait3A_86 = tpu.memref_squeeze %dma_wait3A_85 : memref<1x128xi32, #tpu.memory_space<vmem>> -> memref<128xi32, #tpu.memory_space<vmem>>
        %dma_wait3A_87 = arith.constant 0 : i32
        %dma_wait3A_88 = arith.constant 0 : i32
        %dma_wait3A_89 = tpu.memref_slice %arg2[%dma_wait3A_87, %dma_wait3A_88] : memref<10240x32xf32, #tpu.memory_space<hbm>> -> memref<10240x32xf32, #tpu.memory_space<hbm>>
        tpu.wait_indirect_dma semaphore(%arg12 : memref<!tpu.dma_semaphore, #tpu.memory_space<semaphore_mem>>) src(%dma_wait3A_89 : memref<10240x32xf32, #tpu.memory_space<hbm>>) dst(%arg8 : memref<128x32xf32, #tpu.memory_space<vmem>>)
        %add3A_90 = arith.addi %add3A_8, %add3A_83 : i32
        %mul3A_91 = arith.constant 128 : i32
        %mul3A_92 = arith.muli %add3A_90, %mul3A_91 : i32
        "tpu.region"() ({
          %run_scoped3A = tpu.sem_alloc : memref<!tpu.dma_semaphore, #tpu.memory_space<semaphore_mem>>
          %dma_start3A_120 = arith.constant 0 : i32
          %dma_start3A_121 = tpu.memref_slice %arg4[%mul3A_92, %dma_start3A_120] : memref<163840x32xf32, #tpu.memory_space<hbm>> -> memref<128x32xf32, #tpu.memory_space<hbm>>
          %dma_start3A_122 = arith.constant 0 : i32
          %dma_start3A_123 = tpu.memref_slice %arg4[%mul3A_92, %dma_start3A_122] : memref<163840x32xf32, #tpu.memory_space<hbm>> -> memref<128x32xf32, #tpu.memory_space<hbm>>
          tpu.enqueue_dma source(%arg8 : memref<128x32xf32, #tpu.memory_space<vmem>>) target(%dma_start3A_123 : memref<128x32xf32, #tpu.memory_space<hbm>>) target_semaphore(%run_scoped3A : memref<!tpu.dma_semaphore, #tpu.memory_space<semaphore_mem>>)
          %dma_wait3A_124 = arith.constant 0 : i32
          %dma_wait3A_125 = tpu.memref_slice %arg4[%mul3A_92, %dma_wait3A_124] : memref<163840x32xf32, #tpu.memory_space<hbm>> -> memref<128x32xf32, #tpu.memory_space<hbm>>
          %dma_wait3A_126 = arith.constant 0 : i32
          %dma_wait3A_127 = tpu.memref_slice %arg4[%mul3A_92, %dma_wait3A_126] : memref<163840x32xf32, #tpu.memory_space<hbm>> -> memref<128x32xf32, #tpu.memory_space<hbm>>
          tpu.wait_dma2 semaphore(%run_scoped3A : memref<!tpu.dma_semaphore, #tpu.memory_space<semaphore_mem>>) src(%arg8 : memref<128x32xf32, #tpu.memory_space<vmem>>) dst(%dma_wait3A_127 : memref<128x32xf32, #tpu.memory_space<hbm>>)
          tpu.yield
        }) : () -> ()
        %add3A_93 = arith.constant 4 : i32
        %add3A_94 = arith.addi %add3A_83, %add3A_93 : i32
        %lt3A_95 = arith.constant 20 : i32
        %lt3A_96 = arith.cmpi slt, %add3A_94, %lt3A_95 : i32
        %convert_element_type3A_97 = arith.extui %lt3A_96 : i1 to i32
        %cond3A_98 = arith.constant 0 : i32
        %cond3A_99 = arith.cmpi ne, %convert_element_type3A_97, %cond3A_98 : i32
        scf.if %cond3A_99 {
          %add3A_120 = arith.constant 4 : i32
          %add3A_121 = arith.addi %add3A_83, %add3A_120 : i32
          %dma_start3A_122 = arith.constant 0 : i32
          %dma_start3A_123 = tpu.memref_slice %arg5[%add3A_121, %dma_start3A_122] : memref<60x128xi32, #tpu.memory_space<vmem>> -> memref<1x128xi32, #tpu.memory_space<vmem>>
          %dma_start3A_124 = tpu.memref_squeeze %dma_start3A_123 : memref<1x128xi32, #tpu.memory_space<vmem>> -> memref<128xi32, #tpu.memory_space<vmem>>
          %dma_start3A_125 = arith.constant 0 : i32
          %dma_start3A_126 = arith.constant 0 : i32
          %dma_start3A_127 = tpu.memref_slice %arg2[%dma_start3A_125, %dma_start3A_126] : memref<10240x32xf32, #tpu.memory_space<hbm>> -> memref<10240x32xf32, #tpu.memory_space<hbm>>
          tpu.enqueue_indirect_dma source(%dma_start3A_127 : memref<10240x32xf32, #tpu.memory_space<hbm>>) target(%arg8 : memref<128x32xf32, #tpu.memory_space<vmem>>) offsets(%dma_start3A_124 : memref<128xi32, #tpu.memory_space<vmem>>) semaphore(%arg12 : memref<!tpu.dma_semaphore, #tpu.memory_space<semaphore_mem>>)
        } else {
        }
        %mul3A_100 = arith.constant 4 : i32
        %mul3A_101 = arith.muli %scan3A_41, %mul3A_100 : i32
        %add3A_102 = arith.constant 3 : i32
        %add3A_103 = arith.addi %mul3A_101, %add3A_102 : i32
        %dma_wait3A_104 = arith.constant 0 : i32
        %dma_wait3A_105 = tpu.memref_slice %arg5[%add3A_103, %dma_wait3A_104] : memref<60x128xi32, #tpu.memory_space<vmem>> -> memref<1x128xi32, #tpu.memory_space<vmem>>
        %dma_wait3A_106 = tpu.memref_squeeze %dma_wait3A_105 : memref<1x128xi32, #tpu.memory_space<vmem>> -> memref<128xi32, #tpu.memory_space<vmem>>
        %dma_wait3A_107 = arith.constant 0 : i32
        %dma_wait3A_108 = arith.constant 0 : i32
        %dma_wait3A_109 = tpu.memref_slice %arg2[%dma_wait3A_107, %dma_wait3A_108] : memref<10240x32xf32, #tpu.memory_space<hbm>> -> memref<10240x32xf32, #tpu.memory_space<hbm>>
        tpu.wait_indirect_dma semaphore(%arg13 : memref<!tpu.dma_semaphore, #tpu.memory_space<semaphore_mem>>) src(%dma_wait3A_109 : memref<10240x32xf32, #tpu.memory_space<hbm>>) dst(%arg9 : memref<128x32xf32, #tpu.memory_space<vmem>>)
        %add3A_110 = arith.addi %add3A_8, %add3A_103 : i32
        %mul3A_111 = arith.constant 128 : i32
        %mul3A_112 = arith.muli %add3A_110, %mul3A_111 : i32
        "tpu.region"() ({
          %run_scoped3A = tpu.sem_alloc : memref<!tpu.dma_semaphore, #tpu.memory_space<semaphore_mem>>
          %dma_start3A_120 = arith.constant 0 : i32
          %dma_start3A_121 = tpu.memref_slice %arg4[%mul3A_112, %dma_start3A_120] : memref<163840x32xf32, #tpu.memory_space<hbm>> -> memref<128x32xf32, #tpu.memory_space<hbm>>
          %dma_start3A_122 = arith.constant 0 : i32
          %dma_start3A_123 = tpu.memref_slice %arg4[%mul3A_112, %dma_start3A_122] : memref<163840x32xf32, #tpu.memory_space<hbm>> -> memref<128x32xf32, #tpu.memory_space<hbm>>
          tpu.enqueue_dma source(%arg9 : memref<128x32xf32, #tpu.memory_space<vmem>>) target(%dma_start3A_123 : memref<128x32xf32, #tpu.memory_space<hbm>>) target_semaphore(%run_scoped3A : memref<!tpu.dma_semaphore, #tpu.memory_space<semaphore_mem>>)
          %dma_wait3A_124 = arith.constant 0 : i32
          %dma_wait3A_125 = tpu.memref_slice %arg4[%mul3A_112, %dma_wait3A_124] : memref<163840x32xf32, #tpu.memory_space<hbm>> -> memref<128x32xf32, #tpu.memory_space<hbm>>
          %dma_wait3A_126 = arith.constant 0 : i32
          %dma_wait3A_127 = tpu.memref_slice %arg4[%mul3A_112, %dma_wait3A_126] : memref<163840x32xf32, #tpu.memory_space<hbm>> -> memref<128x32xf32, #tpu.memory_space<hbm>>
          tpu.wait_dma2 semaphore(%run_scoped3A : memref<!tpu.dma_semaphore, #tpu.memory_space<semaphore_mem>>) src(%arg9 : memref<128x32xf32, #tpu.memory_space<vmem>>) dst(%dma_wait3A_127 : memref<128x32xf32, #tpu.memory_space<hbm>>)
          tpu.yield
        }) : () -> ()
        %add3A_113 = arith.constant 4 : i32
        %add3A_114 = arith.addi %add3A_103, %add3A_113 : i32
        %lt3A_115 = arith.constant 20 : i32
        %lt3A_116 = arith.cmpi slt, %add3A_114, %lt3A_115 : i32
        %convert_element_type3A_117 = arith.extui %lt3A_116 : i1 to i32
        %cond3A_118 = arith.constant 0 : i32
        %cond3A_119 = arith.cmpi ne, %convert_element_type3A_117, %cond3A_118 : i32
        scf.if %cond3A_119 {
          %add3A_120 = arith.constant 4 : i32
          %add3A_121 = arith.addi %add3A_103, %add3A_120 : i32
          %dma_start3A_122 = arith.constant 0 : i32
          %dma_start3A_123 = tpu.memref_slice %arg5[%add3A_121, %dma_start3A_122] : memref<60x128xi32, #tpu.memory_space<vmem>> -> memref<1x128xi32, #tpu.memory_space<vmem>>
          %dma_start3A_124 = tpu.memref_squeeze %dma_start3A_123 : memref<1x128xi32, #tpu.memory_space<vmem>> -> memref<128xi32, #tpu.memory_space<vmem>>
          %dma_start3A_125 = arith.constant 0 : i32
          %dma_start3A_126 = arith.constant 0 : i32
          %dma_start3A_127 = tpu.memref_slice %arg2[%dma_start3A_125, %dma_start3A_126] : memref<10240x32xf32, #tpu.memory_space<hbm>> -> memref<10240x32xf32, #tpu.memory_space<hbm>>
          tpu.enqueue_indirect_dma source(%dma_start3A_127 : memref<10240x32xf32, #tpu.memory_space<hbm>>) target(%arg9 : memref<128x32xf32, #tpu.memory_space<vmem>>) offsets(%dma_start3A_124 : memref<128xi32, #tpu.memory_space<vmem>>) semaphore(%arg13 : memref<!tpu.dma_semaphore, #tpu.memory_space<semaphore_mem>>)
        } else {
        }
      }
      %scan3A_40 = arith.constant 5 : i32
    } else {
    }
    return
  }
}

#map = affine_map<(d0, d1) -> (0, 0)>
#map1 = affine_map<(d0, d1) -> (0, 0, 0)>
module attributes {stable_mosaic.version = 14 : i64} {
  func.func @scatter_k(%arg0: i32, %arg1: i32, %arg2: memref<163840x32xf32, #tpu.memory_space<hbm>>, %arg3: memref<32x40x128xi32, #tpu.memory_space<hbm>>, %arg4: memref<10240x32xf32, #tpu.memory_space<hbm>>, %arg5: memref<2x10240x32xf32, #tpu.memory_space<hbm>>, %arg6: memref<40x128xi32, #tpu.memory_space<vmem>>, %arg7: memref<10240x32xf32, #tpu.memory_space<vmem_shared>>, %arg8: memref<128x32xf32, #tpu.memory_space<vmem>>, %arg9: memref<128x32xf32, #tpu.memory_space<vmem>>, %arg10: memref<128x32xf32, #tpu.memory_space<vmem>>, %arg11: memref<128x32xf32, #tpu.memory_space<vmem>>, %arg12: memref<!tpu.dma_semaphore, #tpu.memory_space<semaphore_mem>>, %arg13: memref<!tpu.dma_semaphore, #tpu.memory_space<semaphore_mem>>, %arg14: memref<!tpu.dma_semaphore, #tpu.memory_space<semaphore_mem>>, %arg15: memref<!tpu.dma_semaphore, #tpu.memory_space<semaphore_mem>>) attributes {dimension_semantics = [#tpu.dimension_semantics<core_parallel>, #tpu.dimension_semantics<subcore_parallel>], iteration_bounds = array<i64: 2, 16>, scalar_prefetch = 0 : i64, scratch_operands = 10 : i64, tpu.core_type = #tpu.core_type<sc_vector_subcore>, window_params = [{transform_indices = #map}, {transform_indices = #map1}, {transform_indices = #map}, {transform_indices = #map1}]} {
    %mul3A = arith.constant 2 : i32
    %mul3A_0 = arith.muli %arg1, %mul3A : i32
    %add3A = arith.addi %mul3A_0, %arg0 : i32
    %mul3A_1 = arith.constant 640 : i32
    %mul3A_2 = arith.muli %arg1, %mul3A_1 : i32
    %mul3A_3 = arith.constant 40 : i32
    %mul3A_4 = arith.muli %add3A, %mul3A_3 : i32
    "tpu.region"() ({
      %run_scoped3A = tpu.sem_alloc : memref<!tpu.dma_semaphore, #tpu.memory_space<semaphore_mem>>
      %dma_start3A_42 = arith.constant 0 : i32
      %dma_start3A_43 = tpu.memref_slice %arg7[%mul3A_2, %dma_start3A_42] : memref<10240x32xf32, #tpu.memory_space<vmem_shared>> -> memref<640x32xf32, #tpu.memory_space<vmem_shared>>
      %dma_start3A_44 = arith.constant 0 : i32
      %dma_start3A_45 = tpu.memref_slice %arg4[%mul3A_2, %dma_start3A_44] : memref<10240x32xf32, #tpu.memory_space<hbm>> -> memref<640x32xf32, #tpu.memory_space<hbm>>
      tpu.enqueue_dma source(%dma_start3A_45 : memref<640x32xf32, #tpu.memory_space<hbm>>) target(%dma_start3A_43 : memref<640x32xf32, #tpu.memory_space<vmem_shared>>) target_semaphore(%run_scoped3A : memref<!tpu.dma_semaphore, #tpu.memory_space<semaphore_mem>>)
      %dma_wait3A = arith.constant 0 : i32
      %dma_wait3A_46 = tpu.memref_slice %arg7[%mul3A_2, %dma_wait3A] : memref<10240x32xf32, #tpu.memory_space<vmem_shared>> -> memref<640x32xf32, #tpu.memory_space<vmem_shared>>
      %dma_wait3A_47 = arith.constant 0 : i32
      %dma_wait3A_48 = tpu.memref_slice %arg4[%mul3A_2, %dma_wait3A_47] : memref<10240x32xf32, #tpu.memory_space<hbm>> -> memref<640x32xf32, #tpu.memory_space<hbm>>
      tpu.wait_dma2 semaphore(%run_scoped3A : memref<!tpu.dma_semaphore, #tpu.memory_space<semaphore_mem>>) src(%dma_wait3A_48 : memref<640x32xf32, #tpu.memory_space<hbm>>) dst(%dma_wait3A_46 : memref<640x32xf32, #tpu.memory_space<vmem_shared>>)
      tpu.yield
    }) : () -> ()
    "tpu.region"() ({
      %run_scoped3A = tpu.sem_alloc : memref<!tpu.dma_semaphore, #tpu.memory_space<semaphore_mem>>
      %dma_start3A_42 = arith.constant 0 : i32
      %dma_start3A_43 = arith.constant 0 : i32
      %dma_start3A_44 = tpu.memref_slice %arg3[%add3A, %dma_start3A_42, %dma_start3A_43] : memref<32x40x128xi32, #tpu.memory_space<hbm>> -> memref<1x40x128xi32, #tpu.memory_space<hbm>>
      %dma_start3A_45 = tpu.memref_squeeze %dma_start3A_44 : memref<1x40x128xi32, #tpu.memory_space<hbm>> -> memref<40x128xi32, #tpu.memory_space<hbm>>
      %dma_start3A_46 = arith.constant 0 : i32
      %dma_start3A_47 = arith.constant 0 : i32
      %dma_start3A_48 = tpu.memref_slice %arg3[%add3A, %dma_start3A_46, %dma_start3A_47] : memref<32x40x128xi32, #tpu.memory_space<hbm>> -> memref<1x40x128xi32, #tpu.memory_space<hbm>>
      %dma_start3A_49 = tpu.memref_squeeze %dma_start3A_48 : memref<1x40x128xi32, #tpu.memory_space<hbm>> -> memref<40x128xi32, #tpu.memory_space<hbm>>
      tpu.enqueue_dma source(%dma_start3A_49 : memref<40x128xi32, #tpu.memory_space<hbm>>) target(%arg6 : memref<40x128xi32, #tpu.memory_space<vmem>>) target_semaphore(%run_scoped3A : memref<!tpu.dma_semaphore, #tpu.memory_space<semaphore_mem>>)
      %dma_wait3A = arith.constant 0 : i32
      %dma_wait3A_50 = arith.constant 0 : i32
      %dma_wait3A_51 = tpu.memref_slice %arg3[%add3A, %dma_wait3A, %dma_wait3A_50] : memref<32x40x128xi32, #tpu.memory_space<hbm>> -> memref<1x40x128xi32, #tpu.memory_space<hbm>>
      %dma_wait3A_52 = tpu.memref_squeeze %dma_wait3A_51 : memref<1x40x128xi32, #tpu.memory_space<hbm>> -> memref<40x128xi32, #tpu.memory_space<hbm>>
      %dma_wait3A_53 = arith.constant 0 : i32
      %dma_wait3A_54 = arith.constant 0 : i32
      %dma_wait3A_55 = tpu.memref_slice %arg3[%add3A, %dma_wait3A_53, %dma_wait3A_54] : memref<32x40x128xi32, #tpu.memory_space<hbm>> -> memref<1x40x128xi32, #tpu.memory_space<hbm>>
      %dma_wait3A_56 = tpu.memref_squeeze %dma_wait3A_55 : memref<1x40x128xi32, #tpu.memory_space<hbm>> -> memref<40x128xi32, #tpu.memory_space<hbm>>
      tpu.wait_dma2 semaphore(%run_scoped3A : memref<!tpu.dma_semaphore, #tpu.memory_space<semaphore_mem>>) src(%dma_wait3A_56 : memref<40x128xi32, #tpu.memory_space<hbm>>) dst(%arg6 : memref<40x128xi32, #tpu.memory_space<vmem>>)
      tpu.yield
    }) : () -> ()
    %add3A_5 = arith.constant 0 : i32
    %add3A_6 = arith.addi %mul3A_4, %add3A_5 : i32
    %mul3A_7 = arith.constant 128 : i32
    %mul3A_8 = arith.muli %add3A_6, %mul3A_7 : i32
    %dma_start3A = arith.constant 0 : i32
    %dma_start3A_9 = tpu.memref_slice %arg2[%mul3A_8, %dma_start3A] : memref<163840x32xf32, #tpu.memory_space<hbm>> -> memref<128x32xf32, #tpu.memory_space<hbm>>
    %dma_start3A_10 = arith.constant 0 : i32
    %dma_start3A_11 = tpu.memref_slice %arg2[%mul3A_8, %dma_start3A_10] : memref<163840x32xf32, #tpu.memory_space<hbm>> -> memref<128x32xf32, #tpu.memory_space<hbm>>
    tpu.enqueue_dma source(%dma_start3A_11 : memref<128x32xf32, #tpu.memory_space<hbm>>) target(%arg8 : memref<128x32xf32, #tpu.memory_space<vmem>>) target_semaphore(%arg12 : memref<!tpu.dma_semaphore, #tpu.memory_space<semaphore_mem>>)
    %add3A_12 = arith.constant 1 : i32
    %add3A_13 = arith.addi %mul3A_4, %add3A_12 : i32
    %mul3A_14 = arith.constant 128 : i32
    %mul3A_15 = arith.muli %add3A_13, %mul3A_14 : i32
    %dma_start3A_16 = arith.constant 0 : i32
    %dma_start3A_17 = tpu.memref_slice %arg2[%mul3A_15, %dma_start3A_16] : memref<163840x32xf32, #tpu.memory_space<hbm>> -> memref<128x32xf32, #tpu.memory_space<hbm>>
    %dma_start3A_18 = arith.constant 0 : i32
    %dma_start3A_19 = tpu.memref_slice %arg2[%mul3A_15, %dma_start3A_18] : memref<163840x32xf32, #tpu.memory_space<hbm>> -> memref<128x32xf32, #tpu.memory_space<hbm>>
    tpu.enqueue_dma source(%dma_start3A_19 : memref<128x32xf32, #tpu.memory_space<hbm>>) target(%arg9 : memref<128x32xf32, #tpu.memory_space<vmem>>) target_semaphore(%arg13 : memref<!tpu.dma_semaphore, #tpu.memory_space<semaphore_mem>>)
    %add3A_20 = arith.constant 2 : i32
    %add3A_21 = arith.addi %mul3A_4, %add3A_20 : i32
    %mul3A_22 = arith.constant 128 : i32
    %mul3A_23 = arith.muli %add3A_21, %mul3A_22 : i32
    %dma_start3A_24 = arith.constant 0 : i32
    %dma_start3A_25 = tpu.memref_slice %arg2[%mul3A_23, %dma_start3A_24] : memref<163840x32xf32, #tpu.memory_space<hbm>> -> memref<128x32xf32, #tpu.memory_space<hbm>>
    %dma_start3A_26 = arith.constant 0 : i32
    %dma_start3A_27 = tpu.memref_slice %arg2[%mul3A_23, %dma_start3A_26] : memref<163840x32xf32, #tpu.memory_space<hbm>> -> memref<128x32xf32, #tpu.memory_space<hbm>>
    tpu.enqueue_dma source(%dma_start3A_27 : memref<128x32xf32, #tpu.memory_space<hbm>>) target(%arg10 : memref<128x32xf32, #tpu.memory_space<vmem>>) target_semaphore(%arg14 : memref<!tpu.dma_semaphore, #tpu.memory_space<semaphore_mem>>)
    %add3A_28 = arith.constant 3 : i32
    %add3A_29 = arith.addi %mul3A_4, %add3A_28 : i32
    %mul3A_30 = arith.constant 128 : i32
    %mul3A_31 = arith.muli %add3A_29, %mul3A_30 : i32
    %dma_start3A_32 = arith.constant 0 : i32
    %dma_start3A_33 = tpu.memref_slice %arg2[%mul3A_31, %dma_start3A_32] : memref<163840x32xf32, #tpu.memory_space<hbm>> -> memref<128x32xf32, #tpu.memory_space<hbm>>
    %dma_start3A_34 = arith.constant 0 : i32
    %dma_start3A_35 = tpu.memref_slice %arg2[%mul3A_31, %dma_start3A_34] : memref<163840x32xf32, #tpu.memory_space<hbm>> -> memref<128x32xf32, #tpu.memory_space<hbm>>
    tpu.enqueue_dma source(%dma_start3A_35 : memref<128x32xf32, #tpu.memory_space<hbm>>) target(%arg11 : memref<128x32xf32, #tpu.memory_space<vmem>>) target_semaphore(%arg15 : memref<!tpu.dma_semaphore, #tpu.memory_space<semaphore_mem>>)
    %barrier3A = arith.constant 0 : index
    tpu.barrier barrier_id(%barrier3A)
    %scan3A = arith.constant 0 : i32
    %scan3A_36 = arith.constant 0 : i32
    %scan3A_37 = arith.constant 10 : i32
    %scan3A_38 = arith.addi %scan3A_36, %scan3A_37 : i32
    %scan3A_39 = arith.constant 1 : i32
    scf.for %scan3A_42 = %scan3A_36 to %scan3A_38 step %scan3A_39  : i32 {
      %mul3A_43 = arith.constant 4 : i32
      %mul3A_44 = arith.muli %scan3A_42, %mul3A_43 : i32
      %add3A_45 = arith.constant 0 : i32
      %add3A_46 = arith.addi %mul3A_44, %add3A_45 : i32
      %add3A_47 = arith.addi %mul3A_4, %add3A_46 : i32
      %mul3A_48 = arith.constant 128 : i32
      %mul3A_49 = arith.muli %add3A_47, %mul3A_48 : i32
      %dma_wait3A = arith.constant 0 : i32
      %dma_wait3A_50 = tpu.memref_slice %arg2[%mul3A_49, %dma_wait3A] : memref<163840x32xf32, #tpu.memory_space<hbm>> -> memref<128x32xf32, #tpu.memory_space<hbm>>
      %dma_wait3A_51 = arith.constant 0 : i32
      %dma_wait3A_52 = tpu.memref_slice %arg2[%mul3A_49, %dma_wait3A_51] : memref<163840x32xf32, #tpu.memory_space<hbm>> -> memref<128x32xf32, #tpu.memory_space<hbm>>
      tpu.wait_dma2 semaphore(%arg12 : memref<!tpu.dma_semaphore, #tpu.memory_space<semaphore_mem>>) src(%dma_wait3A_52 : memref<128x32xf32, #tpu.memory_space<hbm>>) dst(%arg8 : memref<128x32xf32, #tpu.memory_space<vmem>>)
      "tpu.region"() ({
        %run_scoped3A = tpu.sem_alloc : memref<!tpu.dma_semaphore, #tpu.memory_space<semaphore_mem>>
        %dma_start3A_111 = arith.constant 0 : i32
        %dma_start3A_112 = tpu.memref_slice %arg6[%add3A_46, %dma_start3A_111] : memref<40x128xi32, #tpu.memory_space<vmem>> -> memref<1x128xi32, #tpu.memory_space<vmem>>
        %dma_start3A_113 = tpu.memref_squeeze %dma_start3A_112 : memref<1x128xi32, #tpu.memory_space<vmem>> -> memref<128xi32, #tpu.memory_space<vmem>>
        %dma_start3A_114 = arith.constant 0 : i32
        %dma_start3A_115 = arith.constant 0 : i32
        %dma_start3A_116 = tpu.memref_slice %arg7[%dma_start3A_114, %dma_start3A_115] : memref<10240x32xf32, #tpu.memory_space<vmem_shared>> -> memref<10240x32xf32, #tpu.memory_space<vmem_shared>>
        tpu.enqueue_indirect_dma source(%arg8 : memref<128x32xf32, #tpu.memory_space<vmem>>) target(%dma_start3A_116 : memref<10240x32xf32, #tpu.memory_space<vmem_shared>>) offsets(%dma_start3A_113 : memref<128xi32, #tpu.memory_space<vmem>>) semaphore(%run_scoped3A : memref<!tpu.dma_semaphore, #tpu.memory_space<semaphore_mem>>) {add = true}
        %dma_wait3A_117 = arith.constant 0 : i32
        %dma_wait3A_118 = tpu.memref_slice %arg6[%add3A_46, %dma_wait3A_117] : memref<40x128xi32, #tpu.memory_space<vmem>> -> memref<1x128xi32, #tpu.memory_space<vmem>>
        %dma_wait3A_119 = tpu.memref_squeeze %dma_wait3A_118 : memref<1x128xi32, #tpu.memory_space<vmem>> -> memref<128xi32, #tpu.memory_space<vmem>>
        %dma_wait3A_120 = arith.constant 0 : i32
        %dma_wait3A_121 = arith.constant 0 : i32
        %dma_wait3A_122 = tpu.memref_slice %arg7[%dma_wait3A_120, %dma_wait3A_121] : memref<10240x32xf32, #tpu.memory_space<vmem_shared>> -> memref<10240x32xf32, #tpu.memory_space<vmem_shared>>
        tpu.wait_indirect_dma semaphore(%run_scoped3A : memref<!tpu.dma_semaphore, #tpu.memory_space<semaphore_mem>>) src(%arg8 : memref<128x32xf32, #tpu.memory_space<vmem>>) dst(%dma_wait3A_122 : memref<10240x32xf32, #tpu.memory_space<vmem_shared>>)
        tpu.yield
      }) : () -> ()
      %add3A_53 = arith.constant 4 : i32
      %add3A_54 = arith.addi %add3A_46, %add3A_53 : i32
      %lt3A = arith.constant 40 : i32
      %lt3A_55 = arith.cmpi slt, %add3A_54, %lt3A : i32
      %convert_element_type3A = arith.extui %lt3A_55 : i1 to i32
      %cond3A = arith.constant 0 : i32
      %cond3A_56 = arith.cmpi ne, %convert_element_type3A, %cond3A : i32
      scf.if %cond3A_56 {
        %add3A_111 = arith.addi %mul3A_4, %add3A_46 : i32
        %add3A_112 = arith.constant 4 : i32
        %add3A_113 = arith.addi %add3A_111, %add3A_112 : i32
        %mul3A_114 = arith.constant 128 : i32
        %mul3A_115 = arith.muli %add3A_113, %mul3A_114 : i32
        %dma_start3A_116 = arith.constant 0 : i32
        %dma_start3A_117 = tpu.memref_slice %arg2[%mul3A_115, %dma_start3A_116] : memref<163840x32xf32, #tpu.memory_space<hbm>> -> memref<128x32xf32, #tpu.memory_space<hbm>>
        %dma_start3A_118 = arith.constant 0 : i32
        %dma_start3A_119 = tpu.memref_slice %arg2[%mul3A_115, %dma_start3A_118] : memref<163840x32xf32, #tpu.memory_space<hbm>> -> memref<128x32xf32, #tpu.memory_space<hbm>>
        tpu.enqueue_dma source(%dma_start3A_119 : memref<128x32xf32, #tpu.memory_space<hbm>>) target(%arg8 : memref<128x32xf32, #tpu.memory_space<vmem>>) target_semaphore(%arg12 : memref<!tpu.dma_semaphore, #tpu.memory_space<semaphore_mem>>)
      } else {
      }
      %mul3A_57 = arith.constant 4 : i32
      %mul3A_58 = arith.muli %scan3A_42, %mul3A_57 : i32
      %add3A_59 = arith.constant 1 : i32
      %add3A_60 = arith.addi %mul3A_58, %add3A_59 : i32
      %add3A_61 = arith.addi %mul3A_4, %add3A_60 : i32
      %mul3A_62 = arith.constant 128 : i32
      %mul3A_63 = arith.muli %add3A_61, %mul3A_62 : i32
      %dma_wait3A_64 = arith.constant 0 : i32
      %dma_wait3A_65 = tpu.memref_slice %arg2[%mul3A_63, %dma_wait3A_64] : memref<163840x32xf32, #tpu.memory_space<hbm>> -> memref<128x32xf32, #tpu.memory_space<hbm>>
      %dma_wait3A_66 = arith.constant 0 : i32
      %dma_wait3A_67 = tpu.memref_slice %arg2[%mul3A_63, %dma_wait3A_66] : memref<163840x32xf32, #tpu.memory_space<hbm>> -> memref<128x32xf32, #tpu.memory_space<hbm>>
      tpu.wait_dma2 semaphore(%arg13 : memref<!tpu.dma_semaphore, #tpu.memory_space<semaphore_mem>>) src(%dma_wait3A_67 : memref<128x32xf32, #tpu.memory_space<hbm>>) dst(%arg9 : memref<128x32xf32, #tpu.memory_space<vmem>>)
      "tpu.region"() ({
        %run_scoped3A = tpu.sem_alloc : memref<!tpu.dma_semaphore, #tpu.memory_space<semaphore_mem>>
        %dma_start3A_111 = arith.constant 0 : i32
        %dma_start3A_112 = tpu.memref_slice %arg6[%add3A_60, %dma_start3A_111] : memref<40x128xi32, #tpu.memory_space<vmem>> -> memref<1x128xi32, #tpu.memory_space<vmem>>
        %dma_start3A_113 = tpu.memref_squeeze %dma_start3A_112 : memref<1x128xi32, #tpu.memory_space<vmem>> -> memref<128xi32, #tpu.memory_space<vmem>>
        %dma_start3A_114 = arith.constant 0 : i32
        %dma_start3A_115 = arith.constant 0 : i32
        %dma_start3A_116 = tpu.memref_slice %arg7[%dma_start3A_114, %dma_start3A_115] : memref<10240x32xf32, #tpu.memory_space<vmem_shared>> -> memref<10240x32xf32, #tpu.memory_space<vmem_shared>>
        tpu.enqueue_indirect_dma source(%arg9 : memref<128x32xf32, #tpu.memory_space<vmem>>) target(%dma_start3A_116 : memref<10240x32xf32, #tpu.memory_space<vmem_shared>>) offsets(%dma_start3A_113 : memref<128xi32, #tpu.memory_space<vmem>>) semaphore(%run_scoped3A : memref<!tpu.dma_semaphore, #tpu.memory_space<semaphore_mem>>) {add = true}
        %dma_wait3A_117 = arith.constant 0 : i32
        %dma_wait3A_118 = tpu.memref_slice %arg6[%add3A_60, %dma_wait3A_117] : memref<40x128xi32, #tpu.memory_space<vmem>> -> memref<1x128xi32, #tpu.memory_space<vmem>>
        %dma_wait3A_119 = tpu.memref_squeeze %dma_wait3A_118 : memref<1x128xi32, #tpu.memory_space<vmem>> -> memref<128xi32, #tpu.memory_space<vmem>>
        %dma_wait3A_120 = arith.constant 0 : i32
        %dma_wait3A_121 = arith.constant 0 : i32
        %dma_wait3A_122 = tpu.memref_slice %arg7[%dma_wait3A_120, %dma_wait3A_121] : memref<10240x32xf32, #tpu.memory_space<vmem_shared>> -> memref<10240x32xf32, #tpu.memory_space<vmem_shared>>
        tpu.wait_indirect_dma semaphore(%run_scoped3A : memref<!tpu.dma_semaphore, #tpu.memory_space<semaphore_mem>>) src(%arg9 : memref<128x32xf32, #tpu.memory_space<vmem>>) dst(%dma_wait3A_122 : memref<10240x32xf32, #tpu.memory_space<vmem_shared>>)
        tpu.yield
      }) : () -> ()
      %add3A_68 = arith.constant 4 : i32
      %add3A_69 = arith.addi %add3A_60, %add3A_68 : i32
      %lt3A_70 = arith.constant 40 : i32
      %lt3A_71 = arith.cmpi slt, %add3A_69, %lt3A_70 : i32
      %convert_element_type3A_72 = arith.extui %lt3A_71 : i1 to i32
      %cond3A_73 = arith.constant 0 : i32
      %cond3A_74 = arith.cmpi ne, %convert_element_type3A_72, %cond3A_73 : i32
      scf.if %cond3A_74 {
        %add3A_111 = arith.addi %mul3A_4, %add3A_60 : i32
        %add3A_112 = arith.constant 4 : i32
        %add3A_113 = arith.addi %add3A_111, %add3A_112 : i32
        %mul3A_114 = arith.constant 128 : i32
        %mul3A_115 = arith.muli %add3A_113, %mul3A_114 : i32
        %dma_start3A_116 = arith.constant 0 : i32
        %dma_start3A_117 = tpu.memref_slice %arg2[%mul3A_115, %dma_start3A_116] : memref<163840x32xf32, #tpu.memory_space<hbm>> -> memref<128x32xf32, #tpu.memory_space<hbm>>
        %dma_start3A_118 = arith.constant 0 : i32
        %dma_start3A_119 = tpu.memref_slice %arg2[%mul3A_115, %dma_start3A_118] : memref<163840x32xf32, #tpu.memory_space<hbm>> -> memref<128x32xf32, #tpu.memory_space<hbm>>
        tpu.enqueue_dma source(%dma_start3A_119 : memref<128x32xf32, #tpu.memory_space<hbm>>) target(%arg9 : memref<128x32xf32, #tpu.memory_space<vmem>>) target_semaphore(%arg13 : memref<!tpu.dma_semaphore, #tpu.memory_space<semaphore_mem>>)
      } else {
      }
      %mul3A_75 = arith.constant 4 : i32
      %mul3A_76 = arith.muli %scan3A_42, %mul3A_75 : i32
      %add3A_77 = arith.constant 2 : i32
      %add3A_78 = arith.addi %mul3A_76, %add3A_77 : i32
      %add3A_79 = arith.addi %mul3A_4, %add3A_78 : i32
      %mul3A_80 = arith.constant 128 : i32
      %mul3A_81 = arith.muli %add3A_79, %mul3A_80 : i32
      %dma_wait3A_82 = arith.constant 0 : i32
      %dma_wait3A_83 = tpu.memref_slice %arg2[%mul3A_81, %dma_wait3A_82] : memref<163840x32xf32, #tpu.memory_space<hbm>> -> memref<128x32xf32, #tpu.memory_space<hbm>>
      %dma_wait3A_84 = arith.constant 0 : i32
      %dma_wait3A_85 = tpu.memref_slice %arg2[%mul3A_81, %dma_wait3A_84] : memref<163840x32xf32, #tpu.memory_space<hbm>> -> memref<128x32xf32, #tpu.memory_space<hbm>>
      tpu.wait_dma2 semaphore(%arg14 : memref<!tpu.dma_semaphore, #tpu.memory_space<semaphore_mem>>) src(%dma_wait3A_85 : memref<128x32xf32, #tpu.memory_space<hbm>>) dst(%arg10 : memref<128x32xf32, #tpu.memory_space<vmem>>)
      "tpu.region"() ({
        %run_scoped3A = tpu.sem_alloc : memref<!tpu.dma_semaphore, #tpu.memory_space<semaphore_mem>>
        %dma_start3A_111 = arith.constant 0 : i32
        %dma_start3A_112 = tpu.memref_slice %arg6[%add3A_78, %dma_start3A_111] : memref<40x128xi32, #tpu.memory_space<vmem>> -> memref<1x128xi32, #tpu.memory_space<vmem>>
        %dma_start3A_113 = tpu.memref_squeeze %dma_start3A_112 : memref<1x128xi32, #tpu.memory_space<vmem>> -> memref<128xi32, #tpu.memory_space<vmem>>
        %dma_start3A_114 = arith.constant 0 : i32
        %dma_start3A_115 = arith.constant 0 : i32
        %dma_start3A_116 = tpu.memref_slice %arg7[%dma_start3A_114, %dma_start3A_115] : memref<10240x32xf32, #tpu.memory_space<vmem_shared>> -> memref<10240x32xf32, #tpu.memory_space<vmem_shared>>
        tpu.enqueue_indirect_dma source(%arg10 : memref<128x32xf32, #tpu.memory_space<vmem>>) target(%dma_start3A_116 : memref<10240x32xf32, #tpu.memory_space<vmem_shared>>) offsets(%dma_start3A_113 : memref<128xi32, #tpu.memory_space<vmem>>) semaphore(%run_scoped3A : memref<!tpu.dma_semaphore, #tpu.memory_space<semaphore_mem>>) {add = true}
        %dma_wait3A_117 = arith.constant 0 : i32
        %dma_wait3A_118 = tpu.memref_slice %arg6[%add3A_78, %dma_wait3A_117] : memref<40x128xi32, #tpu.memory_space<vmem>> -> memref<1x128xi32, #tpu.memory_space<vmem>>
        %dma_wait3A_119 = tpu.memref_squeeze %dma_wait3A_118 : memref<1x128xi32, #tpu.memory_space<vmem>> -> memref<128xi32, #tpu.memory_space<vmem>>
        %dma_wait3A_120 = arith.constant 0 : i32
        %dma_wait3A_121 = arith.constant 0 : i32
        %dma_wait3A_122 = tpu.memref_slice %arg7[%dma_wait3A_120, %dma_wait3A_121] : memref<10240x32xf32, #tpu.memory_space<vmem_shared>> -> memref<10240x32xf32, #tpu.memory_space<vmem_shared>>
        tpu.wait_indirect_dma semaphore(%run_scoped3A : memref<!tpu.dma_semaphore, #tpu.memory_space<semaphore_mem>>) src(%arg10 : memref<128x32xf32, #tpu.memory_space<vmem>>) dst(%dma_wait3A_122 : memref<10240x32xf32, #tpu.memory_space<vmem_shared>>)
        tpu.yield
      }) : () -> ()
      %add3A_86 = arith.constant 4 : i32
      %add3A_87 = arith.addi %add3A_78, %add3A_86 : i32
      %lt3A_88 = arith.constant 40 : i32
      %lt3A_89 = arith.cmpi slt, %add3A_87, %lt3A_88 : i32
      %convert_element_type3A_90 = arith.extui %lt3A_89 : i1 to i32
      %cond3A_91 = arith.constant 0 : i32
      %cond3A_92 = arith.cmpi ne, %convert_element_type3A_90, %cond3A_91 : i32
      scf.if %cond3A_92 {
        %add3A_111 = arith.addi %mul3A_4, %add3A_78 : i32
        %add3A_112 = arith.constant 4 : i32
        %add3A_113 = arith.addi %add3A_111, %add3A_112 : i32
        %mul3A_114 = arith.constant 128 : i32
        %mul3A_115 = arith.muli %add3A_113, %mul3A_114 : i32
        %dma_start3A_116 = arith.constant 0 : i32
        %dma_start3A_117 = tpu.memref_slice %arg2[%mul3A_115, %dma_start3A_116] : memref<163840x32xf32, #tpu.memory_space<hbm>> -> memref<128x32xf32, #tpu.memory_space<hbm>>
        %dma_start3A_118 = arith.constant 0 : i32
        %dma_start3A_119 = tpu.memref_slice %arg2[%mul3A_115, %dma_start3A_118] : memref<163840x32xf32, #tpu.memory_space<hbm>> -> memref<128x32xf32, #tpu.memory_space<hbm>>
        tpu.enqueue_dma source(%dma_start3A_119 : memref<128x32xf32, #tpu.memory_space<hbm>>) target(%arg10 : memref<128x32xf32, #tpu.memory_space<vmem>>) target_semaphore(%arg14 : memref<!tpu.dma_semaphore, #tpu.memory_space<semaphore_mem>>)
      } else {
      }
      %mul3A_93 = arith.constant 4 : i32
      %mul3A_94 = arith.muli %scan3A_42, %mul3A_93 : i32
      %add3A_95 = arith.constant 3 : i32
      %add3A_96 = arith.addi %mul3A_94, %add3A_95 : i32
      %add3A_97 = arith.addi %mul3A_4, %add3A_96 : i32
      %mul3A_98 = arith.constant 128 : i32
      %mul3A_99 = arith.muli %add3A_97, %mul3A_98 : i32
      %dma_wait3A_100 = arith.constant 0 : i32
      %dma_wait3A_101 = tpu.memref_slice %arg2[%mul3A_99, %dma_wait3A_100] : memref<163840x32xf32, #tpu.memory_space<hbm>> -> memref<128x32xf32, #tpu.memory_space<hbm>>
      %dma_wait3A_102 = arith.constant 0 : i32
      %dma_wait3A_103 = tpu.memref_slice %arg2[%mul3A_99, %dma_wait3A_102] : memref<163840x32xf32, #tpu.memory_space<hbm>> -> memref<128x32xf32, #tpu.memory_space<hbm>>
      tpu.wait_dma2 semaphore(%arg15 : memref<!tpu.dma_semaphore, #tpu.memory_space<semaphore_mem>>) src(%dma_wait3A_103 : memref<128x32xf32, #tpu.memory_space<hbm>>) dst(%arg11 : memref<128x32xf32, #tpu.memory_space<vmem>>)
      "tpu.region"() ({
        %run_scoped3A = tpu.sem_alloc : memref<!tpu.dma_semaphore, #tpu.memory_space<semaphore_mem>>
        %dma_start3A_111 = arith.constant 0 : i32
        %dma_start3A_112 = tpu.memref_slice %arg6[%add3A_96, %dma_start3A_111] : memref<40x128xi32, #tpu.memory_space<vmem>> -> memref<1x128xi32, #tpu.memory_space<vmem>>
        %dma_start3A_113 = tpu.memref_squeeze %dma_start3A_112 : memref<1x128xi32, #tpu.memory_space<vmem>> -> memref<128xi32, #tpu.memory_space<vmem>>
        %dma_start3A_114 = arith.constant 0 : i32
        %dma_start3A_115 = arith.constant 0 : i32
        %dma_start3A_116 = tpu.memref_slice %arg7[%dma_start3A_114, %dma_start3A_115] : memref<10240x32xf32, #tpu.memory_space<vmem_shared>> -> memref<10240x32xf32, #tpu.memory_space<vmem_shared>>
        tpu.enqueue_indirect_dma source(%arg11 : memref<128x32xf32, #tpu.memory_space<vmem>>) target(%dma_start3A_116 : memref<10240x32xf32, #tpu.memory_space<vmem_shared>>) offsets(%dma_start3A_113 : memref<128xi32, #tpu.memory_space<vmem>>) semaphore(%run_scoped3A : memref<!tpu.dma_semaphore, #tpu.memory_space<semaphore_mem>>) {add = true}
        %dma_wait3A_117 = arith.constant 0 : i32
        %dma_wait3A_118 = tpu.memref_slice %arg6[%add3A_96, %dma_wait3A_117] : memref<40x128xi32, #tpu.memory_space<vmem>> -> memref<1x128xi32, #tpu.memory_space<vmem>>
        %dma_wait3A_119 = tpu.memref_squeeze %dma_wait3A_118 : memref<1x128xi32, #tpu.memory_space<vmem>> -> memref<128xi32, #tpu.memory_space<vmem>>
        %dma_wait3A_120 = arith.constant 0 : i32
        %dma_wait3A_121 = arith.constant 0 : i32
        %dma_wait3A_122 = tpu.memref_slice %arg7[%dma_wait3A_120, %dma_wait3A_121] : memref<10240x32xf32, #tpu.memory_space<vmem_shared>> -> memref<10240x32xf32, #tpu.memory_space<vmem_shared>>
        tpu.wait_indirect_dma semaphore(%run_scoped3A : memref<!tpu.dma_semaphore, #tpu.memory_space<semaphore_mem>>) src(%arg11 : memref<128x32xf32, #tpu.memory_space<vmem>>) dst(%dma_wait3A_122 : memref<10240x32xf32, #tpu.memory_space<vmem_shared>>)
        tpu.yield
      }) : () -> ()
      %add3A_104 = arith.constant 4 : i32
      %add3A_105 = arith.addi %add3A_96, %add3A_104 : i32
      %lt3A_106 = arith.constant 40 : i32
      %lt3A_107 = arith.cmpi slt, %add3A_105, %lt3A_106 : i32
      %convert_element_type3A_108 = arith.extui %lt3A_107 : i1 to i32
      %cond3A_109 = arith.constant 0 : i32
      %cond3A_110 = arith.cmpi ne, %convert_element_type3A_108, %cond3A_109 : i32
      scf.if %cond3A_110 {
        %add3A_111 = arith.addi %mul3A_4, %add3A_96 : i32
        %add3A_112 = arith.constant 4 : i32
        %add3A_113 = arith.addi %add3A_111, %add3A_112 : i32
        %mul3A_114 = arith.constant 128 : i32
        %mul3A_115 = arith.muli %add3A_113, %mul3A_114 : i32
        %dma_start3A_116 = arith.constant 0 : i32
        %dma_start3A_117 = tpu.memref_slice %arg2[%mul3A_115, %dma_start3A_116] : memref<163840x32xf32, #tpu.memory_space<hbm>> -> memref<128x32xf32, #tpu.memory_space<hbm>>
        %dma_start3A_118 = arith.constant 0 : i32
        %dma_start3A_119 = tpu.memref_slice %arg2[%mul3A_115, %dma_start3A_118] : memref<163840x32xf32, #tpu.memory_space<hbm>> -> memref<128x32xf32, #tpu.memory_space<hbm>>
        tpu.enqueue_dma source(%dma_start3A_119 : memref<128x32xf32, #tpu.memory_space<hbm>>) target(%arg11 : memref<128x32xf32, #tpu.memory_space<vmem>>) target_semaphore(%arg15 : memref<!tpu.dma_semaphore, #tpu.memory_space<semaphore_mem>>)
      } else {
      }
    }
    %scan3A_40 = arith.constant 10 : i32
    %barrier3A_41 = arith.constant 0 : index
    tpu.barrier barrier_id(%barrier3A_41)
    "tpu.region"() ({
      %run_scoped3A = tpu.sem_alloc : memref<!tpu.dma_semaphore, #tpu.memory_space<semaphore_mem>>
      %dma_start3A_42 = arith.constant 0 : i32
      %dma_start3A_43 = tpu.memref_slice %arg5[%arg0, %mul3A_2, %dma_start3A_42] : memref<2x10240x32xf32, #tpu.memory_space<hbm>> -> memref<1x640x32xf32, #tpu.memory_space<hbm>>
      %dma_start3A_44 = tpu.memref_squeeze %dma_start3A_43 : memref<1x640x32xf32, #tpu.memory_space<hbm>> -> memref<640x32xf32, #tpu.memory_space<hbm>>
      %dma_start3A_45 = arith.constant 0 : i32
      %dma_start3A_46 = tpu.memref_slice %arg7[%mul3A_2, %dma_start3A_45] : memref<10240x32xf32, #tpu.memory_space<vmem_shared>> -> memref<640x32xf32, #tpu.memory_space<vmem_shared>>
      tpu.enqueue_dma source(%dma_start3A_46 : memref<640x32xf32, #tpu.memory_space<vmem_shared>>) target(%dma_start3A_44 : memref<640x32xf32, #tpu.memory_space<hbm>>) target_semaphore(%run_scoped3A : memref<!tpu.dma_semaphore, #tpu.memory_space<semaphore_mem>>)
      %dma_wait3A = arith.constant 0 : i32
      %dma_wait3A_47 = tpu.memref_slice %arg5[%arg0, %mul3A_2, %dma_wait3A] : memref<2x10240x32xf32, #tpu.memory_space<hbm>> -> memref<1x640x32xf32, #tpu.memory_space<hbm>>
      %dma_wait3A_48 = tpu.memref_squeeze %dma_wait3A_47 : memref<1x640x32xf32, #tpu.memory_space<hbm>> -> memref<640x32xf32, #tpu.memory_space<hbm>>
      %dma_wait3A_49 = arith.constant 0 : i32
      %dma_wait3A_50 = tpu.memref_slice %arg7[%mul3A_2, %dma_wait3A_49] : memref<10240x32xf32, #tpu.memory_space<vmem_shared>> -> memref<640x32xf32, #tpu.memory_space<vmem_shared>>
      tpu.wait_dma2 semaphore(%run_scoped3A : memref<!tpu.dma_semaphore, #tpu.memory_space<semaphore_mem>>) src(%dma_wait3A_50 : memref<640x32xf32, #tpu.memory_space<vmem_shared>>) dst(%dma_wait3A_48 : memref<640x32xf32, #tpu.memory_space<hbm>>)
      tpu.yield
    }) : () -> ()
    return
  }
}

module attributes {stable_mosaic.version = 14 : i64} {
  func.func @_ea_pack_body(%arg0: i32, %arg1: memref<8192x16xf32, #tpu.memory_space<vmem>>, %arg2: memref<2048x64xf32, #tpu.memory_space<vmem>>) attributes {dimension_semantics = [#tpu.dimension_semantics<arbitrary>], iteration_bounds = array<i64: 20>, scalar_prefetch = 0 : i64, scratch_operands = 0 : i64, tpu.core_type = #tpu.core_type<tc>, window_params = [{transform_indices = @transform_0, window_bounds = array<i64: 8192, 16>}, {transform_indices = @transform_1, window_bounds = array<i64: 2048, 64>}]} {
    %get3A = arith.constant 0 : index
    %get3A_0 = arith.constant 0 : index
    %get3A_1 = vector.load %arg1[%get3A, %get3A_0] : memref<8192x16xf32, #tpu.memory_space<vmem>>, vector<8192x16xf32>
    %reshape3A = vector.shape_cast %get3A_1 : vector<8192x16xf32> to vector<2048x4x16xf32>
    %slice3A = vector.extract_strided_slice %reshape3A {offsets = [0, 0, 0], sizes = [2048, 1, 16], strides = [1, 1, 1]} : vector<2048x4x16xf32> to vector<2048x1x16xf32>
    %squeeze3A = vector.shape_cast %slice3A : vector<2048x1x16xf32> to vector<2048x16xf32>
    %slice3A_2 = vector.extract_strided_slice %reshape3A {offsets = [0, 1, 0], sizes = [2048, 1, 16], strides = [1, 1, 1]} : vector<2048x4x16xf32> to vector<2048x1x16xf32>
    %squeeze3A_3 = vector.shape_cast %slice3A_2 : vector<2048x1x16xf32> to vector<2048x16xf32>
    %slice3A_4 = vector.extract_strided_slice %reshape3A {offsets = [0, 2, 0], sizes = [2048, 1, 16], strides = [1, 1, 1]} : vector<2048x4x16xf32> to vector<2048x1x16xf32>
    %squeeze3A_5 = vector.shape_cast %slice3A_4 : vector<2048x1x16xf32> to vector<2048x16xf32>
    %slice3A_6 = vector.extract_strided_slice %reshape3A {offsets = [0, 3, 0], sizes = [2048, 1, 16], strides = [1, 1, 1]} : vector<2048x4x16xf32> to vector<2048x1x16xf32>
    %squeeze3A_7 = vector.shape_cast %slice3A_6 : vector<2048x1x16xf32> to vector<2048x16xf32>
    %concatenate3A = tpu.concatenate %squeeze3A, %squeeze3A_3, %squeeze3A_5, %squeeze3A_7 in 1 : vector<2048x16xf32>, vector<2048x16xf32>, vector<2048x16xf32>, vector<2048x16xf32> -> vector<2048x64xf32>
    %swap3A = arith.constant 0 : index
    %swap3A_8 = arith.constant 0 : index
    %swap3A_9 = vector.load %arg2[%swap3A, %swap3A_8] : memref<2048x64xf32, #tpu.memory_space<vmem>>, vector<2048x64xf32>
    tpu.vector_store %arg2[%swap3A, %swap3A_8], %concatenate3A {strides = array<i32>} : memref<2048x64xf32, #tpu.memory_space<vmem>>, vector<2048x64xf32>,
    return
  }
  func.func @transform_0(%arg0: i32) -> (i32, i32) {
    %c0_i32 = arith.constant 0 : i32
    %c0_i32_0 = arith.constant 0 : i32
    return %arg0, %c0_i32 : i32, i32
  }
  func.func @transform_1(%arg0: i32) -> (i32, i32) {
    %c0_i32 = arith.constant 0 : i32
    %c0_i32_0 = arith.constant 0 : i32
    return %arg0, %c0_i32 : i32, i32
  }
}

module attributes {stable_mosaic.version = 14 : i64} {
  func.func @_msg_body(%arg0: i32, %arg1: memref<8192x128xf32, #tpu.memory_space<vmem>>, %arg2: memref<2048x64xf32, #tpu.memory_space<vmem>>, %arg3: memref<128x512xf32, #tpu.memory_space<vmem>>, %arg4: memref<512x128xf32, #tpu.memory_space<vmem>>, %arg5: memref<64x2048xf32, #tpu.memory_space<vmem>>, %arg6: memref<2048x128xf32, #tpu.memory_space<vmem>>, %arg7: memref<2048x128xf32, #tpu.memory_space<vmem>>) attributes {dimension_semantics = [#tpu.dimension_semantics<arbitrary>], iteration_bounds = array<i64: 20>, scalar_prefetch = 0 : i64, scratch_operands = 0 : i64, tpu.core_type = #tpu.core_type<tc>, window_params = [{transform_indices = @transform_0, window_bounds = array<i64: 8192, 128>}, {transform_indices = @transform_1, window_bounds = array<i64: 2048, 64>}, {pipeline_mode = #tpu.pipeline_mode<synchronous>, transform_indices = @transform_2, window_bounds = array<i64: 128, 512>}, {pipeline_mode = #tpu.pipeline_mode<synchronous>, transform_indices = @transform_3, window_bounds = array<i64: 512, 128>}, {pipeline_mode = #tpu.pipeline_mode<synchronous>, transform_indices = @transform_4, window_bounds = array<i64: 64, 2048>}, {pipeline_mode = #tpu.pipeline_mode<synchronous>, transform_indices = @transform_5, window_bounds = array<i64: 2048, 128>}, {transform_indices = @transform_6, window_bounds = array<i64: 2048, 128>}]} {
    %get3A = arith.constant 0 : index
    %get3A_0 = arith.constant 0 : index
    %get3A_1 = vector.load %arg1[%get3A, %get3A_0] : memref<8192x128xf32, #tpu.memory_space<vmem>>, vector<8192x128xf32>
    %reshape3A = vector.shape_cast %get3A_1 : vector<8192x128xf32> to vector<2048x512xf32>
    %get3A_2 = arith.constant 0 : index
    %get3A_3 = arith.constant 0 : index
    %get3A_4 = vector.load %arg2[%get3A_2, %get3A_3] : memref<2048x64xf32, #tpu.memory_space<vmem>>, vector<2048x64xf32>
    %get3A_5 = arith.constant 0 : index
    %get3A_6 = arith.constant 0 : index
    %get3A_7 = vector.load %arg4[%get3A_5, %get3A_6] : memref<512x128xf32, #tpu.memory_space<vmem>>, vector<512x128xf32>
    %dot_general3A = arith.constant dense<0.000000e+00> : vector<2048x128xf32>
    %dot_general3A_8 = tpu.matmul %reshape3A, %get3A_7, %dot_general3A {dimension_numbers = #tpu.dot_dimension_numbers<[1], [0], [0], [1], [0, 0, 1, 1], [], []>, transpose_lhs_hint = false} : vector<2048x512xf32>, vector<512x128xf32>, vector<2048x128xf32> -> vector<2048x128xf32>
    %slice3A = vector.extract_strided_slice %reshape3A {offsets = [0, 0], sizes = [2048, 128], strides = [1, 1]} : vector<2048x512xf32> to vector<2048x128xf32>
    %get3A_9 = arith.constant 0 : index
    %get3A_10 = arith.constant 0 : index
    %get3A_11 = vector.load %arg3[%get3A_9, %get3A_10] : memref<128x512xf32, #tpu.memory_space<vmem>>, vector<128x512xf32>
    %dot_general3A_12 = arith.constant dense<0.000000e+00> : vector<2048x512xf32>
    %dot_general3A_13 = tpu.matmul %slice3A, %get3A_11, %dot_general3A_12 {dimension_numbers = #tpu.dot_dimension_numbers<[1], [0], [0], [1], [0, 0, 1, 1], [], []>, transpose_lhs_hint = false} : vector<2048x128xf32>, vector<128x512xf32>, vector<2048x512xf32> -> vector<2048x512xf32>
    %get3A_14 = arith.constant 0 : index
    %get3A_15 = arith.constant 0 : index
    %get3A_16 = vector.load %arg5[%get3A_14, %get3A_15] : memref<64x2048xf32, #tpu.memory_space<vmem>>, vector<64x512xf32>
    %dot_general3A_17 = arith.constant dense<0.000000e+00> : vector<2048x512xf32>
    %dot_general3A_18 = tpu.matmul %get3A_4, %get3A_16, %dot_general3A_17 {dimension_numbers = #tpu.dot_dimension_numbers<[1], [0], [0], [1], [0, 0, 1, 1], [], []>, transpose_lhs_hint = false} : vector<2048x64xf32>, vector<64x512xf32>, vector<2048x512xf32> -> vector<2048x512xf32>
    %mul3A = arith.mulf %dot_general3A_18, %dot_general3A_13 : vector<2048x512xf32>
    %get3A_19 = arith.constant 0 : index
    %get3A_20 = arith.constant 0 : index
    %get3A_21 = vector.load %arg6[%get3A_19, %get3A_20] : memref<2048x128xf32, #tpu.memory_space<vmem>>, vector<512x128xf32>
    %dot_general3A_22 = arith.constant dense<0.000000e+00> : vector<2048x128xf32>
    %dot_general3A_23 = tpu.matmul %mul3A, %get3A_21, %dot_general3A_22 {dimension_numbers = #tpu.dot_dimension_numbers<[1], [0], [0], [1], [0, 0, 1, 1], [], []>, transpose_lhs_hint = false} : vector<2048x512xf32>, vector<512x128xf32>, vector<2048x128xf32> -> vector<2048x128xf32>
    %add3A = arith.addf %dot_general3A_8, %dot_general3A_23 : vector<2048x128xf32>
    %slice3A_24 = vector.extract_strided_slice %reshape3A {offsets = [0, 128], sizes = [2048, 128], strides = [1, 1]} : vector<2048x512xf32> to vector<2048x128xf32>
    %get3A_25 = arith.constant 0 : index
    %get3A_26 = arith.constant 0 : index
    %get3A_27 = vector.load %arg3[%get3A_25, %get3A_26] : memref<128x512xf32, #tpu.memory_space<vmem>>, vector<128x512xf32>
    %dot_general3A_28 = arith.constant dense<0.000000e+00> : vector<2048x512xf32>
    %dot_general3A_29 = tpu.matmul %slice3A_24, %get3A_27, %dot_general3A_28 {dimension_numbers = #tpu.dot_dimension_numbers<[1], [0], [0], [1], [0, 0, 1, 1], [], []>, transpose_lhs_hint = false} : vector<2048x128xf32>, vector<128x512xf32>, vector<2048x512xf32> -> vector<2048x512xf32>
    %get3A_30 = arith.constant 0 : index
    %get3A_31 = arith.constant 512 : index
    %get3A_32 = vector.load %arg5[%get3A_30, %get3A_31] : memref<64x2048xf32, #tpu.memory_space<vmem>>, vector<64x512xf32>
    %dot_general3A_33 = arith.constant dense<0.000000e+00> : vector<2048x512xf32>
    %dot_general3A_34 = tpu.matmul %get3A_4, %get3A_32, %dot_general3A_33 {dimension_numbers = #tpu.dot_dimension_numbers<[1], [0], [0], [1], [0, 0, 1, 1], [], []>, transpose_lhs_hint = false} : vector<2048x64xf32>, vector<64x512xf32>, vector<2048x512xf32> -> vector<2048x512xf32>
    %mul3A_35 = arith.mulf %dot_general3A_34, %dot_general3A_29 : vector<2048x512xf32>
    %get3A_36 = arith.constant 512 : index
    %get3A_37 = arith.constant 0 : index
    %get3A_38 = vector.load %arg6[%get3A_36, %get3A_37] : memref<2048x128xf32, #tpu.memory_space<vmem>>, vector<512x128xf32>
    %dot_general3A_39 = arith.constant dense<0.000000e+00> : vector<2048x128xf32>
    %dot_general3A_40 = tpu.matmul %mul3A_35, %get3A_38, %dot_general3A_39 {dimension_numbers = #tpu.dot_dimension_numbers<[1], [0], [0], [1], [0, 0, 1, 1], [], []>, transpose_lhs_hint = false} : vector<2048x512xf32>, vector<512x128xf32>, vector<2048x128xf32> -> vector<2048x128xf32>
    %add3A_41 = arith.addf %add3A, %dot_general3A_40 : vector<2048x128xf32>
    %slice3A_42 = vector.extract_strided_slice %reshape3A {offsets = [0, 256], sizes = [2048, 128], strides = [1, 1]} : vector<2048x512xf32> to vector<2048x128xf32>
    %get3A_43 = arith.constant 0 : index
    %get3A_44 = arith.constant 0 : index
    %get3A_45 = vector.load %arg3[%get3A_43, %get3A_44] : memref<128x512xf32, #tpu.memory_space<vmem>>, vector<128x512xf32>
    %dot_general3A_46 = arith.constant dense<0.000000e+00> : vector<2048x512xf32>
    %dot_general3A_47 = tpu.matmul %slice3A_42, %get3A_45, %dot_general3A_46 {dimension_numbers = #tpu.dot_dimension_numbers<[1], [0], [0], [1], [0, 0, 1, 1], [], []>, transpose_lhs_hint = false} : vector<2048x128xf32>, vector<128x512xf32>, vector<2048x512xf32> -> vector<2048x512xf32>
    %get3A_48 = arith.constant 0 : index
    %get3A_49 = arith.constant 1024 : index
    %get3A_50 = vector.load %arg5[%get3A_48, %get3A_49] : memref<64x2048xf32, #tpu.memory_space<vmem>>, vector<64x512xf32>
    %dot_general3A_51 = arith.constant dense<0.000000e+00> : vector<2048x512xf32>
    %dot_general3A_52 = tpu.matmul %get3A_4, %get3A_50, %dot_general3A_51 {dimension_numbers = #tpu.dot_dimension_numbers<[1], [0], [0], [1], [0, 0, 1, 1], [], []>, transpose_lhs_hint = false} : vector<2048x64xf32>, vector<64x512xf32>, vector<2048x512xf32> -> vector<2048x512xf32>
    %mul3A_53 = arith.mulf %dot_general3A_52, %dot_general3A_47 : vector<2048x512xf32>
    %get3A_54 = arith.constant 1024 : index
    %get3A_55 = arith.constant 0 : index
    %get3A_56 = vector.load %arg6[%get3A_54, %get3A_55] : memref<2048x128xf32, #tpu.memory_space<vmem>>, vector<512x128xf32>
    %dot_general3A_57 = arith.constant dense<0.000000e+00> : vector<2048x128xf32>
    %dot_general3A_58 = tpu.matmul %mul3A_53, %get3A_56, %dot_general3A_57 {dimension_numbers = #tpu.dot_dimension_numbers<[1], [0], [0], [1], [0, 0, 1, 1], [], []>, transpose_lhs_hint = false} : vector<2048x512xf32>, vector<512x128xf32>, vector<2048x128xf32> -> vector<2048x128xf32>
    %add3A_59 = arith.addf %add3A_41, %dot_general3A_58 : vector<2048x128xf32>
    %slice3A_60 = vector.extract_strided_slice %reshape3A {offsets = [0, 384], sizes = [2048, 128], strides = [1, 1]} : vector<2048x512xf32> to vector<2048x128xf32>
    %get3A_61 = arith.constant 0 : index
    %get3A_62 = arith.constant 0 : index
    %get3A_63 = vector.load %arg3[%get3A_61, %get3A_62] : memref<128x512xf32, #tpu.memory_space<vmem>>, vector<128x512xf32>
    %dot_general3A_64 = arith.constant dense<0.000000e+00> : vector<2048x512xf32>
    %dot_general3A_65 = tpu.matmul %slice3A_60, %get3A_63, %dot_general3A_64 {dimension_numbers = #tpu.dot_dimension_numbers<[1], [0], [0], [1], [0, 0, 1, 1], [], []>, transpose_lhs_hint = false} : vector<2048x128xf32>, vector<128x512xf32>, vector<2048x512xf32> -> vector<2048x512xf32>
    %get3A_66 = arith.constant 0 : index
    %get3A_67 = arith.constant 1536 : index
    %get3A_68 = vector.load %arg5[%get3A_66, %get3A_67] : memref<64x2048xf32, #tpu.memory_space<vmem>>, vector<64x512xf32>
    %dot_general3A_69 = arith.constant dense<0.000000e+00> : vector<2048x512xf32>
    %dot_general3A_70 = tpu.matmul %get3A_4, %get3A_68, %dot_general3A_69 {dimension_numbers = #tpu.dot_dimension_numbers<[1], [0], [0], [1], [0, 0, 1, 1], [], []>, transpose_lhs_hint = false} : vector<2048x64xf32>, vector<64x512xf32>, vector<2048x512xf32> -> vector<2048x512xf32>
    %mul3A_71 = arith.mulf %dot_general3A_70, %dot_general3A_65 : vector<2048x512xf32>
    %get3A_72 = arith.constant 1536 : index
    %get3A_73 = arith.constant 0 : index
    %get3A_74 = vector.load %arg6[%get3A_72, %get3A_73] : memref<2048x128xf32, #tpu.memory_space<vmem>>, vector<512x128xf32>
    %dot_general3A_75 = arith.constant dense<0.000000e+00> : vector<2048x128xf32>
    %dot_general3A_76 = tpu.matmul %mul3A_71, %get3A_74, %dot_general3A_75 {dimension_numbers = #tpu.dot_dimension_numbers<[1], [0], [0], [1], [0, 0, 1, 1], [], []>, transpose_lhs_hint = false} : vector<2048x512xf32>, vector<512x128xf32>, vector<2048x128xf32> -> vector<2048x128xf32>
    %add3A_77 = arith.addf %add3A_59, %dot_general3A_76 : vector<2048x128xf32>
    %swap3A = arith.constant 0 : index
    %swap3A_78 = arith.constant 0 : index
    %swap3A_79 = vector.load %arg7[%swap3A, %swap3A_78] : memref<2048x128xf32, #tpu.memory_space<vmem>>, vector<2048x128xf32>
    tpu.vector_store %arg7[%swap3A, %swap3A_78], %add3A_77 {strides = array<i32>} : memref<2048x128xf32, #tpu.memory_space<vmem>>, vector<2048x128xf32>,
    return
  }
  func.func @transform_0(%arg0: i32) -> (i32, i32) {
    %c0_i32 = arith.constant 0 : i32
    %c0_i32_0 = arith.constant 0 : i32
    return %arg0, %c0_i32 : i32, i32
  }
  func.func @transform_1(%arg0: i32) -> (i32, i32) {
    %c0_i32 = arith.constant 0 : i32
    %c0_i32_0 = arith.constant 0 : i32
    return %arg0, %c0_i32 : i32, i32
  }
  func.func @transform_2(%arg0: i32) -> (i32, i32) {
    %c0_i32 = arith.constant 0 : i32
    %c0_i32_0 = arith.constant 0 : i32
    %c0_i32_1 = arith.constant 0 : i32
    return %c0_i32, %c0_i32_0 : i32, i32
  }
  func.func @transform_3(%arg0: i32) -> (i32, i32) {
    %c0_i32 = arith.constant 0 : i32
    %c0_i32_0 = arith.constant 0 : i32
    %c0_i32_1 = arith.constant 0 : i32
    return %c0_i32, %c0_i32_0 : i32, i32
  }
  func.func @transform_4(%arg0: i32) -> (i32, i32) {
    %c0_i32 = arith.constant 0 : i32
    %c0_i32_0 = arith.constant 0 : i32
    %c0_i32_1 = arith.constant 0 : i32
    return %c0_i32, %c0_i32_0 : i32, i32
  }
  func.func @transform_5(%arg0: i32) -> (i32, i32) {
    %c0_i32 = arith.constant 0 : i32
    %c0_i32_0 = arith.constant 0 : i32
    %c0_i32_1 = arith.constant 0 : i32
    return %c0_i32, %c0_i32_0 : i32, i32
  }
  func.func @transform_6(%arg0: i32) -> (i32, i32) {
    %c0_i32 = arith.constant 0 : i32
    %c0_i32_0 = arith.constant 0 : i32
    return %arg0, %c0_i32 : i32, i32
  }
}

module attributes {stable_mosaic.version = 14 : i64} {
  func.func @_root_body(%arg0: i32, %arg1: memref<2x512x128xf32, #tpu.memory_space<vmem>>, %arg2: memref<512x512xf32, #tpu.memory_space<vmem>>, %arg3: memref<512x128xf32, #tpu.memory_space<vmem>>, %arg4: memref<1x128xf32, #tpu.memory_space<vmem>>, %arg5: memref<512x128xf32, #tpu.memory_space<vmem>>) attributes {dimension_semantics = [#tpu.dimension_semantics<arbitrary>], iteration_bounds = array<i64: 5>, scalar_prefetch = 0 : i64, scratch_operands = 0 : i64, tpu.core_type = #tpu.core_type<tc>, window_params = [{transform_indices = @transform_0, window_bounds = array<i64: 2, 512, 128>}, {transform_indices = @transform_1, window_bounds = array<i64: 512, 512>}, {pipeline_mode = #tpu.pipeline_mode<synchronous>, transform_indices = @transform_2, window_bounds = array<i64: 512, 128>}, {pipeline_mode = #tpu.pipeline_mode<synchronous>, transform_indices = @transform_3, window_bounds = array<i64: 1, 128>}, {transform_indices = @transform_4, window_bounds = array<i64: 512, 128>}]} {
    %get3A = arith.constant 0 : index
    %get3A_0 = arith.constant 0 : index
    %get3A_1 = arith.constant 0 : index
    %get3A_2 = vector.load %arg1[%get3A, %get3A_0, %get3A_1] : memref<2x512x128xf32, #tpu.memory_space<vmem>>, vector<1x512x128xf32>
    %get3A_3 = vector.shape_cast %get3A_2 : vector<1x512x128xf32> to vector<512x128xf32>
    %get3A_4 = arith.constant 1 : index
    %get3A_5 = arith.constant 0 : index
    %get3A_6 = arith.constant 0 : index
    %get3A_7 = vector.load %arg1[%get3A_4, %get3A_5, %get3A_6] : memref<2x512x128xf32, #tpu.memory_space<vmem>>, vector<1x512x128xf32>
    %get3A_8 = vector.shape_cast %get3A_7 : vector<1x512x128xf32> to vector<512x128xf32>
    %add3A = arith.addf %get3A_3, %get3A_8 : vector<512x128xf32>
    %get3A_9 = arith.constant 0 : index
    %get3A_10 = arith.constant 0 : index
    %get3A_11 = vector.load %arg2[%get3A_9, %get3A_10] : memref<512x512xf32, #tpu.memory_space<vmem>>, vector<512x512xf32>
    %get3A_12 = arith.constant 0 : index
    %get3A_13 = arith.constant 0 : index
    %get3A_14 = vector.load %arg3[%get3A_12, %get3A_13] : memref<512x128xf32, #tpu.memory_space<vmem>>, vector<512x128xf32>
    %dot_general3A = arith.constant dense<0.000000e+00> : vector<512x128xf32>
    %dot_general3A_15 = tpu.matmul %get3A_11, %get3A_14, %dot_general3A {dimension_numbers = #tpu.dot_dimension_numbers<[1], [0], [0], [1], [0, 0, 1, 1], [], []>, transpose_lhs_hint = false} : vector<512x512xf32>, vector<512x128xf32>, vector<512x128xf32> -> vector<512x128xf32>
    %add3A_16 = arith.addf %add3A, %dot_general3A_15 : vector<512x128xf32>
    %get3A_17 = arith.constant 0 : index
    %get3A_18 = arith.constant 0 : index
    %get3A_19 = vector.load %arg4[%get3A_17, %get3A_18] : memref<1x128xf32, #tpu.memory_space<vmem>>, vector<1x128xf32>
    %add3A_20 = vector.broadcast %get3A_19 : vector<1x128xf32> to vector<512x128xf32>
    %add3A_21 = arith.addf %add3A_16, %add3A_20 : vector<512x128xf32>
    %max3A = arith.constant 0.000000e+00 : f32
    %max3A_22 = vector.broadcast %max3A : f32 to vector<512x128xf32>
    %max3A_23 = arith.maximumf %add3A_21, %max3A_22 : vector<512x128xf32>
    %swap3A = arith.constant 0 : index
    %swap3A_24 = arith.constant 0 : index
    %swap3A_25 = vector.load %arg5[%swap3A, %swap3A_24] : memref<512x128xf32, #tpu.memory_space<vmem>>, vector<512x128xf32>
    tpu.vector_store %arg5[%swap3A, %swap3A_24], %max3A_23 {strides = array<i32>} : memref<512x128xf32, #tpu.memory_space<vmem>>, vector<512x128xf32>,
    return
  }
  func.func @transform_0(%arg0: i32) -> (i32, i32, i32) {
    %c0_i32 = arith.constant 0 : i32
    %c0_i32_0 = arith.constant 0 : i32
    %c0_i32_1 = arith.constant 0 : i32
    return %c0_i32, %arg0, %c0_i32_0 : i32, i32, i32
  }
  func.func @transform_1(%arg0: i32) -> (i32, i32) {
    %c0_i32 = arith.constant 0 : i32
    %c0_i32_0 = arith.constant 0 : i32
    return %arg0, %c0_i32 : i32, i32
  }
  func.func @transform_2(%arg0: i32) -> (i32, i32) {
    %c0_i32 = arith.constant 0 : i32
    %c0_i32_0 = arith.constant 0 : i32
    %c0_i32_1 = arith.constant 0 : i32
    return %c0_i32, %c0_i32_0 : i32, i32
  }
  func.func @transform_3(%arg0: i32) -> (i32, i32) {
    %c0_i32 = arith.constant 0 : i32
    %c0_i32_0 = arith.constant 0 : i32
    %c0_i32_1 = arith.constant 0 : i32
    return %c0_i32, %c0_i32_0 : i32, i32
  }
  func.func @transform_4(%arg0: i32) -> (i32, i32) {
    %c0_i32 = arith.constant 0 : i32
    %c0_i32_0 = arith.constant 0 : i32
    return %arg0, %c0_i32 : i32, i32
  }
}

module attributes {stable_mosaic.version = 14 : i64} {
  func.func @_msg_body(%arg0: i32, %arg1: memref<2048x128xf32, #tpu.memory_space<vmem>>, %arg2: memref<2048x64xf32, #tpu.memory_space<vmem>>, %arg3: memref<32x512xf32, #tpu.memory_space<vmem>>, %arg4: memref<128x128xf32, #tpu.memory_space<vmem>>, %arg5: memref<64x2048xf32, #tpu.memory_space<vmem>>, %arg6: memref<2048x128xf32, #tpu.memory_space<vmem>>, %arg7: memref<2048x128xf32, #tpu.memory_space<vmem>>) attributes {dimension_semantics = [#tpu.dimension_semantics<arbitrary>], iteration_bounds = array<i64: 20>, scalar_prefetch = 0 : i64, scratch_operands = 0 : i64, tpu.core_type = #tpu.core_type<tc>, window_params = [{transform_indices = @transform_0, window_bounds = array<i64: 2048, 128>}, {transform_indices = @transform_1, window_bounds = array<i64: 2048, 64>}, {pipeline_mode = #tpu.pipeline_mode<synchronous>, transform_indices = @transform_2, window_bounds = array<i64: 32, 512>}, {pipeline_mode = #tpu.pipeline_mode<synchronous>, transform_indices = @transform_3, window_bounds = array<i64: 128, 128>}, {pipeline_mode = #tpu.pipeline_mode<synchronous>, transform_indices = @transform_4, window_bounds = array<i64: 64, 2048>}, {pipeline_mode = #tpu.pipeline_mode<synchronous>, transform_indices = @transform_5, window_bounds = array<i64: 2048, 128>}, {transform_indices = @transform_6, window_bounds = array<i64: 2048, 128>}]} {
    %get3A = arith.constant 0 : index
    %get3A_0 = arith.constant 0 : index
    %get3A_1 = vector.load %arg1[%get3A, %get3A_0] : memref<2048x128xf32, #tpu.memory_space<vmem>>, vector<2048x128xf32>
    %get3A_2 = arith.constant 0 : index
    %get3A_3 = arith.constant 0 : index
    %get3A_4 = vector.load %arg2[%get3A_2, %get3A_3] : memref<2048x64xf32, #tpu.memory_space<vmem>>, vector<2048x64xf32>
    %get3A_5 = arith.constant 0 : index
    %get3A_6 = arith.constant 0 : index
    %get3A_7 = vector.load %arg4[%get3A_5, %get3A_6] : memref<128x128xf32, #tpu.memory_space<vmem>>, vector<128x128xf32>
    %dot_general3A = arith.constant dense<0.000000e+00> : vector<2048x128xf32>
    %dot_general3A_8 = tpu.matmul %get3A_1, %get3A_7, %dot_general3A {dimension_numbers = #tpu.dot_dimension_numbers<[1], [0], [0], [1], [0, 0, 1, 1], [], []>, transpose_lhs_hint = false} : vector<2048x128xf32>, vector<128x128xf32>, vector<2048x128xf32> -> vector<2048x128xf32>
    %slice3A = vector.extract_strided_slice %get3A_1 {offsets = [0, 0], sizes = [2048, 32], strides = [1, 1]} : vector<2048x128xf32> to vector<2048x32xf32>
    %get3A_9 = arith.constant 0 : index
    %get3A_10 = arith.constant 0 : index
    %get3A_11 = vector.load %arg3[%get3A_9, %get3A_10] : memref<32x512xf32, #tpu.memory_space<vmem>>, vector<32x512xf32>
    %dot_general3A_12 = arith.constant dense<0.000000e+00> : vector<2048x512xf32>
    %dot_general3A_13 = tpu.matmul %slice3A, %get3A_11, %dot_general3A_12 {dimension_numbers = #tpu.dot_dimension_numbers<[1], [0], [0], [1], [0, 0, 1, 1], [], []>, transpose_lhs_hint = false} : vector<2048x32xf32>, vector<32x512xf32>, vector<2048x512xf32> -> vector<2048x512xf32>
    %get3A_14 = arith.constant 0 : index
    %get3A_15 = arith.constant 0 : index
    %get3A_16 = vector.load %arg5[%get3A_14, %get3A_15] : memref<64x2048xf32, #tpu.memory_space<vmem>>, vector<64x512xf32>
    %dot_general3A_17 = arith.constant dense<0.000000e+00> : vector<2048x512xf32>
    %dot_general3A_18 = tpu.matmul %get3A_4, %get3A_16, %dot_general3A_17 {dimension_numbers = #tpu.dot_dimension_numbers<[1], [0], [0], [1], [0, 0, 1, 1], [], []>, transpose_lhs_hint = false} : vector<2048x64xf32>, vector<64x512xf32>, vector<2048x512xf32> -> vector<2048x512xf32>
    %mul3A = arith.mulf %dot_general3A_18, %dot_general3A_13 : vector<2048x512xf32>
    %get3A_19 = arith.constant 0 : index
    %get3A_20 = arith.constant 0 : index
    %get3A_21 = vector.load %arg6[%get3A_19, %get3A_20] : memref<2048x128xf32, #tpu.memory_space<vmem>>, vector<512x128xf32>
    %dot_general3A_22 = arith.constant dense<0.000000e+00> : vector<2048x128xf32>
    %dot_general3A_23 = tpu.matmul %mul3A, %get3A_21, %dot_general3A_22 {dimension_numbers = #tpu.dot_dimension_numbers<[1], [0], [0], [1], [0, 0, 1, 1], [], []>, transpose_lhs_hint = false} : vector<2048x512xf32>, vector<512x128xf32>, vector<2048x128xf32> -> vector<2048x128xf32>
    %add3A = arith.addf %dot_general3A_8, %dot_general3A_23 : vector<2048x128xf32>
    %slice3A_24 = vector.extract_strided_slice %get3A_1 {offsets = [0, 32], sizes = [2048, 32], strides = [1, 1]} : vector<2048x128xf32> to vector<2048x32xf32>
    %get3A_25 = arith.constant 0 : index
    %get3A_26 = arith.constant 0 : index
    %get3A_27 = vector.load %arg3[%get3A_25, %get3A_26] : memref<32x512xf32, #tpu.memory_space<vmem>>, vector<32x512xf32>
    %dot_general3A_28 = arith.constant dense<0.000000e+00> : vector<2048x512xf32>
    %dot_general3A_29 = tpu.matmul %slice3A_24, %get3A_27, %dot_general3A_28 {dimension_numbers = #tpu.dot_dimension_numbers<[1], [0], [0], [1], [0, 0, 1, 1], [], []>, transpose_lhs_hint = false} : vector<2048x32xf32>, vector<32x512xf32>, vector<2048x512xf32> -> vector<2048x512xf32>
    %get3A_30 = arith.constant 0 : index
    %get3A_31 = arith.constant 512 : index
    %get3A_32 = vector.load %arg5[%get3A_30, %get3A_31] : memref<64x2048xf32, #tpu.memory_space<vmem>>, vector<64x512xf32>
    %dot_general3A_33 = arith.constant dense<0.000000e+00> : vector<2048x512xf32>
    %dot_general3A_34 = tpu.matmul %get3A_4, %get3A_32, %dot_general3A_33 {dimension_numbers = #tpu.dot_dimension_numbers<[1], [0], [0], [1], [0, 0, 1, 1], [], []>, transpose_lhs_hint = false} : vector<2048x64xf32>, vector<64x512xf32>, vector<2048x512xf32> -> vector<2048x512xf32>
    %mul3A_35 = arith.mulf %dot_general3A_34, %dot_general3A_29 : vector<2048x512xf32>
    %get3A_36 = arith.constant 512 : index
    %get3A_37 = arith.constant 0 : index
    %get3A_38 = vector.load %arg6[%get3A_36, %get3A_37] : memref<2048x128xf32, #tpu.memory_space<vmem>>, vector<512x128xf32>
    %dot_general3A_39 = arith.constant dense<0.000000e+00> : vector<2048x128xf32>
    %dot_general3A_40 = tpu.matmul %mul3A_35, %get3A_38, %dot_general3A_39 {dimension_numbers = #tpu.dot_dimension_numbers<[1], [0], [0], [1], [0, 0, 1, 1], [], []>, transpose_lhs_hint = false} : vector<2048x512xf32>, vector<512x128xf32>, vector<2048x128xf32> -> vector<2048x128xf32>
    %add3A_41 = arith.addf %add3A, %dot_general3A_40 : vector<2048x128xf32>
    %slice3A_42 = vector.extract_strided_slice %get3A_1 {offsets = [0, 64], sizes = [2048, 32], strides = [1, 1]} : vector<2048x128xf32> to vector<2048x32xf32>
    %get3A_43 = arith.constant 0 : index
    %get3A_44 = arith.constant 0 : index
    %get3A_45 = vector.load %arg3[%get3A_43, %get3A_44] : memref<32x512xf32, #tpu.memory_space<vmem>>, vector<32x512xf32>
    %dot_general3A_46 = arith.constant dense<0.000000e+00> : vector<2048x512xf32>
    %dot_general3A_47 = tpu.matmul %slice3A_42, %get3A_45, %dot_general3A_46 {dimension_numbers = #tpu.dot_dimension_numbers<[1], [0], [0], [1], [0, 0, 1, 1], [], []>, transpose_lhs_hint = false} : vector<2048x32xf32>, vector<32x512xf32>, vector<2048x512xf32> -> vector<2048x512xf32>
    %get3A_48 = arith.constant 0 : index
    %get3A_49 = arith.constant 1024 : index
    %get3A_50 = vector.load %arg5[%get3A_48, %get3A_49] : memref<64x2048xf32, #tpu.memory_space<vmem>>, vector<64x512xf32>
    %dot_general3A_51 = arith.constant dense<0.000000e+00> : vector<2048x512xf32>
    %dot_general3A_52 = tpu.matmul %get3A_4, %get3A_50, %dot_general3A_51 {dimension_numbers = #tpu.dot_dimension_numbers<[1], [0], [0], [1], [0, 0, 1, 1], [], []>, transpose_lhs_hint = false} : vector<2048x64xf32>, vector<64x512xf32>, vector<2048x512xf32> -> vector<2048x512xf32>
    %mul3A_53 = arith.mulf %dot_general3A_52, %dot_general3A_47 : vector<2048x512xf32>
    %get3A_54 = arith.constant 1024 : index
    %get3A_55 = arith.constant 0 : index
    %get3A_56 = vector.load %arg6[%get3A_54, %get3A_55] : memref<2048x128xf32, #tpu.memory_space<vmem>>, vector<512x128xf32>
    %dot_general3A_57 = arith.constant dense<0.000000e+00> : vector<2048x128xf32>
    %dot_general3A_58 = tpu.matmul %mul3A_53, %get3A_56, %dot_general3A_57 {dimension_numbers = #tpu.dot_dimension_numbers<[1], [0], [0], [1], [0, 0, 1, 1], [], []>, transpose_lhs_hint = false} : vector<2048x512xf32>, vector<512x128xf32>, vector<2048x128xf32> -> vector<2048x128xf32>
    %add3A_59 = arith.addf %add3A_41, %dot_general3A_58 : vector<2048x128xf32>
    %slice3A_60 = vector.extract_strided_slice %get3A_1 {offsets = [0, 96], sizes = [2048, 32], strides = [1, 1]} : vector<2048x128xf32> to vector<2048x32xf32>
    %get3A_61 = arith.constant 0 : index
    %get3A_62 = arith.constant 0 : index
    %get3A_63 = vector.load %arg3[%get3A_61, %get3A_62] : memref<32x512xf32, #tpu.memory_space<vmem>>, vector<32x512xf32>
    %dot_general3A_64 = arith.constant dense<0.000000e+00> : vector<2048x512xf32>
    %dot_general3A_65 = tpu.matmul %slice3A_60, %get3A_63, %dot_general3A_64 {dimension_numbers = #tpu.dot_dimension_numbers<[1], [0], [0], [1], [0, 0, 1, 1], [], []>, transpose_lhs_hint = false} : vector<2048x32xf32>, vector<32x512xf32>, vector<2048x512xf32> -> vector<2048x512xf32>
    %get3A_66 = arith.constant 0 : index
    %get3A_67 = arith.constant 1536 : index
    %get3A_68 = vector.load %arg5[%get3A_66, %get3A_67] : memref<64x2048xf32, #tpu.memory_space<vmem>>, vector<64x512xf32>
    %dot_general3A_69 = arith.constant dense<0.000000e+00> : vector<2048x512xf32>
    %dot_general3A_70 = tpu.matmul %get3A_4, %get3A_68, %dot_general3A_69 {dimension_numbers = #tpu.dot_dimension_numbers<[1], [0], [0], [1], [0, 0, 1, 1], [], []>, transpose_lhs_hint = false} : vector<2048x64xf32>, vector<64x512xf32>, vector<2048x512xf32> -> vector<2048x512xf32>
    %mul3A_71 = arith.mulf %dot_general3A_70, %dot_general3A_65 : vector<2048x512xf32>
    %get3A_72 = arith.constant 1536 : index
    %get3A_73 = arith.constant 0 : index
    %get3A_74 = vector.load %arg6[%get3A_72, %get3A_73] : memref<2048x128xf32, #tpu.memory_space<vmem>>, vector<512x128xf32>
    %dot_general3A_75 = arith.constant dense<0.000000e+00> : vector<2048x128xf32>
    %dot_general3A_76 = tpu.matmul %mul3A_71, %get3A_74, %dot_general3A_75 {dimension_numbers = #tpu.dot_dimension_numbers<[1], [0], [0], [1], [0, 0, 1, 1], [], []>, transpose_lhs_hint = false} : vector<2048x512xf32>, vector<512x128xf32>, vector<2048x128xf32> -> vector<2048x128xf32>
    %add3A_77 = arith.addf %add3A_59, %dot_general3A_76 : vector<2048x128xf32>
    %swap3A = arith.constant 0 : index
    %swap3A_78 = arith.constant 0 : index
    %swap3A_79 = vector.load %arg7[%swap3A, %swap3A_78] : memref<2048x128xf32, #tpu.memory_space<vmem>>, vector<2048x128xf32>
    tpu.vector_store %arg7[%swap3A, %swap3A_78], %add3A_77 {strides = array<i32>} : memref<2048x128xf32, #tpu.memory_space<vmem>>, vector<2048x128xf32>,
    return
  }
  func.func @transform_0(%arg0: i32) -> (i32, i32) {
    %c0_i32 = arith.constant 0 : i32
    %c0_i32_0 = arith.constant 0 : i32
    return %arg0, %c0_i32 : i32, i32
  }
  func.func @transform_1(%arg0: i32) -> (i32, i32) {
    %c0_i32 = arith.constant 0 : i32
    %c0_i32_0 = arith.constant 0 : i32
    return %arg0, %c0_i32 : i32, i32
  }
  func.func @transform_2(%arg0: i32) -> (i32, i32) {
    %c0_i32 = arith.constant 0 : i32
    %c0_i32_0 = arith.constant 0 : i32
    %c0_i32_1 = arith.constant 0 : i32
    return %c0_i32, %c0_i32_0 : i32, i32
  }
  func.func @transform_3(%arg0: i32) -> (i32, i32) {
    %c0_i32 = arith.constant 0 : i32
    %c0_i32_0 = arith.constant 0 : i32
    %c0_i32_1 = arith.constant 0 : i32
    return %c0_i32, %c0_i32_0 : i32, i32
  }
  func.func @transform_4(%arg0: i32) -> (i32, i32) {
    %c0_i32 = arith.constant 0 : i32
    %c0_i32_0 = arith.constant 0 : i32
    %c0_i32_1 = arith.constant 0 : i32
    return %c0_i32, %c0_i32_0 : i32, i32
  }
  func.func @transform_5(%arg0: i32) -> (i32, i32) {
    %c0_i32 = arith.constant 0 : i32
    %c0_i32_0 = arith.constant 0 : i32
    %c0_i32_1 = arith.constant 0 : i32
    return %c0_i32, %c0_i32_0 : i32, i32
  }
  func.func @transform_6(%arg0: i32) -> (i32, i32) {
    %c0_i32 = arith.constant 0 : i32
    %c0_i32_0 = arith.constant 0 : i32
    return %arg0, %c0_i32 : i32, i32
  }
}

module attributes {stable_mosaic.version = 14 : i64} {
  func.func @_root_body(%arg0: i32, %arg1: memref<2x512x128xf32, #tpu.memory_space<vmem>>, %arg2: memref<512x128xf32, #tpu.memory_space<vmem>>, %arg3: memref<128x128xf32, #tpu.memory_space<vmem>>, %arg4: memref<1x128xf32, #tpu.memory_space<vmem>>, %arg5: memref<512x128xf32, #tpu.memory_space<vmem>>) attributes {dimension_semantics = [#tpu.dimension_semantics<arbitrary>], iteration_bounds = array<i64: 5>, scalar_prefetch = 0 : i64, scratch_operands = 0 : i64, tpu.core_type = #tpu.core_type<tc>, window_params = [{transform_indices = @transform_0, window_bounds = array<i64: 2, 512, 128>}, {transform_indices = @transform_1, window_bounds = array<i64: 512, 128>}, {pipeline_mode = #tpu.pipeline_mode<synchronous>, transform_indices = @transform_2, window_bounds = array<i64: 128, 128>}, {pipeline_mode = #tpu.pipeline_mode<synchronous>, transform_indices = @transform_3, window_bounds = array<i64: 1, 128>}, {transform_indices = @transform_4, window_bounds = array<i64: 512, 128>}]} {
    %get3A = arith.constant 0 : index
    %get3A_0 = arith.constant 0 : index
    %get3A_1 = arith.constant 0 : index
    %get3A_2 = vector.load %arg1[%get3A, %get3A_0, %get3A_1] : memref<2x512x128xf32, #tpu.memory_space<vmem>>, vector<1x512x128xf32>
    %get3A_3 = vector.shape_cast %get3A_2 : vector<1x512x128xf32> to vector<512x128xf32>
    %get3A_4 = arith.constant 1 : index
    %get3A_5 = arith.constant 0 : index
    %get3A_6 = arith.constant 0 : index
    %get3A_7 = vector.load %arg1[%get3A_4, %get3A_5, %get3A_6] : memref<2x512x128xf32, #tpu.memory_space<vmem>>, vector<1x512x128xf32>
    %get3A_8 = vector.shape_cast %get3A_7 : vector<1x512x128xf32> to vector<512x128xf32>
    %add3A = arith.addf %get3A_3, %get3A_8 : vector<512x128xf32>
    %get3A_9 = arith.constant 0 : index
    %get3A_10 = arith.constant 0 : index
    %get3A_11 = vector.load %arg2[%get3A_9, %get3A_10] : memref<512x128xf32, #tpu.memory_space<vmem>>, vector<512x128xf32>
    %get3A_12 = arith.constant 0 : index
    %get3A_13 = arith.constant 0 : index
    %get3A_14 = vector.load %arg3[%get3A_12, %get3A_13] : memref<128x128xf32, #tpu.memory_space<vmem>>, vector<128x128xf32>
    %dot_general3A = arith.constant dense<0.000000e+00> : vector<512x128xf32>
    %dot_general3A_15 = tpu.matmul %get3A_11, %get3A_14, %dot_general3A {dimension_numbers = #tpu.dot_dimension_numbers<[1], [0], [0], [1], [0, 0, 1, 1], [], []>, transpose_lhs_hint = false} : vector<512x128xf32>, vector<128x128xf32>, vector<512x128xf32> -> vector<512x128xf32>
    %add3A_16 = arith.addf %add3A, %dot_general3A_15 : vector<512x128xf32>
    %get3A_17 = arith.constant 0 : index
    %get3A_18 = arith.constant 0 : index
    %get3A_19 = vector.load %arg4[%get3A_17, %get3A_18] : memref<1x128xf32, #tpu.memory_space<vmem>>, vector<1x128xf32>
    %add3A_20 = vector.broadcast %get3A_19 : vector<1x128xf32> to vector<512x128xf32>
    %add3A_21 = arith.addf %add3A_16, %add3A_20 : vector<512x128xf32>
    %max3A = arith.constant 0.000000e+00 : f32
    %max3A_22 = vector.broadcast %max3A : f32 to vector<512x128xf32>
    %max3A_23 = arith.maximumf %add3A_21, %max3A_22 : vector<512x128xf32>
    %swap3A = arith.constant 0 : index
    %swap3A_24 = arith.constant 0 : index
    %swap3A_25 = vector.load %arg5[%swap3A, %swap3A_24] : memref<512x128xf32, #tpu.memory_space<vmem>>, vector<512x128xf32>
    tpu.vector_store %arg5[%swap3A, %swap3A_24], %max3A_23 {strides = array<i32>} : memref<512x128xf32, #tpu.memory_space<vmem>>, vector<512x128xf32>,
    return
  }
  func.func @transform_0(%arg0: i32) -> (i32, i32, i32) {
    %c0_i32 = arith.constant 0 : i32
    %c0_i32_0 = arith.constant 0 : i32
    %c0_i32_1 = arith.constant 0 : i32
    return %c0_i32, %arg0, %c0_i32_0 : i32, i32, i32
  }
  func.func @transform_1(%arg0: i32) -> (i32, i32) {
    %c0_i32 = arith.constant 0 : i32
    %c0_i32_0 = arith.constant 0 : i32
    return %arg0, %c0_i32 : i32, i32
  }
  func.func @transform_2(%arg0: i32) -> (i32, i32) {
    %c0_i32 = arith.constant 0 : i32
    %c0_i32_0 = arith.constant 0 : i32
    %c0_i32_1 = arith.constant 0 : i32
    return %c0_i32, %c0_i32_0 : i32, i32
  }
  func.func @transform_3(%arg0: i32) -> (i32, i32) {
    %c0_i32 = arith.constant 0 : i32
    %c0_i32_0 = arith.constant 0 : i32
    %c0_i32_1 = arith.constant 0 : i32
    return %c0_i32, %c0_i32_0 : i32, i32
  }
  func.func @transform_4(%arg0: i32) -> (i32, i32) {
    %c0_i32 = arith.constant 0 : i32
    %c0_i32_0 = arith.constant 0 : i32
    return %arg0, %c0_i32 : i32, i32
  }
}

module attributes {stable_mosaic.version = 14 : i64} {
  func.func @_final_body(%arg0: i32, %arg1: memref<2x512x128xf32, #tpu.memory_space<vmem>>, %arg2: memref<512x128xf32, #tpu.memory_space<vmem>>, %arg3: memref<128x128xf32, #tpu.memory_space<vmem>>, %arg4: memref<1x128xf32, #tpu.memory_space<vmem>>, %arg5: memref<32x64xf32, #tpu.memory_space<vmem>>, %arg6: memref<1x64xf32, #tpu.memory_space<vmem>>, %arg7: memref<64x256xf32, #tpu.memory_space<vmem>>, %arg8: memref<1x256xf32, #tpu.memory_space<vmem>>, %arg9: memref<256x512xf32, #tpu.memory_space<vmem>>, %arg10: memref<1x512xf32, #tpu.memory_space<vmem>>, %arg11: memref<1x512xf32, #tpu.memory_space<vmem>>, %arg12: memref<1x1xf32, #tpu.memory_space<vmem>>, %arg13: memref<1x1xf32, #tpu.memory_space<vmem>>, %arg14: memref<1x128xf32, #tpu.memory_space<vmem>>) attributes {dimension_semantics = [#tpu.dimension_semantics<arbitrary>], iteration_bounds = array<i64: 5>, scalar_prefetch = 0 : i64, scratch_operands = 1 : i64, tpu.core_type = #tpu.core_type<tc>, window_params = [{transform_indices = @transform_0, window_bounds = array<i64: 2, 512, 128>}, {transform_indices = @transform_1, window_bounds = array<i64: 512, 128>}, {pipeline_mode = #tpu.pipeline_mode<synchronous>, transform_indices = @transform_2, window_bounds = array<i64: 128, 128>}, {pipeline_mode = #tpu.pipeline_mode<synchronous>, transform_indices = @transform_3, window_bounds = array<i64: 1, 128>}, {pipeline_mode = #tpu.pipeline_mode<synchronous>, transform_indices = @transform_4, window_bounds = array<i64: 32, 64>}, {pipeline_mode = #tpu.pipeline_mode<synchronous>, transform_indices = @transform_5, window_bounds = array<i64: 1, 64>}, {pipeline_mode = #tpu.pipeline_mode<synchronous>, transform_indices = @transform_6, window_bounds = array<i64: 64, 256>}, {pipeline_mode = #tpu.pipeline_mode<synchronous>, transform_indices = @transform_7, window_bounds = array<i64: 1, 256>}, {pipeline_mode = #tpu.pipeline_mode<synchronous>, transform_indices = @transform_8, window_bounds = array<i64: 256, 512>}, {pipeline_mode = #tpu.pipeline_mode<synchronous>, transform_indices = @transform_9, window_bounds = array<i64: 1, 512>}, {pipeline_mode = #tpu.pipeline_mode<synchronous>, transform_indices = @transform_10, window_bounds = array<i64: 1, 512>}, {pipeline_mode = #tpu.pipeline_mode<synchronous>, transform_indices = @transform_11, window_bounds = array<i64: 1, 1>}, {pipeline_mode = #tpu.pipeline_mode<synchronous>, transform_indices = @transform_12, window_bounds = array<i64: 1, 1>}]} {
    %get3A = arith.constant 0 : index
    %get3A_0 = arith.constant 0 : index
    %get3A_1 = arith.constant 0 : index
    %get3A_2 = vector.load %arg1[%get3A, %get3A_0, %get3A_1] : memref<2x512x128xf32, #tpu.memory_space<vmem>>, vector<1x512x128xf32>
    %get3A_3 = vector.shape_cast %get3A_2 : vector<1x512x128xf32> to vector<512x128xf32>
    %get3A_4 = arith.constant 1 : index
    %get3A_5 = arith.constant 0 : index
    %get3A_6 = arith.constant 0 : index
    %get3A_7 = vector.load %arg1[%get3A_4, %get3A_5, %get3A_6] : memref<2x512x128xf32, #tpu.memory_space<vmem>>, vector<1x512x128xf32>
    %get3A_8 = vector.shape_cast %get3A_7 : vector<1x512x128xf32> to vector<512x128xf32>
    %add3A = arith.addf %get3A_3, %get3A_8 : vector<512x128xf32>
    %get3A_9 = arith.constant 0 : index
    %get3A_10 = arith.constant 0 : index
    %get3A_11 = vector.load %arg2[%get3A_9, %get3A_10] : memref<512x128xf32, #tpu.memory_space<vmem>>, vector<512x128xf32>
    %get3A_12 = arith.constant 0 : index
    %get3A_13 = arith.constant 0 : index
    %get3A_14 = vector.load %arg3[%get3A_12, %get3A_13] : memref<128x128xf32, #tpu.memory_space<vmem>>, vector<128x128xf32>
    %dot_general3A = arith.constant dense<0.000000e+00> : vector<512x128xf32>
    %dot_general3A_15 = tpu.matmul %get3A_11, %get3A_14, %dot_general3A {dimension_numbers = #tpu.dot_dimension_numbers<[1], [0], [0], [1], [0, 0, 1, 1], [], []>, transpose_lhs_hint = false} : vector<512x128xf32>, vector<128x128xf32>, vector<512x128xf32> -> vector<512x128xf32>
    %add3A_16 = arith.addf %add3A, %dot_general3A_15 : vector<512x128xf32>
    %get3A_17 = arith.constant 0 : index
    %get3A_18 = arith.constant 0 : index
    %get3A_19 = vector.load %arg4[%get3A_17, %get3A_18] : memref<1x128xf32, #tpu.memory_space<vmem>>, vector<1x128xf32>
    %add3A_20 = vector.broadcast %get3A_19 : vector<1x128xf32> to vector<512x128xf32>
    %add3A_21 = arith.addf %add3A_16, %add3A_20 : vector<512x128xf32>
    %max3A = arith.constant 0.000000e+00 : f32
    %max3A_22 = vector.broadcast %max3A : f32 to vector<512x128xf32>
    %max3A_23 = arith.maximumf %add3A_21, %max3A_22 : vector<512x128xf32>
    %mul3A = arith.constant 512 : i32
    %mul3A_24 = arith.muli %arg0, %mul3A : i32
    %iota3A = tpu.iota {dimensions = array<i32: 0>} : vector<512x1xi32>
    %add3A_25 = vector.broadcast %mul3A_24 : i32 to vector<512x1xi32>
    %add3A_26 = arith.addi %add3A_25, %iota3A : vector<512x1xi32>
    %lt3A = arith.constant 2500 : i32
    %lt3A_27 = vector.broadcast %lt3A : i32 to vector<512x1xi32>
    %lt3A_28 = arith.cmpi slt, %add3A_26, %lt3A_27 : vector<512x1xi32>
    %jit3A = arith.constant 0.000000e+00 : f32
    %broadcast_in_dim3A = vector.shape_cast %lt3A_28 : vector<512x1xi1> to vector<512x1xi1>
    %broadcast_in_dim3A_29 = vector.broadcast %broadcast_in_dim3A : vector<512x1xi1> to vector<512x128xi1>
    %broadcast_in_dim3A_30 = vector.broadcast %jit3A : f32 to vector<512x128xf32>
    %select_n3A = arith.select %broadcast_in_dim3A_29, %max3A_23, %broadcast_in_dim3A_30 : vector<512x128xi1>, vector<512x128xf32>
    %reduce_sum3A = arith.constant dense<0.000000e+00> : vector<128xf32>
    %reduce_sum3A_31 = vector.multi_reduction <add>, %select_n3A, %reduce_sum3A [0] : vector<512x128xf32> to vector<128xf32>
    %broadcast_in_dim3A_32 = vector.shape_cast %reduce_sum3A_31 : vector<128xf32> to vector<1x128xf32>
    %eq3A = arith.constant 0 : i32
    %eq3A_33 = arith.cmpi eq, %arg0, %eq3A : i32
    %convert_element_type3A = arith.extui %eq3A_33 : i1 to i32
    %cond3A = arith.constant 0 : i32
    %cond3A_34 = arith.cmpi ne, %convert_element_type3A, %cond3A : i32
    scf.if %cond3A_34 {
      %broadcast_in_dim3A_46 = arith.constant 0.000000e+00 : f32
      %broadcast_in_dim3A_47 = vector.broadcast %broadcast_in_dim3A_46 : f32 to vector<1x128xf32>
      %swap3A_48 = arith.constant 0 : index
      %swap3A_49 = arith.constant 0 : index
      %swap3A_50 = vector.load %arg14[%swap3A_48, %swap3A_49] : memref<1x128xf32, #tpu.memory_space<vmem>>, vector<1x128xf32>
      tpu.vector_store %arg14[%swap3A_48, %swap3A_49], %broadcast_in_dim3A_47 {strides = array<i32>} : memref<1x128xf32, #tpu.memory_space<vmem>>, vector<1x128xf32>,
    } else {
    }
    %get3A_35 = arith.constant 0 : index
    %get3A_36 = arith.constant 0 : index
    %get3A_37 = vector.load %arg14[%get3A_35, %get3A_36] : memref<1x128xf32, #tpu.memory_space<vmem>>, vector<1x128xf32>
    %add3A_38 = arith.addf %get3A_37, %broadcast_in_dim3A_32 : vector<1x128xf32>
    %swap3A = arith.constant 0 : index
    %swap3A_39 = arith.constant 0 : index
    %swap3A_40 = vector.load %arg14[%swap3A, %swap3A_39] : memref<1x128xf32, #tpu.memory_space<vmem>>, vector<1x128xf32>
    tpu.vector_store %arg14[%swap3A, %swap3A_39], %add3A_38 {strides = array<i32>} : memref<1x128xf32, #tpu.memory_space<vmem>>, vector<1x128xf32>,
    %eq3A_41 = arith.constant 4 : i32
    %eq3A_42 = arith.cmpi eq, %arg0, %eq3A_41 : i32
    %convert_element_type3A_43 = arith.extui %eq3A_42 : i1 to i32
    %cond3A_44 = arith.constant 0 : i32
    %cond3A_45 = arith.cmpi ne, %convert_element_type3A_43, %cond3A_44 : i32
    scf.if %cond3A_45 {
      %get3A_46 = arith.constant 0 : index
      %get3A_47 = arith.constant 0 : index
      %get3A_48 = vector.load %arg14[%get3A_46, %get3A_47] : memref<1x128xf32, #tpu.memory_space<vmem>>, vector<1x128xf32>
      %slice3A = vector.extract_strided_slice %get3A_48 {offsets = [0, 0], sizes = [1, 32], strides = [1, 1]} : vector<1x128xf32> to vector<1x32xf32>
      %slice3A_49 = vector.extract_strided_slice %get3A_48 {offsets = [0, 32], sizes = [1, 32], strides = [1, 1]} : vector<1x128xf32> to vector<1x32xf32>
      %add3A_50 = arith.addf %slice3A, %slice3A_49 : vector<1x32xf32>
      %slice3A_51 = vector.extract_strided_slice %get3A_48 {offsets = [0, 64], sizes = [1, 32], strides = [1, 1]} : vector<1x128xf32> to vector<1x32xf32>
      %add3A_52 = arith.addf %add3A_50, %slice3A_51 : vector<1x32xf32>
      %slice3A_53 = vector.extract_strided_slice %get3A_48 {offsets = [0, 96], sizes = [1, 32], strides = [1, 1]} : vector<1x128xf32> to vector<1x32xf32>
      %add3A_54 = arith.addf %add3A_52, %slice3A_53 : vector<1x32xf32>
      %get3A_55 = arith.constant 0 : index
      %get3A_56 = arith.constant 0 : index
      %get3A_57 = vector.load %arg5[%get3A_55, %get3A_56] : memref<32x64xf32, #tpu.memory_space<vmem>>, vector<32x64xf32>
      %dot_general3A_58 = arith.constant dense<0.000000e+00> : vector<1x64xf32>
      %dot_general3A_59 = tpu.matmul %add3A_54, %get3A_57, %dot_general3A_58 {dimension_numbers = #tpu.dot_dimension_numbers<[1], [0], [0], [1], [0, 0, 1, 1], [], []>, transpose_lhs_hint = false} : vector<1x32xf32>, vector<32x64xf32>, vector<1x64xf32> -> vector<1x64xf32>
      %get3A_60 = arith.constant 0 : index
      %get3A_61 = arith.constant 0 : index
      %get3A_62 = vector.load %arg6[%get3A_60, %get3A_61] : memref<1x64xf32, #tpu.memory_space<vmem>>, vector<1x64xf32>
      %add3A_63 = arith.addf %dot_general3A_59, %get3A_62 : vector<1x64xf32>
      %max3A_64 = arith.constant 0.000000e+00 : f32
      %max3A_65 = vector.broadcast %max3A_64 : f32 to vector<1x64xf32>
      %max3A_66 = arith.maximumf %add3A_63, %max3A_65 : vector<1x64xf32>
      %get3A_67 = arith.constant 0 : index
      %get3A_68 = arith.constant 0 : index
      %get3A_69 = vector.load %arg7[%get3A_67, %get3A_68] : memref<64x256xf32, #tpu.memory_space<vmem>>, vector<64x256xf32>
      %dot_general3A_70 = arith.constant dense<0.000000e+00> : vector<1x256xf32>
      %dot_general3A_71 = tpu.matmul %max3A_66, %get3A_69, %dot_general3A_70 {dimension_numbers = #tpu.dot_dimension_numbers<[1], [0], [0], [1], [0, 0, 1, 1], [], []>, transpose_lhs_hint = false} : vector<1x64xf32>, vector<64x256xf32>, vector<1x256xf32> -> vector<1x256xf32>
      %get3A_72 = arith.constant 0 : index
      %get3A_73 = arith.constant 0 : index
      %get3A_74 = vector.load %arg8[%get3A_72, %get3A_73] : memref<1x256xf32, #tpu.memory_space<vmem>>, vector<1x256xf32>
      %add3A_75 = arith.addf %dot_general3A_71, %get3A_74 : vector<1x256xf32>
      %max3A_76 = arith.constant 0.000000e+00 : f32
      %max3A_77 = vector.broadcast %max3A_76 : f32 to vector<1x256xf32>
      %max3A_78 = arith.maximumf %add3A_75, %max3A_77 : vector<1x256xf32>
      %get3A_79 = arith.constant 0 : index
      %get3A_80 = arith.constant 0 : index
      %get3A_81 = vector.load %arg9[%get3A_79, %get3A_80] : memref<256x512xf32, #tpu.memory_space<vmem>>, vector<256x512xf32>
      %dot_general3A_82 = arith.constant dense<0.000000e+00> : vector<1x512xf32>
      %dot_general3A_83 = tpu.matmul %max3A_78, %get3A_81, %dot_general3A_82 {dimension_numbers = #tpu.dot_dimension_numbers<[1], [0], [0], [1], [0, 0, 1, 1], [], []>, transpose_lhs_hint = false} : vector<1x256xf32>, vector<256x512xf32>, vector<1x512xf32> -> vector<1x512xf32>
      %get3A_84 = arith.constant 0 : index
      %get3A_85 = arith.constant 0 : index
      %get3A_86 = vector.load %arg10[%get3A_84, %get3A_85] : memref<1x512xf32, #tpu.memory_space<vmem>>, vector<1x512xf32>
      %add3A_87 = arith.addf %dot_general3A_83, %get3A_86 : vector<1x512xf32>
      %max3A_88 = arith.constant 0.000000e+00 : f32
      %max3A_89 = vector.broadcast %max3A_88 : f32 to vector<1x512xf32>
      %max3A_90 = arith.maximumf %add3A_87, %max3A_89 : vector<1x512xf32>
      %get3A_91 = arith.constant 0 : index
      %get3A_92 = arith.constant 0 : index
      %get3A_93 = vector.load %arg11[%get3A_91, %get3A_92] : memref<1x512xf32, #tpu.memory_space<vmem>>, vector<1x512xf32>
      %mul3A_94 = arith.mulf %max3A_90, %get3A_93 : vector<1x512xf32>
      %reduce_sum3A_95 = vector.shape_cast %mul3A_94 : vector<1x512xf32> to vector<1x1x512xf32>
      %reduce_sum3A_96 = arith.constant dense<0.000000e+00> : vector<1xf32>
      %reduce_sum3A_97 = vector.multi_reduction <add>, %reduce_sum3A_95, %reduce_sum3A_96 [1, 2] : vector<1x1x512xf32> to vector<1xf32>
      %reduce_sum3A_98 = vector.shape_cast %reduce_sum3A_97 : vector<1xf32> to vector<1x1x1xf32>
      %reduce_sum3A_99 = vector.extract %reduce_sum3A_98[0, 0, 0] : f32 from vector<1x1x1xf32>
      %reshape3A = vector.broadcast %reduce_sum3A_99 : f32 to vector<1x1xf32>
      %get3A_100 = arith.constant 0 : index
      %get3A_101 = arith.constant 0 : index
      %get3A_102 = vector.load %arg12[%get3A_100, %get3A_101] : memref<1x1xf32, #tpu.memory_space<vmem>>, vector<1x1xf32>
      %add3A_103 = arith.addf %reshape3A, %get3A_102 : vector<1x1xf32>
      %swap3A_104 = arith.constant 0 : index
      %swap3A_105 = arith.constant 0 : index
      %swap3A_106 = vector.load %arg13[%swap3A_104, %swap3A_105] : memref<1x1xf32, #tpu.memory_space<vmem>>, vector<1x1xf32>
      tpu.vector_store %arg13[%swap3A_104, %swap3A_105], %add3A_103 {strides = array<i32>} : memref<1x1xf32, #tpu.memory_space<vmem>>, vector<1x1xf32>,
    } else {
    }
    return
  }
  func.func @transform_0(%arg0: i32) -> (i32, i32, i32) {
    %c0_i32 = arith.constant 0 : i32
    %c0_i32_0 = arith.constant 0 : i32
    %c0_i32_1 = arith.constant 0 : i32
    return %c0_i32, %arg0, %c0_i32_0 : i32, i32, i32
  }
  func.func @transform_1(%arg0: i32) -> (i32, i32) {
    %c0_i32 = arith.constant 0 : i32
    %c0_i32_0 = arith.constant 0 : i32
    return %arg0, %c0_i32 : i32, i32
  }
  func.func @transform_2(%arg0: i32) -> (i32, i32) {
    %c0_i32 = arith.constant 0 : i32
    %c0_i32_0 = arith.constant 0 : i32
    %c0_i32_1 = arith.constant 0 : i32
    return %c0_i32, %c0_i32_0 : i32, i32
  }
  func.func @transform_3(%arg0: i32) -> (i32, i32) {
    %c0_i32 = arith.constant 0 : i32
    %c0_i32_0 = arith.constant 0 : i32
    %c0_i32_1 = arith.constant 0 : i32
    return %c0_i32, %c0_i32_0 : i32, i32
  }
  func.func @transform_4(%arg0: i32) -> (i32, i32) {
    %c0_i32 = arith.constant 0 : i32
    %c0_i32_0 = arith.constant 0 : i32
    %c0_i32_1 = arith.constant 0 : i32
    return %c0_i32, %c0_i32_0 : i32, i32
  }
  func.func @transform_5(%arg0: i32) -> (i32, i32) {
    %c0_i32 = arith.constant 0 : i32
    %c0_i32_0 = arith.constant 0 : i32
    %c0_i32_1 = arith.constant 0 : i32
    return %c0_i32, %c0_i32_0 : i32, i32
  }
  func.func @transform_6(%arg0: i32) -> (i32, i32) {
    %c0_i32 = arith.constant 0 : i32
    %c0_i32_0 = arith.constant 0 : i32
    %c0_i32_1 = arith.constant 0 : i32
    return %c0_i32, %c0_i32_0 : i32, i32
  }
  func.func @transform_7(%arg0: i32) -> (i32, i32) {
    %c0_i32 = arith.constant 0 : i32
    %c0_i32_0 = arith.constant 0 : i32
    %c0_i32_1 = arith.constant 0 : i32
    return %c0_i32, %c0_i32_0 : i32, i32
  }
  func.func @transform_8(%arg0: i32) -> (i32, i32) {
    %c0_i32 = arith.constant 0 : i32
    %c0_i32_0 = arith.constant 0 : i32
    %c0_i32_1 = arith.constant 0 : i32
    return %c0_i32, %c0_i32_0 : i32, i32
  }
  func.func @transform_9(%arg0: i32) -> (i32, i32) {
    %c0_i32 = arith.constant 0 : i32
    %c0_i32_0 = arith.constant 0 : i32
    %c0_i32_1 = arith.constant 0 : i32
    return %c0_i32, %c0_i32_0 : i32, i32
  }
  func.func @transform_10(%arg0: i32) -> (i32, i32) {
    %c0_i32 = arith.constant 0 : i32
    %c0_i32_0 = arith.constant 0 : i32
    %c0_i32_1 = arith.constant 0 : i32
    return %c0_i32, %c0_i32_0 : i32, i32
  }
  func.func @transform_11(%arg0: i32) -> (i32, i32) {
    %c0_i32 = arith.constant 0 : i32
    %c0_i32_0 = arith.constant 0 : i32
    %c0_i32_1 = arith.constant 0 : i32
    return %c0_i32, %c0_i32_0 : i32, i32
  }
  func.func @transform_12(%arg0: i32) -> (i32, i32) {
    %c0_i32 = arith.constant 0 : i32
    %c0_i32_0 = arith.constant 0 : i32
    %c0_i32_1 = arith.constant 0 : i32
    return %c0_i32, %c0_i32_0 : i32, i32
  }
}

</mosaic_0001>

<sc_bundles>
// kernel: kernel.15.cloned.1.call-start
scs
__scs_entry_jumppad:
0x0: {  	(pc) =	sbr.rel $0x88, $3  }
0x1: {  	(tag) =	ssettag $0x0;
	lr =	simm.s32 $0x1  }
0x2: {  	[smem:$0x3F8A] =	sst lr;
	_ =	strace $0xD0000000  }
0x3: {  	_ = 	snop  }
0x4: {  	_ = 	snop  }
0x5: {  	_ = 	snop  }
0x6: {  	_ = 	snop  }
0x7: {  	_ = 	snop  }
__scs_overlays_trampoline_lowered:
0x8: {  	[smem:$0x3F99] =	sst s0  }
0x9: {  	[smem:$0x3F9A] =	sst s1  }
0xa: {  	[smem:$0x3F9B] =	sst s2  }
0xb: {  	[smem:$0x3F9C] =	sst s3  }
0xc: {  	[smem:$0x3F9D] =	sst s4  }
0xd: {  	[smem:$0x3F9E] =	sst s5  }
0xe: {  	[smem:$0x3F9F] =	sst s6  }
0xf: {  	[smem:$0x3FA0] =	sst s7  }
0x10: {  	[smem:$0x3FA1] =	sst s8  }
0x11: {  	[smem:$0x3FA2] =	sst s9;
	s0 =	simm.s32 @!p0 $0x0  }
0x12: {  	s1 =	sld [smem:$0x3F88];
	s0 =	simm.s32 @p0 $0x1  }
0x13: {  	[smem:$0x3FA3] =	sst s0;
	s0 =	simm.s32 @!p1 $0x0  }
0x14: {  	s2 =	sld [smem:$0x3F87];
	s0 =	simm.s32 @p1 $0x1  }
0x15: {  	[smem:$0x3FA4] =	sst s0;
	s0 =	simm.s32 @!p2 $0x0  }
0x16: {  	s3 =	sld [smem:$0x3FDB];
	s0 =	simm.s32 @p2 $0x1  }
0x17: {  	s4 =	simm.s32 $0x1BF5;
	[smem:$0x3FA6] =	sst s0  }
0x18: {  	s0 =	sld [smem:$0x3F89];
	_ =	swait.ge [sflag:s4], $0x0  }
0x19: {  	s7 =	sld [smem:$0x3F8A]  }
0x1a: {  	s8 =	sadd.s32 $0xFFFFE003, lr  }
0x1b: {  	s9 =	sadd.s32 $0xFFFFFEF7, lr;
	s5 =	simm.s32 $0xFFFFFFFF;
	p2 =	slt.u32 s8, $0xFFFFF086  }
0x1c: {  	p1 =	slt.u32 s9, $0xF7A;
	s5 =	simm.s32 @!p2 $0x0  }
0x1d: {  	s5 =	simm.s32 @p1 $0x1;
	p0 =	seq.s32 s7, s2  }
0x1e: {  	s7 =	smul.u32 @!p0 $0xF7A, s2;
	p2 =	seq.s32 @!p0 s5, $0x0  }
0x1f: {  	s9 =	smul.u32 $0xF7A, s1;
	s8 =	simm.s32 @!p0 $0x1BF5;
	p2 =	por !p2, p0  }
0x20: {  	[sflag:s8] =	ssyncset.s32 @!p0 $0xFFFFF086;
	s6 =	sadd.s32 @!p0 s3, s7;
	s7 =	simm.s32 @!p0 $0x108  }
0x21: {  	s3 =	sadd.s32 s3, s9;
	s6 =	sadd.s32 @!p0 $0x88, s6;
	s7 =	simm.s32 @p2 $0x1082  }
0x22: {  	[simem:s7], [sflag:s8] =	dma.local @!p0 [hbm:s6], $0xF7A  }
0x23: {  	s9 =	sor.u32 $0xD0000000, s2;
	s6 =	simm.s32 $0x108;
	_ =	swait.ge @!p0 [sflag:s8], $0x0  }
0x24: {  	s3 =	sadd.s32 $0x88, s3;
	s6 =	simm.s32 @!p1 $0x1082;
	[sflag:s4] =	ssyncset.s32 $0xFFFFF086  }
0x25: {  	[simem:s6], [sflag:s4] =	dma.local [hbm:s3], $0xF7A  }
0x26: {  	[smem:$0x3F8A] =	sst s1;
	(tag) =	ssettag s2;
	_ =	strace s9  }
0x27: {  	s1 =	sld [smem:$0x3F9A]  }
0x28: {  	s2 =	sld [smem:$0x3F9B]  }
0x29: {  	s4 =	sld [smem:$0x3F9D]  }
0x2a: {  	p0 =	seq.s32 s5, $0x0;
	s5 =	sld [smem:$0x3F9E]  }
0x2b: {  	s6 =	sld [smem:$0x3F9F]  }
0x2c: {  	s7 =	sld [smem:$0x3FA0]  }
0x2d: {  	s3 =	simm.s32 $0x108;
	s8 =	sld [smem:$0x3FA1]  }
0x2e: {  	s3 =	simm.s32 @!p0 $0x1082;
	s9 =	sld [smem:$0x3FA2]  }
0x2f: {  	lr =	sadd.s32 s0, s3;
	s0 =	sld [smem:$0x3F99]  }
0x30: {  	s3 =	sld [smem:$0x3F9C]  }
0x31: {  	[smem:$0x3FA5] =	sst s10  }
0x32: {  	s10 =	sld [smem:$0x3FA3];
	_ =	sdelay $0x3  }
0x33: {  	p0 =	seq.s32 s10, $0x1;
	s10 =	sld [smem:$0x3FA5];
	_ =	sdelay $0x3  }
0x34: {  	[smem:$0x3FA5] =	sst s10  }
0x35: {  	s10 =	sld [smem:$0x3FA4];
	_ =	sdelay $0x3  }
0x36: {  	p1 =	seq.s32 s10, $0x1;
	s10 =	sld [smem:$0x3FA5];
	_ =	sdelay $0x3  }
0x37: {  	[smem:$0x3FA5] =	sst s10  }
0x38: {  	s10 =	sld [smem:$0x3FA6]  }
0x39: {  	_ = 	snop;
	(pc) =	sbr.ind lr, $3  }
0x3a: {  	_ = 	snop  }
0x3b: {  	_ = 	snop  }
0x3c: {  	p2 =	seq.s32 s10, $0x1;
	s10 =	sld [smem:$0x3FA5]  }
0x3d: {  	_ =	shalt  }
0x3e: {  	_ =	shalt  }
0x3f: {  	_ =	shalt  }
0x40: {  	_ =	shalt  }
0x41: {  	_ =	shalt  }
0x42: {  	_ =	shalt  }
0x43: {  	_ =	shalt  }
0x44: {  	_ =	shalt  }
0x45: {  	_ =	shalt  }
0x46: {  	_ =	shalt  }
0x47: {  	_ =	shalt  }
0x48: {  	_ =	shalt  }
0x49: {  	_ =	shalt  }
0x4a: {  	_ =	shalt  }
0x4b: {  	_ =	shalt  }
0x4c: {  	_ =	shalt  }
0x4d: {  	_ =	shalt  }
0x4e: {  	_ =	shalt  }
0x4f: {  	_ =	shalt  }
0x50: {  	_ =	shalt  }
0x51: {  	_ =	shalt  }
0x52: {  	_ =	shalt  }
0x53: {  	_ =	shalt  }
0x54: {  	_ =	shalt  }
0x55: {  	_ =	shalt  }
0x56: {  	_ =	shalt  }
0x57: {  	_ =	shalt  }
0x58: {  	_ =	shalt  }
0x59: {  	_ =	shalt  }
0x5a: {  	_ =	shalt  }
0x5b: {  	_ =	shalt  }
0x5c: {  	_ =	shalt  }
0x5d: {  	_ =	shalt  }
0x5e: {  	_ =	shalt  }
0x5f: {  	_ =	shalt  }
0x60: {  	_ =	shalt  }
0x61: {  	_ =	shalt  }
0x62: {  	_ =	shalt  }
0x63: {  	_ =	shalt  }
0x64: {  	_ =	shalt  }
0x65: {  	_ =	shalt  }
0x66: {  	_ =	shalt  }
0x67: {  	_ =	shalt  }
0x68: {  	_ =	shalt  }
0x69: {  	_ =	shalt  }
0x6a: {  	_ =	shalt  }
0x6b: {  	_ =	shalt  }
0x6c: {  	_ =	shalt  }
0x6d: {  	_ =	shalt  }
0x6e: {  	_ =	shalt  }
0x6f: {  	_ =	shalt  }
0x70: {  	_ =	shalt  }
0x71: {  	_ =	shalt  }
0x72: {  	_ =	shalt  }
0x73: {  	_ =	shalt  }
0x74: {  	_ =	shalt  }
0x75: {  	_ =	shalt  }
0x76: {  	_ =	shalt  }
0x77: {  	_ =	shalt  }
0x78: {  	_ =	shalt  }
0x79: {  	_ =	shalt  }
0x7a: {  	_ =	shalt  }
0x7b: {  	_ =	shalt  }
0x7c: {  	_ =	shalt  }
0x7d: {  	_ =	shalt  }
0x7e: {  	_ =	shalt  }
0x7f: {  	_ =	shalt  }
0x80: {  	_ =	shalt  }
0x81: {  	_ =	shalt  }
0x82: {  	_ =	shalt  }
0x83: {  	_ =	shalt  }
0x84: {  	_ =	shalt  }
0x85: {  	_ =	shalt  }
0x86: {  	_ =	shalt  }
0x87: {  	_ =	shalt  }
.Lfunc_end0:
.L_simem_size_0:
called_computation_lowered:
.L_overlay_start_0:
0x88: {  	s2 =	sld [smem:$0x3FD9]  }
0x89: {  	s3 =	sld [smem:$0x3FFE];
	_ =	sdelay $0x1  }
0x8a: {  	s1 =	srdreg.scid  }
0x8b: {  	s0 =	sand.u32 $0x1, s1  }
0x8c: {  	s17 =	sshll.u32 s0, $0xA;
	s2 =	sadd.s32 s3, s2  }
0x8d: {  	s2 =	sadd.s32 s2, s17  }
0x8e: {  	[smem:$0x3FB1] =	sst s2  }
0x8f: {  	_ = 	snop  }
0x90: {  	s2 =	sld [smem:$0x3FC9];
	(tm) =	ssettm $0x1  }
0x91: {  	s18 =	sld [smem:$0x3FFB];
	_ =	sdelay $0x3  }
0x92: {  	_ =	strace s18  }
0x93: {  	s3 =	sld [smem:$0x3FFC];
	_ =	sdelay $0x3  }
0x94: {  	_ =	strace s3  }
0x95: {  	s3 =	sld [smem:$0x3FFD];
	_ =	sdelay $0x3  }
0x96: {  	_ =	strace s3  }
0x97: {  	_ =	strace $0x8FFFFFFF  }
0x98: {  	s19 =	sld [smem:$0x3FDB];
	_ =	sdelay $0x1  }
0x99: {  	s4 =	simm.s32 $_scs_section_size  }
0x9a: {  	s5 =	simm.s32 $_size__tile_overlayer_lowered;
	s6 =	simm.s32 $_tile_overlayer_lowered  }
0x9b: {  	s22 =	simm.s32 $0x1BFF;
	s21 =	sshll.u32 s6, $0x1;
	s3 =	sadd.s32 s4, s19  }
0x9c: {  	s7 =	simm.s32 $0x0;
	s20 =	sshll.u32 s5, $0x1;
	s5 =	sadd.s32 s21, s3  }
0x9d: {  	[timem:s7], [sflag:s22] =	dma.local [hbm:s5], s20  }
0x9e: {  	_ =	swait.ge [sflag:s22], s20  }
0x9f: {  	s4 =	ssub.s32 $0x0, s20;
	[sflag:s22] =	ssyncset.done $0x0  }
0xa0: {  	[sflag:s22] =	ssyncadd.s32 s4;
	_ =	sdelay $0x1  }
0xa1: {  	s23 =	simm.s32 $0x1B8B  }
0xa2: {  	_ =	swait.ge [sflag:s23], $0x1  }
0xa3: {  	[sflag:s23] =	ssyncset.done $0x0  }
0xa4: {  	s25 =	simm.s32 $0x1B8E;
	s24 =	sld [smem:$0x3FFE];
	[sflag:s23] =	ssyncadd.s32 $0xFFFFFFFF  }
0xa5: {  	s26 =	simm.s32 $execute0_lowered;
	[smem:$0x3FD2] =	sst s25  }
0xa6: {  	s5 =	sshll.u32 s26, $0x1;
	_ =	strace $0x80000046;
	[dreg:$0x1] =	wrdreg $0xFFFFFFFF  }
0xa7: {  	s28 =	simm.s32 $_size_execute0_lowered;
	s3 =	sadd.s32 s3, s5;
	[dreg:$0x0] =	wrdreg $0x0  }
0xa8: {  	s5 =	sshll.u32 s28, $0x1;
	[dreg:$0x2] =	wrdreg s3  }
0xa9: {  	[dreg:$0x3] =	wrdreg s5  }
0xaa: {  	[dreg:$0x4] =	wrdreg $0xC0  }
0xab: {  	_ =	task [dreg:s7], $0x5FFFF  }
0xac: {  	[dreg:$0x1] =	wrdreg $0xFFFFFFFF  }
0xad: {  	[dreg:$0x0] =	wrdreg $0x60  }
0xae: {  	[dreg:$0x2] =	wrdreg s2  }
0xaf: {  	[dreg:$0x3] =	wrdreg s24  }
0xb0: {  	[dreg:$0x4] =	wrdreg $0x9  }
0xb1: {  	_ =	task.clear_ibuf [dreg:s7], $0x5FFFF;
	_ =	strace $0x90000046  }
0xb2: {  	s29 =	simm.s32 $0x9;
	_ =	strace $0x80000048  }
0xb3: {  	_ =	swait.ge [sflag:s29], $0x1  }
0xb4: {  	[sflag:s29] =	ssyncadd.s32 $0xFFFFFFFF  }
0xb5: {  	_ =	strace $0x90000048  }
0xb6: {  	_ =	sfence  }
0xb7: {  	s30 =	sld [smem:$0x0];
	_ =	sdelay $0x2  }
0xb8: {  	s31 =	sshll.u32 s1, $0xD;
	s1 =	sshrl.u32 s1, $0x2  }
0xb9: {  	s3 =	sand.u32 $0x4000, s31;
	s1 =	sadd.s32 s1, s30  }
0xba: {  	s0 =	sor.u32 s3, s0;
	s1 =	sshll.u32 s1, $0x11  }
0xbb: {  	s0 =	sor.u32 s1, s0  }
0xbc: {  	s0 =	sadd.s32 $0x8F2B, s0  }
0xbd: {  	[sflag:s0] =	ssyncadd.remote.s32 $0x1  }
0xbe: {  	_ =	sfence.sel $0xFFFF  }
0xbf: {  	[dreg:$0x0] =	wrdreg $0xFFFFFFFF;
	(pc) =	sbr.abs _section_cstart, $3  }
0xc0: {  	[dreg:$0x1] =	wrdreg $0xFFFFFFFF  }
0xc1: {  	_ =	task.clear_ibuf [dreg:s7], $0x2FFFF;
	_ =	strace $0x9FFFFFFF  }
0xc2: {  	(tm) =	ssettm $0x7FFFFFFF  }
0xc3: {  	_ =	shalt  }
tec
execute0_lowered:
.L_overlay_start_1:
0x0: {  	(tag) =	ssettag $0x1  }
0x1: {  	s1 =	rddreg [dreg:$0x0]  }
0x2: {  	s0 =	rddreg [dreg:$0x1]  }
0x3: {  	s2 =	simm.s32 $0x0;
	s3 =	srdreg.scid;
	s9 =	stileid.u32  }
0x4: {  	s18 =	simm.s32 $0x5;
	s19 =	simm.s32 $0x80;
	s20 =	simm.s32 $0x1E00  }
0x5: {  	s28 =	simm.s32 $0x2;
	s29 =	simm.s32 $0x3;
	s8 =	smul.u32 $0x140, s9  }
0x6: {  	s30 =	simm.s32 $0x4;
	s31 =	simm.s32 $0x0;
	s22 =	smul.u32 $0x3C0, s9  }
0x7: {  	[smem:$0x7FF] =	sst s2;
	s3 =	sand.u32 $0x1, s3;
	s24 =	smul.u32 $0xA000, s9  }
0x8: {  	s6 =	sadd.s32 $0xB400, s0;
	s4 =	sadd.s32 $0x10400, s0;
	s26 =	smul.u32 $0x1E000, s9  }
0x9: {  	_ =	strace $0x80000047;
	s5 =	ssub.s32 $0x2, s3;
	p0 =	seq.s32 s3, $0x1  }
0xa: {  	s7 =	sshrl.u32 s5, $0x1;
	s23 =	sadd.s32 s6, s8;
	s25 =	sadd.s32 s6, s22  }
0xb: {  	s6 =	sadd.s32 $0x1E8000, s24;
	s9 =	sadd.s32 $0x1E8800, s24;
	s10 =	sadd.s32 $0x1E9000, s24  }
0xc: {  	s11 =	sadd.s32 $0x1E9800, s24;
	s12 =	sadd.s32 $0x1C000, s26;
	s13 =	sadd.s32 $0x1C800, s26  }
.Ltmp0:
0xd: {  	s14 =	sadd.s32 $0x1D000, s26;
	s15 =	sadd.s32 $0x1D800, s26;
	(pc) =	sbr.rel .LBB2_1-.Ltmp0, $4  }
0xe: {  	s16 =	sadd.s32 s24, s4;
	s17 =	sadd.s32 s26, s4;
	s24 =	simm.s32 $0x180  }
0xf: {  	s26 =	simm.s32 $0x1;
	s21 =	ssub.s32 s5, s7;
	s3 =	sadd.s32 $0x3C00, s23  }
0x10: {  	[dreg:$0x4] =	wrdreg s25;
	s23 =	simm.s32 $0x9E00;
	s25 =	simm.s32 $0xDE00  }
0x11: {  	[dreg:$0x3] =	wrdreg s3;
	s7 =	smax.u32 s21, $0x1;
	s21 =	simm.s32 $0x5E00  }
.LBB2_7:
0x12: {  	[tilespmem:s25], [sflag:$0x4] =	stream.indirect.gather [hbm4b:s1+s19], $0x80, s0, s19, $0xb8;
	[tilespmem:$0x11E00] =	vst v63  }
0x13: {  	s8 =	smov.u32 s6  }
0x14: {  	s5 =	smov.u32 s9;
	s3 =	smov.u32 s10;
	s0 =	smov.u32 s11  }
.LBB2_8:
0x15: {  	_ =	swait.ge [sflag:s26], $0x4000  }
0x16: {  	[sflag:s26] =	ssyncset.done $0x0  }
0x17: {  	s8 =	sadd.s32 s4, s8;
	[sflag:s26] =	ssyncadd.s32 $0xFFFFC000  }
0x18: {  	[hbm4b:s8+s2] =	stream.linear.scatter [tilespmem:s20], [sflag:$0x5], $0x4000, $0x38;
	[tilespmem:$0x11E00] =	vst v63  }
0x19: {  	_ =	swait.ge [sflag:s18], $0x4000  }
0x1a: {  	[sflag:s18] =	ssyncset.done $0x0  }
0x1b: {  	[sflag:s18] =	ssyncadd.s32 $0xFFFFC000  }
0x1c: {  	_ =	swait.ge [sflag:s28], $0x4000  }
0x1d: {  	[sflag:s28] =	ssyncset.done $0x0  }
0x1e: {  	s5 =	sadd.s32 s4, s5;
	[sflag:s28] =	ssyncadd.s32 $0xFFFFC000  }
0x1f: {  	[hbm4b:s5+s2] =	stream.linear.scatter [tilespmem:s21], [sflag:$0x5], $0x4000, $0x38;
	[tilespmem:$0x11E00] =	vst v63  }
0x20: {  	_ =	swait.ge [sflag:s18], $0x4000  }
0x21: {  	[sflag:s18] =	ssyncset.done $0x0  }
0x22: {  	[sflag:s18] =	ssyncadd.s32 $0xFFFFC000  }
0x23: {  	_ =	swait.ge [sflag:s29], $0x4000  }
0x24: {  	[sflag:s29] =	ssyncset.done $0x0  }
0x25: {  	s3 =	sadd.s32 s4, s3;
	[sflag:s29] =	ssyncadd.s32 $0xFFFFC000  }
0x26: {  	[hbm4b:s3+s2] =	stream.linear.scatter [tilespmem:s23], [sflag:$0x5], $0x4000, $0x38;
	[tilespmem:$0x11E00] =	vst v63  }
0x27: {  	_ =	swait.ge [sflag:s18], $0x4000  }
0x28: {  	[sflag:s18] =	ssyncset.done $0x0  }
0x29: {  	[sflag:s18] =	ssyncadd.s32 $0xFFFFC000  }
0x2a: {  	s31 =	sadd.s32 $0x1, s31;
	_ =	swait.ge [sflag:s30], $0x4000  }
0x2b: {  	p1 =	sne.s32 s31, s7;
	[sflag:s30] =	ssyncset.done $0x0  }
.Ltmp1:
0x2c: {  	s0 =	sadd.s32 s4, s0;
	[sflag:s30] =	ssyncadd.s32 $0xFFFFC000;
	(pc) =	sbr.rel @!p1 .LBB2_9-.Ltmp1, $4  }
0x2d: {  	[hbm4b:s0+s2] =	stream.linear.scatter [tilespmem:s25], [sflag:$0x5], $0x4000, $0x38;
	[tilespmem:$0x11E00] =	vst v63  }
0x2e: {  	_ =	swait.ge [sflag:s18], $0x4000  }
0x2f: {  	[sflag:s18] =	ssyncset.done $0x0  }
0x30: {  	[sflag:s18] =	ssyncadd.s32 $0xFFFFC000  }
.LBB2_1:
.Ltmp2:
0x31: {  	(pc) =	sbr.rel @!p0 .LBB2_5-.Ltmp2, $2  }
0x32: {  	_ =	sdelay $0x2  }
0x33: {  	s0 =	simm.s32 $0x0  }
0x34: {  	s3 =	rddreg [dreg:$0x4]  }
0x35: {  	[tilespmem:s0], [sflag:$0x5] =	stream.linear.gather [hbm4b:s3+s0], $0x1E00, $0x38;
	[tilespmem:$0x11E00] =	vst v63  }
0x36: {  	_ =	swait.ge [sflag:s18], $0x1E00  }
0x37: {  	[sflag:s18] =	ssyncset.done $0x0  }
0x38: {  	[sflag:s18] =	ssyncadd.s32 $0xFFFFE200  }
0x39: {  	[tilespmem:s20], [sflag:$0x1] =	stream.indirect.gather [hbm4b:s1+s19], $0x80, s0, s19, $0xb8;
	[tilespmem:$0x11E00] =	vst v63  }
0x3a: {  	_ = 	snop  }
0x3b: {  	[tilespmem:s21], [sflag:$0x2] =	stream.indirect.gather [hbm4b:s1+s19], $0x80, s19, s19, $0xb8;
	[tilespmem:$0x11E00] =	vst v63  }
0x3c: {  	s5 =	simm.s32 $0x100  }
0x3d: {  	[tilespmem:s23], [sflag:$0x3] =	stream.indirect.gather [hbm4b:s1+s19], $0x80, s5, s19, $0xb8;
	[tilespmem:$0x11E00] =	vst v63  }
0x3e: {  	_ = 	snop  }
0x3f: {  	[tilespmem:s25], [sflag:$0x4] =	stream.indirect.gather [hbm4b:s1+s19], $0x80, s24, s19, $0xb8;
	[tilespmem:$0x11E00] =	vst v63  }
0x40: {  	_ =	swait.ge [sflag:s26], $0x4000  }
0x41: {  	[sflag:s26] =	ssyncset.done $0x0  }
0x42: {  	s0 =	sadd.s32 $0x0, s17;
	[sflag:s26] =	ssyncadd.s32 $0xFFFFC000  }
0x43: {  	[hbm4b:s0+s2] =	stream.linear.scatter [tilespmem:s20], [sflag:$0x5], $0x4000, $0x38;
	[tilespmem:$0x11E00] =	vst v63  }
0x44: {  	_ =	swait.ge [sflag:s18], $0x4000  }
0x45: {  	[sflag:s18] =	ssyncset.done $0x0  }
0x46: {  	s8 =	simm.s32 $0x200;
	[sflag:s18] =	ssyncadd.s32 $0xFFFFC000  }
0x47: {  	[tilespmem:s20], [sflag:$0x1] =	stream.indirect.gather [hbm4b:s1+s19], $0x80, s8, s19, $0xb8;
	[tilespmem:$0x11E00] =	vst v63  }
0x48: {  	_ =	swait.ge [sflag:s28], $0x4000  }
0x49: {  	[sflag:s28] =	ssyncset.done $0x0  }
0x4a: {  	s22 =	sadd.s32 $0x800, s0;
	[sflag:s28] =	ssyncadd.s32 $0xFFFFC000  }
0x4b: {  	[hbm4b:s22+s2] =	stream.linear.scatter [tilespmem:s21], [sflag:$0x5], $0x4000, $0x38;
	[tilespmem:$0x11E00] =	vst v63  }
0x4c: {  	_ =	swait.ge [sflag:s18], $0x4000  }
0x4d: {  	[sflag:s18] =	ssyncset.done $0x0  }
0x4e: {  	s5 =	simm.s32 $0x280;
	[sflag:s18] =	ssyncadd.s32 $0xFFFFC000  }
0x4f: {  	[tilespmem:s21], [sflag:$0x2] =	stream.indirect.gather [hbm4b:s1+s19], $0x80, s5, s19, $0xb8;
	[tilespmem:$0x11E00] =	vst v63  }
0x50: {  	_ =	swait.ge [sflag:s29], $0x4000  }
0x51: {  	[sflag:s29] =	ssyncset.done $0x0  }
0x52: {  	s8 =	sadd.s32 $0x1000, s0;
	[sflag:s29] =	ssyncadd.s32 $0xFFFFC000  }
0x53: {  	[hbm4b:s8+s2] =	stream.linear.scatter [tilespmem:s23], [sflag:$0x5], $0x4000, $0x38;
	[tilespmem:$0x11E00] =	vst v63  }
0x54: {  	_ =	swait.ge [sflag:s18], $0x4000  }
0x55: {  	[sflag:s18] =	ssyncset.done $0x0  }
0x56: {  	s22 =	simm.s32 $0x300;
	[sflag:s18] =	ssyncadd.s32 $0xFFFFC000  }
0x57: {  	[tilespmem:s23], [sflag:$0x3] =	stream.indirect.gather [hbm4b:s1+s19], $0x80, s22, s19, $0xb8;
	[tilespmem:$0x11E00] =	vst v63  }
0x58: {  	_ =	swait.ge [sflag:s30], $0x4000  }
0x59: {  	[sflag:s30] =	ssyncset.done $0x0  }
0x5a: {  	s0 =	sadd.s32 $0x1800, s0;
	[sflag:s30] =	ssyncadd.s32 $0xFFFFC000  }
0x5b: {  	[hbm4b:s0+s2] =	stream.linear.scatter [tilespmem:s25], [sflag:$0x5], $0x4000, $0x38;
	[tilespmem:$0x11E00] =	vst v63  }
0x5c: {  	_ =	swait.ge [sflag:s18], $0x4000  }
0x5d: {  	s3 =	simm.s32 $0x2000;
	[sflag:s18] =	ssyncset.done $0x0  }
0x5e: {  	s5 =	simm.s32 $0x580;
	s0 =	simm.s32 $0x380;
	[sflag:s18] =	ssyncadd.s32 $0xFFFFC000  }
.LBB2_3:
0x5f: {  	[tilespmem:s25], [sflag:$0x4] =	stream.indirect.gather [hbm4b:s1+s19], $0x80, s0, s19, $0xb8;
	[tilespmem:$0x11E00] =	vst v63  }
0x60: {  	s8 =	smov.u32 s3;
	s0 =	smov.u32 s5  }
0x61: {  	p1 =	seq.s32 s3, $0x1A000;
	s3 =	sadd.s32 $0x2000, s3;
	_ =	swait.ge [sflag:s26], $0x4000  }
0x62: {  	[sflag:s26] =	ssyncset.done $0x0  }
0x63: {  	s8 =	sadd.s32 s8, s17;
	[sflag:s26] =	ssyncadd.s32 $0xFFFFC000  }
0x64: {  	[hbm4b:s8+s2] =	stream.linear.scatter [tilespmem:s20], [sflag:$0x5], $0x4000, $0x38;
	[tilespmem:$0x11E00] =	vst v63  }
0x65: {  	_ =	swait.ge [sflag:s18], $0x4000  }
0x66: {  	[sflag:s18] =	ssyncset.done $0x0  }
0x67: {  	s22 =	sadd.s32 $0xFFFFFE80, s5;
	[sflag:s18] =	ssyncadd.s32 $0xFFFFC000  }
0x68: {  	[tilespmem:s20], [sflag:$0x1] =	stream.indirect.gather [hbm4b:s1+s19], $0x80, s22, s19, $0xb8;
	[tilespmem:$0x11E00] =	vst v63  }
0x69: {  	_ =	swait.ge [sflag:s28], $0x4000  }
0x6a: {  	[sflag:s28] =	ssyncset.done $0x0  }
0x6b: {  	s22 =	sadd.s32 $0x800, s8;
	[sflag:s28] =	ssyncadd.s32 $0xFFFFC000  }
0x6c: {  	[hbm4b:s22+s2] =	stream.linear.scatter [tilespmem:s21], [sflag:$0x5], $0x4000, $0x38;
	[tilespmem:$0x11E00] =	vst v63  }
0x6d: {  	_ =	swait.ge [sflag:s18], $0x4000  }
0x6e: {  	[sflag:s18] =	ssyncset.done $0x0  }
0x6f: {  	s22 =	sadd.s32 $0xFFFFFF00, s5;
	[sflag:s18] =	ssyncadd.s32 $0xFFFFC000  }
0x70: {  	[tilespmem:s21], [sflag:$0x2] =	stream.indirect.gather [hbm4b:s1+s19], $0x80, s22, s19, $0xb8;
	[tilespmem:$0x11E00] =	vst v63  }
0x71: {  	_ =	swait.ge [sflag:s29], $0x4000  }
0x72: {  	[sflag:s29] =	ssyncset.done $0x0  }
0x73: {  	s22 =	sadd.s32 $0x1000, s8;
	[sflag:s29] =	ssyncadd.s32 $0xFFFFC000  }
0x74: {  	[hbm4b:s22+s2] =	stream.linear.scatter [tilespmem:s23], [sflag:$0x5], $0x4000, $0x38;
	[tilespmem:$0x11E00] =	vst v63  }
0x75: {  	_ =	swait.ge [sflag:s18], $0x4000  }
0x76: {  	[sflag:s18] =	ssyncset.done $0x0  }
0x77: {  	s22 =	sadd.s32 $0xFFFFFF80, s5;
	[sflag:s18] =	ssyncadd.s32 $0xFFFFC000  }
0x78: {  	[tilespmem:s23], [sflag:$0x3] =	stream.indirect.gather [hbm4b:s1+s19], $0x80, s22, s19, $0xb8;
	[tilespmem:$0x11E00] =	vst v63  }
0x79: {  	_ =	swait.ge [sflag:s30], $0x4000  }
0x7a: {  	[sflag:s30] =	ssyncset.done $0x0  }
.Ltmp3:
0x7b: {  	s8 =	sadd.s32 $0x1800, s8;
	[sflag:s30] =	ssyncadd.s32 $0xFFFFC000;
	(pc) =	sbr.rel @!p1 .LBB2_3-.Ltmp3, $4  }
0x7c: {  	[hbm4b:s8+s2] =	stream.linear.scatter [tilespmem:s25], [sflag:$0x5], $0x4000, $0x38;
	[tilespmem:$0x11E00] =	vst v63  }
0x7d: {  	_ =	swait.ge [sflag:s18], $0x4000  }
0x7e: {  	[sflag:s18] =	ssyncset.done $0x0  }
0x7f: {  	s5 =	sadd.s32 $0x200, s5;
	[sflag:s18] =	ssyncadd.s32 $0xFFFFC000  }
.Ltmp4:
0x80: {  	(pc) =	sbr.rel .LBB2_8-.Ltmp4, $4  }
0x81: {  	_ = 	snop  }
0x82: {  	[tilespmem:s25], [sflag:$0x4] =	stream.indirect.gather [hbm4b:s1+s19], $0x80, s0, s19, $0xb8;
	[tilespmem:$0x11E00] =	vst v63  }
0x83: {  	s8 =	smov.u32 s12  }
0x84: {  	s5 =	smov.u32 s13;
	s3 =	smov.u32 s14;
	s0 =	smov.u32 s15  }
.LBB2_5:
0x85: {  	s3 =	rddreg [dreg:$0x3]  }
0x86: {  	[tilespmem:s0], [sflag:$0x5] =	stream.linear.gather [hbm4b:s3+s0], $0xA00, $0x38;
	[tilespmem:$0x11E00] =	vst v63  }
0x87: {  	_ =	swait.ge [sflag:s18], $0xA00  }
0x88: {  	[sflag:s18] =	ssyncset.done $0x0  }
0x89: {  	[sflag:s18] =	ssyncadd.s32 $0xFFFFF600  }
0x8a: {  	[tilespmem:s20], [sflag:$0x1] =	stream.indirect.gather [hbm4b:s1+s19], $0x80, s0, s19, $0xb8;
	[tilespmem:$0x11E00] =	vst v63  }
0x8b: {  	_ = 	snop  }
0x8c: {  	[tilespmem:s21], [sflag:$0x2] =	stream.indirect.gather [hbm4b:s1+s19], $0x80, s19, s19, $0xb8;
	[tilespmem:$0x11E00] =	vst v63  }
0x8d: {  	s3 =	simm.s32 $0x100  }
0x8e: {  	[tilespmem:s23], [sflag:$0x3] =	stream.indirect.gather [hbm4b:s1+s19], $0x80, s3, s19, $0xb8;
	[tilespmem:$0x11E00] =	vst v63  }
0x8f: {  	_ = 	snop  }
0x90: {  	[tilespmem:s25], [sflag:$0x4] =	stream.indirect.gather [hbm4b:s1+s19], $0x80, s24, s19, $0xb8;
	[tilespmem:$0x11E00] =	vst v63  }
0x91: {  	_ =	swait.ge [sflag:s26], $0x4000  }
0x92: {  	s0 =	sadd.s32 $0x0, s16;
	[sflag:s26] =	ssyncset.done $0x0  }
0x93: {  	s5 =	sadd.s32 $0x1E0000, s0;
	[sflag:s26] =	ssyncadd.s32 $0xFFFFC000  }
0x94: {  	[hbm4b:s5+s2] =	stream.linear.scatter [tilespmem:s20], [sflag:$0x5], $0x4000, $0x38;
	[tilespmem:$0x11E00] =	vst v63  }
0x95: {  	_ =	swait.ge [sflag:s18], $0x4000  }
0x96: {  	[sflag:s18] =	ssyncset.done $0x0  }
0x97: {  	s8 =	simm.s32 $0x200;
	[sflag:s18] =	ssyncadd.s32 $0xFFFFC000  }
0x98: {  	[tilespmem:s20], [sflag:$0x1] =	stream.indirect.gather [hbm4b:s1+s19], $0x80, s8, s19, $0xb8;
	[tilespmem:$0x11E00] =	vst v63  }
0x99: {  	_ =	swait.ge [sflag:s28], $0x4000  }
0x9a: {  	[sflag:s28] =	ssyncset.done $0x0  }
0x9b: {  	s22 =	sadd.s32 $0x1E0800, s0;
	[sflag:s28] =	ssyncadd.s32 $0xFFFFC000  }
0x9c: {  	[hbm4b:s22+s2] =	stream.linear.scatter [tilespmem:s21], [sflag:$0x5], $0x4000, $0x38;
	[tilespmem:$0x11E00] =	vst v63  }
0x9d: {  	_ =	swait.ge [sflag:s18], $0x4000  }
0x9e: {  	[sflag:s18] =	ssyncset.done $0x0  }
0x9f: {  	s5 =	simm.s32 $0x280;
	[sflag:s18] =	ssyncadd.s32 $0xFFFFC000  }
0xa0: {  	[tilespmem:s21], [sflag:$0x2] =	stream.indirect.gather [hbm4b:s1+s19], $0x80, s5, s19, $0xb8;
	[tilespmem:$0x11E00] =	vst v63  }
0xa1: {  	_ =	swait.ge [sflag:s29], $0x4000  }
0xa2: {  	[sflag:s29] =	ssyncset.done $0x0  }
0xa3: {  	s8 =	sadd.s32 $0x1E1000, s0;
	[sflag:s29] =	ssyncadd.s32 $0xFFFFC000  }
0xa4: {  	[hbm4b:s8+s2] =	stream.linear.scatter [tilespmem:s23], [sflag:$0x5], $0x4000, $0x38;
	[tilespmem:$0x11E00] =	vst v63  }
0xa5: {  	_ =	swait.ge [sflag:s18], $0x4000  }
0xa6: {  	[sflag:s18] =	ssyncset.done $0x0  }
0xa7: {  	s22 =	simm.s32 $0x300;
	[sflag:s18] =	ssyncadd.s32 $0xFFFFC000  }
0xa8: {  	[tilespmem:s23], [sflag:$0x3] =	stream.indirect.gather [hbm4b:s1+s19], $0x80, s22, s19, $0xb8;
	[tilespmem:$0x11E00] =	vst v63  }
0xa9: {  	_ =	swait.ge [sflag:s30], $0x4000  }
0xaa: {  	[sflag:s30] =	ssyncset.done $0x0  }
0xab: {  	s0 =	sadd.s32 $0x1E1800, s0;
	[sflag:s30] =	ssyncadd.s32 $0xFFFFC000  }
0xac: {  	[hbm4b:s0+s2] =	stream.linear.scatter [tilespmem:s25], [sflag:$0x5], $0x4000, $0x38;
	[tilespmem:$0x11E00] =	vst v63  }
0xad: {  	_ =	swait.ge [sflag:s18], $0x4000  }
0xae: {  	s3 =	simm.s32 $0x2000;
	[sflag:s18] =	ssyncset.done $0x0  }
0xaf: {  	s5 =	simm.s32 $0x580;
	s0 =	simm.s32 $0x380;
	[sflag:s18] =	ssyncadd.s32 $0xFFFFC000  }
.LBB2_6:
0xb0: {  	[tilespmem:s25], [sflag:$0x4] =	stream.indirect.gather [hbm4b:s1+s19], $0x80, s0, s19, $0xb8;
	[tilespmem:$0x11E00] =	vst v63  }
0xb1: {  	s8 =	smov.u32 s3;
	s0 =	smov.u32 s5  }
0xb2: {  	p1 =	sne.s32 s3, $0x6000;
	s3 =	sadd.s32 $0x2000, s3;
	_ =	swait.ge [sflag:s26], $0x4000  }
0xb3: {  	s8 =	sadd.s32 s8, s16;
	[sflag:s26] =	ssyncset.done $0x0  }
0xb4: {  	s22 =	sadd.s32 $0x1E0000, s8;
	[sflag:s26] =	ssyncadd.s32 $0xFFFFC000  }
0xb5: {  	[hbm4b:s22+s2] =	stream.linear.scatter [tilespmem:s20], [sflag:$0x5], $0x4000, $0x38;
	[tilespmem:$0x11E00] =	vst v63  }
0xb6: {  	_ =	swait.ge [sflag:s18], $0x4000  }
0xb7: {  	[sflag:s18] =	ssyncset.done $0x0  }
0xb8: {  	s22 =	sadd.s32 $0xFFFFFE80, s5;
	[sflag:s18] =	ssyncadd.s32 $0xFFFFC000  }
0xb9: {  	[tilespmem:s20], [sflag:$0x1] =	stream.indirect.gather [hbm4b:s1+s19], $0x80, s22, s19, $0xb8;
	[tilespmem:$0x11E00] =	vst v63  }
0xba: {  	_ =	swait.ge [sflag:s28], $0x4000  }
0xbb: {  	[sflag:s28] =	ssyncset.done $0x0  }
0xbc: {  	s22 =	sadd.s32 $0x1E0800, s8;
	[sflag:s28] =	ssyncadd.s32 $0xFFFFC000  }
0xbd: {  	[hbm4b:s22+s2] =	stream.linear.scatter [tilespmem:s21], [sflag:$0x5], $0x4000, $0x38;
	[tilespmem:$0x11E00] =	vst v63  }
0xbe: {  	_ =	swait.ge [sflag:s18], $0x4000  }
0xbf: {  	[sflag:s18] =	ssyncset.done $0x0  }
0xc0: {  	s22 =	sadd.s32 $0xFFFFFF00, s5;
	[sflag:s18] =	ssyncadd.s32 $0xFFFFC000  }
0xc1: {  	[tilespmem:s21], [sflag:$0x2] =	stream.indirect.gather [hbm4b:s1+s19], $0x80, s22, s19, $0xb8;
	[tilespmem:$0x11E00] =	vst v63  }
0xc2: {  	_ =	swait.ge [sflag:s29], $0x4000  }
0xc3: {  	[sflag:s29] =	ssyncset.done $0x0  }
0xc4: {  	s22 =	sadd.s32 $0x1E1000, s8;
	[sflag:s29] =	ssyncadd.s32 $0xFFFFC000  }
0xc5: {  	[hbm4b:s22+s2] =	stream.linear.scatter [tilespmem:s23], [sflag:$0x5], $0x4000, $0x38;
	[tilespmem:$0x11E00] =	vst v63  }
0xc6: {  	_ =	swait.ge [sflag:s18], $0x4000  }
0xc7: {  	[sflag:s18] =	ssyncset.done $0x0  }
0xc8: {  	s22 =	sadd.s32 $0xFFFFFF80, s5;
	[sflag:s18] =	ssyncadd.s32 $0xFFFFC000  }
0xc9: {  	[tilespmem:s23], [sflag:$0x3] =	stream.indirect.gather [hbm4b:s1+s19], $0x80, s22, s19, $0xb8;
	[tilespmem:$0x11E00] =	vst v63  }
0xca: {  	_ =	swait.ge [sflag:s30], $0x4000  }
0xcb: {  	[sflag:s30] =	ssyncset.done $0x0  }
.Ltmp5:
0xcc: {  	s8 =	sadd.s32 $0x1E1800, s8;
	[sflag:s30] =	ssyncadd.s32 $0xFFFFC000;
	(pc) =	sbr.rel @p1 .LBB2_6-.Ltmp5, $4  }
0xcd: {  	[hbm4b:s8+s2] =	stream.linear.scatter [tilespmem:s25], [sflag:$0x5], $0x4000, $0x38;
	[tilespmem:$0x11E00] =	vst v63  }
0xce: {  	_ =	swait.ge [sflag:s18], $0x4000  }
0xcf: {  	[sflag:s18] =	ssyncset.done $0x0  }
0xd0: {  	s5 =	sadd.s32 $0x200, s5;
	[sflag:s18] =	ssyncadd.s32 $0xFFFFC000  }
.Ltmp6:
0xd1: {  	_ = 	snop;
	(pc) =	sbr.rel .LBB2_7-.Ltmp6, $1  }
0xd2: {  	_ =	sdelay $0x3  }
.LBB2_9:
0xd3: {  	_ =	sfence.sel $0x180000  }
0xd4: {  	[bflag:$0x0] =	sbarrier.arrive $0xFFFF  }
0xd5: {  	_ =	strace $0x90000047  }
0xd6: {  	s0 =	stileid.u32;
	[bflag:$0x2] =	sbarrier.arrive $0xFFFF  }
0xd7: {  	p0 =	sne.s32 s0, $0x0;
	s0 =	rddreg [dreg:$0x2]  }
0xd8: {  	s0 =	sadd.s32 @!p0 $0x100000, s0  }
0xd9: {  	[sflag:s0] =	ssyncadd.tile.s32 @!p0 $0x1;
	_ =	shalt  }
.Lfunc_end2:
_tile_overlayer_lowered:
.L_overlay_start_2:
0xda: {  	(tag) =	ssettag $0x2  }
0xdb: {  	s0 =	rddreg [dreg:$0x0];
	s2 =	stileid.u32  }
0xdc: {  	s1 =	rddreg [dreg:$0x1];
	p0 =	sne.s32 s2, $0x0  }
0xdd: {  	s3 =	rddreg [dreg:$0x2];
	[bflag:$0x3] =	sbarrier.arrive $0xFFFF;
	s2 =	simm.s32 @!p0 $0x1C05  }
0xde: {  	[timem:s3], [sflag:s2] =	dma.local @!p0 [hbm:s0], s1  }
0xdf: {  	s0 =	simm.s32 @!p0 $0x5  }
0xe0: {  	_ =	swait.ge @!p0 [sflag:s0], s1  }
0xe1: {  	s1 =	ssub.s32 @!p0 $0x0, s1;
	[sflag:s0] =	ssyncset.done @!p0 $0x0  }
0xe2: {  	[sflag:s0] =	ssyncadd.s32 @!p0 s1  }
0xe3: {  	[bflag:$0x3] =	sbarrier.arrive $0xFFFF  }
0xe4: {  	_ =	shalt  }

// kernel: kernel.18.cloned.1.call-start
scs
__scs_entry_jumppad:
0x0: {  	(pc) =	sbr.rel $0x88, $3  }
0x1: {  	(tag) =	ssettag $0x0;
	lr =	simm.s32 $0x1  }
0x2: {  	[smem:$0x3F8A] =	sst lr;
	_ =	strace $0xD0000000  }
0x3: {  	_ = 	snop  }
0x4: {  	_ = 	snop  }
0x5: {  	_ = 	snop  }
0x6: {  	_ = 	snop  }
0x7: {  	_ = 	snop  }
__scs_overlays_trampoline_lowered:
0x8: {  	[smem:$0x3F99] =	sst s0  }
0x9: {  	[smem:$0x3F9A] =	sst s1  }
0xa: {  	[smem:$0x3F9B] =	sst s2  }
0xb: {  	[smem:$0x3F9C] =	sst s3  }
0xc: {  	[smem:$0x3F9D] =	sst s4  }
0xd: {  	[smem:$0x3F9E] =	sst s5  }
0xe: {  	[smem:$0x3F9F] =	sst s6  }
0xf: {  	[smem:$0x3FA0] =	sst s7  }
0x10: {  	[smem:$0x3FA1] =	sst s8  }
0x11: {  	[smem:$0x3FA2] =	sst s9;
	s0 =	simm.s32 @!p0 $0x0  }
0x12: {  	s1 =	sld [smem:$0x3F88];
	s0 =	simm.s32 @p0 $0x1  }
0x13: {  	[smem:$0x3FA3] =	sst s0;
	s0 =	simm.s32 @!p1 $0x0  }
0x14: {  	s2 =	sld [smem:$0x3F87];
	s0 =	simm.s32 @p1 $0x1  }
0x15: {  	[smem:$0x3FA4] =	sst s0;
	s0 =	simm.s32 @!p2 $0x0  }
0x16: {  	s3 =	sld [smem:$0x3FDB];
	s0 =	simm.s32 @p2 $0x1  }
0x17: {  	s4 =	simm.s32 $0x1BF5;
	[smem:$0x3FA6] =	sst s0  }
0x18: {  	s0 =	sld [smem:$0x3F89];
	_ =	swait.ge [sflag:s4], $0x0  }
0x19: {  	s7 =	sld [smem:$0x3F8A]  }
0x1a: {  	s8 =	sadd.s32 $0xFFFFE003, lr  }
0x1b: {  	s9 =	sadd.s32 $0xFFFFFEF7, lr;
	s5 =	simm.s32 $0xFFFFFFFF;
	p2 =	slt.u32 s8, $0xFFFFF086  }
0x1c: {  	p1 =	slt.u32 s9, $0xF7A;
	s5 =	simm.s32 @!p2 $0x0  }
0x1d: {  	s5 =	simm.s32 @p1 $0x1;
	p0 =	seq.s32 s7, s2  }
0x1e: {  	s7 =	smul.u32 @!p0 $0xF7A, s2;
	p2 =	seq.s32 @!p0 s5, $0x0  }
0x1f: {  	s9 =	smul.u32 $0xF7A, s1;
	s8 =	simm.s32 @!p0 $0x1BF5;
	p2 =	por !p2, p0  }
0x20: {  	[sflag:s8] =	ssyncset.s32 @!p0 $0xFFFFF086;
	s6 =	sadd.s32 @!p0 s3, s7;
	s7 =	simm.s32 @!p0 $0x108  }
0x21: {  	s3 =	sadd.s32 s3, s9;
	s6 =	sadd.s32 @!p0 $0x88, s6;
	s7 =	simm.s32 @p2 $0x1082  }
0x22: {  	[simem:s7], [sflag:s8] =	dma.local @!p0 [hbm:s6], $0xF7A  }
0x23: {  	s9 =	sor.u32 $0xD0000000, s2;
	s6 =	simm.s32 $0x108;
	_ =	swait.ge @!p0 [sflag:s8], $0x0  }
0x24: {  	s3 =	sadd.s32 $0x88, s3;
	s6 =	simm.s32 @!p1 $0x1082;
	[sflag:s4] =	ssyncset.s32 $0xFFFFF086  }
0x25: {  	[simem:s6], [sflag:s4] =	dma.local [hbm:s3], $0xF7A  }
0x26: {  	[smem:$0x3F8A] =	sst s1;
	(tag) =	ssettag s2;
	_ =	strace s9  }
0x27: {  	s1 =	sld [smem:$0x3F9A]  }
0x28: {  	s2 =	sld [smem:$0x3F9B]  }
0x29: {  	s4 =	sld [smem:$0x3F9D]  }
0x2a: {  	p0 =	seq.s32 s5, $0x0;
	s5 =	sld [smem:$0x3F9E]  }
0x2b: {  	s6 =	sld [smem:$0x3F9F]  }
0x2c: {  	s7 =	sld [smem:$0x3FA0]  }
0x2d: {  	s3 =	simm.s32 $0x108;
	s8 =	sld [smem:$0x3FA1]  }
0x2e: {  	s3 =	simm.s32 @!p0 $0x1082;
	s9 =	sld [smem:$0x3FA2]  }
0x2f: {  	lr =	sadd.s32 s0, s3;
	s0 =	sld [smem:$0x3F99]  }
0x30: {  	s3 =	sld [smem:$0x3F9C]  }
0x31: {  	[smem:$0x3FA5] =	sst s10  }
0x32: {  	s10 =	sld [smem:$0x3FA3];
	_ =	sdelay $0x3  }
0x33: {  	p0 =	seq.s32 s10, $0x1;
	s10 =	sld [smem:$0x3FA5];
	_ =	sdelay $0x3  }
0x34: {  	[smem:$0x3FA5] =	sst s10  }
0x35: {  	s10 =	sld [smem:$0x3FA4];
	_ =	sdelay $0x3  }
0x36: {  	p1 =	seq.s32 s10, $0x1;
	s10 =	sld [smem:$0x3FA5];
	_ =	sdelay $0x3  }
0x37: {  	[smem:$0x3FA5] =	sst s10  }
0x38: {  	s10 =	sld [smem:$0x3FA6]  }
0x39: {  	_ = 	snop;
	(pc) =	sbr.ind lr, $3  }
0x3a: {  	_ = 	snop  }
0x3b: {  	_ = 	snop  }
0x3c: {  	p2 =	seq.s32 s10, $0x1;
	s10 =	sld [smem:$0x3FA5]  }
0x3d: {  	_ =	shalt  }
0x3e: {  	_ =	shalt  }
0x3f: {  	_ =	shalt  }
0x40: {  	_ =	shalt  }
0x41: {  	_ =	shalt  }
0x42: {  	_ =	shalt  }
0x43: {  	_ =	shalt  }
0x44: {  	_ =	shalt  }
0x45: {  	_ =	shalt  }
0x46: {  	_ =	shalt  }
0x47: {  	_ =	shalt  }
0x48: {  	_ =	shalt  }
0x49: {  	_ =	shalt  }
0x4a: {  	_ =	shalt  }
0x4b: {  	_ =	shalt  }
0x4c: {  	_ =	shalt  }
0x4d: {  	_ =	shalt  }
0x4e: {  	_ =	shalt  }
0x4f: {  	_ =	shalt  }
0x50: {  	_ =	shalt  }
0x51: {  	_ =	shalt  }
0x52: {  	_ =	shalt  }
0x53: {  	_ =	shalt  }
0x54: {  	_ =	shalt  }
0x55: {  	_ =	shalt  }
0x56: {  	_ =	shalt  }
0x57: {  	_ =	shalt  }
0x58: {  	_ =	shalt  }
0x59: {  	_ =	shalt  }
0x5a: {  	_ =	shalt  }
0x5b: {  	_ =	shalt  }
0x5c: {  	_ =	shalt  }
0x5d: {  	_ =	shalt  }
0x5e: {  	_ =	shalt  }
0x5f: {  	_ =	shalt  }
0x60: {  	_ =	shalt  }
0x61: {  	_ =	shalt  }
0x62: {  	_ =	shalt  }
0x63: {  	_ =	shalt  }
0x64: {  	_ =	shalt  }
0x65: {  	_ =	shalt  }
0x66: {  	_ =	shalt  }
0x67: {  	_ =	shalt  }
0x68: {  	_ =	shalt  }
0x69: {  	_ =	shalt  }
0x6a: {  	_ =	shalt  }
0x6b: {  	_ =	shalt  }
0x6c: {  	_ =	shalt  }
0x6d: {  	_ =	shalt  }
0x6e: {  	_ =	shalt  }
0x6f: {  	_ =	shalt  }
0x70: {  	_ =	shalt  }
0x71: {  	_ =	shalt  }
0x72: {  	_ =	shalt  }
0x73: {  	_ =	shalt  }
0x74: {  	_ =	shalt  }
0x75: {  	_ =	shalt  }
0x76: {  	_ =	shalt  }
0x77: {  	_ =	shalt  }
0x78: {  	_ =	shalt  }
0x79: {  	_ =	shalt  }
0x7a: {  	_ =	shalt  }
0x7b: {  	_ =	shalt  }
0x7c: {  	_ =	shalt  }
0x7d: {  	_ =	shalt  }
0x7e: {  	_ =	shalt  }
0x7f: {  	_ =	shalt  }
0x80: {  	_ =	shalt  }
0x81: {  	_ =	shalt  }
0x82: {  	_ =	shalt  }
0x83: {  	_ =	shalt  }
0x84: {  	_ =	shalt  }
0x85: {  	_ =	shalt  }
0x86: {  	_ =	shalt  }
0x87: {  	_ =	shalt  }
.Lfunc_end0:
.L_simem_size_0:
called_computation.1_lowered:
.L_overlay_start_0:
0x88: {  	s2 =	sld [smem:$0x3FD9]  }
0x89: {  	s3 =	sld [smem:$0x3FFE];
	_ =	sdelay $0x1  }
0x8a: {  	s1 =	srdreg.scid  }
0x8b: {  	s0 =	sand.u32 $0x1, s1  }
0x8c: {  	s16 =	sshll.u32 s0, $0xA;
	s2 =	sadd.s32 s3, s2  }
0x8d: {  	s2 =	sadd.s32 s2, s16  }
0x8e: {  	[smem:$0x3FB1] =	sst s2  }
0x8f: {  	_ = 	snop  }
0x90: {  	(tm) =	ssettm $0x1  }
0x91: {  	s17 =	sld [smem:$0x3FFB];
	_ =	sdelay $0x3  }
0x92: {  	_ =	strace s17  }
0x93: {  	s2 =	sld [smem:$0x3FFC];
	_ =	sdelay $0x3  }
0x94: {  	_ =	strace s2  }
0x95: {  	s2 =	sld [smem:$0x3FFD];
	_ =	sdelay $0x3  }
0x96: {  	_ =	strace s2  }
0x97: {  	_ =	strace $0x8FFFFFFF  }
0x98: {  	s18 =	sld [smem:$0x3FDB];
	_ =	sdelay $0x1  }
0x99: {  	s19 =	simm.s32 $_scs_section_size  }
0x9a: {  	s4 =	simm.s32 $_size__tile_overlayer_lowered;
	s5 =	simm.s32 $_tile_overlayer_lowered  }
0x9b: {  	s22 =	simm.s32 $0x1BFF;
	s21 =	sshll.u32 s5, $0x1;
	s2 =	sadd.s32 s19, s18  }
0x9c: {  	s6 =	simm.s32 $0x0;
	s20 =	sshll.u32 s4, $0x1;
	s4 =	sadd.s32 s21, s2  }
0x9d: {  	[timem:s6], [sflag:s22] =	dma.local [hbm:s4], s20  }
0x9e: {  	_ =	swait.ge [sflag:s22], s20  }
0x9f: {  	s3 =	ssub.s32 $0x0, s20;
	[sflag:s22] =	ssyncset.done $0x0  }
0xa0: {  	[sflag:s22] =	ssyncadd.s32 s3;
	_ =	sdelay $0x1  }
0xa1: {  	s23 =	simm.s32 $0x1B8B  }
0xa2: {  	_ =	swait.ge [sflag:s23], $0x1  }
0xa3: {  	[sflag:s23] =	ssyncset.done $0x0  }
0xa4: {  	s25 =	simm.s32 $0x1B8E;
	s24 =	sld [smem:$0x3FFE];
	[sflag:s23] =	ssyncadd.s32 $0xFFFFFFFF  }
0xa5: {  	s26 =	simm.s32 $execute0_lowered;
	[smem:$0x3FD2] =	sst s25  }
0xa6: {  	s4 =	sshll.u32 s26, $0x1;
	_ =	strace $0x80000049;
	[dreg:$0x1] =	wrdreg $0xFFFFFFFF  }
0xa7: {  	s28 =	simm.s32 $_size_execute0_lowered;
	s2 =	sadd.s32 s2, s4;
	[dreg:$0x0] =	wrdreg $0x0  }
0xa8: {  	s4 =	sshll.u32 s28, $0x1;
	[dreg:$0x2] =	wrdreg s2  }
0xa9: {  	[dreg:$0x3] =	wrdreg s4  }
0xaa: {  	[dreg:$0x4] =	wrdreg $0xC0  }
0xab: {  	_ =	task [dreg:s6], $0x5FFFF  }
0xac: {  	[dreg:$0x1] =	wrdreg $0xFFFFFFFF  }
0xad: {  	[dreg:$0x0] =	wrdreg $0x60  }
0xae: {  	[dreg:$0x2] =	wrdreg s24  }
0xaf: {  	[dreg:$0x3] =	wrdreg $0x14000  }
0xb0: {  	[dreg:$0x4] =	wrdreg $0x9  }
0xb1: {  	_ =	task.clear_ibuf [dreg:s6], $0x5FFFF;
	_ =	strace $0x90000049  }
0xb2: {  	s29 =	simm.s32 $0x9;
	_ =	strace $0x8000004B  }
0xb3: {  	_ =	swait.ge [sflag:s29], $0x1  }
0xb4: {  	[sflag:s29] =	ssyncadd.s32 $0xFFFFFFFF  }
0xb5: {  	_ =	strace $0x9000004B  }
0xb6: {  	_ =	sfence  }
0xb7: {  	s30 =	sld [smem:$0x0];
	_ =	sdelay $0x2  }
0xb8: {  	s31 =	sshll.u32 s1, $0xD;
	s1 =	sshrl.u32 s1, $0x2  }
0xb9: {  	s3 =	sand.u32 $0x4000, s31;
	s1 =	sadd.s32 s1, s30  }
0xba: {  	s0 =	sor.u32 s3, s0;
	s1 =	sshll.u32 s1, $0x11  }
0xbb: {  	s0 =	sor.u32 s1, s0  }
0xbc: {  	s0 =	sadd.s32 $0x8F2B, s0  }
0xbd: {  	[sflag:s0] =	ssyncadd.remote.s32 $0x1  }
0xbe: {  	_ =	sfence.sel $0xFFFF  }
0xbf: {  	[dreg:$0x0] =	wrdreg $0xFFFFFFFF;
	(pc) =	sbr.abs _section_cstart, $3  }
0xc0: {  	[dreg:$0x1] =	wrdreg $0xFFFFFFFF  }
0xc1: {  	_ =	task.clear_ibuf [dreg:s6], $0x2FFFF;
	_ =	strace $0x9FFFFFFF  }
0xc2: {  	(tm) =	ssettm $0x7FFFFFFF  }
0xc3: {  	_ =	shalt  }
tec
execute0_lowered:
.L_overlay_start_1:
0x0: {  	(tag) =	ssettag $0x1  }
0x1: {  	s1 =	srdreg.scid;
	s4 =	rddreg [dreg:$0x0]  }
0x2: {  	s0 =	stileid.u32;
	s2 =	rddreg [dreg:$0x1]  }
0x3: {  	s3 =	simm.s32 $0x0;
	s17 =	simm.s32 $0x7400;
	s18 =	simm.s32 $0x8400  }
0x4: {  	s19 =	simm.s32 $0x9400;
	s20 =	simm.s32 $0x1;
	s21 =	simm.s32 $0x80  }
0x5: {  	s22 =	simm.s32 $0x3;
	s23 =	simm.s32 $0x4;
	s24 =	simm.s32 $0x1380  }
0x6: {  	s25 =	simm.s32 $0x0;
	s9 =	sand.u32 $0x1, s1;
	s7 =	smul.u32 $0x5000, s0  }
0x7: {  	s26 =	sshll.u32 s0, $0x1;
	[smem:$0x7FF] =	sst s3;
	s31 =	smul.u32 $0xA000, s0  }
0x8: {  	s11 =	sadd.s32 $0x347600, s4;
	s30 =	sshll.u32 s0, $0x6;
	s8 =	smul.u32 $0x50000, s9  }
0x9: {  	s5 =	sor.u32 s9, s26;
	_ =	strace $0x8000004A;
	s16 =	smul.u32 $0x5000, s9  }
0xa: {  	s12 =	ssub.s32 $0x2, s9;
	s6 =	smul.u32 $0x280, s5;
	s28 =	sshrl.u32 s7, $0x3  }
0xb: {  	s13 =	sshrl.u32 s12, $0x1;
	s29 =	smul.u32 $0x5000, s5;
	s15 =	sadd.s32 s7, s2  }
0xc: {  	s5 =	sor.u32 $0x1C05, s30;
	s8 =	sadd.s32 s7, s8;
	s12 =	ssub.s32 s12, s13  }
0xd: {  	s13 =	sadd.s32 s31, s11;
	s10 =	sadd.s32 s6, s4;
	s6 =	sadd.s32 s28, s4  }
.Ltmp0:
0xe: {  	s8 =	sshrl.u32 s8, $0x3;
	s12 =	smax.u32 s12, $0x1;
	(pc) =	sbr.rel .LBB2_1-.Ltmp0, $4  }
0xf: {  	s13 =	sadd.s32 s16, s13;
	s16 =	simm.s32 $0x6400;
	s14 =	sadd.s32 s8, s4  }
0x10: {  	s4 =	sadd.s32 $0x10400, s6;
	s6 =	sadd.s32 s11, s29;
	s7 =	sadd.s32 $0x342600, s10  }
0x11: {  	s8 =	sadd.s32 $0x200, s6;
	s9 =	sadd.s32 $0x400, s6;
	s10 =	sadd.s32 $0x600, s6  }
0x12: {  	s11 =	sadd.s32 $0x1A400, s14;
	s14 =	sshrl.u32 s15, $0x3;
	s15 =	simm.s32 $0x5  }
.LBB2_4:
0x13: {  	_ =	swait.ge [sflag:s23], $0x1000  }
0x14: {  	[sflag:s23] =	ssyncset.done $0x0  }
0x15: {  	[sflag:s23] =	ssyncadd.s32 $0xFFFFF000  }
0x16: {  	[spmem:s2] =	stream.indirect.scatter.add.f32 [tilespmem:s19], [sflag:$0x5], $0x20, s24, s21, $0xb8;
	[tilespmem:$0xA400] =	vst v63  }
0x17: {  	_ =	swait.ge [sflag:s15], $0x1000  }
0x18: {  	s25 =	sadd.s32 $0x1, s25;
	[sflag:s15] =	ssyncset.done $0x0  }
0x19: {  	p0 =	sne.s32 s25, s12;
	[sflag:s15] =	ssyncadd.s32 $0xFFFFF000  }
.Ltmp1:
0x1a: {  	[bflag:$0x0] =	sbarrier.arrive $0xFFFF;
	(pc) =	sbr.rel @!p0 .LBB2_5-.Ltmp1, $4  }
0x1b: {  	[hbm:s11], [sflag:s5] =	dma.local [spmem:s14], $0xA00  }
0x1c: {  	_ =	swait.ge [sflag:s15], $0xA00  }
0x1d: {  	[sflag:s15] =	ssyncset.done $0x0  }
0x1e: {  	[sflag:s15] =	ssyncadd.s32 $0xFFFFF600  }
.LBB2_1:
0x1f: {  	[spmem:s14], [sflag:s5] =	dma.local [hbm:s4], $0xA00  }
0x20: {  	_ =	swait.ge [sflag:s15], $0xA00  }
0x21: {  	[sflag:s15] =	ssyncset.done $0x0  }
0x22: {  	[sflag:s15] =	ssyncadd.s32 $0xFFFFF600  }
0x23: {  	[tilespmem:s3], [sflag:$0x5] =	stream.linear.gather [hbm4b:s7+s3], $0x1400, $0x38;
	[tilespmem:$0xA400] =	vst v63  }
0x24: {  	_ =	swait.ge [sflag:s15], $0x1400  }
0x25: {  	[sflag:s15] =	ssyncset.done $0x0  }
0x26: {  	[sflag:s15] =	ssyncadd.s32 $0xFFFFEC00  }
0x27: {  	[tilespmem:s16], [sflag:$0x1] =	stream.linear.gather [hbm4b:s6+s3], $0x1000, $0x38;
	[tilespmem:$0xA400] =	vst v63  }
0x28: {  	_ = 	snop  }
0x29: {  	[tilespmem:s17], [sflag:$0x2] =	stream.linear.gather [hbm4b:s8+s3], $0x1000, $0x38;
	[tilespmem:$0xA400] =	vst v63  }
0x2a: {  	_ = 	snop  }
0x2b: {  	[tilespmem:s18], [sflag:$0x3] =	stream.linear.gather [hbm4b:s9+s3], $0x1000, $0x38;
	[tilespmem:$0xA400] =	vst v63  }
0x2c: {  	_ = 	snop  }
0x2d: {  	[tilespmem:s19], [sflag:$0x4] =	stream.linear.gather [hbm4b:s10+s3], $0x1000, $0x38;
	[tilespmem:$0xA400] =	vst v63  }
0x2e: {  	s26 =	simm.s32 $0x0;
	[bflag:$0x0] =	sbarrier.arrive $0xFFFF  }
.LBB2_2:
0x2f: {  	_ =	swait.ge [sflag:s20], $0x1000  }
0x30: {  	[sflag:s20] =	ssyncset.done $0x0  }
0x31: {  	s28 =	sshra.s32 s26, $0x2;
	[sflag:s20] =	ssyncadd.s32 $0xFFFFF000  }
0x32: {  	[spmem:s2] =	stream.indirect.scatter.add.f32 [tilespmem:s16], [sflag:$0x5], $0x20, s28, s21, $0xb8;
	[tilespmem:$0xA400] =	vst v63  }
0x33: {  	_ =	swait.ge [sflag:s15], $0x1000  }
0x34: {  	p0 =	seq.s32 s26, $0x4800;
	[sflag:s15] =	ssyncset.done $0x0  }
0x35: {  	s29 =	simm.s32 @p0 $0x2;
	[sflag:s15] =	ssyncadd.s32 $0xFFFFF000  }
0x36: {  	_ =	swait.ge @p0 [sflag:s29], $0x1000  }
0x37: {  	s30 =	simm.s32 @p0 $0x1280;
	[sflag:s29] =	ssyncset.done @p0 $0x0  }
0x38: {  	s31 =	simm.s32 @p0 $0x7400;
	[sflag:s29] =	ssyncadd.s32 @p0 $0xFFFFF000;
	s29 =	simm.s32 @p0 $0x80  }
0x39: {  	[spmem:s2] =	stream.indirect.scatter.add.f32 @p0 [tilespmem:s31], [sflag:$0x5], $0x20, s30, s29, $0xb8;
	[tilespmem:$0xA400] =	vst v63  }
0x3a: {  	s29 =	simm.s32 @p0 $0x5  }
0x3b: {  	_ =	swait.ge @p0 [sflag:s29], $0x1000  }
0x3c: {  	[sflag:s29] =	ssyncset.done @p0 $0x0  }
0x3d: {  	[sflag:s29] =	ssyncadd.s32 @p0 $0xFFFFF000;
	s29 =	sadd.s32 @!p0 s26, s13  }
0x3e: {  	s1 =	simm.s32 @!p0 $0x6400;
	s31 =	simm.s32 @!p0 $0x0;
	s30 =	sadd.s32 @!p0 $0x800, s29  }
0x3f: {  	[tilespmem:s1], [sflag:$0x1] =	stream.linear.gather @!p0 [hbm4b:s30+s31], $0x1000, $0x38;
	[tilespmem:$0xA400] =	vst v63  }
0x40: {  	s1 =	simm.s32 @!p0 $0x2  }
0x41: {  	_ =	swait.ge @!p0 [sflag:s1], $0x1000  }
0x42: {  	[sflag:s1] =	ssyncset.done @!p0 $0x0  }
0x43: {  	[sflag:s1] =	ssyncadd.s32 @!p0 $0xFFFFF000;
	s1 =	sshra.s32 @!p0 s26, $0x2  }
0x44: {  	s0 =	simm.s32 @!p0 $0x7400;
	s30 =	simm.s32 @!p0 $0x80;
	s1 =	sadd.s32 @!p0 $0x80, s1  }
0x45: {  	[spmem:s2] =	stream.indirect.scatter.add.f32 @!p0 [tilespmem:s0], [sflag:$0x5], $0x20, s1, s30, $0xb8;
	[tilespmem:$0xA400] =	vst v63  }
0x46: {  	s1 =	simm.s32 @!p0 $0x5  }
0x47: {  	_ =	swait.ge @!p0 [sflag:s1], $0x1000  }
0x48: {  	[sflag:s1] =	ssyncset.done @!p0 $0x0  }
0x49: {  	[sflag:s1] =	ssyncadd.s32 @!p0 $0xFFFFF000;
	s1 =	sadd.s32 @!p0 $0xA00, s29  }
0x4a: {  	[tilespmem:s0], [sflag:$0x2] =	stream.linear.gather @!p0 [hbm4b:s1+s31], $0x1000, $0x38;
	[tilespmem:$0xA400] =	vst v63  }
0x4b: {  	_ =	swait.ge [sflag:s22], $0x1000  }
0x4c: {  	[sflag:s22] =	ssyncset.done $0x0  }
.Ltmp2:
0x4d: {  	s31 =	sadd.s32 $0x100, s28;
	[sflag:s22] =	ssyncadd.s32 $0xFFFFF000;
	(pc) =	sbr.rel @p0 .LBB2_4-.Ltmp2, $4  }
0x4e: {  	[spmem:s2] =	stream.indirect.scatter.add.f32 [tilespmem:s18], [sflag:$0x5], $0x20, s31, s21, $0xb8;
	[tilespmem:$0xA400] =	vst v63  }
0x4f: {  	_ =	swait.ge [sflag:s15], $0x1000  }
0x50: {  	[sflag:s15] =	ssyncset.done $0x0  }
0x51: {  	[sflag:s15] =	ssyncadd.s32 $0xFFFFF000  }
0x52: {  	s0 =	sadd.s32 s26, s13  }
0x53: {  	s1 =	sadd.s32 $0xC00, s0  }
0x54: {  	[tilespmem:s18], [sflag:$0x3] =	stream.linear.gather [hbm4b:s1+s3], $0x1000, $0x38;
	[tilespmem:$0xA400] =	vst v63  }
0x55: {  	_ =	swait.ge [sflag:s23], $0x1000  }
0x56: {  	[sflag:s23] =	ssyncset.done $0x0  }
0x57: {  	s31 =	sadd.s32 $0x180, s28;
	[sflag:s23] =	ssyncadd.s32 $0xFFFFF000  }
0x58: {  	[spmem:s2] =	stream.indirect.scatter.add.f32 [tilespmem:s19], [sflag:$0x5], $0x20, s31, s21, $0xb8;
	[tilespmem:$0xA400] =	vst v63  }
.Ltmp3:
0x59: {  	_ = 	snop;
	(pc) =	sbr.rel .LBB2_2-.Ltmp3, $4  }
0x5a: {  	_ =	swait.ge [sflag:s15], $0x1000  }
0x5b: {  	[sflag:s15] =	ssyncset.done $0x0  }
0x5c: {  	s26 =	sadd.s32 $0x800, s26;
	s0 =	sadd.s32 $0xE00, s0;
	[sflag:s15] =	ssyncadd.s32 $0xFFFFF000  }
0x5d: {  	[tilespmem:s19], [sflag:$0x4] =	stream.linear.gather [hbm4b:s0+s3], $0x1000, $0x38;
	[tilespmem:$0xA400] =	vst v63  }
.LBB2_5:
0x5e: {  	_ =	sfence.sel $0x180000  }
0x5f: {  	[bflag:$0x0] =	sbarrier.arrive $0xFFFF  }
0x60: {  	_ =	strace $0x9000004A  }
0x61: {  	s0 =	stileid.u32;
	[bflag:$0x2] =	sbarrier.arrive $0xFFFF  }
0x62: {  	p0 =	sne.s32 s0, $0x0;
	s0 =	rddreg [dreg:$0x2]  }
0x63: {  	s0 =	sadd.s32 @!p0 $0x100000, s0  }
0x64: {  	[sflag:s0] =	ssyncadd.tile.s32 @!p0 $0x1;
	_ =	shalt  }
.Lfunc_end2:
_tile_overlayer_lowered:
.L_overlay_start_2:
0x65: {  	(tag) =	ssettag $0x2  }
0x66: {  	s0 =	rddreg [dreg:$0x0];
	s2 =	stileid.u32  }
0x67: {  	s1 =	rddreg [dreg:$0x1];
	p0 =	sne.s32 s2, $0x0  }
0x68: {  	s3 =	rddreg [dreg:$0x2];
	[bflag:$0x3] =	sbarrier.arrive $0xFFFF;
	s2 =	simm.s32 @!p0 $0x1C05  }
0x69: {  	[timem:s3], [sflag:s2] =	dma.local @!p0 [hbm:s0], s1  }
0x6a: {  	s0 =	simm.s32 @!p0 $0x5  }
0x6b: {  	_ =	swait.ge @!p0 [sflag:s0], s1  }
0x6c: {  	s1 =	ssub.s32 @!p0 $0x0, s1;
	[sflag:s0] =	ssyncset.done @!p0 $0x0  }
0x6d: {  	[sflag:s0] =	ssyncadd.s32 @!p0 s1  }
0x6e: {  	[bflag:$0x3] =	sbarrier.arrive $0xFFFF  }
0x6f: {  	_ =	shalt  }

// kernel: kernel.21.cloned.1.call-start
scs
__scs_entry_jumppad:
0x0: {  	(pc) =	sbr.rel $0x88, $3  }
0x1: {  	(tag) =	ssettag $0x0;
	lr =	simm.s32 $0x1  }
0x2: {  	[smem:$0x3F8A] =	sst lr;
	_ =	strace $0xD0000000  }
0x3: {  	_ = 	snop  }
0x4: {  	_ = 	snop  }
0x5: {  	_ = 	snop  }
0x6: {  	_ = 	snop  }
0x7: {  	_ = 	snop  }
__scs_overlays_trampoline_lowered:
0x8: {  	[smem:$0x3F99] =	sst s0  }
0x9: {  	[smem:$0x3F9A] =	sst s1  }
0xa: {  	[smem:$0x3F9B] =	sst s2  }
0xb: {  	[smem:$0x3F9C] =	sst s3  }
0xc: {  	[smem:$0x3F9D] =	sst s4  }
0xd: {  	[smem:$0x3F9E] =	sst s5  }
0xe: {  	[smem:$0x3F9F] =	sst s6  }
0xf: {  	[smem:$0x3FA0] =	sst s7  }
0x10: {  	[smem:$0x3FA1] =	sst s8  }
0x11: {  	[smem:$0x3FA2] =	sst s9;
	s0 =	simm.s32 @!p0 $0x0  }
0x12: {  	s1 =	sld [smem:$0x3F88];
	s0 =	simm.s32 @p0 $0x1  }
0x13: {  	[smem:$0x3FA3] =	sst s0;
	s0 =	simm.s32 @!p1 $0x0  }
0x14: {  	s2 =	sld [smem:$0x3F87];
	s0 =	simm.s32 @p1 $0x1  }
0x15: {  	[smem:$0x3FA4] =	sst s0;
	s0 =	simm.s32 @!p2 $0x0  }
0x16: {  	s3 =	sld [smem:$0x3FDB];
	s0 =	simm.s32 @p2 $0x1  }
0x17: {  	s4 =	simm.s32 $0x1BF5;
	[smem:$0x3FA6] =	sst s0  }
0x18: {  	s0 =	sld [smem:$0x3F89];
	_ =	swait.ge [sflag:s4], $0x0  }
0x19: {  	s7 =	sld [smem:$0x3F8A]  }
0x1a: {  	s8 =	sadd.s32 $0xFFFFE003, lr  }
0x1b: {  	s9 =	sadd.s32 $0xFFFFFEF7, lr;
	s5 =	simm.s32 $0xFFFFFFFF;
	p2 =	slt.u32 s8, $0xFFFFF086  }
0x1c: {  	p1 =	slt.u32 s9, $0xF7A;
	s5 =	simm.s32 @!p2 $0x0  }
0x1d: {  	s5 =	simm.s32 @p1 $0x1;
	p0 =	seq.s32 s7, s2  }
0x1e: {  	s7 =	smul.u32 @!p0 $0xF7A, s2;
	p2 =	seq.s32 @!p0 s5, $0x0  }
0x1f: {  	s9 =	smul.u32 $0xF7A, s1;
	s8 =	simm.s32 @!p0 $0x1BF5;
	p2 =	por !p2, p0  }
0x20: {  	[sflag:s8] =	ssyncset.s32 @!p0 $0xFFFFF086;
	s6 =	sadd.s32 @!p0 s3, s7;
	s7 =	simm.s32 @!p0 $0x108  }
0x21: {  	s3 =	sadd.s32 s3, s9;
	s6 =	sadd.s32 @!p0 $0x88, s6;
	s7 =	simm.s32 @p2 $0x1082  }
0x22: {  	[simem:s7], [sflag:s8] =	dma.local @!p0 [hbm:s6], $0xF7A  }
0x23: {  	s9 =	sor.u32 $0xD0000000, s2;
	s6 =	simm.s32 $0x108;
	_ =	swait.ge @!p0 [sflag:s8], $0x0  }
0x24: {  	s3 =	sadd.s32 $0x88, s3;
	s6 =	simm.s32 @!p1 $0x1082;
	[sflag:s4] =	ssyncset.s32 $0xFFFFF086  }
0x25: {  	[simem:s6], [sflag:s4] =	dma.local [hbm:s3], $0xF7A  }
0x26: {  	[smem:$0x3F8A] =	sst s1;
	(tag) =	ssettag s2;
	_ =	strace s9  }
0x27: {  	s1 =	sld [smem:$0x3F9A]  }
0x28: {  	s2 =	sld [smem:$0x3F9B]  }
0x29: {  	s4 =	sld [smem:$0x3F9D]  }
0x2a: {  	p0 =	seq.s32 s5, $0x0;
	s5 =	sld [smem:$0x3F9E]  }
0x2b: {  	s6 =	sld [smem:$0x3F9F]  }
0x2c: {  	s7 =	sld [smem:$0x3FA0]  }
0x2d: {  	s3 =	simm.s32 $0x108;
	s8 =	sld [smem:$0x3FA1]  }
0x2e: {  	s3 =	simm.s32 @!p0 $0x1082;
	s9 =	sld [smem:$0x3FA2]  }
0x2f: {  	lr =	sadd.s32 s0, s3;
	s0 =	sld [smem:$0x3F99]  }
0x30: {  	s3 =	sld [smem:$0x3F9C]  }
0x31: {  	[smem:$0x3FA5] =	sst s10  }
0x32: {  	s10 =	sld [smem:$0x3FA3];
	_ =	sdelay $0x3  }
0x33: {  	p0 =	seq.s32 s10, $0x1;
	s10 =	sld [smem:$0x3FA5];
	_ =	sdelay $0x3  }
0x34: {  	[smem:$0x3FA5] =	sst s10  }
0x35: {  	s10 =	sld [smem:$0x3FA4];
	_ =	sdelay $0x3  }
0x36: {  	p1 =	seq.s32 s10, $0x1;
	s10 =	sld [smem:$0x3FA5];
	_ =	sdelay $0x3  }
0x37: {  	[smem:$0x3FA5] =	sst s10  }
0x38: {  	s10 =	sld [smem:$0x3FA6]  }
0x39: {  	_ = 	snop;
	(pc) =	sbr.ind lr, $3  }
0x3a: {  	_ = 	snop  }
0x3b: {  	_ = 	snop  }
0x3c: {  	p2 =	seq.s32 s10, $0x1;
	s10 =	sld [smem:$0x3FA5]  }
0x3d: {  	_ =	shalt  }
0x3e: {  	_ =	shalt  }
0x3f: {  	_ =	shalt  }
0x40: {  	_ =	shalt  }
0x41: {  	_ =	shalt  }
0x42: {  	_ =	shalt  }
0x43: {  	_ =	shalt  }
0x44: {  	_ =	shalt  }
0x45: {  	_ =	shalt  }
0x46: {  	_ =	shalt  }
0x47: {  	_ =	shalt  }
0x48: {  	_ =	shalt  }
0x49: {  	_ =	shalt  }
0x4a: {  	_ =	shalt  }
0x4b: {  	_ =	shalt  }
0x4c: {  	_ =	shalt  }
0x4d: {  	_ =	shalt  }
0x4e: {  	_ =	shalt  }
0x4f: {  	_ =	shalt  }
0x50: {  	_ =	shalt  }
0x51: {  	_ =	shalt  }
0x52: {  	_ =	shalt  }
0x53: {  	_ =	shalt  }
0x54: {  	_ =	shalt  }
0x55: {  	_ =	shalt  }
0x56: {  	_ =	shalt  }
0x57: {  	_ =	shalt  }
0x58: {  	_ =	shalt  }
0x59: {  	_ =	shalt  }
0x5a: {  	_ =	shalt  }
0x5b: {  	_ =	shalt  }
0x5c: {  	_ =	shalt  }
0x5d: {  	_ =	shalt  }
0x5e: {  	_ =	shalt  }
0x5f: {  	_ =	shalt  }
0x60: {  	_ =	shalt  }
0x61: {  	_ =	shalt  }
0x62: {  	_ =	shalt  }
0x63: {  	_ =	shalt  }
0x64: {  	_ =	shalt  }
0x65: {  	_ =	shalt  }
0x66: {  	_ =	shalt  }
0x67: {  	_ =	shalt  }
0x68: {  	_ =	shalt  }
0x69: {  	_ =	shalt  }
0x6a: {  	_ =	shalt  }
0x6b: {  	_ =	shalt  }
0x6c: {  	_ =	shalt  }
0x6d: {  	_ =	shalt  }
0x6e: {  	_ =	shalt  }
0x6f: {  	_ =	shalt  }
0x70: {  	_ =	shalt  }
0x71: {  	_ =	shalt  }
0x72: {  	_ =	shalt  }
0x73: {  	_ =	shalt  }
0x74: {  	_ =	shalt  }
0x75: {  	_ =	shalt  }
0x76: {  	_ =	shalt  }
0x77: {  	_ =	shalt  }
0x78: {  	_ =	shalt  }
0x79: {  	_ =	shalt  }
0x7a: {  	_ =	shalt  }
0x7b: {  	_ =	shalt  }
0x7c: {  	_ =	shalt  }
0x7d: {  	_ =	shalt  }
0x7e: {  	_ =	shalt  }
0x7f: {  	_ =	shalt  }
0x80: {  	_ =	shalt  }
0x81: {  	_ =	shalt  }
0x82: {  	_ =	shalt  }
0x83: {  	_ =	shalt  }
0x84: {  	_ =	shalt  }
0x85: {  	_ =	shalt  }
0x86: {  	_ =	shalt  }
0x87: {  	_ =	shalt  }
.Lfunc_end0:
.L_simem_size_0:
called_computation.2_lowered:
.L_overlay_start_0:
0x88: {  	s2 =	sld [smem:$0x3FD9]  }
0x89: {  	s3 =	sld [smem:$0x3FFE];
	_ =	sdelay $0x1  }
0x8a: {  	s1 =	srdreg.scid  }
0x8b: {  	s0 =	sand.u32 $0x1, s1  }
0x8c: {  	s16 =	sshll.u32 s0, $0xA;
	s2 =	sadd.s32 s3, s2  }
0x8d: {  	s2 =	sadd.s32 s2, s16  }
0x8e: {  	[smem:$0x3FB1] =	sst s2  }
0x8f: {  	_ = 	snop  }
0x90: {  	(tm) =	ssettm $0x1  }
0x91: {  	s17 =	sld [smem:$0x3FFB];
	_ =	sdelay $0x3  }
0x92: {  	_ =	strace s17  }
0x93: {  	s2 =	sld [smem:$0x3FFC];
	_ =	sdelay $0x3  }
0x94: {  	_ =	strace s2  }
0x95: {  	s2 =	sld [smem:$0x3FFD];
	_ =	sdelay $0x3  }
0x96: {  	_ =	strace s2  }
0x97: {  	_ =	strace $0x8FFFFFFF  }
0x98: {  	s18 =	sld [smem:$0x3FDB];
	_ =	sdelay $0x1  }
0x99: {  	s19 =	simm.s32 $_scs_section_size  }
0x9a: {  	s4 =	simm.s32 $_size__tile_overlayer_lowered;
	s5 =	simm.s32 $_tile_overlayer_lowered  }
0x9b: {  	s22 =	simm.s32 $0x1BFF;
	s21 =	sshll.u32 s5, $0x1;
	s2 =	sadd.s32 s19, s18  }
0x9c: {  	s6 =	simm.s32 $0x0;
	s20 =	sshll.u32 s4, $0x1;
	s4 =	sadd.s32 s21, s2  }
0x9d: {  	[timem:s6], [sflag:s22] =	dma.local [hbm:s4], s20  }
0x9e: {  	_ =	swait.ge [sflag:s22], s20  }
0x9f: {  	s3 =	ssub.s32 $0x0, s20;
	[sflag:s22] =	ssyncset.done $0x0  }
0xa0: {  	[sflag:s22] =	ssyncadd.s32 s3;
	_ =	sdelay $0x1  }
0xa1: {  	s23 =	simm.s32 $0x1B8B  }
0xa2: {  	_ =	swait.ge [sflag:s23], $0x1  }
0xa3: {  	[sflag:s23] =	ssyncset.done $0x0  }
0xa4: {  	s25 =	simm.s32 $0x1B8E;
	s24 =	sld [smem:$0x3FFE];
	[sflag:s23] =	ssyncadd.s32 $0xFFFFFFFF  }
0xa5: {  	s26 =	simm.s32 $execute0_lowered;
	[smem:$0x3FD2] =	sst s25  }
0xa6: {  	s4 =	sshll.u32 s26, $0x1;
	_ =	strace $0x8000004C;
	[dreg:$0x1] =	wrdreg $0xFFFFFFFF  }
0xa7: {  	s28 =	simm.s32 $_size_execute0_lowered;
	s2 =	sadd.s32 s2, s4;
	[dreg:$0x0] =	wrdreg $0x0  }
0xa8: {  	s4 =	sshll.u32 s28, $0x1;
	[dreg:$0x2] =	wrdreg s2  }
0xa9: {  	[dreg:$0x3] =	wrdreg s4  }
0xaa: {  	[dreg:$0x4] =	wrdreg $0xC0  }
0xab: {  	_ =	task [dreg:s6], $0x5FFFF  }
0xac: {  	[dreg:$0x1] =	wrdreg $0xFFFFFFFF  }
0xad: {  	[dreg:$0x0] =	wrdreg $0x60  }
0xae: {  	[dreg:$0x2] =	wrdreg s24  }
0xaf: {  	[dreg:$0x3] =	wrdreg $0x9  }
0xb0: {  	_ =	task.clear_ibuf [dreg:s6], $0x4FFFF;
	_ =	strace $0x9000004C  }
0xb1: {  	s29 =	simm.s32 $0x9;
	_ =	strace $0x8000004E  }
0xb2: {  	_ =	swait.ge [sflag:s29], $0x1  }
0xb3: {  	[sflag:s29] =	ssyncadd.s32 $0xFFFFFFFF  }
0xb4: {  	_ =	strace $0x9000004E  }
0xb5: {  	_ =	sfence  }
0xb6: {  	s30 =	sld [smem:$0x0];
	_ =	sdelay $0x2  }
0xb7: {  	s31 =	sshll.u32 s1, $0xD;
	s1 =	sshrl.u32 s1, $0x2  }
0xb8: {  	s3 =	sand.u32 $0x4000, s31;
	s1 =	sadd.s32 s1, s30  }
0xb9: {  	s0 =	sor.u32 s3, s0;
	s1 =	sshll.u32 s1, $0x11  }
0xba: {  	s0 =	sor.u32 s1, s0  }
0xbb: {  	s0 =	sadd.s32 $0x8F2B, s0  }
0xbc: {  	[sflag:s0] =	ssyncadd.remote.s32 $0x1  }
0xbd: {  	_ =	sfence.sel $0xFFFF  }
0xbe: {  	[dreg:$0x0] =	wrdreg $0xFFFFFFFF;
	(pc) =	sbr.abs _section_cstart, $3  }
0xbf: {  	[dreg:$0x1] =	wrdreg $0xFFFFFFFF  }
0xc0: {  	_ =	task.clear_ibuf [dreg:s6], $0x2FFFF;
	_ =	strace $0x9FFFFFFF  }
0xc1: {  	(tm) =	ssettm $0x7FFFFFFF  }
tec
execute0_lowered:
.L_overlay_start_1:
0x0: {  	(tag) =	ssettag $0x1  }
0x1: {  	s0 =	rddreg [dreg:$0x0];
	s1 =	simm.s32 $0x0;
	s2 =	srdreg.scid  }
0x2: {  	s9 =	stileid.u32;
	s18 =	simm.s32 $0x5;
	s19 =	simm.s32 $0x80  }
0x3: {  	s20 =	simm.s32 $0x1E00;
	s21 =	simm.s32 $0x2E00;
	s28 =	simm.s32 $0x2  }
0x4: {  	s29 =	simm.s32 $0x3;
	s30 =	simm.s32 $0x4;
	s8 =	smul.u32 $0x140, s9  }
0x5: {  	s31 =	simm.s32 $0x0;
	[smem:$0x7FF] =	sst s1;
	s23 =	smul.u32 $0x3C0, s9  }
0x6: {  	s2 =	sand.u32 $0x1, s2;
	s3 =	sadd.s32 $0x1A400, s0;
	s25 =	smul.u32 $0x2800, s9  }
0x7: {  	s6 =	sadd.s32 $0xB400, s0;
	s4 =	sadd.s32 $0x24400, s0;
	s9 =	smul.u32 $0x7800, s9  }
0x8: {  	_ =	strace $0x8000004D;
	s5 =	ssub.s32 $0x2, s2;
	p0 =	seq.s32 s2, $0x1  }
0x9: {  	s7 =	sshrl.u32 s5, $0x1;
	s24 =	sadd.s32 s6, s8;
	s26 =	sadd.s32 s6, s23  }
0xa: {  	s6 =	sadd.s32 $0x7A000, s25;
	s11 =	sadd.s32 $0x7A600, s25;
	s12 =	sadd.s32 $0x7000, s9  }
0xb: {  	s13 =	sadd.s32 $0x7200, s9;
	s14 =	sadd.s32 $0x7400, s9;
	s15 =	sadd.s32 $0x7600, s9  }
.Ltmp0:
0xc: {  	s16 =	sadd.s32 s25, s4;
	s17 =	sadd.s32 s9, s4;
	(pc) =	sbr.rel .LBB2_1-.Ltmp0, $4  }
0xd: {  	s23 =	simm.s32 $0x3E00;
	s22 =	ssub.s32 s5, s7;
	s2 =	sadd.s32 $0x3C00, s24  }
0xe: {  	[dreg:$0x3] =	wrdreg s26;
	s5 =	sadd.s32 $0x7A200, s25;
	s24 =	simm.s32 $0x180  }
0xf: {  	s26 =	simm.s32 $0x1;
	[dreg:$0x2] =	wrdreg s2;
	s7 =	smax.u32 s22, $0x1  }
0x10: {  	s2 =	sadd.s32 $0x7A400, s25;
	s22 =	simm.s32 $0x100;
	s25 =	simm.s32 $0x4E00  }
.LBB2_7:
0x11: {  	[tilespmem:s25], [sflag:$0x4] =	stream.indirect.gather [hbm4b:s3+s19], $0x20, s8, s19, $0xb8;
	[tilespmem:$0x5E00] =	vst v63  }
0x12: {  	s8 =	smov.u32 s6  }
0x13: {  	s9 =	smov.u32 s5;
	s10 =	smov.u32 s2;
	s0 =	smov.u32 s11  }
.LBB2_8:
0x14: {  	_ =	swait.ge [sflag:s26], $0x1000  }
0x15: {  	[sflag:s26] =	ssyncset.done $0x0  }
0x16: {  	s8 =	sadd.s32 s4, s8;
	[sflag:s26] =	ssyncadd.s32 $0xFFFFF000  }
0x17: {  	[hbm4b:s8+s1] =	stream.linear.scatter [tilespmem:s20], [sflag:$0x5], $0x1000, $0x38;
	[tilespmem:$0x5E00] =	vst v63  }
0x18: {  	_ =	swait.ge [sflag:s18], $0x1000  }
0x19: {  	[sflag:s18] =	ssyncset.done $0x0  }
0x1a: {  	[sflag:s18] =	ssyncadd.s32 $0xFFFFF000  }
0x1b: {  	_ =	swait.ge [sflag:s28], $0x1000  }
0x1c: {  	[sflag:s28] =	ssyncset.done $0x0  }
0x1d: {  	s9 =	sadd.s32 s4, s9;
	[sflag:s28] =	ssyncadd.s32 $0xFFFFF000  }
0x1e: {  	[hbm4b:s9+s1] =	stream.linear.scatter [tilespmem:s21], [sflag:$0x5], $0x1000, $0x38;
	[tilespmem:$0x5E00] =	vst v63  }
0x1f: {  	_ =	swait.ge [sflag:s18], $0x1000  }
0x20: {  	[sflag:s18] =	ssyncset.done $0x0  }
0x21: {  	[sflag:s18] =	ssyncadd.s32 $0xFFFFF000  }
0x22: {  	_ =	swait.ge [sflag:s29], $0x1000  }
0x23: {  	[sflag:s29] =	ssyncset.done $0x0  }
0x24: {  	s10 =	sadd.s32 s4, s10;
	[sflag:s29] =	ssyncadd.s32 $0xFFFFF000  }
0x25: {  	[hbm4b:s10+s1] =	stream.linear.scatter [tilespmem:s23], [sflag:$0x5], $0x1000, $0x38;
	[tilespmem:$0x5E00] =	vst v63  }
0x26: {  	_ =	swait.ge [sflag:s18], $0x1000  }
0x27: {  	[sflag:s18] =	ssyncset.done $0x0  }
0x28: {  	[sflag:s18] =	ssyncadd.s32 $0xFFFFF000  }
0x29: {  	s31 =	sadd.s32 $0x1, s31;
	_ =	swait.ge [sflag:s30], $0x1000  }
0x2a: {  	p1 =	sne.s32 s31, s7;
	[sflag:s30] =	ssyncset.done $0x0  }
.Ltmp1:
0x2b: {  	s0 =	sadd.s32 s4, s0;
	[sflag:s30] =	ssyncadd.s32 $0xFFFFF000;
	(pc) =	sbr.rel @!p1 .LBB2_9-.Ltmp1, $4  }
0x2c: {  	[hbm4b:s0+s1] =	stream.linear.scatter [tilespmem:s25], [sflag:$0x5], $0x1000, $0x38;
	[tilespmem:$0x5E00] =	vst v63  }
0x2d: {  	_ =	swait.ge [sflag:s18], $0x1000  }
0x2e: {  	[sflag:s18] =	ssyncset.done $0x0  }
0x2f: {  	[sflag:s18] =	ssyncadd.s32 $0xFFFFF000  }
.LBB2_1:
.Ltmp2:
0x30: {  	(pc) =	sbr.rel @!p0 .LBB2_5-.Ltmp2, $2  }
0x31: {  	_ =	sdelay $0x2  }
0x32: {  	s0 =	simm.s32 $0x0  }
0x33: {  	s8 =	rddreg [dreg:$0x3]  }
0x34: {  	[tilespmem:s0], [sflag:$0x5] =	stream.linear.gather [hbm4b:s8+s0], $0x1E00, $0x38;
	[tilespmem:$0x5E00] =	vst v63  }
0x35: {  	_ =	swait.ge [sflag:s18], $0x1E00  }
0x36: {  	[sflag:s18] =	ssyncset.done $0x0  }
0x37: {  	[sflag:s18] =	ssyncadd.s32 $0xFFFFE200  }
0x38: {  	[tilespmem:s20], [sflag:$0x1] =	stream.indirect.gather [hbm4b:s3+s19], $0x20, s0, s19, $0xb8;
	[tilespmem:$0x5E00] =	vst v63  }
0x39: {  	_ = 	snop  }
0x3a: {  	[tilespmem:s21], [sflag:$0x2] =	stream.indirect.gather [hbm4b:s3+s19], $0x20, s19, s19, $0xb8;
	[tilespmem:$0x5E00] =	vst v63  }
0x3b: {  	_ = 	snop  }
0x3c: {  	[tilespmem:s23], [sflag:$0x3] =	stream.indirect.gather [hbm4b:s3+s19], $0x20, s22, s19, $0xb8;
	[tilespmem:$0x5E00] =	vst v63  }
0x3d: {  	_ = 	snop  }
0x3e: {  	[tilespmem:s25], [sflag:$0x4] =	stream.indirect.gather [hbm4b:s3+s19], $0x20, s24, s19, $0xb8;
	[tilespmem:$0x5E00] =	vst v63  }
0x3f: {  	_ =	swait.ge [sflag:s26], $0x1000  }
0x40: {  	[sflag:s26] =	ssyncset.done $0x0  }
0x41: {  	s0 =	sadd.s32 $0x0, s17;
	[sflag:s26] =	ssyncadd.s32 $0xFFFFF000  }
0x42: {  	[hbm4b:s0+s1] =	stream.linear.scatter [tilespmem:s20], [sflag:$0x5], $0x1000, $0x38;
	[tilespmem:$0x5E00] =	vst v63  }
0x43: {  	_ =	swait.ge [sflag:s18], $0x1000  }
0x44: {  	[sflag:s18] =	ssyncset.done $0x0  }
0x45: {  	s10 =	simm.s32 $0x200;
	[sflag:s18] =	ssyncadd.s32 $0xFFFFF000  }
0x46: {  	[tilespmem:s20], [sflag:$0x1] =	stream.indirect.gather [hbm4b:s3+s19], $0x20, s10, s19, $0xb8;
	[tilespmem:$0x5E00] =	vst v63  }
0x47: {  	_ =	swait.ge [sflag:s28], $0x1000  }
0x48: {  	[sflag:s28] =	ssyncset.done $0x0  }
0x49: {  	s9 =	sadd.s32 $0x200, s0;
	[sflag:s28] =	ssyncadd.s32 $0xFFFFF000  }
0x4a: {  	[hbm4b:s9+s1] =	stream.linear.scatter [tilespmem:s21], [sflag:$0x5], $0x1000, $0x38;
	[tilespmem:$0x5E00] =	vst v63  }
0x4b: {  	_ =	swait.ge [sflag:s18], $0x1000  }
0x4c: {  	[sflag:s18] =	ssyncset.done $0x0  }
0x4d: {  	s10 =	simm.s32 $0x280;
	[sflag:s18] =	ssyncadd.s32 $0xFFFFF000  }
0x4e: {  	[tilespmem:s21], [sflag:$0x2] =	stream.indirect.gather [hbm4b:s3+s19], $0x20, s10, s19, $0xb8;
	[tilespmem:$0x5E00] =	vst v63  }
0x4f: {  	_ =	swait.ge [sflag:s29], $0x1000  }
0x50: {  	[sflag:s29] =	ssyncset.done $0x0  }
0x51: {  	s9 =	sadd.s32 $0x400, s0;
	[sflag:s29] =	ssyncadd.s32 $0xFFFFF000  }
0x52: {  	[hbm4b:s9+s1] =	stream.linear.scatter [tilespmem:s23], [sflag:$0x5], $0x1000, $0x38;
	[tilespmem:$0x5E00] =	vst v63  }
0x53: {  	_ =	swait.ge [sflag:s18], $0x1000  }
0x54: {  	[sflag:s18] =	ssyncset.done $0x0  }
0x55: {  	s10 =	simm.s32 $0x300;
	[sflag:s18] =	ssyncadd.s32 $0xFFFFF000  }
0x56: {  	[tilespmem:s23], [sflag:$0x3] =	stream.indirect.gather [hbm4b:s3+s19], $0x20, s10, s19, $0xb8;
	[tilespmem:$0x5E00] =	vst v63  }
0x57: {  	_ =	swait.ge [sflag:s30], $0x1000  }
0x58: {  	[sflag:s30] =	ssyncset.done $0x0  }
0x59: {  	s0 =	sadd.s32 $0x600, s0;
	[sflag:s30] =	ssyncadd.s32 $0xFFFFF000  }
0x5a: {  	[hbm4b:s0+s1] =	stream.linear.scatter [tilespmem:s25], [sflag:$0x5], $0x1000, $0x38;
	[tilespmem:$0x5E00] =	vst v63  }
0x5b: {  	_ =	swait.ge [sflag:s18], $0x1000  }
0x5c: {  	[sflag:s18] =	ssyncset.done $0x0  }
0x5d: {  	s8 =	simm.s32 $0x380;
	s0 =	simm.s32 $0x800;
	[sflag:s18] =	ssyncadd.s32 $0xFFFFF000  }
.LBB2_3:
0x5e: {  	[tilespmem:s25], [sflag:$0x4] =	stream.indirect.gather [hbm4b:s3+s19], $0x20, s8, s19, $0xb8;
	[tilespmem:$0x5E00] =	vst v63  }
0x5f: {  	s8 =	smov.u32 s0  }
0x60: {  	p1 =	seq.s32 s0, $0x6800;
	s0 =	sadd.s32 $0x800, s0;
	_ =	swait.ge [sflag:s26], $0x1000  }
0x61: {  	[sflag:s26] =	ssyncset.done $0x0  }
0x62: {  	s9 =	sadd.s32 s8, s17;
	[sflag:s26] =	ssyncadd.s32 $0xFFFFF000  }
0x63: {  	[hbm4b:s9+s1] =	stream.linear.scatter [tilespmem:s20], [sflag:$0x5], $0x1000, $0x38;
	[tilespmem:$0x5E00] =	vst v63  }
0x64: {  	_ =	swait.ge [sflag:s18], $0x1000  }
0x65: {  	s8 =	sshra.s32 s8, $0x2;
	[sflag:s18] =	ssyncset.done $0x0  }
0x66: {  	s10 =	sadd.s32 $0x200, s8;
	[sflag:s18] =	ssyncadd.s32 $0xFFFFF000  }
0x67: {  	[tilespmem:s20], [sflag:$0x1] =	stream.indirect.gather [hbm4b:s3+s19], $0x20, s10, s19, $0xb8;
	[tilespmem:$0x5E00] =	vst v63  }
0x68: {  	_ =	swait.ge [sflag:s28], $0x1000  }
0x69: {  	[sflag:s28] =	ssyncset.done $0x0  }
0x6a: {  	s10 =	sadd.s32 $0x200, s9;
	[sflag:s28] =	ssyncadd.s32 $0xFFFFF000  }
0x6b: {  	[hbm4b:s10+s1] =	stream.linear.scatter [tilespmem:s21], [sflag:$0x5], $0x1000, $0x38;
	[tilespmem:$0x5E00] =	vst v63  }
0x6c: {  	_ =	swait.ge [sflag:s18], $0x1000  }
0x6d: {  	[sflag:s18] =	ssyncset.done $0x0  }
0x6e: {  	s10 =	sadd.s32 $0x280, s8;
	[sflag:s18] =	ssyncadd.s32 $0xFFFFF000  }
0x6f: {  	[tilespmem:s21], [sflag:$0x2] =	stream.indirect.gather [hbm4b:s3+s19], $0x20, s10, s19, $0xb8;
	[tilespmem:$0x5E00] =	vst v63  }
0x70: {  	_ =	swait.ge [sflag:s29], $0x1000  }
0x71: {  	[sflag:s29] =	ssyncset.done $0x0  }
0x72: {  	s10 =	sadd.s32 $0x400, s9;
	[sflag:s29] =	ssyncadd.s32 $0xFFFFF000  }
0x73: {  	[hbm4b:s10+s1] =	stream.linear.scatter [tilespmem:s23], [sflag:$0x5], $0x1000, $0x38;
	[tilespmem:$0x5E00] =	vst v63  }
0x74: {  	_ =	swait.ge [sflag:s18], $0x1000  }
0x75: {  	[sflag:s18] =	ssyncset.done $0x0  }
0x76: {  	s10 =	sadd.s32 $0x300, s8;
	[sflag:s18] =	ssyncadd.s32 $0xFFFFF000  }
0x77: {  	[tilespmem:s23], [sflag:$0x3] =	stream.indirect.gather [hbm4b:s3+s19], $0x20, s10, s19, $0xb8;
	[tilespmem:$0x5E00] =	vst v63  }
0x78: {  	_ =	swait.ge [sflag:s30], $0x1000  }
0x79: {  	[sflag:s30] =	ssyncset.done $0x0  }
.Ltmp3:
0x7a: {  	s9 =	sadd.s32 $0x600, s9;
	[sflag:s30] =	ssyncadd.s32 $0xFFFFF000;
	(pc) =	sbr.rel @!p1 .LBB2_3-.Ltmp3, $4  }
0x7b: {  	[hbm4b:s9+s1] =	stream.linear.scatter [tilespmem:s25], [sflag:$0x5], $0x1000, $0x38;
	[tilespmem:$0x5E00] =	vst v63  }
0x7c: {  	_ =	swait.ge [sflag:s18], $0x1000  }
0x7d: {  	[sflag:s18] =	ssyncset.done $0x0  }
0x7e: {  	s8 =	sadd.s32 $0x380, s8;
	[sflag:s18] =	ssyncadd.s32 $0xFFFFF000  }
.Ltmp4:
0x7f: {  	(pc) =	sbr.rel .LBB2_8-.Ltmp4, $4  }
0x80: {  	_ = 	snop  }
0x81: {  	[tilespmem:s25], [sflag:$0x4] =	stream.indirect.gather [hbm4b:s3+s19], $0x20, s8, s19, $0xb8;
	[tilespmem:$0x5E00] =	vst v63  }
0x82: {  	s8 =	smov.u32 s12  }
0x83: {  	s9 =	smov.u32 s13;
	s10 =	smov.u32 s14;
	s0 =	smov.u32 s15  }
.LBB2_5:
0x84: {  	s8 =	rddreg [dreg:$0x2]  }
0x85: {  	[tilespmem:s0], [sflag:$0x5] =	stream.linear.gather [hbm4b:s8+s0], $0xA00, $0x38;
	[tilespmem:$0x5E00] =	vst v63  }
0x86: {  	_ =	swait.ge [sflag:s18], $0xA00  }
0x87: {  	[sflag:s18] =	ssyncset.done $0x0  }
0x88: {  	[sflag:s18] =	ssyncadd.s32 $0xFFFFF600  }
0x89: {  	[tilespmem:s20], [sflag:$0x1] =	stream.indirect.gather [hbm4b:s3+s19], $0x20, s0, s19, $0xb8;
	[tilespmem:$0x5E00] =	vst v63  }
0x8a: {  	_ = 	snop  }
0x8b: {  	[tilespmem:s21], [sflag:$0x2] =	stream.indirect.gather [hbm4b:s3+s19], $0x20, s19, s19, $0xb8;
	[tilespmem:$0x5E00] =	vst v63  }
0x8c: {  	_ = 	snop  }
0x8d: {  	[tilespmem:s23], [sflag:$0x3] =	stream.indirect.gather [hbm4b:s3+s19], $0x20, s22, s19, $0xb8;
	[tilespmem:$0x5E00] =	vst v63  }
0x8e: {  	_ = 	snop  }
0x8f: {  	[tilespmem:s25], [sflag:$0x4] =	stream.indirect.gather [hbm4b:s3+s19], $0x20, s24, s19, $0xb8;
	[tilespmem:$0x5E00] =	vst v63  }
0x90: {  	_ =	swait.ge [sflag:s26], $0x1000  }
0x91: {  	s0 =	sadd.s32 $0x0, s16;
	[sflag:s26] =	ssyncset.done $0x0  }
0x92: {  	s9 =	sadd.s32 $0x78000, s0;
	[sflag:s26] =	ssyncadd.s32 $0xFFFFF000  }
0x93: {  	[hbm4b:s9+s1] =	stream.linear.scatter [tilespmem:s20], [sflag:$0x5], $0x1000, $0x38;
	[tilespmem:$0x5E00] =	vst v63  }
0x94: {  	_ =	swait.ge [sflag:s18], $0x1000  }
0x95: {  	[sflag:s18] =	ssyncset.done $0x0  }
0x96: {  	s10 =	simm.s32 $0x200;
	[sflag:s18] =	ssyncadd.s32 $0xFFFFF000  }
0x97: {  	[tilespmem:s20], [sflag:$0x1] =	stream.indirect.gather [hbm4b:s3+s19], $0x20, s10, s19, $0xb8;
	[tilespmem:$0x5E00] =	vst v63  }
0x98: {  	_ =	swait.ge [sflag:s28], $0x1000  }
0x99: {  	[sflag:s28] =	ssyncset.done $0x0  }
0x9a: {  	s9 =	sadd.s32 $0x78200, s0;
	[sflag:s28] =	ssyncadd.s32 $0xFFFFF000  }
0x9b: {  	[hbm4b:s9+s1] =	stream.linear.scatter [tilespmem:s21], [sflag:$0x5], $0x1000, $0x38;
	[tilespmem:$0x5E00] =	vst v63  }
0x9c: {  	_ =	swait.ge [sflag:s18], $0x1000  }
0x9d: {  	[sflag:s18] =	ssyncset.done $0x0  }
0x9e: {  	s10 =	simm.s32 $0x280;
	[sflag:s18] =	ssyncadd.s32 $0xFFFFF000  }
0x9f: {  	[tilespmem:s21], [sflag:$0x2] =	stream.indirect.gather [hbm4b:s3+s19], $0x20, s10, s19, $0xb8;
	[tilespmem:$0x5E00] =	vst v63  }
0xa0: {  	_ =	swait.ge [sflag:s29], $0x1000  }
0xa1: {  	[sflag:s29] =	ssyncset.done $0x0  }
0xa2: {  	s9 =	sadd.s32 $0x78400, s0;
	[sflag:s29] =	ssyncadd.s32 $0xFFFFF000  }
0xa3: {  	[hbm4b:s9+s1] =	stream.linear.scatter [tilespmem:s23], [sflag:$0x5], $0x1000, $0x38;
	[tilespmem:$0x5E00] =	vst v63  }
0xa4: {  	_ =	swait.ge [sflag:s18], $0x1000  }
0xa5: {  	[sflag:s18] =	ssyncset.done $0x0  }
0xa6: {  	s10 =	simm.s32 $0x300;
	[sflag:s18] =	ssyncadd.s32 $0xFFFFF000  }
0xa7: {  	[tilespmem:s23], [sflag:$0x3] =	stream.indirect.gather [hbm4b:s3+s19], $0x20, s10, s19, $0xb8;
	[tilespmem:$0x5E00] =	vst v63  }
0xa8: {  	_ =	swait.ge [sflag:s30], $0x1000  }
0xa9: {  	[sflag:s30] =	ssyncset.done $0x0  }
0xaa: {  	s0 =	sadd.s32 $0x78600, s0;
	[sflag:s30] =	ssyncadd.s32 $0xFFFFF000  }
0xab: {  	[hbm4b:s0+s1] =	stream.linear.scatter [tilespmem:s25], [sflag:$0x5], $0x1000, $0x38;
	[tilespmem:$0x5E00] =	vst v63  }
0xac: {  	_ =	swait.ge [sflag:s18], $0x1000  }
0xad: {  	[sflag:s18] =	ssyncset.done $0x0  }
0xae: {  	s8 =	simm.s32 $0x380;
	s0 =	simm.s32 $0x800;
	[sflag:s18] =	ssyncadd.s32 $0xFFFFF000  }
.LBB2_6:
0xaf: {  	[tilespmem:s25], [sflag:$0x4] =	stream.indirect.gather [hbm4b:s3+s19], $0x20, s8, s19, $0xb8;
	[tilespmem:$0x5E00] =	vst v63  }
0xb0: {  	s8 =	smov.u32 s0  }
0xb1: {  	p1 =	sne.s32 s0, $0x1800;
	s0 =	sadd.s32 $0x800, s0;
	_ =	swait.ge [sflag:s26], $0x1000  }
0xb2: {  	s9 =	sadd.s32 s8, s16;
	[sflag:s26] =	ssyncset.done $0x0  }
0xb3: {  	s10 =	sadd.s32 $0x78000, s9;
	[sflag:s26] =	ssyncadd.s32 $0xFFFFF000  }
0xb4: {  	[hbm4b:s10+s1] =	stream.linear.scatter [tilespmem:s20], [sflag:$0x5], $0x1000, $0x38;
	[tilespmem:$0x5E00] =	vst v63  }
0xb5: {  	_ =	swait.ge [sflag:s18], $0x1000  }
0xb6: {  	s8 =	sshra.s32 s8, $0x2;
	[sflag:s18] =	ssyncset.done $0x0  }
0xb7: {  	s10 =	sadd.s32 $0x200, s8;
	[sflag:s18] =	ssyncadd.s32 $0xFFFFF000  }
0xb8: {  	[tilespmem:s20], [sflag:$0x1] =	stream.indirect.gather [hbm4b:s3+s19], $0x20, s10, s19, $0xb8;
	[tilespmem:$0x5E00] =	vst v63  }
0xb9: {  	_ =	swait.ge [sflag:s28], $0x1000  }
0xba: {  	[sflag:s28] =	ssyncset.done $0x0  }
0xbb: {  	s10 =	sadd.s32 $0x78200, s9;
	[sflag:s28] =	ssyncadd.s32 $0xFFFFF000  }
0xbc: {  	[hbm4b:s10+s1] =	stream.linear.scatter [tilespmem:s21], [sflag:$0x5], $0x1000, $0x38;
	[tilespmem:$0x5E00] =	vst v63  }
0xbd: {  	_ =	swait.ge [sflag:s18], $0x1000  }
0xbe: {  	[sflag:s18] =	ssyncset.done $0x0  }
0xbf: {  	s10 =	sadd.s32 $0x280, s8;
	[sflag:s18] =	ssyncadd.s32 $0xFFFFF000  }
0xc0: {  	[tilespmem:s21], [sflag:$0x2] =	stream.indirect.gather [hbm4b:s3+s19], $0x20, s10, s19, $0xb8;
	[tilespmem:$0x5E00] =	vst v63  }
0xc1: {  	_ =	swait.ge [sflag:s29], $0x1000  }
0xc2: {  	[sflag:s29] =	ssyncset.done $0x0  }
0xc3: {  	s10 =	sadd.s32 $0x78400, s9;
	[sflag:s29] =	ssyncadd.s32 $0xFFFFF000  }
0xc4: {  	[hbm4b:s10+s1] =	stream.linear.scatter [tilespmem:s23], [sflag:$0x5], $0x1000, $0x38;
	[tilespmem:$0x5E00] =	vst v63  }
0xc5: {  	_ =	swait.ge [sflag:s18], $0x1000  }
0xc6: {  	[sflag:s18] =	ssyncset.done $0x0  }
0xc7: {  	s10 =	sadd.s32 $0x300, s8;
	[sflag:s18] =	ssyncadd.s32 $0xFFFFF000  }
0xc8: {  	[tilespmem:s23], [sflag:$0x3] =	stream.indirect.gather [hbm4b:s3+s19], $0x20, s10, s19, $0xb8;
	[tilespmem:$0x5E00] =	vst v63  }
0xc9: {  	_ =	swait.ge [sflag:s30], $0x1000  }
0xca: {  	[sflag:s30] =	ssyncset.done $0x0  }
.Ltmp5:
0xcb: {  	s9 =	sadd.s32 $0x78600, s9;
	[sflag:s30] =	ssyncadd.s32 $0xFFFFF000;
	(pc) =	sbr.rel @p1 .LBB2_6-.Ltmp5, $4  }
0xcc: {  	[hbm4b:s9+s1] =	stream.linear.scatter [tilespmem:s25], [sflag:$0x5], $0x1000, $0x38;
	[tilespmem:$0x5E00] =	vst v63  }
0xcd: {  	_ =	swait.ge [sflag:s18], $0x1000  }
0xce: {  	[sflag:s18] =	ssyncset.done $0x0  }
0xcf: {  	s8 =	sadd.s32 $0x380, s8;
	[sflag:s18] =	ssyncadd.s32 $0xFFFFF000  }
.Ltmp6:
0xd0: {  	_ = 	snop;
	(pc) =	sbr.rel .LBB2_7-.Ltmp6, $1  }
0xd1: {  	_ =	sdelay $0x3  }
.LBB2_9:
0xd2: {  	_ =	sfence.sel $0x180000  }
0xd3: {  	[bflag:$0x0] =	sbarrier.arrive $0xFFFF  }
0xd4: {  	_ =	strace $0x9000004D  }
0xd5: {  	s0 =	stileid.u32;
	[bflag:$0x2] =	sbarrier.arrive $0xFFFF  }
0xd6: {  	p0 =	sne.s32 s0, $0x0;
	s0 =	rddreg [dreg:$0x1]  }
0xd7: {  	s0 =	sadd.s32 @!p0 $0x100000, s0  }
0xd8: {  	[sflag:s0] =	ssyncadd.tile.s32 @!p0 $0x1;
	_ =	shalt  }
.Lfunc_end2:
_tile_overlayer_lowered:
.L_overlay_start_2:
0xd9: {  	(tag) =	ssettag $0x2  }
0xda: {  	s0 =	rddreg [dreg:$0x0];
	s2 =	stileid.u32  }
0xdb: {  	s1 =	rddreg [dreg:$0x1];
	p0 =	sne.s32 s2, $0x0  }
0xdc: {  	s3 =	rddreg [dreg:$0x2];
	[bflag:$0x3] =	sbarrier.arrive $0xFFFF;
	s2 =	simm.s32 @!p0 $0x1C05  }
0xdd: {  	[timem:s3], [sflag:s2] =	dma.local @!p0 [hbm:s0], s1  }
0xde: {  	s0 =	simm.s32 @!p0 $0x5  }
0xdf: {  	_ =	swait.ge @!p0 [sflag:s0], s1  }
0xe0: {  	s1 =	ssub.s32 @!p0 $0x0, s1;
	[sflag:s0] =	ssyncset.done @!p0 $0x0  }
0xe1: {  	[sflag:s0] =	ssyncadd.s32 @!p0 s1  }
0xe2: {  	[bflag:$0x3] =	sbarrier.arrive $0xFFFF  }
0xe3: {  	_ =	shalt  }

// kernel: kernel.24.cloned.1.call-start
scs
__scs_entry_jumppad:
0x0: {  	(pc) =	sbr.rel $0x88, $3  }
0x1: {  	(tag) =	ssettag $0x0;
	lr =	simm.s32 $0x1  }
0x2: {  	[smem:$0x3F8A] =	sst lr;
	_ =	strace $0xD0000000  }
0x3: {  	_ = 	snop  }
0x4: {  	_ = 	snop  }
0x5: {  	_ = 	snop  }
0x6: {  	_ = 	snop  }
0x7: {  	_ = 	snop  }
__scs_overlays_trampoline_lowered:
0x8: {  	[smem:$0x3F99] =	sst s0  }
0x9: {  	[smem:$0x3F9A] =	sst s1  }
0xa: {  	[smem:$0x3F9B] =	sst s2  }
0xb: {  	[smem:$0x3F9C] =	sst s3  }
0xc: {  	[smem:$0x3F9D] =	sst s4  }
0xd: {  	[smem:$0x3F9E] =	sst s5  }
0xe: {  	[smem:$0x3F9F] =	sst s6  }
0xf: {  	[smem:$0x3FA0] =	sst s7  }
0x10: {  	[smem:$0x3FA1] =	sst s8  }
0x11: {  	[smem:$0x3FA2] =	sst s9;
	s0 =	simm.s32 @!p0 $0x0  }
0x12: {  	s1 =	sld [smem:$0x3F88];
	s0 =	simm.s32 @p0 $0x1  }
0x13: {  	[smem:$0x3FA3] =	sst s0;
	s0 =	simm.s32 @!p1 $0x0  }
0x14: {  	s2 =	sld [smem:$0x3F87];
	s0 =	simm.s32 @p1 $0x1  }
0x15: {  	[smem:$0x3FA4] =	sst s0;
	s0 =	simm.s32 @!p2 $0x0  }
0x16: {  	s3 =	sld [smem:$0x3FDB];
	s0 =	simm.s32 @p2 $0x1  }
0x17: {  	s4 =	simm.s32 $0x1BF5;
	[smem:$0x3FA6] =	sst s0  }
0x18: {  	s0 =	sld [smem:$0x3F89];
	_ =	swait.ge [sflag:s4], $0x0  }
0x19: {  	s7 =	sld [smem:$0x3F8A]  }
0x1a: {  	s8 =	sadd.s32 $0xFFFFE003, lr  }
0x1b: {  	s9 =	sadd.s32 $0xFFFFFEF7, lr;
	s5 =	simm.s32 $0xFFFFFFFF;
	p2 =	slt.u32 s8, $0xFFFFF086  }
0x1c: {  	p1 =	slt.u32 s9, $0xF7A;
	s5 =	simm.s32 @!p2 $0x0  }
0x1d: {  	s5 =	simm.s32 @p1 $0x1;
	p0 =	seq.s32 s7, s2  }
0x1e: {  	s7 =	smul.u32 @!p0 $0xF7A, s2;
	p2 =	seq.s32 @!p0 s5, $0x0  }
0x1f: {  	s9 =	smul.u32 $0xF7A, s1;
	s8 =	simm.s32 @!p0 $0x1BF5;
	p2 =	por !p2, p0  }
0x20: {  	[sflag:s8] =	ssyncset.s32 @!p0 $0xFFFFF086;
	s6 =	sadd.s32 @!p0 s3, s7;
	s7 =	simm.s32 @!p0 $0x108  }
0x21: {  	s3 =	sadd.s32 s3, s9;
	s6 =	sadd.s32 @!p0 $0x88, s6;
	s7 =	simm.s32 @p2 $0x1082  }
0x22: {  	[simem:s7], [sflag:s8] =	dma.local @!p0 [hbm:s6], $0xF7A  }
0x23: {  	s9 =	sor.u32 $0xD0000000, s2;
	s6 =	simm.s32 $0x108;
	_ =	swait.ge @!p0 [sflag:s8], $0x0  }
0x24: {  	s3 =	sadd.s32 $0x88, s3;
	s6 =	simm.s32 @!p1 $0x1082;
	[sflag:s4] =	ssyncset.s32 $0xFFFFF086  }
0x25: {  	[simem:s6], [sflag:s4] =	dma.local [hbm:s3], $0xF7A  }
0x26: {  	[smem:$0x3F8A] =	sst s1;
	(tag) =	ssettag s2;
	_ =	strace s9  }
0x27: {  	s1 =	sld [smem:$0x3F9A]  }
0x28: {  	s2 =	sld [smem:$0x3F9B]  }
0x29: {  	s4 =	sld [smem:$0x3F9D]  }
0x2a: {  	p0 =	seq.s32 s5, $0x0;
	s5 =	sld [smem:$0x3F9E]  }
0x2b: {  	s6 =	sld [smem:$0x3F9F]  }
0x2c: {  	s7 =	sld [smem:$0x3FA0]  }
0x2d: {  	s3 =	simm.s32 $0x108;
	s8 =	sld [smem:$0x3FA1]  }
0x2e: {  	s3 =	simm.s32 @!p0 $0x1082;
	s9 =	sld [smem:$0x3FA2]  }
0x2f: {  	lr =	sadd.s32 s0, s3;
	s0 =	sld [smem:$0x3F99]  }
0x30: {  	s3 =	sld [smem:$0x3F9C]  }
0x31: {  	[smem:$0x3FA5] =	sst s10  }
0x32: {  	s10 =	sld [smem:$0x3FA3];
	_ =	sdelay $0x3  }
0x33: {  	p0 =	seq.s32 s10, $0x1;
	s10 =	sld [smem:$0x3FA5];
	_ =	sdelay $0x3  }
0x34: {  	[smem:$0x3FA5] =	sst s10  }
0x35: {  	s10 =	sld [smem:$0x3FA4];
	_ =	sdelay $0x3  }
0x36: {  	p1 =	seq.s32 s10, $0x1;
	s10 =	sld [smem:$0x3FA5];
	_ =	sdelay $0x3  }
0x37: {  	[smem:$0x3FA5] =	sst s10  }
0x38: {  	s10 =	sld [smem:$0x3FA6]  }
0x39: {  	_ = 	snop;
	(pc) =	sbr.ind lr, $3  }
0x3a: {  	_ = 	snop  }
0x3b: {  	_ = 	snop  }
0x3c: {  	p2 =	seq.s32 s10, $0x1;
	s10 =	sld [smem:$0x3FA5]  }
0x3d: {  	_ =	shalt  }
0x3e: {  	_ =	shalt  }
0x3f: {  	_ =	shalt  }
0x40: {  	_ =	shalt  }
0x41: {  	_ =	shalt  }
0x42: {  	_ =	shalt  }
0x43: {  	_ =	shalt  }
0x44: {  	_ =	shalt  }
0x45: {  	_ =	shalt  }
0x46: {  	_ =	shalt  }
0x47: {  	_ =	shalt  }
0x48: {  	_ =	shalt  }
0x49: {  	_ =	shalt  }
0x4a: {  	_ =	shalt  }
0x4b: {  	_ =	shalt  }
0x4c: {  	_ =	shalt  }
0x4d: {  	_ =	shalt  }
0x4e: {  	_ =	shalt  }
0x4f: {  	_ =	shalt  }
0x50: {  	_ =	shalt  }
0x51: {  	_ =	shalt  }
0x52: {  	_ =	shalt  }
0x53: {  	_ =	shalt  }
0x54: {  	_ =	shalt  }
0x55: {  	_ =	shalt  }
0x56: {  	_ =	shalt  }
0x57: {  	_ =	shalt  }
0x58: {  	_ =	shalt  }
0x59: {  	_ =	shalt  }
0x5a: {  	_ =	shalt  }
0x5b: {  	_ =	shalt  }
0x5c: {  	_ =	shalt  }
0x5d: {  	_ =	shalt  }
0x5e: {  	_ =	shalt  }
0x5f: {  	_ =	shalt  }
0x60: {  	_ =	shalt  }
0x61: {  	_ =	shalt  }
0x62: {  	_ =	shalt  }
0x63: {  	_ =	shalt  }
0x64: {  	_ =	shalt  }
0x65: {  	_ =	shalt  }
0x66: {  	_ =	shalt  }
0x67: {  	_ =	shalt  }
0x68: {  	_ =	shalt  }
0x69: {  	_ =	shalt  }
0x6a: {  	_ =	shalt  }
0x6b: {  	_ =	shalt  }
0x6c: {  	_ =	shalt  }
0x6d: {  	_ =	shalt  }
0x6e: {  	_ =	shalt  }
0x6f: {  	_ =	shalt  }
0x70: {  	_ =	shalt  }
0x71: {  	_ =	shalt  }
0x72: {  	_ =	shalt  }
0x73: {  	_ =	shalt  }
0x74: {  	_ =	shalt  }
0x75: {  	_ =	shalt  }
0x76: {  	_ =	shalt  }
0x77: {  	_ =	shalt  }
0x78: {  	_ =	shalt  }
0x79: {  	_ =	shalt  }
0x7a: {  	_ =	shalt  }
0x7b: {  	_ =	shalt  }
0x7c: {  	_ =	shalt  }
0x7d: {  	_ =	shalt  }
0x7e: {  	_ =	shalt  }
0x7f: {  	_ =	shalt  }
0x80: {  	_ =	shalt  }
0x81: {  	_ =	shalt  }
0x82: {  	_ =	shalt  }
0x83: {  	_ =	shalt  }
0x84: {  	_ =	shalt  }
0x85: {  	_ =	shalt  }
0x86: {  	_ =	shalt  }
0x87: {  	_ =	shalt  }
.Lfunc_end0:
.L_simem_size_0:
called_computation.3_lowered:
.L_overlay_start_0:
0x88: {  	s2 =	sld [smem:$0x3FD9]  }
0x89: {  	s3 =	sld [smem:$0x3FFE];
	_ =	sdelay $0x1  }
0x8a: {  	s1 =	srdreg.scid  }
0x8b: {  	s0 =	sand.u32 $0x1, s1  }
0x8c: {  	s16 =	sshll.u32 s0, $0xA;
	s2 =	sadd.s32 s3, s2  }
0x8d: {  	s2 =	sadd.s32 s2, s16  }
0x8e: {  	[smem:$0x3FB1] =	sst s2  }
0x8f: {  	_ = 	snop  }
0x90: {  	(tm) =	ssettm $0x1  }
0x91: {  	s17 =	sld [smem:$0x3FFB];
	_ =	sdelay $0x3  }
0x92: {  	_ =	strace s17  }
0x93: {  	s2 =	sld [smem:$0x3FFC];
	_ =	sdelay $0x3  }
0x94: {  	_ =	strace s2  }
0x95: {  	s2 =	sld [smem:$0x3FFD];
	_ =	sdelay $0x3  }
0x96: {  	_ =	strace s2  }
0x97: {  	_ =	strace $0x8FFFFFFF  }
0x98: {  	s18 =	sld [smem:$0x3FDB];
	_ =	sdelay $0x1  }
0x99: {  	s19 =	simm.s32 $_scs_section_size  }
0x9a: {  	s4 =	simm.s32 $_size__tile_overlayer_lowered;
	s5 =	simm.s32 $_tile_overlayer_lowered  }
0x9b: {  	s22 =	simm.s32 $0x1BFF;
	s21 =	sshll.u32 s5, $0x1;
	s2 =	sadd.s32 s19, s18  }
0x9c: {  	s6 =	simm.s32 $0x0;
	s20 =	sshll.u32 s4, $0x1;
	s4 =	sadd.s32 s21, s2  }
0x9d: {  	[timem:s6], [sflag:s22] =	dma.local [hbm:s4], s20  }
0x9e: {  	_ =	swait.ge [sflag:s22], s20  }
0x9f: {  	s3 =	ssub.s32 $0x0, s20;
	[sflag:s22] =	ssyncset.done $0x0  }
0xa0: {  	[sflag:s22] =	ssyncadd.s32 s3;
	_ =	sdelay $0x1  }
0xa1: {  	s23 =	simm.s32 $0x1B8B  }
0xa2: {  	_ =	swait.ge [sflag:s23], $0x1  }
0xa3: {  	[sflag:s23] =	ssyncset.done $0x0  }
0xa4: {  	s25 =	simm.s32 $0x1B8E;
	s24 =	sld [smem:$0x3FFE];
	[sflag:s23] =	ssyncadd.s32 $0xFFFFFFFF  }
0xa5: {  	s26 =	simm.s32 $execute0_lowered;
	[smem:$0x3FD2] =	sst s25  }
0xa6: {  	s4 =	sshll.u32 s26, $0x1;
	_ =	strace $0x8000004F;
	[dreg:$0x1] =	wrdreg $0xFFFFFFFF  }
0xa7: {  	s28 =	simm.s32 $_size_execute0_lowered;
	s2 =	sadd.s32 s2, s4;
	[dreg:$0x0] =	wrdreg $0x0  }
0xa8: {  	s4 =	sshll.u32 s28, $0x1;
	[dreg:$0x2] =	wrdreg s2  }
0xa9: {  	[dreg:$0x3] =	wrdreg s4  }
0xaa: {  	[dreg:$0x4] =	wrdreg $0xC0  }
0xab: {  	_ =	task [dreg:s6], $0x5FFFF  }
0xac: {  	[dreg:$0x1] =	wrdreg $0xFFFFFFFF  }
0xad: {  	[dreg:$0x0] =	wrdreg $0x60  }
0xae: {  	[dreg:$0x2] =	wrdreg s24  }
0xaf: {  	[dreg:$0x3] =	wrdreg $0x14000  }
0xb0: {  	[dreg:$0x4] =	wrdreg $0x9  }
0xb1: {  	_ =	task.clear_ibuf [dreg:s6], $0x5FFFF;
	_ =	strace $0x9000004F  }
0xb2: {  	s29 =	simm.s32 $0x9;
	_ =	strace $0x80000051  }
0xb3: {  	_ =	swait.ge [sflag:s29], $0x1  }
0xb4: {  	[sflag:s29] =	ssyncadd.s32 $0xFFFFFFFF  }
0xb5: {  	_ =	strace $0x90000051  }
0xb6: {  	_ =	sfence  }
0xb7: {  	s30 =	sld [smem:$0x0];
	_ =	sdelay $0x2  }
0xb8: {  	s31 =	sshll.u32 s1, $0xD;
	s1 =	sshrl.u32 s1, $0x2  }
0xb9: {  	s3 =	sand.u32 $0x4000, s31;
	s1 =	sadd.s32 s1, s30  }
0xba: {  	s0 =	sor.u32 s3, s0;
	s1 =	sshll.u32 s1, $0x11  }
0xbb: {  	s0 =	sor.u32 s1, s0  }
0xbc: {  	s0 =	sadd.s32 $0x8F2B, s0  }
0xbd: {  	[sflag:s0] =	ssyncadd.remote.s32 $0x1  }
0xbe: {  	_ =	sfence.sel $0xFFFF  }
0xbf: {  	[dreg:$0x0] =	wrdreg $0xFFFFFFFF;
	(pc) =	sbr.abs _section_cstart, $3  }
0xc0: {  	[dreg:$0x1] =	wrdreg $0xFFFFFFFF  }
0xc1: {  	_ =	task.clear_ibuf [dreg:s6], $0x2FFFF;
	_ =	strace $0x9FFFFFFF  }
0xc2: {  	(tm) =	ssettm $0x7FFFFFFF  }
0xc3: {  	_ =	shalt  }
tec
execute0_lowered:
.L_overlay_start_1:
0x0: {  	(tag) =	ssettag $0x1  }
0x1: {  	s1 =	srdreg.scid;
	s4 =	rddreg [dreg:$0x0]  }
0x2: {  	s0 =	stileid.u32;
	s2 =	rddreg [dreg:$0x1]  }
0x3: {  	s3 =	simm.s32 $0x0;
	s17 =	simm.s32 $0x7400;
	s18 =	simm.s32 $0x8400  }
0x4: {  	s19 =	simm.s32 $0x9400;
	s20 =	simm.s32 $0x1;
	s21 =	simm.s32 $0x80  }
0x5: {  	s22 =	simm.s32 $0x3;
	s23 =	simm.s32 $0x4;
	s24 =	simm.s32 $0x1380  }
0x6: {  	s25 =	simm.s32 $0x0;
	s9 =	sand.u32 $0x1, s1;
	s7 =	smul.u32 $0x5000, s0  }
0x7: {  	s26 =	sshll.u32 s0, $0x1;
	[smem:$0x7FF] =	sst s3;
	s31 =	smul.u32 $0xA000, s0  }
0x8: {  	s11 =	sadd.s32 $0xC4400, s4;
	s30 =	sshll.u32 s0, $0x6;
	s8 =	smul.u32 $0x50000, s9  }
0x9: {  	s5 =	sor.u32 s9, s26;
	_ =	strace $0x80000050;
	s16 =	smul.u32 $0x5000, s9  }
0xa: {  	s12 =	ssub.s32 $0x2, s9;
	s6 =	smul.u32 $0x280, s5;
	s28 =	sshrl.u32 s7, $0x3  }
0xb: {  	s13 =	sshrl.u32 s12, $0x1;
	s29 =	smul.u32 $0x5000, s5;
	s15 =	sadd.s32 s7, s2  }
0xc: {  	s5 =	sor.u32 $0x1C05, s30;
	s8 =	sadd.s32 s7, s8;
	s12 =	ssub.s32 s12, s13  }
0xd: {  	s13 =	sadd.s32 s31, s11;
	s10 =	sadd.s32 s6, s4;
	s6 =	sadd.s32 s28, s4  }
.Ltmp0:
0xe: {  	s8 =	sshrl.u32 s8, $0x3;
	s12 =	smax.u32 s12, $0x1;
	(pc) =	sbr.rel .LBB2_1-.Ltmp0, $4  }
0xf: {  	s13 =	sadd.s32 s16, s13;
	s16 =	simm.s32 $0x6400;
	s14 =	sadd.s32 s8, s4  }
0x10: {  	s4 =	sadd.s32 $0x10400, s6;
	s6 =	sadd.s32 s11, s29;
	s7 =	sadd.s32 $0x342600, s10  }
0x11: {  	s8 =	sadd.s32 $0x200, s6;
	s9 =	sadd.s32 $0x400, s6;
	s10 =	sadd.s32 $0x600, s6  }
0x12: {  	s11 =	sadd.s32 $0x24400, s14;
	s14 =	sshrl.u32 s15, $0x3;
	s15 =	simm.s32 $0x5  }
.LBB2_4:
0x13: {  	_ =	swait.ge [sflag:s23], $0x1000  }
0x14: {  	[sflag:s23] =	ssyncset.done $0x0  }
0x15: {  	[sflag:s23] =	ssyncadd.s32 $0xFFFFF000  }
0x16: {  	[spmem:s2] =	stream.indirect.scatter.add.f32 [tilespmem:s19], [sflag:$0x5], $0x20, s24, s21, $0xb8;
	[tilespmem:$0xA400] =	vst v63  }
0x17: {  	_ =	swait.ge [sflag:s15], $0x1000  }
0x18: {  	s25 =	sadd.s32 $0x1, s25;
	[sflag:s15] =	ssyncset.done $0x0  }
0x19: {  	p0 =	sne.s32 s25, s12;
	[sflag:s15] =	ssyncadd.s32 $0xFFFFF000  }
.Ltmp1:
0x1a: {  	[bflag:$0x0] =	sbarrier.arrive $0xFFFF;
	(pc) =	sbr.rel @!p0 .LBB2_5-.Ltmp1, $4  }
0x1b: {  	[hbm:s11], [sflag:s5] =	dma.local [spmem:s14], $0xA00  }
0x1c: {  	_ =	swait.ge [sflag:s15], $0xA00  }
0x1d: {  	[sflag:s15] =	ssyncset.done $0x0  }
0x1e: {  	[sflag:s15] =	ssyncadd.s32 $0xFFFFF600  }
.LBB2_1:
0x1f: {  	[spmem:s14], [sflag:s5] =	dma.local [hbm:s4], $0xA00  }
0x20: {  	_ =	swait.ge [sflag:s15], $0xA00  }
0x21: {  	[sflag:s15] =	ssyncset.done $0x0  }
0x22: {  	[sflag:s15] =	ssyncadd.s32 $0xFFFFF600  }
0x23: {  	[tilespmem:s3], [sflag:$0x5] =	stream.linear.gather [hbm4b:s7+s3], $0x1400, $0x38;
	[tilespmem:$0xA400] =	vst v63  }
0x24: {  	_ =	swait.ge [sflag:s15], $0x1400  }
0x25: {  	[sflag:s15] =	ssyncset.done $0x0  }
0x26: {  	[sflag:s15] =	ssyncadd.s32 $0xFFFFEC00  }
0x27: {  	[tilespmem:s16], [sflag:$0x1] =	stream.linear.gather [hbm4b:s6+s3], $0x1000, $0x38;
	[tilespmem:$0xA400] =	vst v63  }
0x28: {  	_ = 	snop  }
0x29: {  	[tilespmem:s17], [sflag:$0x2] =	stream.linear.gather [hbm4b:s8+s3], $0x1000, $0x38;
	[tilespmem:$0xA400] =	vst v63  }
0x2a: {  	_ = 	snop  }
0x2b: {  	[tilespmem:s18], [sflag:$0x3] =	stream.linear.gather [hbm4b:s9+s3], $0x1000, $0x38;
	[tilespmem:$0xA400] =	vst v63  }
0x2c: {  	_ = 	snop  }
0x2d: {  	[tilespmem:s19], [sflag:$0x4] =	stream.linear.gather [hbm4b:s10+s3], $0x1000, $0x38;
	[tilespmem:$0xA400] =	vst v63  }
0x2e: {  	s26 =	simm.s32 $0x0;
	[bflag:$0x0] =	sbarrier.arrive $0xFFFF  }
.LBB2_2:
0x2f: {  	_ =	swait.ge [sflag:s20], $0x1000  }
0x30: {  	[sflag:s20] =	ssyncset.done $0x0  }
0x31: {  	s28 =	sshra.s32 s26, $0x2;
	[sflag:s20] =	ssyncadd.s32 $0xFFFFF000  }
0x32: {  	[spmem:s2] =	stream.indirect.scatter.add.f32 [tilespmem:s16], [sflag:$0x5], $0x20, s28, s21, $0xb8;
	[tilespmem:$0xA400] =	vst v63  }
0x33: {  	_ =	swait.ge [sflag:s15], $0x1000  }
0x34: {  	p0 =	seq.s32 s26, $0x4800;
	[sflag:s15] =	ssyncset.done $0x0  }
0x35: {  	s29 =	simm.s32 @p0 $0x2;
	[sflag:s15] =	ssyncadd.s32 $0xFFFFF000  }
0x36: {  	_ =	swait.ge @p0 [sflag:s29], $0x1000  }
0x37: {  	s30 =	simm.s32 @p0 $0x1280;
	[sflag:s29] =	ssyncset.done @p0 $0x0  }
0x38: {  	s31 =	simm.s32 @p0 $0x7400;
	[sflag:s29] =	ssyncadd.s32 @p0 $0xFFFFF000;
	s29 =	simm.s32 @p0 $0x80  }
0x39: {  	[spmem:s2] =	stream.indirect.scatter.add.f32 @p0 [tilespmem:s31], [sflag:$0x5], $0x20, s30, s29, $0xb8;
	[tilespmem:$0xA400] =	vst v63  }
0x3a: {  	s29 =	simm.s32 @p0 $0x5  }
0x3b: {  	_ =	swait.ge @p0 [sflag:s29], $0x1000  }
0x3c: {  	[sflag:s29] =	ssyncset.done @p0 $0x0  }
0x3d: {  	[sflag:s29] =	ssyncadd.s32 @p0 $0xFFFFF000;
	s29 =	sadd.s32 @!p0 s26, s13  }
0x3e: {  	s1 =	simm.s32 @!p0 $0x6400;
	s31 =	simm.s32 @!p0 $0x0;
	s30 =	sadd.s32 @!p0 $0x800, s29  }
0x3f: {  	[tilespmem:s1], [sflag:$0x1] =	stream.linear.gather @!p0 [hbm4b:s30+s31], $0x1000, $0x38;
	[tilespmem:$0xA400] =	vst v63  }
0x40: {  	s1 =	simm.s32 @!p0 $0x2  }
0x41: {  	_ =	swait.ge @!p0 [sflag:s1], $0x1000  }
0x42: {  	[sflag:s1] =	ssyncset.done @!p0 $0x0  }
0x43: {  	[sflag:s1] =	ssyncadd.s32 @!p0 $0xFFFFF000;
	s1 =	sshra.s32 @!p0 s26, $0x2  }
0x44: {  	s0 =	simm.s32 @!p0 $0x7400;
	s30 =	simm.s32 @!p0 $0x80;
	s1 =	sadd.s32 @!p0 $0x80, s1  }
0x45: {  	[spmem:s2] =	stream.indirect.scatter.add.f32 @!p0 [tilespmem:s0], [sflag:$0x5], $0x20, s1, s30, $0xb8;
	[tilespmem:$0xA400] =	vst v63  }
0x46: {  	s1 =	simm.s32 @!p0 $0x5  }
0x47: {  	_ =	swait.ge @!p0 [sflag:s1], $0x1000  }
0x48: {  	[sflag:s1] =	ssyncset.done @!p0 $0x0  }
0x49: {  	[sflag:s1] =	ssyncadd.s32 @!p0 $0xFFFFF000;
	s1 =	sadd.s32 @!p0 $0xA00, s29  }
0x4a: {  	[tilespmem:s0], [sflag:$0x2] =	stream.linear.gather @!p0 [hbm4b:s1+s31], $0x1000, $0x38;
	[tilespmem:$0xA400] =	vst v63  }
0x4b: {  	_ =	swait.ge [sflag:s22], $0x1000  }
0x4c: {  	[sflag:s22] =	ssyncset.done $0x0  }
.Ltmp2:
0x4d: {  	s31 =	sadd.s32 $0x100, s28;
	[sflag:s22] =	ssyncadd.s32 $0xFFFFF000;
	(pc) =	sbr.rel @p0 .LBB2_4-.Ltmp2, $4  }
0x4e: {  	[spmem:s2] =	stream.indirect.scatter.add.f32 [tilespmem:s18], [sflag:$0x5], $0x20, s31, s21, $0xb8;
	[tilespmem:$0xA400] =	vst v63  }
0x4f: {  	_ =	swait.ge [sflag:s15], $0x1000  }
0x50: {  	[sflag:s15] =	ssyncset.done $0x0  }
0x51: {  	[sflag:s15] =	ssyncadd.s32 $0xFFFFF000  }
0x52: {  	s0 =	sadd.s32 s26, s13  }
0x53: {  	s1 =	sadd.s32 $0xC00, s0  }
0x54: {  	[tilespmem:s18], [sflag:$0x3] =	stream.linear.gather [hbm4b:s1+s3], $0x1000, $0x38;
	[tilespmem:$0xA400] =	vst v63  }
0x55: {  	_ =	swait.ge [sflag:s23], $0x1000  }
0x56: {  	[sflag:s23] =	ssyncset.done $0x0  }
0x57: {  	s31 =	sadd.s32 $0x180, s28;
	[sflag:s23] =	ssyncadd.s32 $0xFFFFF000  }
0x58: {  	[spmem:s2] =	stream.indirect.scatter.add.f32 [tilespmem:s19], [sflag:$0x5], $0x20, s31, s21, $0xb8;
	[tilespmem:$0xA400] =	vst v63  }
.Ltmp3:
0x59: {  	_ = 	snop;
	(pc) =	sbr.rel .LBB2_2-.Ltmp3, $4  }
0x5a: {  	_ =	swait.ge [sflag:s15], $0x1000  }
0x5b: {  	[sflag:s15] =	ssyncset.done $0x0  }
0x5c: {  	s26 =	sadd.s32 $0x800, s26;
	s0 =	sadd.s32 $0xE00, s0;
	[sflag:s15] =	ssyncadd.s32 $0xFFFFF000  }
0x5d: {  	[tilespmem:s19], [sflag:$0x4] =	stream.linear.gather [hbm4b:s0+s3], $0x1000, $0x38;
	[tilespmem:$0xA400] =	vst v63  }
.LBB2_5:
0x5e: {  	_ =	sfence.sel $0x180000  }
0x5f: {  	[bflag:$0x0] =	sbarrier.arrive $0xFFFF  }
0x60: {  	_ =	strace $0x90000050  }
0x61: {  	s0 =	stileid.u32;
	[bflag:$0x2] =	sbarrier.arrive $0xFFFF  }
0x62: {  	p0 =	sne.s32 s0, $0x0;
	s0 =	rddreg [dreg:$0x2]  }
0x63: {  	s0 =	sadd.s32 @!p0 $0x100000, s0  }
0x64: {  	[sflag:s0] =	ssyncadd.tile.s32 @!p0 $0x1;
	_ =	shalt  }
.Lfunc_end2:
_tile_overlayer_lowered:
.L_overlay_start_2:
0x65: {  	(tag) =	ssettag $0x2  }
0x66: {  	s0 =	rddreg [dreg:$0x0];
	s2 =	stileid.u32  }
0x67: {  	s1 =	rddreg [dreg:$0x1];
	p0 =	sne.s32 s2, $0x0  }
0x68: {  	s3 =	rddreg [dreg:$0x2];
	[bflag:$0x3] =	sbarrier.arrive $0xFFFF;
	s2 =	simm.s32 @!p0 $0x1C05  }
0x69: {  	[timem:s3], [sflag:s2] =	dma.local @!p0 [hbm:s0], s1  }
0x6a: {  	s0 =	simm.s32 @!p0 $0x5  }
0x6b: {  	_ =	swait.ge @!p0 [sflag:s0], s1  }
0x6c: {  	s1 =	ssub.s32 @!p0 $0x0, s1;
	[sflag:s0] =	ssyncset.done @!p0 $0x0  }
0x6d: {  	[sflag:s0] =	ssyncadd.s32 @!p0 s1  }
0x6e: {  	[bflag:$0x3] =	sbarrier.arrive $0xFFFF  }
0x6f: {  	_ =	shalt  }

// kernel: kernel.27.cloned.1.call-start
scs
__scs_entry_jumppad:
0x0: {  	(pc) =	sbr.rel $0x88, $3  }
0x1: {  	(tag) =	ssettag $0x0;
	lr =	simm.s32 $0x1  }
0x2: {  	[smem:$0x3F8A] =	sst lr;
	_ =	strace $0xD0000000  }
0x3: {  	_ = 	snop  }
0x4: {  	_ = 	snop  }
0x5: {  	_ = 	snop  }
0x6: {  	_ = 	snop  }
0x7: {  	_ = 	snop  }
__scs_overlays_trampoline_lowered:
0x8: {  	[smem:$0x3F99] =	sst s0  }
0x9: {  	[smem:$0x3F9A] =	sst s1  }
0xa: {  	[smem:$0x3F9B] =	sst s2  }
0xb: {  	[smem:$0x3F9C] =	sst s3  }
0xc: {  	[smem:$0x3F9D] =	sst s4  }
0xd: {  	[smem:$0x3F9E] =	sst s5  }
0xe: {  	[smem:$0x3F9F] =	sst s6  }
0xf: {  	[smem:$0x3FA0] =	sst s7  }
0x10: {  	[smem:$0x3FA1] =	sst s8  }
0x11: {  	[smem:$0x3FA2] =	sst s9;
	s0 =	simm.s32 @!p0 $0x0  }
0x12: {  	s1 =	sld [smem:$0x3F88];
	s0 =	simm.s32 @p0 $0x1  }
0x13: {  	[smem:$0x3FA3] =	sst s0;
	s0 =	simm.s32 @!p1 $0x0  }
0x14: {  	s2 =	sld [smem:$0x3F87];
	s0 =	simm.s32 @p1 $0x1  }
0x15: {  	[smem:$0x3FA4] =	sst s0;
	s0 =	simm.s32 @!p2 $0x0  }
0x16: {  	s3 =	sld [smem:$0x3FDB];
	s0 =	simm.s32 @p2 $0x1  }
0x17: {  	s4 =	simm.s32 $0x1BF5;
	[smem:$0x3FA6] =	sst s0  }
0x18: {  	s0 =	sld [smem:$0x3F89];
	_ =	swait.ge [sflag:s4], $0x0  }
0x19: {  	s7 =	sld [smem:$0x3F8A]  }
0x1a: {  	s8 =	sadd.s32 $0xFFFFE003, lr  }
0x1b: {  	s9 =	sadd.s32 $0xFFFFFEF7, lr;
	s5 =	simm.s32 $0xFFFFFFFF;
	p2 =	slt.u32 s8, $0xFFFFF086  }
0x1c: {  	p1 =	slt.u32 s9, $0xF7A;
	s5 =	simm.s32 @!p2 $0x0  }
0x1d: {  	s5 =	simm.s32 @p1 $0x1;
	p0 =	seq.s32 s7, s2  }
0x1e: {  	s7 =	smul.u32 @!p0 $0xF7A, s2;
	p2 =	seq.s32 @!p0 s5, $0x0  }
0x1f: {  	s9 =	smul.u32 $0xF7A, s1;
	s8 =	simm.s32 @!p0 $0x1BF5;
	p2 =	por !p2, p0  }
0x20: {  	[sflag:s8] =	ssyncset.s32 @!p0 $0xFFFFF086;
	s6 =	sadd.s32 @!p0 s3, s7;
	s7 =	simm.s32 @!p0 $0x108  }
0x21: {  	s3 =	sadd.s32 s3, s9;
	s6 =	sadd.s32 @!p0 $0x88, s6;
	s7 =	simm.s32 @p2 $0x1082  }
0x22: {  	[simem:s7], [sflag:s8] =	dma.local @!p0 [hbm:s6], $0xF7A  }
0x23: {  	s9 =	sor.u32 $0xD0000000, s2;
	s6 =	simm.s32 $0x108;
	_ =	swait.ge @!p0 [sflag:s8], $0x0  }
0x24: {  	s3 =	sadd.s32 $0x88, s3;
	s6 =	simm.s32 @!p1 $0x1082;
	[sflag:s4] =	ssyncset.s32 $0xFFFFF086  }
0x25: {  	[simem:s6], [sflag:s4] =	dma.local [hbm:s3], $0xF7A  }
0x26: {  	[smem:$0x3F8A] =	sst s1;
	(tag) =	ssettag s2;
	_ =	strace s9  }
0x27: {  	s1 =	sld [smem:$0x3F9A]  }
0x28: {  	s2 =	sld [smem:$0x3F9B]  }
0x29: {  	s4 =	sld [smem:$0x3F9D]  }
0x2a: {  	p0 =	seq.s32 s5, $0x0;
	s5 =	sld [smem:$0x3F9E]  }
0x2b: {  	s6 =	sld [smem:$0x3F9F]  }
0x2c: {  	s7 =	sld [smem:$0x3FA0]  }
0x2d: {  	s3 =	simm.s32 $0x108;
	s8 =	sld [smem:$0x3FA1]  }
0x2e: {  	s3 =	simm.s32 @!p0 $0x1082;
	s9 =	sld [smem:$0x3FA2]  }
0x2f: {  	lr =	sadd.s32 s0, s3;
	s0 =	sld [smem:$0x3F99]  }
0x30: {  	s3 =	sld [smem:$0x3F9C]  }
0x31: {  	[smem:$0x3FA5] =	sst s10  }
0x32: {  	s10 =	sld [smem:$0x3FA3];
	_ =	sdelay $0x3  }
0x33: {  	p0 =	seq.s32 s10, $0x1;
	s10 =	sld [smem:$0x3FA5];
	_ =	sdelay $0x3  }
0x34: {  	[smem:$0x3FA5] =	sst s10  }
0x35: {  	s10 =	sld [smem:$0x3FA4];
	_ =	sdelay $0x3  }
0x36: {  	p1 =	seq.s32 s10, $0x1;
	s10 =	sld [smem:$0x3FA5];
	_ =	sdelay $0x3  }
0x37: {  	[smem:$0x3FA5] =	sst s10  }
0x38: {  	s10 =	sld [smem:$0x3FA6]  }
0x39: {  	_ = 	snop;
	(pc) =	sbr.ind lr, $3  }
0x3a: {  	_ = 	snop  }
0x3b: {  	_ = 	snop  }
0x3c: {  	p2 =	seq.s32 s10, $0x1;
	s10 =	sld [smem:$0x3FA5]  }
0x3d: {  	_ =	shalt  }
0x3e: {  	_ =	shalt  }
0x3f: {  	_ =	shalt  }
0x40: {  	_ =	shalt  }
0x41: {  	_ =	shalt  }
0x42: {  	_ =	shalt  }
0x43: {  	_ =	shalt  }
0x44: {  	_ =	shalt  }
0x45: {  	_ =	shalt  }
0x46: {  	_ =	shalt  }
0x47: {  	_ =	shalt  }
0x48: {  	_ =	shalt  }
0x49: {  	_ =	shalt  }
0x4a: {  	_ =	shalt  }
0x4b: {  	_ =	shalt  }
0x4c: {  	_ =	shalt  }
0x4d: {  	_ =	shalt  }
0x4e: {  	_ =	shalt  }
0x4f: {  	_ =	shalt  }
0x50: {  	_ =	shalt  }
0x51: {  	_ =	shalt  }
0x52: {  	_ =	shalt  }
0x53: {  	_ =	shalt  }
0x54: {  	_ =	shalt  }
0x55: {  	_ =	shalt  }
0x56: {  	_ =	shalt  }
0x57: {  	_ =	shalt  }
0x58: {  	_ =	shalt  }
0x59: {  	_ =	shalt  }
0x5a: {  	_ =	shalt  }
0x5b: {  	_ =	shalt  }
0x5c: {  	_ =	shalt  }
0x5d: {  	_ =	shalt  }
0x5e: {  	_ =	shalt  }
0x5f: {  	_ =	shalt  }
0x60: {  	_ =	shalt  }
0x61: {  	_ =	shalt  }
0x62: {  	_ =	shalt  }
0x63: {  	_ =	shalt  }
0x64: {  	_ =	shalt  }
0x65: {  	_ =	shalt  }
0x66: {  	_ =	shalt  }
0x67: {  	_ =	shalt  }
0x68: {  	_ =	shalt  }
0x69: {  	_ =	shalt  }
0x6a: {  	_ =	shalt  }
0x6b: {  	_ =	shalt  }
0x6c: {  	_ =	shalt  }
0x6d: {  	_ =	shalt  }
0x6e: {  	_ =	shalt  }
0x6f: {  	_ =	shalt  }
0x70: {  	_ =	shalt  }
0x71: {  	_ =	shalt  }
0x72: {  	_ =	shalt  }
0x73: {  	_ =	shalt  }
0x74: {  	_ =	shalt  }
0x75: {  	_ =	shalt  }
0x76: {  	_ =	shalt  }
0x77: {  	_ =	shalt  }
0x78: {  	_ =	shalt  }
0x79: {  	_ =	shalt  }
0x7a: {  	_ =	shalt  }
0x7b: {  	_ =	shalt  }
0x7c: {  	_ =	shalt  }
0x7d: {  	_ =	shalt  }
0x7e: {  	_ =	shalt  }
0x7f: {  	_ =	shalt  }
0x80: {  	_ =	shalt  }
0x81: {  	_ =	shalt  }
0x82: {  	_ =	shalt  }
0x83: {  	_ =	shalt  }
0x84: {  	_ =	shalt  }
0x85: {  	_ =	shalt  }
0x86: {  	_ =	shalt  }
0x87: {  	_ =	shalt  }
.Lfunc_end0:
.L_simem_size_0:
called_computation.4_lowered:
.L_overlay_start_0:
0x88: {  	s2 =	sld [smem:$0x3FD9]  }
0x89: {  	s3 =	sld [smem:$0x3FFE];
	_ =	sdelay $0x1  }
0x8a: {  	s1 =	srdreg.scid  }
0x8b: {  	s0 =	sand.u32 $0x1, s1  }
0x8c: {  	s16 =	sshll.u32 s0, $0xA;
	s2 =	sadd.s32 s3, s2  }
0x8d: {  	s2 =	sadd.s32 s2, s16  }
0x8e: {  	[smem:$0x3FB1] =	sst s2  }
0x8f: {  	_ = 	snop  }
0x90: {  	(tm) =	ssettm $0x1  }
0x91: {  	s17 =	sld [smem:$0x3FFB];
	_ =	sdelay $0x3  }
0x92: {  	_ =	strace s17  }
0x93: {  	s2 =	sld [smem:$0x3FFC];
	_ =	sdelay $0x3  }
0x94: {  	_ =	strace s2  }
0x95: {  	s2 =	sld [smem:$0x3FFD];
	_ =	sdelay $0x3  }
0x96: {  	_ =	strace s2  }
0x97: {  	_ =	strace $0x8FFFFFFF  }
0x98: {  	s18 =	sld [smem:$0x3FDB];
	_ =	sdelay $0x1  }
0x99: {  	s19 =	simm.s32 $_scs_section_size  }
0x9a: {  	s4 =	simm.s32 $_size__tile_overlayer_lowered;
	s5 =	simm.s32 $_tile_overlayer_lowered  }
0x9b: {  	s22 =	simm.s32 $0x1BFF;
	s21 =	sshll.u32 s5, $0x1;
	s2 =	sadd.s32 s19, s18  }
0x9c: {  	s6 =	simm.s32 $0x0;
	s20 =	sshll.u32 s4, $0x1;
	s4 =	sadd.s32 s21, s2  }
0x9d: {  	[timem:s6], [sflag:s22] =	dma.local [hbm:s4], s20  }
0x9e: {  	_ =	swait.ge [sflag:s22], s20  }
0x9f: {  	s3 =	ssub.s32 $0x0, s20;
	[sflag:s22] =	ssyncset.done $0x0  }
0xa0: {  	[sflag:s22] =	ssyncadd.s32 s3;
	_ =	sdelay $0x1  }
0xa1: {  	s23 =	simm.s32 $0x1B8B  }
0xa2: {  	_ =	swait.ge [sflag:s23], $0x1  }
0xa3: {  	[sflag:s23] =	ssyncset.done $0x0  }
0xa4: {  	s25 =	simm.s32 $0x1B8E;
	s24 =	sld [smem:$0x3FFE];
	[sflag:s23] =	ssyncadd.s32 $0xFFFFFFFF  }
0xa5: {  	s26 =	simm.s32 $execute0_lowered;
	[smem:$0x3FD2] =	sst s25  }
0xa6: {  	s4 =	sshll.u32 s26, $0x1;
	_ =	strace $0x80000052;
	[dreg:$0x1] =	wrdreg $0xFFFFFFFF  }
0xa7: {  	s28 =	simm.s32 $_size_execute0_lowered;
	s2 =	sadd.s32 s2, s4;
	[dreg:$0x0] =	wrdreg $0x0  }
0xa8: {  	s4 =	sshll.u32 s28, $0x1;
	[dreg:$0x2] =	wrdreg s2  }
0xa9: {  	[dreg:$0x3] =	wrdreg s4  }
0xaa: {  	[dreg:$0x4] =	wrdreg $0xC0  }
0xab: {  	_ =	task [dreg:s6], $0x5FFFF  }
0xac: {  	[dreg:$0x1] =	wrdreg $0xFFFFFFFF  }
0xad: {  	[dreg:$0x0] =	wrdreg $0x60  }
0xae: {  	[dreg:$0x2] =	wrdreg s24  }
0xaf: {  	[dreg:$0x3] =	wrdreg $0x9  }
0xb0: {  	_ =	task.clear_ibuf [dreg:s6], $0x4FFFF;
	_ =	strace $0x90000052  }
0xb1: {  	s29 =	simm.s32 $0x9;
	_ =	strace $0x80000054  }
0xb2: {  	_ =	swait.ge [sflag:s29], $0x1  }
0xb3: {  	[sflag:s29] =	ssyncadd.s32 $0xFFFFFFFF  }
0xb4: {  	_ =	strace $0x90000054  }
0xb5: {  	_ =	sfence  }
0xb6: {  	s30 =	sld [smem:$0x0];
	_ =	sdelay $0x2  }
0xb7: {  	s31 =	sshll.u32 s1, $0xD;
	s1 =	sshrl.u32 s1, $0x2  }
0xb8: {  	s3 =	sand.u32 $0x4000, s31;
	s1 =	sadd.s32 s1, s30  }
0xb9: {  	s0 =	sor.u32 s3, s0;
	s1 =	sshll.u32 s1, $0x11  }
0xba: {  	s0 =	sor.u32 s1, s0  }
0xbb: {  	s0 =	sadd.s32 $0x8F2B, s0  }
0xbc: {  	[sflag:s0] =	ssyncadd.remote.s32 $0x1  }
0xbd: {  	_ =	sfence.sel $0xFFFF  }
0xbe: {  	[dreg:$0x0] =	wrdreg $0xFFFFFFFF;
	(pc) =	sbr.abs _section_cstart, $3  }
0xbf: {  	[dreg:$0x1] =	wrdreg $0xFFFFFFFF  }
0xc0: {  	_ =	task.clear_ibuf [dreg:s6], $0x2FFFF;
	_ =	strace $0x9FFFFFFF  }
0xc1: {  	(tm) =	ssettm $0x7FFFFFFF  }
tec
execute0_lowered:
.L_overlay_start_1:
0x0: {  	(tag) =	ssettag $0x1  }
0x1: {  	s0 =	rddreg [dreg:$0x0];
	s1 =	simm.s32 $0x0;
	s2 =	srdreg.scid  }
0x2: {  	s9 =	stileid.u32;
	s18 =	simm.s32 $0x5;
	s19 =	simm.s32 $0x80  }
0x3: {  	s20 =	simm.s32 $0x1E00;
	s21 =	simm.s32 $0x2E00;
	s28 =	simm.s32 $0x2  }
0x4: {  	s29 =	simm.s32 $0x3;
	s30 =	simm.s32 $0x4;
	s8 =	smul.u32 $0x140, s9  }
0x5: {  	s31 =	simm.s32 $0x0;
	[smem:$0x7FF] =	sst s1;
	s23 =	smul.u32 $0x3C0, s9  }
0x6: {  	s2 =	sand.u32 $0x1, s2;
	s3 =	sadd.s32 $0x1A400, s0;
	s25 =	smul.u32 $0x2800, s9  }
0x7: {  	s6 =	sadd.s32 $0xB400, s0;
	s4 =	sadd.s32 $0x24400, s0;
	s9 =	smul.u32 $0x7800, s9  }
0x8: {  	_ =	strace $0x80000053;
	s5 =	ssub.s32 $0x2, s2;
	p0 =	seq.s32 s2, $0x1  }
0x9: {  	s7 =	sshrl.u32 s5, $0x1;
	s24 =	sadd.s32 s6, s8;
	s26 =	sadd.s32 s6, s23  }
0xa: {  	s6 =	sadd.s32 $0x7A000, s25;
	s11 =	sadd.s32 $0x7A600, s25;
	s12 =	sadd.s32 $0x7000, s9  }
0xb: {  	s13 =	sadd.s32 $0x7200, s9;
	s14 =	sadd.s32 $0x7400, s9;
	s15 =	sadd.s32 $0x7600, s9  }
.Ltmp0:
0xc: {  	s16 =	sadd.s32 s25, s4;
	s17 =	sadd.s32 s9, s4;
	(pc) =	sbr.rel .LBB2_1-.Ltmp0, $4  }
0xd: {  	s23 =	simm.s32 $0x3E00;
	s22 =	ssub.s32 s5, s7;
	s2 =	sadd.s32 $0x3C00, s24  }
0xe: {  	[dreg:$0x3] =	wrdreg s26;
	s5 =	sadd.s32 $0x7A200, s25;
	s24 =	simm.s32 $0x180  }
0xf: {  	s26 =	simm.s32 $0x1;
	[dreg:$0x2] =	wrdreg s2;
	s7 =	smax.u32 s22, $0x1  }
0x10: {  	s2 =	sadd.s32 $0x7A400, s25;
	s22 =	simm.s32 $0x100;
	s25 =	simm.s32 $0x4E00  }
.LBB2_7:
0x11: {  	[tilespmem:s25], [sflag:$0x4] =	stream.indirect.gather [hbm4b:s3+s19], $0x20, s8, s19, $0xb8;
	[tilespmem:$0x5E00] =	vst v63  }
0x12: {  	s8 =	smov.u32 s6  }
0x13: {  	s9 =	smov.u32 s5;
	s10 =	smov.u32 s2;
	s0 =	smov.u32 s11  }
.LBB2_8:
0x14: {  	_ =	swait.ge [sflag:s26], $0x1000  }
0x15: {  	[sflag:s26] =	ssyncset.done $0x0  }
0x16: {  	s8 =	sadd.s32 s4, s8;
	[sflag:s26] =	ssyncadd.s32 $0xFFFFF000  }
0x17: {  	[hbm4b:s8+s1] =	stream.linear.scatter [tilespmem:s20], [sflag:$0x5], $0x1000, $0x38;
	[tilespmem:$0x5E00] =	vst v63  }
0x18: {  	_ =	swait.ge [sflag:s18], $0x1000  }
0x19: {  	[sflag:s18] =	ssyncset.done $0x0  }
0x1a: {  	[sflag:s18] =	ssyncadd.s32 $0xFFFFF000  }
0x1b: {  	_ =	swait.ge [sflag:s28], $0x1000  }
0x1c: {  	[sflag:s28] =	ssyncset.done $0x0  }
0x1d: {  	s9 =	sadd.s32 s4, s9;
	[sflag:s28] =	ssyncadd.s32 $0xFFFFF000  }
0x1e: {  	[hbm4b:s9+s1] =	stream.linear.scatter [tilespmem:s21], [sflag:$0x5], $0x1000, $0x38;
	[tilespmem:$0x5E00] =	vst v63  }
0x1f: {  	_ =	swait.ge [sflag:s18], $0x1000  }
0x20: {  	[sflag:s18] =	ssyncset.done $0x0  }
0x21: {  	[sflag:s18] =	ssyncadd.s32 $0xFFFFF000  }
0x22: {  	_ =	swait.ge [sflag:s29], $0x1000  }
0x23: {  	[sflag:s29] =	ssyncset.done $0x0  }
0x24: {  	s10 =	sadd.s32 s4, s10;
	[sflag:s29] =	ssyncadd.s32 $0xFFFFF000  }
0x25: {  	[hbm4b:s10+s1] =	stream.linear.scatter [tilespmem:s23], [sflag:$0x5], $0x1000, $0x38;
	[tilespmem:$0x5E00] =	vst v63  }
0x26: {  	_ =	swait.ge [sflag:s18], $0x1000  }
0x27: {  	[sflag:s18] =	ssyncset.done $0x0  }
0x28: {  	[sflag:s18] =	ssyncadd.s32 $0xFFFFF000  }
0x29: {  	s31 =	sadd.s32 $0x1, s31;
	_ =	swait.ge [sflag:s30], $0x1000  }
0x2a: {  	p1 =	sne.s32 s31, s7;
	[sflag:s30] =	ssyncset.done $0x0  }
.Ltmp1:
0x2b: {  	s0 =	sadd.s32 s4, s0;
	[sflag:s30] =	ssyncadd.s32 $0xFFFFF000;
	(pc) =	sbr.rel @!p1 .LBB2_9-.Ltmp1, $4  }
0x2c: {  	[hbm4b:s0+s1] =	stream.linear.scatter [tilespmem:s25], [sflag:$0x5], $0x1000, $0x38;
	[tilespmem:$0x5E00] =	vst v63  }
0x2d: {  	_ =	swait.ge [sflag:s18], $0x1000  }
0x2e: {  	[sflag:s18] =	ssyncset.done $0x0  }
0x2f: {  	[sflag:s18] =	ssyncadd.s32 $0xFFFFF000  }
.LBB2_1:
.Ltmp2:
0x30: {  	(pc) =	sbr.rel @!p0 .LBB2_5-.Ltmp2, $2  }
0x31: {  	_ =	sdelay $0x2  }
0x32: {  	s0 =	simm.s32 $0x0  }
0x33: {  	s8 =	rddreg [dreg:$0x3]  }
0x34: {  	[tilespmem:s0], [sflag:$0x5] =	stream.linear.gather [hbm4b:s8+s0], $0x1E00, $0x38;
	[tilespmem:$0x5E00] =	vst v63  }
0x35: {  	_ =	swait.ge [sflag:s18], $0x1E00  }
0x36: {  	[sflag:s18] =	ssyncset.done $0x0  }
0x37: {  	[sflag:s18] =	ssyncadd.s32 $0xFFFFE200  }
0x38: {  	[tilespmem:s20], [sflag:$0x1] =	stream.indirect.gather [hbm4b:s3+s19], $0x20, s0, s19, $0xb8;
	[tilespmem:$0x5E00] =	vst v63  }
0x39: {  	_ = 	snop  }
0x3a: {  	[tilespmem:s21], [sflag:$0x2] =	stream.indirect.gather [hbm4b:s3+s19], $0x20, s19, s19, $0xb8;
	[tilespmem:$0x5E00] =	vst v63  }
0x3b: {  	_ = 	snop  }
0x3c: {  	[tilespmem:s23], [sflag:$0x3] =	stream.indirect.gather [hbm4b:s3+s19], $0x20, s22, s19, $0xb8;
	[tilespmem:$0x5E00] =	vst v63  }
0x3d: {  	_ = 	snop  }
0x3e: {  	[tilespmem:s25], [sflag:$0x4] =	stream.indirect.gather [hbm4b:s3+s19], $0x20, s24, s19, $0xb8;
	[tilespmem:$0x5E00] =	vst v63  }
0x3f: {  	_ =	swait.ge [sflag:s26], $0x1000  }
0x40: {  	[sflag:s26] =	ssyncset.done $0x0  }
0x41: {  	s0 =	sadd.s32 $0x0, s17;
	[sflag:s26] =	ssyncadd.s32 $0xFFFFF000  }
0x42: {  	[hbm4b:s0+s1] =	stream.linear.scatter [tilespmem:s20], [sflag:$0x5], $0x1000, $0x38;
	[tilespmem:$0x5E00] =	vst v63  }
0x43: {  	_ =	swait.ge [sflag:s18], $0x1000  }
0x44: {  	[sflag:s18] =	ssyncset.done $0x0  }
0x45: {  	s10 =	simm.s32 $0x200;
	[sflag:s18] =	ssyncadd.s32 $0xFFFFF000  }
0x46: {  	[tilespmem:s20], [sflag:$0x1] =	stream.indirect.gather [hbm4b:s3+s19], $0x20, s10, s19, $0xb8;
	[tilespmem:$0x5E00] =	vst v63  }
0x47: {  	_ =	swait.ge [sflag:s28], $0x1000  }
0x48: {  	[sflag:s28] =	ssyncset.done $0x0  }
0x49: {  	s9 =	sadd.s32 $0x200, s0;
	[sflag:s28] =	ssyncadd.s32 $0xFFFFF000  }
0x4a: {  	[hbm4b:s9+s1] =	stream.linear.scatter [tilespmem:s21], [sflag:$0x5], $0x1000, $0x38;
	[tilespmem:$0x5E00] =	vst v63  }
0x4b: {  	_ =	swait.ge [sflag:s18], $0x1000  }
0x4c: {  	[sflag:s18] =	ssyncset.done $0x0  }
0x4d: {  	s10 =	simm.s32 $0x280;
	[sflag:s18] =	ssyncadd.s32 $0xFFFFF000  }
0x4e: {  	[tilespmem:s21], [sflag:$0x2] =	stream.indirect.gather [hbm4b:s3+s19], $0x20, s10, s19, $0xb8;
	[tilespmem:$0x5E00] =	vst v63  }
0x4f: {  	_ =	swait.ge [sflag:s29], $0x1000  }
0x50: {  	[sflag:s29] =	ssyncset.done $0x0  }
0x51: {  	s9 =	sadd.s32 $0x400, s0;
	[sflag:s29] =	ssyncadd.s32 $0xFFFFF000  }
0x52: {  	[hbm4b:s9+s1] =	stream.linear.scatter [tilespmem:s23], [sflag:$0x5], $0x1000, $0x38;
	[tilespmem:$0x5E00] =	vst v63  }
0x53: {  	_ =	swait.ge [sflag:s18], $0x1000  }
0x54: {  	[sflag:s18] =	ssyncset.done $0x0  }
0x55: {  	s10 =	simm.s32 $0x300;
	[sflag:s18] =	ssyncadd.s32 $0xFFFFF000  }
0x56: {  	[tilespmem:s23], [sflag:$0x3] =	stream.indirect.gather [hbm4b:s3+s19], $0x20, s10, s19, $0xb8;
	[tilespmem:$0x5E00] =	vst v63  }
0x57: {  	_ =	swait.ge [sflag:s30], $0x1000  }
0x58: {  	[sflag:s30] =	ssyncset.done $0x0  }
0x59: {  	s0 =	sadd.s32 $0x600, s0;
	[sflag:s30] =	ssyncadd.s32 $0xFFFFF000  }
0x5a: {  	[hbm4b:s0+s1] =	stream.linear.scatter [tilespmem:s25], [sflag:$0x5], $0x1000, $0x38;
	[tilespmem:$0x5E00] =	vst v63  }
0x5b: {  	_ =	swait.ge [sflag:s18], $0x1000  }
0x5c: {  	[sflag:s18] =	ssyncset.done $0x0  }
0x5d: {  	s8 =	simm.s32 $0x380;
	s0 =	simm.s32 $0x800;
	[sflag:s18] =	ssyncadd.s32 $0xFFFFF000  }
.LBB2_3:
0x5e: {  	[tilespmem:s25], [sflag:$0x4] =	stream.indirect.gather [hbm4b:s3+s19], $0x20, s8, s19, $0xb8;
	[tilespmem:$0x5E00] =	vst v63  }
0x5f: {  	s8 =	smov.u32 s0  }
0x60: {  	p1 =	seq.s32 s0, $0x6800;
	s0 =	sadd.s32 $0x800, s0;
	_ =	swait.ge [sflag:s26], $0x1000  }
0x61: {  	[sflag:s26] =	ssyncset.done $0x0  }
0x62: {  	s9 =	sadd.s32 s8, s17;
	[sflag:s26] =	ssyncadd.s32 $0xFFFFF000  }
0x63: {  	[hbm4b:s9+s1] =	stream.linear.scatter [tilespmem:s20], [sflag:$0x5], $0x1000, $0x38;
	[tilespmem:$0x5E00] =	vst v63  }
0x64: {  	_ =	swait.ge [sflag:s18], $0x1000  }
0x65: {  	s8 =	sshra.s32 s8, $0x2;
	[sflag:s18] =	ssyncset.done $0x0  }
0x66: {  	s10 =	sadd.s32 $0x200, s8;
	[sflag:s18] =	ssyncadd.s32 $0xFFFFF000  }
0x67: {  	[tilespmem:s20], [sflag:$0x1] =	stream.indirect.gather [hbm4b:s3+s19], $0x20, s10, s19, $0xb8;
	[tilespmem:$0x5E00] =	vst v63  }
0x68: {  	_ =	swait.ge [sflag:s28], $0x1000  }
0x69: {  	[sflag:s28] =	ssyncset.done $0x0  }
0x6a: {  	s10 =	sadd.s32 $0x200, s9;
	[sflag:s28] =	ssyncadd.s32 $0xFFFFF000  }
0x6b: {  	[hbm4b:s10+s1] =	stream.linear.scatter [tilespmem:s21], [sflag:$0x5], $0x1000, $0x38;
	[tilespmem:$0x5E00] =	vst v63  }
0x6c: {  	_ =	swait.ge [sflag:s18], $0x1000  }
0x6d: {  	[sflag:s18] =	ssyncset.done $0x0  }
0x6e: {  	s10 =	sadd.s32 $0x280, s8;
	[sflag:s18] =	ssyncadd.s32 $0xFFFFF000  }
0x6f: {  	[tilespmem:s21], [sflag:$0x2] =	stream.indirect.gather [hbm4b:s3+s19], $0x20, s10, s19, $0xb8;
	[tilespmem:$0x5E00] =	vst v63  }
0x70: {  	_ =	swait.ge [sflag:s29], $0x1000  }
0x71: {  	[sflag:s29] =	ssyncset.done $0x0  }
0x72: {  	s10 =	sadd.s32 $0x400, s9;
	[sflag:s29] =	ssyncadd.s32 $0xFFFFF000  }
0x73: {  	[hbm4b:s10+s1] =	stream.linear.scatter [tilespmem:s23], [sflag:$0x5], $0x1000, $0x38;
	[tilespmem:$0x5E00] =	vst v63  }
0x74: {  	_ =	swait.ge [sflag:s18], $0x1000  }
0x75: {  	[sflag:s18] =	ssyncset.done $0x0  }
0x76: {  	s10 =	sadd.s32 $0x300, s8;
	[sflag:s18] =	ssyncadd.s32 $0xFFFFF000  }
0x77: {  	[tilespmem:s23], [sflag:$0x3] =	stream.indirect.gather [hbm4b:s3+s19], $0x20, s10, s19, $0xb8;
	[tilespmem:$0x5E00] =	vst v63  }
0x78: {  	_ =	swait.ge [sflag:s30], $0x1000  }
0x79: {  	[sflag:s30] =	ssyncset.done $0x0  }
.Ltmp3:
0x7a: {  	s9 =	sadd.s32 $0x600, s9;
	[sflag:s30] =	ssyncadd.s32 $0xFFFFF000;
	(pc) =	sbr.rel @!p1 .LBB2_3-.Ltmp3, $4  }
0x7b: {  	[hbm4b:s9+s1] =	stream.linear.scatter [tilespmem:s25], [sflag:$0x5], $0x1000, $0x38;
	[tilespmem:$0x5E00] =	vst v63  }
0x7c: {  	_ =	swait.ge [sflag:s18], $0x1000  }
0x7d: {  	[sflag:s18] =	ssyncset.done $0x0  }
0x7e: {  	s8 =	sadd.s32 $0x380, s8;
	[sflag:s18] =	ssyncadd.s32 $0xFFFFF000  }
.Ltmp4:
0x7f: {  	(pc) =	sbr.rel .LBB2_8-.Ltmp4, $4  }
0x80: {  	_ = 	snop  }
0x81: {  	[tilespmem:s25], [sflag:$0x4] =	stream.indirect.gather [hbm4b:s3+s19], $0x20, s8, s19, $0xb8;
	[tilespmem:$0x5E00] =	vst v63  }
0x82: {  	s8 =	smov.u32 s12  }
0x83: {  	s9 =	smov.u32 s13;
	s10 =	smov.u32 s14;
	s0 =	smov.u32 s15  }
.LBB2_5:
0x84: {  	s8 =	rddreg [dreg:$0x2]  }
0x85: {  	[tilespmem:s0], [sflag:$0x5] =	stream.linear.gather [hbm4b:s8+s0], $0xA00, $0x38;
	[tilespmem:$0x5E00] =	vst v63  }
0x86: {  	_ =	swait.ge [sflag:s18], $0xA00  }
0x87: {  	[sflag:s18] =	ssyncset.done $0x0  }
0x88: {  	[sflag:s18] =	ssyncadd.s32 $0xFFFFF600  }
0x89: {  	[tilespmem:s20], [sflag:$0x1] =	stream.indirect.gather [hbm4b:s3+s19], $0x20, s0, s19, $0xb8;
	[tilespmem:$0x5E00] =	vst v63  }
0x8a: {  	_ = 	snop  }
0x8b: {  	[tilespmem:s21], [sflag:$0x2] =	stream.indirect.gather [hbm4b:s3+s19], $0x20, s19, s19, $0xb8;
	[tilespmem:$0x5E00] =	vst v63  }
0x8c: {  	_ = 	snop  }
0x8d: {  	[tilespmem:s23], [sflag:$0x3] =	stream.indirect.gather [hbm4b:s3+s19], $0x20, s22, s19, $0xb8;
	[tilespmem:$0x5E00] =	vst v63  }
0x8e: {  	_ = 	snop  }
0x8f: {  	[tilespmem:s25], [sflag:$0x4] =	stream.indirect.gather [hbm4b:s3+s19], $0x20, s24, s19, $0xb8;
	[tilespmem:$0x5E00] =	vst v63  }
0x90: {  	_ =	swait.ge [sflag:s26], $0x1000  }
0x91: {  	s0 =	sadd.s32 $0x0, s16;
	[sflag:s26] =	ssyncset.done $0x0  }
0x92: {  	s9 =	sadd.s32 $0x78000, s0;
	[sflag:s26] =	ssyncadd.s32 $0xFFFFF000  }
0x93: {  	[hbm4b:s9+s1] =	stream.linear.scatter [tilespmem:s20], [sflag:$0x5], $0x1000, $0x38;
	[tilespmem:$0x5E00] =	vst v63  }
0x94: {  	_ =	swait.ge [sflag:s18], $0x1000  }
0x95: {  	[sflag:s18] =	ssyncset.done $0x0  }
0x96: {  	s10 =	simm.s32 $0x200;
	[sflag:s18] =	ssyncadd.s32 $0xFFFFF000  }
0x97: {  	[tilespmem:s20], [sflag:$0x1] =	stream.indirect.gather [hbm4b:s3+s19], $0x20, s10, s19, $0xb8;
	[tilespmem:$0x5E00] =	vst v63  }
0x98: {  	_ =	swait.ge [sflag:s28], $0x1000  }
0x99: {  	[sflag:s28] =	ssyncset.done $0x0  }
0x9a: {  	s9 =	sadd.s32 $0x78200, s0;
	[sflag:s28] =	ssyncadd.s32 $0xFFFFF000  }
0x9b: {  	[hbm4b:s9+s1] =	stream.linear.scatter [tilespmem:s21], [sflag:$0x5], $0x1000, $0x38;
	[tilespmem:$0x5E00] =	vst v63  }
0x9c: {  	_ =	swait.ge [sflag:s18], $0x1000  }
0x9d: {  	[sflag:s18] =	ssyncset.done $0x0  }
0x9e: {  	s10 =	simm.s32 $0x280;
	[sflag:s18] =	ssyncadd.s32 $0xFFFFF000  }
0x9f: {  	[tilespmem:s21], [sflag:$0x2] =	stream.indirect.gather [hbm4b:s3+s19], $0x20, s10, s19, $0xb8;
	[tilespmem:$0x5E00] =	vst v63  }
0xa0: {  	_ =	swait.ge [sflag:s29], $0x1000  }
0xa1: {  	[sflag:s29] =	ssyncset.done $0x0  }
0xa2: {  	s9 =	sadd.s32 $0x78400, s0;
	[sflag:s29] =	ssyncadd.s32 $0xFFFFF000  }
0xa3: {  	[hbm4b:s9+s1] =	stream.linear.scatter [tilespmem:s23], [sflag:$0x5], $0x1000, $0x38;
	[tilespmem:$0x5E00] =	vst v63  }
0xa4: {  	_ =	swait.ge [sflag:s18], $0x1000  }
0xa5: {  	[sflag:s18] =	ssyncset.done $0x0  }
0xa6: {  	s10 =	simm.s32 $0x300;
	[sflag:s18] =	ssyncadd.s32 $0xFFFFF000  }
0xa7: {  	[tilespmem:s23], [sflag:$0x3] =	stream.indirect.gather [hbm4b:s3+s19], $0x20, s10, s19, $0xb8;
	[tilespmem:$0x5E00] =	vst v63  }
0xa8: {  	_ =	swait.ge [sflag:s30], $0x1000  }
0xa9: {  	[sflag:s30] =	ssyncset.done $0x0  }
0xaa: {  	s0 =	sadd.s32 $0x78600, s0;
	[sflag:s30] =	ssyncadd.s32 $0xFFFFF000  }
0xab: {  	[hbm4b:s0+s1] =	stream.linear.scatter [tilespmem:s25], [sflag:$0x5], $0x1000, $0x38;
	[tilespmem:$0x5E00] =	vst v63  }
0xac: {  	_ =	swait.ge [sflag:s18], $0x1000  }
0xad: {  	[sflag:s18] =	ssyncset.done $0x0  }
0xae: {  	s8 =	simm.s32 $0x380;
	s0 =	simm.s32 $0x800;
	[sflag:s18] =	ssyncadd.s32 $0xFFFFF000  }
.LBB2_6:
0xaf: {  	[tilespmem:s25], [sflag:$0x4] =	stream.indirect.gather [hbm4b:s3+s19], $0x20, s8, s19, $0xb8;
	[tilespmem:$0x5E00] =	vst v63  }
0xb0: {  	s8 =	smov.u32 s0  }
0xb1: {  	p1 =	sne.s32 s0, $0x1800;
	s0 =	sadd.s32 $0x800, s0;
	_ =	swait.ge [sflag:s26], $0x1000  }
0xb2: {  	s9 =	sadd.s32 s8, s16;
	[sflag:s26] =	ssyncset.done $0x0  }
0xb3: {  	s10 =	sadd.s32 $0x78000, s9;
	[sflag:s26] =	ssyncadd.s32 $0xFFFFF000  }
0xb4: {  	[hbm4b:s10+s1] =	stream.linear.scatter [tilespmem:s20], [sflag:$0x5], $0x1000, $0x38;
	[tilespmem:$0x5E00] =	vst v63  }
0xb5: {  	_ =	swait.ge [sflag:s18], $0x1000  }
0xb6: {  	s8 =	sshra.s32 s8, $0x2;
	[sflag:s18] =	ssyncset.done $0x0  }
0xb7: {  	s10 =	sadd.s32 $0x200, s8;
	[sflag:s18] =	ssyncadd.s32 $0xFFFFF000  }
0xb8: {  	[tilespmem:s20], [sflag:$0x1] =	stream.indirect.gather [hbm4b:s3+s19], $0x20, s10, s19, $0xb8;
	[tilespmem:$0x5E00] =	vst v63  }
0xb9: {  	_ =	swait.ge [sflag:s28], $0x1000  }
0xba: {  	[sflag:s28] =	ssyncset.done $0x0  }
0xbb: {  	s10 =	sadd.s32 $0x78200, s9;
	[sflag:s28] =	ssyncadd.s32 $0xFFFFF000  }
0xbc: {  	[hbm4b:s10+s1] =	stream.linear.scatter [tilespmem:s21], [sflag:$0x5], $0x1000, $0x38;
	[tilespmem:$0x5E00] =	vst v63  }
0xbd: {  	_ =	swait.ge [sflag:s18], $0x1000  }
0xbe: {  	[sflag:s18] =	ssyncset.done $0x0  }
0xbf: {  	s10 =	sadd.s32 $0x280, s8;
	[sflag:s18] =	ssyncadd.s32 $0xFFFFF000  }
0xc0: {  	[tilespmem:s21], [sflag:$0x2] =	stream.indirect.gather [hbm4b:s3+s19], $0x20, s10, s19, $0xb8;
	[tilespmem:$0x5E00] =	vst v63  }
0xc1: {  	_ =	swait.ge [sflag:s29], $0x1000  }
0xc2: {  	[sflag:s29] =	ssyncset.done $0x0  }
0xc3: {  	s10 =	sadd.s32 $0x78400, s9;
	[sflag:s29] =	ssyncadd.s32 $0xFFFFF000  }
0xc4: {  	[hbm4b:s10+s1] =	stream.linear.scatter [tilespmem:s23], [sflag:$0x5], $0x1000, $0x38;
	[tilespmem:$0x5E00] =	vst v63  }
0xc5: {  	_ =	swait.ge [sflag:s18], $0x1000  }
0xc6: {  	[sflag:s18] =	ssyncset.done $0x0  }
0xc7: {  	s10 =	sadd.s32 $0x300, s8;
	[sflag:s18] =	ssyncadd.s32 $0xFFFFF000  }
0xc8: {  	[tilespmem:s23], [sflag:$0x3] =	stream.indirect.gather [hbm4b:s3+s19], $0x20, s10, s19, $0xb8;
	[tilespmem:$0x5E00] =	vst v63  }
0xc9: {  	_ =	swait.ge [sflag:s30], $0x1000  }
0xca: {  	[sflag:s30] =	ssyncset.done $0x0  }
.Ltmp5:
0xcb: {  	s9 =	sadd.s32 $0x78600, s9;
	[sflag:s30] =	ssyncadd.s32 $0xFFFFF000;
	(pc) =	sbr.rel @p1 .LBB2_6-.Ltmp5, $4  }
0xcc: {  	[hbm4b:s9+s1] =	stream.linear.scatter [tilespmem:s25], [sflag:$0x5], $0x1000, $0x38;
	[tilespmem:$0x5E00] =	vst v63  }
0xcd: {  	_ =	swait.ge [sflag:s18], $0x1000  }
0xce: {  	[sflag:s18] =	ssyncset.done $0x0  }
0xcf: {  	s8 =	sadd.s32 $0x380, s8;
	[sflag:s18] =	ssyncadd.s32 $0xFFFFF000  }
.Ltmp6:
0xd0: {  	_ = 	snop;
	(pc) =	sbr.rel .LBB2_7-.Ltmp6, $1  }
0xd1: {  	_ =	sdelay $0x3  }
.LBB2_9:
0xd2: {  	_ =	sfence.sel $0x180000  }
0xd3: {  	[bflag:$0x0] =	sbarrier.arrive $0xFFFF  }
0xd4: {  	_ =	strace $0x90000053  }
0xd5: {  	s0 =	stileid.u32;
	[bflag:$0x2] =	sbarrier.arrive $0xFFFF  }
0xd6: {  	p0 =	sne.s32 s0, $0x0;
	s0 =	rddreg [dreg:$0x1]  }
0xd7: {  	s0 =	sadd.s32 @!p0 $0x100000, s0  }
0xd8: {  	[sflag:s0] =	ssyncadd.tile.s32 @!p0 $0x1;
	_ =	shalt  }
.Lfunc_end2:
_tile_overlayer_lowered:
.L_overlay_start_2:
0xd9: {  	(tag) =	ssettag $0x2  }
0xda: {  	s0 =	rddreg [dreg:$0x0];
	s2 =	stileid.u32  }
0xdb: {  	s1 =	rddreg [dreg:$0x1];
	p0 =	sne.s32 s2, $0x0  }
0xdc: {  	s3 =	rddreg [dreg:$0x2];
	[bflag:$0x3] =	sbarrier.arrive $0xFFFF;
	s2 =	simm.s32 @!p0 $0x1C05  }
0xdd: {  	[timem:s3], [sflag:s2] =	dma.local @!p0 [hbm:s0], s1  }
0xde: {  	s0 =	simm.s32 @!p0 $0x5  }
0xdf: {  	_ =	swait.ge @!p0 [sflag:s0], s1  }
0xe0: {  	s1 =	ssub.s32 @!p0 $0x0, s1;
	[sflag:s0] =	ssyncset.done @!p0 $0x0  }
0xe1: {  	[sflag:s0] =	ssyncadd.s32 @!p0 s1  }
0xe2: {  	[bflag:$0x3] =	sbarrier.arrive $0xFFFF  }
0xe3: {  	_ =	shalt  }

// kernel: kernel.30.cloned.1.call-start
scs
__scs_entry_jumppad:
0x0: {  	(pc) =	sbr.rel $0x88, $3  }
0x1: {  	(tag) =	ssettag $0x0;
	lr =	simm.s32 $0x1  }
0x2: {  	[smem:$0x3F8A] =	sst lr;
	_ =	strace $0xD0000000  }
0x3: {  	_ = 	snop  }
0x4: {  	_ = 	snop  }
0x5: {  	_ = 	snop  }
0x6: {  	_ = 	snop  }
0x7: {  	_ = 	snop  }
__scs_overlays_trampoline_lowered:
0x8: {  	[smem:$0x3F99] =	sst s0  }
0x9: {  	[smem:$0x3F9A] =	sst s1  }
0xa: {  	[smem:$0x3F9B] =	sst s2  }
0xb: {  	[smem:$0x3F9C] =	sst s3  }
0xc: {  	[smem:$0x3F9D] =	sst s4  }
0xd: {  	[smem:$0x3F9E] =	sst s5  }
0xe: {  	[smem:$0x3F9F] =	sst s6  }
0xf: {  	[smem:$0x3FA0] =	sst s7  }
0x10: {  	[smem:$0x3FA1] =	sst s8  }
0x11: {  	[smem:$0x3FA2] =	sst s9;
	s0 =	simm.s32 @!p0 $0x0  }
0x12: {  	s1 =	sld [smem:$0x3F88];
	s0 =	simm.s32 @p0 $0x1  }
0x13: {  	[smem:$0x3FA3] =	sst s0;
	s0 =	simm.s32 @!p1 $0x0  }
0x14: {  	s2 =	sld [smem:$0x3F87];
	s0 =	simm.s32 @p1 $0x1  }
0x15: {  	[smem:$0x3FA4] =	sst s0;
	s0 =	simm.s32 @!p2 $0x0  }
0x16: {  	s3 =	sld [smem:$0x3FDB];
	s0 =	simm.s32 @p2 $0x1  }
0x17: {  	s4 =	simm.s32 $0x1BF5;
	[smem:$0x3FA6] =	sst s0  }
0x18: {  	s0 =	sld [smem:$0x3F89];
	_ =	swait.ge [sflag:s4], $0x0  }
0x19: {  	s7 =	sld [smem:$0x3F8A]  }
0x1a: {  	s8 =	sadd.s32 $0xFFFFE003, lr  }
0x1b: {  	s9 =	sadd.s32 $0xFFFFFEF7, lr;
	s5 =	simm.s32 $0xFFFFFFFF;
	p2 =	slt.u32 s8, $0xFFFFF086  }
0x1c: {  	p1 =	slt.u32 s9, $0xF7A;
	s5 =	simm.s32 @!p2 $0x0  }
0x1d: {  	s5 =	simm.s32 @p1 $0x1;
	p0 =	seq.s32 s7, s2  }
0x1e: {  	s7 =	smul.u32 @!p0 $0xF7A, s2;
	p2 =	seq.s32 @!p0 s5, $0x0  }
0x1f: {  	s9 =	smul.u32 $0xF7A, s1;
	s8 =	simm.s32 @!p0 $0x1BF5;
	p2 =	por !p2, p0  }
0x20: {  	[sflag:s8] =	ssyncset.s32 @!p0 $0xFFFFF086;
	s6 =	sadd.s32 @!p0 s3, s7;
	s7 =	simm.s32 @!p0 $0x108  }
0x21: {  	s3 =	sadd.s32 s3, s9;
	s6 =	sadd.s32 @!p0 $0x88, s6;
	s7 =	simm.s32 @p2 $0x1082  }
0x22: {  	[simem:s7], [sflag:s8] =	dma.local @!p0 [hbm:s6], $0xF7A  }
0x23: {  	s9 =	sor.u32 $0xD0000000, s2;
	s6 =	simm.s32 $0x108;
	_ =	swait.ge @!p0 [sflag:s8], $0x0  }
0x24: {  	s3 =	sadd.s32 $0x88, s3;
	s6 =	simm.s32 @!p1 $0x1082;
	[sflag:s4] =	ssyncset.s32 $0xFFFFF086  }
0x25: {  	[simem:s6], [sflag:s4] =	dma.local [hbm:s3], $0xF7A  }
0x26: {  	[smem:$0x3F8A] =	sst s1;
	(tag) =	ssettag s2;
	_ =	strace s9  }
0x27: {  	s1 =	sld [smem:$0x3F9A]  }
0x28: {  	s2 =	sld [smem:$0x3F9B]  }
0x29: {  	s4 =	sld [smem:$0x3F9D]  }
0x2a: {  	p0 =	seq.s32 s5, $0x0;
	s5 =	sld [smem:$0x3F9E]  }
0x2b: {  	s6 =	sld [smem:$0x3F9F]  }
0x2c: {  	s7 =	sld [smem:$0x3FA0]  }
0x2d: {  	s3 =	simm.s32 $0x108;
	s8 =	sld [smem:$0x3FA1]  }
0x2e: {  	s3 =	simm.s32 @!p0 $0x1082;
	s9 =	sld [smem:$0x3FA2]  }
0x2f: {  	lr =	sadd.s32 s0, s3;
	s0 =	sld [smem:$0x3F99]  }
0x30: {  	s3 =	sld [smem:$0x3F9C]  }
0x31: {  	[smem:$0x3FA5] =	sst s10  }
0x32: {  	s10 =	sld [smem:$0x3FA3];
	_ =	sdelay $0x3  }
0x33: {  	p0 =	seq.s32 s10, $0x1;
	s10 =	sld [smem:$0x3FA5];
	_ =	sdelay $0x3  }
0x34: {  	[smem:$0x3FA5] =	sst s10  }
0x35: {  	s10 =	sld [smem:$0x3FA4];
	_ =	sdelay $0x3  }
0x36: {  	p1 =	seq.s32 s10, $0x1;
	s10 =	sld [smem:$0x3FA5];
	_ =	sdelay $0x3  }
0x37: {  	[smem:$0x3FA5] =	sst s10  }
0x38: {  	s10 =	sld [smem:$0x3FA6]  }
0x39: {  	_ = 	snop;
	(pc) =	sbr.ind lr, $3  }
0x3a: {  	_ = 	snop  }
0x3b: {  	_ = 	snop  }
0x3c: {  	p2 =	seq.s32 s10, $0x1;
	s10 =	sld [smem:$0x3FA5]  }
0x3d: {  	_ =	shalt  }
0x3e: {  	_ =	shalt  }
0x3f: {  	_ =	shalt  }
0x40: {  	_ =	shalt  }
0x41: {  	_ =	shalt  }
0x42: {  	_ =	shalt  }
0x43: {  	_ =	shalt  }
0x44: {  	_ =	shalt  }
0x45: {  	_ =	shalt  }
0x46: {  	_ =	shalt  }
0x47: {  	_ =	shalt  }
0x48: {  	_ =	shalt  }
0x49: {  	_ =	shalt  }
0x4a: {  	_ =	shalt  }
0x4b: {  	_ =	shalt  }
0x4c: {  	_ =	shalt  }
0x4d: {  	_ =	shalt  }
0x4e: {  	_ =	shalt  }
0x4f: {  	_ =	shalt  }
0x50: {  	_ =	shalt  }
0x51: {  	_ =	shalt  }
0x52: {  	_ =	shalt  }
0x53: {  	_ =	shalt  }
0x54: {  	_ =	shalt  }
0x55: {  	_ =	shalt  }
0x56: {  	_ =	shalt  }
0x57: {  	_ =	shalt  }
0x58: {  	_ =	shalt  }
0x59: {  	_ =	shalt  }
0x5a: {  	_ =	shalt  }
0x5b: {  	_ =	shalt  }
0x5c: {  	_ =	shalt  }
0x5d: {  	_ =	shalt  }
0x5e: {  	_ =	shalt  }
0x5f: {  	_ =	shalt  }
0x60: {  	_ =	shalt  }
0x61: {  	_ =	shalt  }
0x62: {  	_ =	shalt  }
0x63: {  	_ =	shalt  }
0x64: {  	_ =	shalt  }
0x65: {  	_ =	shalt  }
0x66: {  	_ =	shalt  }
0x67: {  	_ =	shalt  }
0x68: {  	_ =	shalt  }
0x69: {  	_ =	shalt  }
0x6a: {  	_ =	shalt  }
0x6b: {  	_ =	shalt  }
0x6c: {  	_ =	shalt  }
0x6d: {  	_ =	shalt  }
0x6e: {  	_ =	shalt  }
0x6f: {  	_ =	shalt  }
0x70: {  	_ =	shalt  }
0x71: {  	_ =	shalt  }
0x72: {  	_ =	shalt  }
0x73: {  	_ =	shalt  }
0x74: {  	_ =	shalt  }
0x75: {  	_ =	shalt  }
0x76: {  	_ =	shalt  }
0x77: {  	_ =	shalt  }
0x78: {  	_ =	shalt  }
0x79: {  	_ =	shalt  }
0x7a: {  	_ =	shalt  }
0x7b: {  	_ =	shalt  }
0x7c: {  	_ =	shalt  }
0x7d: {  	_ =	shalt  }
0x7e: {  	_ =	shalt  }
0x7f: {  	_ =	shalt  }
0x80: {  	_ =	shalt  }
0x81: {  	_ =	shalt  }
0x82: {  	_ =	shalt  }
0x83: {  	_ =	shalt  }
0x84: {  	_ =	shalt  }
0x85: {  	_ =	shalt  }
0x86: {  	_ =	shalt  }
0x87: {  	_ =	shalt  }
.Lfunc_end0:
.L_simem_size_0:
called_computation.5_lowered:
.L_overlay_start_0:
0x88: {  	s2 =	sld [smem:$0x3FD9]  }
0x89: {  	s3 =	sld [smem:$0x3FFE];
	_ =	sdelay $0x1  }
0x8a: {  	s1 =	srdreg.scid  }
0x8b: {  	s0 =	sand.u32 $0x1, s1  }
0x8c: {  	s16 =	sshll.u32 s0, $0xA;
	s2 =	sadd.s32 s3, s2  }
0x8d: {  	s2 =	sadd.s32 s2, s16  }
0x8e: {  	[smem:$0x3FB1] =	sst s2  }
0x8f: {  	_ = 	snop  }
0x90: {  	(tm) =	ssettm $0x1  }
0x91: {  	s17 =	sld [smem:$0x3FFB];
	_ =	sdelay $0x3  }
0x92: {  	_ =	strace s17  }
0x93: {  	s2 =	sld [smem:$0x3FFC];
	_ =	sdelay $0x3  }
0x94: {  	_ =	strace s2  }
0x95: {  	s2 =	sld [smem:$0x3FFD];
	_ =	sdelay $0x3  }
0x96: {  	_ =	strace s2  }
0x97: {  	_ =	strace $0x8FFFFFFF  }
0x98: {  	s18 =	sld [smem:$0x3FDB];
	_ =	sdelay $0x1  }
0x99: {  	s19 =	simm.s32 $_scs_section_size  }
0x9a: {  	s4 =	simm.s32 $_size__tile_overlayer_lowered;
	s5 =	simm.s32 $_tile_overlayer_lowered  }
0x9b: {  	s22 =	simm.s32 $0x1BFF;
	s21 =	sshll.u32 s5, $0x1;
	s2 =	sadd.s32 s19, s18  }
0x9c: {  	s6 =	simm.s32 $0x0;
	s20 =	sshll.u32 s4, $0x1;
	s4 =	sadd.s32 s21, s2  }
0x9d: {  	[timem:s6], [sflag:s22] =	dma.local [hbm:s4], s20  }
0x9e: {  	_ =	swait.ge [sflag:s22], s20  }
0x9f: {  	s3 =	ssub.s32 $0x0, s20;
	[sflag:s22] =	ssyncset.done $0x0  }
0xa0: {  	[sflag:s22] =	ssyncadd.s32 s3;
	_ =	sdelay $0x1  }
0xa1: {  	s23 =	simm.s32 $0x1B8B  }
0xa2: {  	_ =	swait.ge [sflag:s23], $0x1  }
0xa3: {  	[sflag:s23] =	ssyncset.done $0x0  }
0xa4: {  	s25 =	simm.s32 $0x1B8E;
	s24 =	sld [smem:$0x3FFE];
	[sflag:s23] =	ssyncadd.s32 $0xFFFFFFFF  }
0xa5: {  	s26 =	simm.s32 $execute0_lowered;
	[smem:$0x3FD2] =	sst s25  }
0xa6: {  	s4 =	sshll.u32 s26, $0x1;
	_ =	strace $0x80000055;
	[dreg:$0x1] =	wrdreg $0xFFFFFFFF  }
0xa7: {  	s28 =	simm.s32 $_size_execute0_lowered;
	s2 =	sadd.s32 s2, s4;
	[dreg:$0x0] =	wrdreg $0x0  }
0xa8: {  	s4 =	sshll.u32 s28, $0x1;
	[dreg:$0x2] =	wrdreg s2  }
0xa9: {  	[dreg:$0x3] =	wrdreg s4  }
0xaa: {  	[dreg:$0x4] =	wrdreg $0xC0  }
0xab: {  	_ =	task [dreg:s6], $0x5FFFF  }
0xac: {  	[dreg:$0x1] =	wrdreg $0xFFFFFFFF  }
0xad: {  	[dreg:$0x0] =	wrdreg $0x60  }
0xae: {  	[dreg:$0x2] =	wrdreg s24  }
0xaf: {  	[dreg:$0x3] =	wrdreg $0x14000  }
0xb0: {  	[dreg:$0x4] =	wrdreg $0x9  }
0xb1: {  	_ =	task.clear_ibuf [dreg:s6], $0x5FFFF;
	_ =	strace $0x90000055  }
0xb2: {  	s29 =	simm.s32 $0x9;
	_ =	strace $0x80000057  }
0xb3: {  	_ =	swait.ge [sflag:s29], $0x1  }
0xb4: {  	[sflag:s29] =	ssyncadd.s32 $0xFFFFFFFF  }
0xb5: {  	_ =	strace $0x90000057  }
0xb6: {  	_ =	sfence  }
0xb7: {  	s30 =	sld [smem:$0x0];
	_ =	sdelay $0x2  }
0xb8: {  	s31 =	sshll.u32 s1, $0xD;
	s1 =	sshrl.u32 s1, $0x2  }
0xb9: {  	s3 =	sand.u32 $0x4000, s31;
	s1 =	sadd.s32 s1, s30  }
0xba: {  	s0 =	sor.u32 s3, s0;
	s1 =	sshll.u32 s1, $0x11  }
0xbb: {  	s0 =	sor.u32 s1, s0  }
0xbc: {  	s0 =	sadd.s32 $0x8F2B, s0  }
0xbd: {  	[sflag:s0] =	ssyncadd.remote.s32 $0x1  }
0xbe: {  	_ =	sfence.sel $0xFFFF  }
0xbf: {  	[dreg:$0x0] =	wrdreg $0xFFFFFFFF;
	(pc) =	sbr.abs _section_cstart, $3  }
0xc0: {  	[dreg:$0x1] =	wrdreg $0xFFFFFFFF  }
0xc1: {  	_ =	task.clear_ibuf [dreg:s6], $0x2FFFF;
	_ =	strace $0x9FFFFFFF  }
0xc2: {  	(tm) =	ssettm $0x7FFFFFFF  }
0xc3: {  	_ =	shalt  }
tec
execute0_lowered:
.L_overlay_start_1:
0x0: {  	(tag) =	ssettag $0x1  }
0x1: {  	s1 =	srdreg.scid;
	s4 =	rddreg [dreg:$0x0]  }
0x2: {  	s0 =	stileid.u32;
	s2 =	rddreg [dreg:$0x1]  }
0x3: {  	s3 =	simm.s32 $0x0;
	s17 =	simm.s32 $0x7400;
	s18 =	simm.s32 $0x8400  }
0x4: {  	s19 =	simm.s32 $0x9400;
	s20 =	simm.s32 $0x1;
	s21 =	simm.s32 $0x80  }
0x5: {  	s22 =	simm.s32 $0x3;
	s23 =	simm.s32 $0x4;
	s24 =	simm.s32 $0x1380  }
0x6: {  	s25 =	simm.s32 $0x0;
	s9 =	sand.u32 $0x1, s1;
	s7 =	smul.u32 $0x5000, s0  }
0x7: {  	s26 =	sshll.u32 s0, $0x1;
	[smem:$0x7FF] =	sst s3;
	s31 =	smul.u32 $0xA000, s0  }
0x8: {  	s11 =	sadd.s32 $0xC4400, s4;
	s30 =	sshll.u32 s0, $0x6;
	s8 =	smul.u32 $0x50000, s9  }
0x9: {  	s5 =	sor.u32 s9, s26;
	_ =	strace $0x80000056;
	s16 =	smul.u32 $0x5000, s9  }
0xa: {  	s12 =	ssub.s32 $0x2, s9;
	s6 =	smul.u32 $0x280, s5;
	s28 =	sshrl.u32 s7, $0x3  }
0xb: {  	s13 =	sshrl.u32 s12, $0x1;
	s29 =	smul.u32 $0x5000, s5;
	s15 =	sadd.s32 s7, s2  }
0xc: {  	s5 =	sor.u32 $0x1C05, s30;
	s8 =	sadd.s32 s7, s8;
	s12 =	ssub.s32 s12, s13  }
0xd: {  	s13 =	sadd.s32 s31, s11;
	s10 =	sadd.s32 s6, s4;
	s6 =	sadd.s32 s28, s4  }
.Ltmp0:
0xe: {  	s8 =	sshrl.u32 s8, $0x3;
	s12 =	smax.u32 s12, $0x1;
	(pc) =	sbr.rel .LBB2_1-.Ltmp0, $4  }
0xf: {  	s13 =	sadd.s32 s16, s13;
	s16 =	simm.s32 $0x6400;
	s14 =	sadd.s32 s8, s4  }
0x10: {  	s4 =	sadd.s32 $0x10400, s6;
	s6 =	sadd.s32 s11, s29;
	s7 =	sadd.s32 $0x342600, s10  }
0x11: {  	s8 =	sadd.s32 $0x200, s6;
	s9 =	sadd.s32 $0x400, s6;
	s10 =	sadd.s32 $0x600, s6  }
0x12: {  	s11 =	sadd.s32 $0x24400, s14;
	s14 =	sshrl.u32 s15, $0x3;
	s15 =	simm.s32 $0x5  }
.LBB2_4:
0x13: {  	_ =	swait.ge [sflag:s23], $0x1000  }
0x14: {  	[sflag:s23] =	ssyncset.done $0x0  }
0x15: {  	[sflag:s23] =	ssyncadd.s32 $0xFFFFF000  }
0x16: {  	[spmem:s2] =	stream.indirect.scatter.add.f32 [tilespmem:s19], [sflag:$0x5], $0x20, s24, s21, $0xb8;
	[tilespmem:$0xA400] =	vst v63  }
0x17: {  	_ =	swait.ge [sflag:s15], $0x1000  }
0x18: {  	s25 =	sadd.s32 $0x1, s25;
	[sflag:s15] =	ssyncset.done $0x0  }
0x19: {  	p0 =	sne.s32 s25, s12;
	[sflag:s15] =	ssyncadd.s32 $0xFFFFF000  }
.Ltmp1:
0x1a: {  	[bflag:$0x0] =	sbarrier.arrive $0xFFFF;
	(pc) =	sbr.rel @!p0 .LBB2_5-.Ltmp1, $4  }
0x1b: {  	[hbm:s11], [sflag:s5] =	dma.local [spmem:s14], $0xA00  }
0x1c: {  	_ =	swait.ge [sflag:s15], $0xA00  }
0x1d: {  	[sflag:s15] =	ssyncset.done $0x0  }
0x1e: {  	[sflag:s15] =	ssyncadd.s32 $0xFFFFF600  }
.LBB2_1:
0x1f: {  	[spmem:s14], [sflag:s5] =	dma.local [hbm:s4], $0xA00  }
0x20: {  	_ =	swait.ge [sflag:s15], $0xA00  }
0x21: {  	[sflag:s15] =	ssyncset.done $0x0  }
0x22: {  	[sflag:s15] =	ssyncadd.s32 $0xFFFFF600  }
0x23: {  	[tilespmem:s3], [sflag:$0x5] =	stream.linear.gather [hbm4b:s7+s3], $0x1400, $0x38;
	[tilespmem:$0xA400] =	vst v63  }
0x24: {  	_ =	swait.ge [sflag:s15], $0x1400  }
0x25: {  	[sflag:s15] =	ssyncset.done $0x0  }
0x26: {  	[sflag:s15] =	ssyncadd.s32 $0xFFFFEC00  }
0x27: {  	[tilespmem:s16], [sflag:$0x1] =	stream.linear.gather [hbm4b:s6+s3], $0x1000, $0x38;
	[tilespmem:$0xA400] =	vst v63  }
0x28: {  	_ = 	snop  }
0x29: {  	[tilespmem:s17], [sflag:$0x2] =	stream.linear.gather [hbm4b:s8+s3], $0x1000, $0x38;
	[tilespmem:$0xA400] =	vst v63  }
0x2a: {  	_ = 	snop  }
0x2b: {  	[tilespmem:s18], [sflag:$0x3] =	stream.linear.gather [hbm4b:s9+s3], $0x1000, $0x38;
	[tilespmem:$0xA400] =	vst v63  }
0x2c: {  	_ = 	snop  }
0x2d: {  	[tilespmem:s19], [sflag:$0x4] =	stream.linear.gather [hbm4b:s10+s3], $0x1000, $0x38;
	[tilespmem:$0xA400] =	vst v63  }
0x2e: {  	s26 =	simm.s32 $0x0;
	[bflag:$0x0] =	sbarrier.arrive $0xFFFF  }
.LBB2_2:
0x2f: {  	_ =	swait.ge [sflag:s20], $0x1000  }
0x30: {  	[sflag:s20] =	ssyncset.done $0x0  }
0x31: {  	s28 =	sshra.s32 s26, $0x2;
	[sflag:s20] =	ssyncadd.s32 $0xFFFFF000  }
0x32: {  	[spmem:s2] =	stream.indirect.scatter.add.f32 [tilespmem:s16], [sflag:$0x5], $0x20, s28, s21, $0xb8;
	[tilespmem:$0xA400] =	vst v63  }
0x33: {  	_ =	swait.ge [sflag:s15], $0x1000  }
0x34: {  	p0 =	seq.s32 s26, $0x4800;
	[sflag:s15] =	ssyncset.done $0x0  }
0x35: {  	s29 =	simm.s32 @p0 $0x2;
	[sflag:s15] =	ssyncadd.s32 $0xFFFFF000  }
0x36: {  	_ =	swait.ge @p0 [sflag:s29], $0x1000  }
0x37: {  	s30 =	simm.s32 @p0 $0x1280;
	[sflag:s29] =	ssyncset.done @p0 $0x0  }
0x38: {  	s31 =	simm.s32 @p0 $0x7400;
	[sflag:s29] =	ssyncadd.s32 @p0 $0xFFFFF000;
	s29 =	simm.s32 @p0 $0x80  }
0x39: {  	[spmem:s2] =	stream.indirect.scatter.add.f32 @p0 [tilespmem:s31], [sflag:$0x5], $0x20, s30, s29, $0xb8;
	[tilespmem:$0xA400] =	vst v63  }
0x3a: {  	s29 =	simm.s32 @p0 $0x5  }
0x3b: {  	_ =	swait.ge @p0 [sflag:s29], $0x1000  }
0x3c: {  	[sflag:s29] =	ssyncset.done @p0 $0x0  }
0x3d: {  	[sflag:s29] =	ssyncadd.s32 @p0 $0xFFFFF000;
	s29 =	sadd.s32 @!p0 s26, s13  }
0x3e: {  	s1 =	simm.s32 @!p0 $0x6400;
	s31 =	simm.s32 @!p0 $0x0;
	s30 =	sadd.s32 @!p0 $0x800, s29  }
0x3f: {  	[tilespmem:s1], [sflag:$0x1] =	stream.linear.gather @!p0 [hbm4b:s30+s31], $0x1000, $0x38;
	[tilespmem:$0xA400] =	vst v63  }
0x40: {  	s1 =	simm.s32 @!p0 $0x2  }
0x41: {  	_ =	swait.ge @!p0 [sflag:s1], $0x1000  }
0x42: {  	[sflag:s1] =	ssyncset.done @!p0 $0x0  }
0x43: {  	[sflag:s1] =	ssyncadd.s32 @!p0 $0xFFFFF000;
	s1 =	sshra.s32 @!p0 s26, $0x2  }
0x44: {  	s0 =	simm.s32 @!p0 $0x7400;
	s30 =	simm.s32 @!p0 $0x80;
	s1 =	sadd.s32 @!p0 $0x80, s1  }
0x45: {  	[spmem:s2] =	stream.indirect.scatter.add.f32 @!p0 [tilespmem:s0], [sflag:$0x5], $0x20, s1, s30, $0xb8;
	[tilespmem:$0xA400] =	vst v63  }
0x46: {  	s1 =	simm.s32 @!p0 $0x5  }
0x47: {  	_ =	swait.ge @!p0 [sflag:s1], $0x1000  }
0x48: {  	[sflag:s1] =	ssyncset.done @!p0 $0x0  }
0x49: {  	[sflag:s1] =	ssyncadd.s32 @!p0 $0xFFFFF000;
	s1 =	sadd.s32 @!p0 $0xA00, s29  }
0x4a: {  	[tilespmem:s0], [sflag:$0x2] =	stream.linear.gather @!p0 [hbm4b:s1+s31], $0x1000, $0x38;
	[tilespmem:$0xA400] =	vst v63  }
0x4b: {  	_ =	swait.ge [sflag:s22], $0x1000  }
0x4c: {  	[sflag:s22] =	ssyncset.done $0x0  }
.Ltmp2:
0x4d: {  	s31 =	sadd.s32 $0x100, s28;
	[sflag:s22] =	ssyncadd.s32 $0xFFFFF000;
	(pc) =	sbr.rel @p0 .LBB2_4-.Ltmp2, $4  }
0x4e: {  	[spmem:s2] =	stream.indirect.scatter.add.f32 [tilespmem:s18], [sflag:$0x5], $0x20, s31, s21, $0xb8;
	[tilespmem:$0xA400] =	vst v63  }
0x4f: {  	_ =	swait.ge [sflag:s15], $0x1000  }
0x50: {  	[sflag:s15] =	ssyncset.done $0x0  }
0x51: {  	[sflag:s15] =	ssyncadd.s32 $0xFFFFF000  }
0x52: {  	s0 =	sadd.s32 s26, s13  }
0x53: {  	s1 =	sadd.s32 $0xC00, s0  }
0x54: {  	[tilespmem:s18], [sflag:$0x3] =	stream.linear.gather [hbm4b:s1+s3], $0x1000, $0x38;
	[tilespmem:$0xA400] =	vst v63  }
0x55: {  	_ =	swait.ge [sflag:s23], $0x1000  }
0x56: {  	[sflag:s23] =	ssyncset.done $0x0  }
0x57: {  	s31 =	sadd.s32 $0x180, s28;
	[sflag:s23] =	ssyncadd.s32 $0xFFFFF000  }
0x58: {  	[spmem:s2] =	stream.indirect.scatter.add.f32 [tilespmem:s19], [sflag:$0x5], $0x20, s31, s21, $0xb8;
	[tilespmem:$0xA400] =	vst v63  }
.Ltmp3:
0x59: {  	_ = 	snop;
	(pc) =	sbr.rel .LBB2_2-.Ltmp3, $4  }
0x5a: {  	_ =	swait.ge [sflag:s15], $0x1000  }
0x5b: {  	[sflag:s15] =	ssyncset.done $0x0  }
0x5c: {  	s26 =	sadd.s32 $0x800, s26;
	s0 =	sadd.s32 $0xE00, s0;
	[sflag:s15] =	ssyncadd.s32 $0xFFFFF000  }
0x5d: {  	[tilespmem:s19], [sflag:$0x4] =	stream.linear.gather [hbm4b:s0+s3], $0x1000, $0x38;
	[tilespmem:$0xA400] =	vst v63  }
.LBB2_5:
0x5e: {  	_ =	sfence.sel $0x180000  }
0x5f: {  	[bflag:$0x0] =	sbarrier.arrive $0xFFFF  }
0x60: {  	_ =	strace $0x90000056  }
0x61: {  	s0 =	stileid.u32;
	[bflag:$0x2] =	sbarrier.arrive $0xFFFF  }
0x62: {  	p0 =	sne.s32 s0, $0x0;
	s0 =	rddreg [dreg:$0x2]  }
0x63: {  	s0 =	sadd.s32 @!p0 $0x100000, s0  }
0x64: {  	[sflag:s0] =	ssyncadd.tile.s32 @!p0 $0x1;
	_ =	shalt  }
.Lfunc_end2:
_tile_overlayer_lowered:
.L_overlay_start_2:
0x65: {  	(tag) =	ssettag $0x2  }
0x66: {  	s0 =	rddreg [dreg:$0x0];
	s2 =	stileid.u32  }
0x67: {  	s1 =	rddreg [dreg:$0x1];
	p0 =	sne.s32 s2, $0x0  }
0x68: {  	s3 =	rddreg [dreg:$0x2];
	[bflag:$0x3] =	sbarrier.arrive $0xFFFF;
	s2 =	simm.s32 @!p0 $0x1C05  }
0x69: {  	[timem:s3], [sflag:s2] =	dma.local @!p0 [hbm:s0], s1  }
0x6a: {  	s0 =	simm.s32 @!p0 $0x5  }
0x6b: {  	_ =	swait.ge @!p0 [sflag:s0], s1  }
0x6c: {  	s1 =	ssub.s32 @!p0 $0x0, s1;
	[sflag:s0] =	ssyncset.done @!p0 $0x0  }
0x6d: {  	[sflag:s0] =	ssyncadd.s32 @!p0 s1  }
0x6e: {  	[bflag:$0x3] =	sbarrier.arrive $0xFFFF  }
0x6f: {  	_ =	shalt  }

</sc_bundles>
